<compile_context>
chip_gen: v7x
topology: tpu7x:2x2x1
jax: 0.10.2.dev20260603
libtpu: 0.0.44.dev20260713+nightly
codegen_flags: <defaults>
</compile_context>

<pallas_src>
import jax
import jax.numpy as jnp
from jax import lax
from jax.experimental import pallas as pl
from jax.experimental.pallas import tpu as pltpu
from jax.experimental.pallas import tpu_sc as plsc

EMB_DIM = 50
EMB_PAD = 56
WORDS_V = 100000
PREFIX_V = 50000
WINDOW = 5
HIDDEN = 512
OUT = 45
BATCH = 16384

NUM_WORKERS = 32
BATCH_PER_W = BATCH // NUM_WORKERS
CB = 16
NCHUNK = BATCH_PER_W // CB
GROWS = CB * WINDOW

KP = EMB_PAD * WINDOW
KT = 3
NBANDS = BATCH // 8

BM = 1024

_SPANS = []
for _w in range(WINDOW):
  for _s in (0, 16, 32, 40):
    _col = _w * EMB_PAD + _s
    _SPANS.append((_w, _s, _col // 128, _col % 128))
_ZSPANS = (24, 40, 56, 72, 88, 104, 112)


def _sc_gather_sum_body(wt, pt, iw, ip, isf, out,
                        xw, xp, xs, bufs, ob, sems, osems):
  wid = lax.axis_index("s") * 2 + lax.axis_index("c")
  band0 = wid * (BATCH_PER_W // 8)

  pltpu.sync_copy(iw.at[pl.ds(wid * NCHUNK, NCHUNK)], xw)
  pltpu.sync_copy(ip.at[pl.ds(wid * NCHUNK, NCHUNK)], xp)
  pltpu.sync_copy(isf.at[pl.ds(wid * NCHUNK, NCHUNK)], xs)

  def zrow(r, carry):
    z = jnp.zeros((16,), jnp.float32)
    for phase in range(2):
      for off in _ZSPANS:
        ob[phase, r // 8, 2, r % 8, pl.ds(off, 16)] = z
    return carry

  lax.fori_loop(0, CB, zrow, 0, unroll=False)

  def issue(j, phase):
    pltpu.async_copy(wt.at[xw.at[j]], bufs.at[phase, 0], sems.at[phase, 0])
    pltpu.async_copy(pt.at[xp.at[j]], bufs.at[phase, 1], sems.at[phase, 1])
    pltpu.async_copy(pt.at[xs.at[j]], bufs.at[phase, 2], sems.at[phase, 2])

  def drain(phase):
    for t in range(3):
      pltpu.make_async_copy(wt.at[xw.at[0]], bufs.at[phase, t],
                            sems.at[phase, t]).wait()

  def owait(phase):
    pltpu.make_async_copy(
        out.at[pl.ds(0, CB // 8)], ob.at[phase], osems.at[phase]).wait()

  def work(j, phase, first):
    drain(phase)
    nxt = j + 1
    nxt = jnp.where(nxt < NCHUNK, nxt, 0)
    issue(nxt, 1 - phase)
    if not first:
      owait(phase)

    def row(r, carry2):
      band = r // 8
      r8 = r % 8
      g = r * WINDOW
      for w, s, ct, off in _SPANS:
        ob[phase, band, ct, r8, pl.ds(off, 16)] = (
            bufs[phase, 0, g + w, pl.ds(s, 16)]
            + bufs[phase, 1, g + w, pl.ds(s, 16)]
            + bufs[phase, 2, g + w, pl.ds(s, 16)])
      return carry2

    lax.fori_loop(0, CB, row, 0, unroll=False)
    pltpu.async_copy(ob.at[phase],
                     out.at[pl.ds(band0 + j * (CB // 8), CB // 8)],
                     osems.at[phase])

  issue(0, 0)
  work(0, 0, True)
  work(1, 1, True)

  def pair(jj, carry):
    work(2 * jj, 0, False)
    work(2 * jj + 1, 1, False)
    return carry

  lax.fori_loop(1, NCHUNK // 2, pair, 0, unroll=False)
  drain(0)
  owait(0)
  owait(1)


_sc_gather_sum = pl.kernel(
    _sc_gather_sum_body,
    out_type=jax.ShapeDtypeStruct((NBANDS, KT, 8, 128), jnp.float32),
    mesh=plsc.VectorSubcoreMesh(core_axis_name="c", subcore_axis_name="s"),
    scratch_types=[
        pltpu.VMEM((NCHUNK, GROWS), jnp.int32),
        pltpu.VMEM((NCHUNK, GROWS), jnp.int32),
        pltpu.VMEM((NCHUNK, GROWS), jnp.int32),
        pltpu.VMEM((2, 3, GROWS, EMB_PAD), jnp.float32),
        pltpu.VMEM((2, CB // 8, KT, 8, 128), jnp.float32),
        pltpu.SemaphoreType.DMA((2, 3)),
        pltpu.SemaphoreType.DMA((2,)),
    ],
    compiler_params=pltpu.CompilerParams(use_tc_tiling_on_sc=False),
)


def _mlp_body(e_ref, w1_ref, b1_ref, w2_ref, b2_ref, o_ref):
  acc = b1_ref[...]
  for c in range(KT):
    xc = e_ref[:, c].reshape(BM, 128)
    acc = acc + jnp.dot(xc, w1_ref[c], preferred_element_type=jnp.float32)
  h = jnp.tanh(acc)
  lg = (jnp.dot(h, w2_ref[...], preferred_element_type=jnp.float32)
        + b2_ref[...])
  m = jnp.max(lg, axis=-1, keepdims=True)
  s = lg - m
  o_ref[...] = s - jnp.log(jnp.sum(jnp.exp(s), axis=-1, keepdims=True))


def _mlp(e4, w1p, b1, w2t, b2):
  return pl.pallas_call(
      _mlp_body,
      grid=(BATCH // BM,),
      in_specs=[
          pl.BlockSpec((BM // 8, KT, 8, 128), lambda i: (i, 0, 0, 0)),
          pl.BlockSpec((KT, 128, HIDDEN), lambda i: (0, 0, 0)),
          pl.BlockSpec((1, HIDDEN), lambda i: (0, 0)),
          pl.BlockSpec((HIDDEN, OUT), lambda i: (0, 0)),
          pl.BlockSpec((1, OUT), lambda i: (0, 0)),
      ],
      out_specs=pl.BlockSpec((BM, OUT), lambda i: (i, 0)),
      out_shape=jax.ShapeDtypeStruct((BATCH, OUT), jnp.float32),
  )(e4, w1p, b1, w2t, b2)


@jax.jit
def kernel(x, prefixes, suffixes, word_emb, prefix_emb, suffix_emb,
           W1, b1, W2, b2):
  del suffix_emb
  iw = x.astype(jnp.int32).reshape(-1, GROWS)
  ip = prefixes.astype(jnp.int32).reshape(-1, GROWS)
  isf = suffixes.astype(jnp.int32).reshape(-1, GROWS)
  wtp = jnp.pad(word_emb.T, ((0, EMB_PAD - EMB_DIM), (0, 0))).T.reshape(
      -1).reshape(WORDS_V, EMB_PAD)
  ptp = jnp.pad(prefix_emb.T, ((0, EMB_PAD - EMB_DIM), (0, 0))).T.reshape(
      -1).reshape(PREFIX_V, EMB_PAD)
  e4 = _sc_gather_sum(wtp, ptp, iw, ip, isf)
  w1p = jnp.pad(W1.reshape(HIDDEN, WINDOW, EMB_DIM),
                ((0, 0), (0, 0), (0, EMB_PAD - EMB_DIM))).reshape(HIDDEN, KP)
  w1p = jnp.pad(w1p, ((0, 0), (0, KT * 128 - KP))).T.reshape(KT, 128, HIDDEN)
  return _mlp(e4, w1p, b1.reshape(1, HIDDEN), W2.T, b2.reshape(1, OUT))

# --- scband reference (transcript-rebuilt; emitter-appended) ---
"""Pipeline reference for scband-mlp-tagger-67791763800121 (READ-ONLY COPY).

The authoritative reference and input builder live on the scoring server;
editing this copy changes nothing except your own understanding.
"""

import jax, jax.numpy as jnp
import numpy as np

WORDS_VOCAB = 100000
PREFIX_VOCAB = 50000
SUFFIX_VOCAB = 50000
EMB_DIM = 50
WINDOW = 5
HIDDEN = 512
OUT = 45
BATCH = 16384

def setup_inputs(seed: int = 0) -> dict:
    key = jax.random.key(seed)
    ks = jax.random.split(key, 12)
    x = jax.random.randint(ks[0], (BATCH, WINDOW), 0, WORDS_VOCAB, dtype=jnp.int64 if jax.config.jax_enable_x64 else jnp.int32)
    prefixes = jax.random.randint(ks[1], (BATCH, WINDOW), 0, PREFIX_VOCAB, dtype=x.dtype)
    suffixes = jax.random.randint(ks[2], (BATCH, WINDOW), 0, SUFFIX_VOCAB, dtype=x.dtype)
    word_emb = jax.random.normal(ks[3], (WORDS_VOCAB, EMB_DIM), dtype=jnp.float32)
    prefix_emb = jax.random.normal(ks[4], (PREFIX_VOCAB, EMB_DIM), dtype=jnp.float32)
    suffix_emb = jax.random.normal(ks[5], (SUFFIX_VOCAB, EMB_DIM), dtype=jnp.float32)
    lim1 = 1.0 / np.sqrt(EMB_DIM * WINDOW)
    W1 = jax.random.uniform(ks[6], (HIDDEN, EMB_DIM * WINDOW), minval=-lim1, maxval=lim1, dtype=jnp.float32)
    b1 = jax.random.uniform(ks[7], (HIDDEN,), minval=-lim1, maxval=lim1, dtype=jnp.float32)
    lim2 = 1.0 / np.sqrt(HIDDEN)
    W2 = jax.random.uniform(ks[8], (OUT, HIDDEN), minval=-lim2, maxval=lim2, dtype=jnp.float32)
    b2 = jax.random.uniform(ks[9], (OUT,), minval=-lim2, maxval=lim2, dtype=jnp.float32)
    return {"x": x, "prefixes": prefixes, "suffixes": suffixes,
            "word_emb": word_emb, "prefix_emb": prefix_emb, "suffix_emb": suffix_emb,
            "W1": W1, "b1": b1, "W2": W2, "b2": b2}

def reference(x, prefixes, suffixes, word_emb, prefix_emb, suffix_emb, W1, b1, W2, b2):
    # NOTE: faithful to the original bug: suffixes are looked up in prefix_embeddings.
    p = jnp.take(prefix_emb, prefixes, axis=0).reshape(-1, EMB_DIM * WINDOW)
    xe = jnp.take(word_emb, x, axis=0).reshape(-1, EMB_DIM * WINDOW)
    s = jnp.take(prefix_emb, suffixes, axis=0).reshape(-1, EMB_DIM * WINDOW)
    h = jnp.tanh((p + xe + s) @ W1.T + b1)
    # F.dropout with training=False (eval mode) is identity
    logits = h @ W2.T + b2
    return jax.nn.log_softmax(logits, axis=-1)

if __name__ == "__main__":
    import jax
    _d = setup_inputs()
    print(jax.jit(kernel)(*tuple(_d.values())))

</pallas_src>

<mosaic_0001>
#map = affine_map<(d0, d1) -> (0, 0)>
#map1 = affine_map<(d0, d1) -> (0, 0, 0, 0)>
module attributes {stable_mosaic.version = 14 : i64} {
  func.func @_sc_gather_sum_body(%arg0: i32, %arg1: i32, %arg2: memref<100000x56xf32, #tpu.memory_space<hbm>>, %arg3: memref<50000x56xf32, #tpu.memory_space<hbm>>, %arg4: memref<1024x80xi32, #tpu.memory_space<hbm>>, %arg5: memref<1024x80xi32, #tpu.memory_space<hbm>>, %arg6: memref<1024x80xi32, #tpu.memory_space<hbm>>, %arg7: memref<2048x3x8x128xf32, #tpu.memory_space<hbm>>, %arg8: memref<32x80xi32, #tpu.memory_space<vmem>>, %arg9: memref<32x80xi32, #tpu.memory_space<vmem>>, %arg10: memref<32x80xi32, #tpu.memory_space<vmem>>, %arg11: memref<2x3x80x56xf32, #tpu.memory_space<vmem>>, %arg12: memref<2x2x3x8x128xf32, #tpu.memory_space<vmem>>, %arg13: memref<2x3x!tpu.dma_semaphore, #tpu.memory_space<semaphore_mem>>, %arg14: memref<2x!tpu.dma_semaphore, #tpu.memory_space<semaphore_mem>>) attributes {dimension_semantics = [#tpu.dimension_semantics<core_parallel>, #tpu.dimension_semantics<subcore_parallel>], iteration_bounds = array<i64: 2, 16>, scalar_prefetch = 0 : i64, scratch_operands = 7 : i64, tpu.core_type = #tpu.core_type<sc_vector_subcore>, window_params = [{transform_indices = #map}, {transform_indices = #map}, {transform_indices = #map}, {transform_indices = #map}, {transform_indices = #map}, {transform_indices = #map1}]} {
    %mul3A = arith.constant 2 : i32
    %mul3A_0 = arith.muli %arg1, %mul3A : i32
    %add3A = arith.addi %mul3A_0, %arg0 : i32
    %mul3A_1 = arith.constant 64 : i32
    %mul3A_2 = arith.muli %add3A, %mul3A_1 : i32
    %mul3A_3 = arith.constant 32 : i32
    %mul3A_4 = arith.muli %add3A, %mul3A_3 : i32
    "tpu.region"() ({
      %run_scoped3A = tpu.sem_alloc : memref<!tpu.dma_semaphore, #tpu.memory_space<semaphore_mem>>
      %dma_start3A_440 = arith.constant 0 : i32
      %dma_start3A_441 = tpu.memref_slice %arg4[%mul3A_4, %dma_start3A_440] : memref<1024x80xi32, #tpu.memory_space<hbm>> -> memref<32x80xi32, #tpu.memory_space<hbm>>
      %dma_start3A_442 = arith.constant 0 : i32
      %dma_start3A_443 = tpu.memref_slice %arg4[%mul3A_4, %dma_start3A_442] : memref<1024x80xi32, #tpu.memory_space<hbm>> -> memref<32x80xi32, #tpu.memory_space<hbm>>
      tpu.enqueue_dma source(%dma_start3A_443 : memref<32x80xi32, #tpu.memory_space<hbm>>) target(%arg8 : memref<32x80xi32, #tpu.memory_space<vmem>>) target_semaphore(%run_scoped3A : memref<!tpu.dma_semaphore, #tpu.memory_space<semaphore_mem>>)
      %dma_wait3A_444 = arith.constant 0 : i32
      %dma_wait3A_445 = tpu.memref_slice %arg4[%mul3A_4, %dma_wait3A_444] : memref<1024x80xi32, #tpu.memory_space<hbm>> -> memref<32x80xi32, #tpu.memory_space<hbm>>
      %dma_wait3A_446 = arith.constant 0 : i32
      %dma_wait3A_447 = tpu.memref_slice %arg4[%mul3A_4, %dma_wait3A_446] : memref<1024x80xi32, #tpu.memory_space<hbm>> -> memref<32x80xi32, #tpu.memory_space<hbm>>
      tpu.wait_dma2 semaphore(%run_scoped3A : memref<!tpu.dma_semaphore, #tpu.memory_space<semaphore_mem>>) src(%dma_wait3A_447 : memref<32x80xi32, #tpu.memory_space<hbm>>) dst(%arg8 : memref<32x80xi32, #tpu.memory_space<vmem>>)
      tpu.yield
    }) : () -> ()
    %mul3A_5 = arith.constant 32 : i32
    %mul3A_6 = arith.muli %add3A, %mul3A_5 : i32
    "tpu.region"() ({
      %run_scoped3A = tpu.sem_alloc : memref<!tpu.dma_semaphore, #tpu.memory_space<semaphore_mem>>
      %dma_start3A_440 = arith.constant 0 : i32
      %dma_start3A_441 = tpu.memref_slice %arg5[%mul3A_6, %dma_start3A_440] : memref<1024x80xi32, #tpu.memory_space<hbm>> -> memref<32x80xi32, #tpu.memory_space<hbm>>
      %dma_start3A_442 = arith.constant 0 : i32
      %dma_start3A_443 = tpu.memref_slice %arg5[%mul3A_6, %dma_start3A_442] : memref<1024x80xi32, #tpu.memory_space<hbm>> -> memref<32x80xi32, #tpu.memory_space<hbm>>
      tpu.enqueue_dma source(%dma_start3A_443 : memref<32x80xi32, #tpu.memory_space<hbm>>) target(%arg9 : memref<32x80xi32, #tpu.memory_space<vmem>>) target_semaphore(%run_scoped3A : memref<!tpu.dma_semaphore, #tpu.memory_space<semaphore_mem>>)
      %dma_wait3A_444 = arith.constant 0 : i32
      %dma_wait3A_445 = tpu.memref_slice %arg5[%mul3A_6, %dma_wait3A_444] : memref<1024x80xi32, #tpu.memory_space<hbm>> -> memref<32x80xi32, #tpu.memory_space<hbm>>
      %dma_wait3A_446 = arith.constant 0 : i32
      %dma_wait3A_447 = tpu.memref_slice %arg5[%mul3A_6, %dma_wait3A_446] : memref<1024x80xi32, #tpu.memory_space<hbm>> -> memref<32x80xi32, #tpu.memory_space<hbm>>
      tpu.wait_dma2 semaphore(%run_scoped3A : memref<!tpu.dma_semaphore, #tpu.memory_space<semaphore_mem>>) src(%dma_wait3A_447 : memref<32x80xi32, #tpu.memory_space<hbm>>) dst(%arg9 : memref<32x80xi32, #tpu.memory_space<vmem>>)
      tpu.yield
    }) : () -> ()
    %mul3A_7 = arith.constant 32 : i32
    %mul3A_8 = arith.muli %add3A, %mul3A_7 : i32
    "tpu.region"() ({
      %run_scoped3A = tpu.sem_alloc : memref<!tpu.dma_semaphore, #tpu.memory_space<semaphore_mem>>
      %dma_start3A_440 = arith.constant 0 : i32
      %dma_start3A_441 = tpu.memref_slice %arg6[%mul3A_8, %dma_start3A_440] : memref<1024x80xi32, #tpu.memory_space<hbm>> -> memref<32x80xi32, #tpu.memory_space<hbm>>
      %dma_start3A_442 = arith.constant 0 : i32
      %dma_start3A_443 = tpu.memref_slice %arg6[%mul3A_8, %dma_start3A_442] : memref<1024x80xi32, #tpu.memory_space<hbm>> -> memref<32x80xi32, #tpu.memory_space<hbm>>
      tpu.enqueue_dma source(%dma_start3A_443 : memref<32x80xi32, #tpu.memory_space<hbm>>) target(%arg10 : memref<32x80xi32, #tpu.memory_space<vmem>>) target_semaphore(%run_scoped3A : memref<!tpu.dma_semaphore, #tpu.memory_space<semaphore_mem>>)
      %dma_wait3A_444 = arith.constant 0 : i32
      %dma_wait3A_445 = tpu.memref_slice %arg6[%mul3A_8, %dma_wait3A_444] : memref<1024x80xi32, #tpu.memory_space<hbm>> -> memref<32x80xi32, #tpu.memory_space<hbm>>
      %dma_wait3A_446 = arith.constant 0 : i32
      %dma_wait3A_447 = tpu.memref_slice %arg6[%mul3A_8, %dma_wait3A_446] : memref<1024x80xi32, #tpu.memory_space<hbm>> -> memref<32x80xi32, #tpu.memory_space<hbm>>
      tpu.wait_dma2 semaphore(%run_scoped3A : memref<!tpu.dma_semaphore, #tpu.memory_space<semaphore_mem>>) src(%dma_wait3A_447 : memref<32x80xi32, #tpu.memory_space<hbm>>) dst(%arg10 : memref<32x80xi32, #tpu.memory_space<vmem>>)
      tpu.yield
    }) : () -> ()
    %scan3A = arith.constant 0 : i32
    %scan3A_9 = arith.constant 0 : i32
    %scan3A_10 = arith.constant 16 : i32
    %scan3A_11 = arith.addi %scan3A_9, %scan3A_10 : i32
    %scan3A_12 = arith.constant 1 : i32
    scf.for %scan3A_440 = %scan3A_9 to %scan3A_11 step %scan3A_12  : i32 {
      %broadcast_in_dim3A = arith.constant 0.000000e+00 : f32
      %broadcast_in_dim3A_441 = vector.broadcast %broadcast_in_dim3A : f32 to vector<16xf32>
      %jit3A_442 = arith.constant 8 : i32
      %div3A = arith.divsi %scan3A_440, %jit3A_442 : i32
      %sign3A = arith.constant 0 : i32
      %sign3A_443 = arith.cmpi sgt, %scan3A_440, %sign3A : i32
      %sign3A_444 = arith.extui %sign3A_443 : i1 to i32
      %sign3A_445 = arith.constant 0 : i32
      %sign3A_446 = arith.cmpi slt, %scan3A_440, %sign3A_445 : i32
      %sign3A_447 = arith.extui %sign3A_446 : i1 to i32
      %sign3A_448 = arith.subi %sign3A_444, %sign3A_447 : i32
      %sign3A_449 = arith.constant 0 : i32
      %sign3A_450 = arith.cmpi sgt, %jit3A_442, %sign3A_449 : i32
      %sign3A_451 = arith.extui %sign3A_450 : i1 to i32
      %sign3A_452 = arith.constant 0 : i32
      %sign3A_453 = arith.cmpi slt, %jit3A_442, %sign3A_452 : i32
      %sign3A_454 = arith.extui %sign3A_453 : i1 to i32
      %sign3A_455 = arith.subi %sign3A_451, %sign3A_454 : i32
      %ne3A = arith.cmpi ne, %sign3A_448, %sign3A_455 : i32
      %rem3A = arith.remsi %scan3A_440, %jit3A_442 : i32
      %ne3A_456 = arith.constant 0 : i32
      %ne3A_457 = arith.cmpi ne, %rem3A, %ne3A_456 : i32
      %and3A = arith.andi %ne3A, %ne3A_457 : i1
      %sub3A = arith.constant 1 : i32
      %sub3A_458 = arith.subi %div3A, %sub3A : i32
      %select_n3A_459 = arith.select %and3A, %sub3A_458, %div3A : i32
      %jit3A_460 = arith.constant 8 : i32
      %eq3A = arith.constant 0 : i32
      %eq3A_461 = arith.cmpi eq, %jit3A_460, %eq3A : i32
      %jit3A_462 = arith.constant 1 : i32
      %select_n3A_463 = arith.select %eq3A_461, %jit3A_462, %jit3A_460 : i32
      %rem3A_464 = arith.remsi %scan3A_440, %select_n3A_463 : i32
      %ne3A_465 = arith.constant 0 : i32
      %ne3A_466 = arith.cmpi ne, %rem3A_464, %ne3A_465 : i32
      %lt3A = arith.constant 0 : i32
      %lt3A_467 = arith.cmpi slt, %rem3A_464, %lt3A : i32
      %lt3A_468 = arith.constant 0 : i32
      %lt3A_469 = arith.cmpi slt, %select_n3A_463, %lt3A_468 : i32
      %ne3A_470 = arith.xori %lt3A_467, %lt3A_469 : i1
      %and3A_471 = arith.andi %ne3A_470, %ne3A_466 : i1
      %add3A_472 = arith.addi %rem3A_464, %select_n3A_463 : i32
      %select_n3A_473 = arith.select %and3A_471, %add3A_472, %rem3A_464 : i32
      %swap3A = arith.constant 0 : i32
      %swap3A_474 = arith.constant 2 : i32
      %swap3A_475 = arith.index_cast %swap3A : i32 to index
      %swap3A_476 = arith.index_cast %select_n3A_459 : i32 to index
      %swap3A_477 = arith.index_cast %swap3A_474 : i32 to index
      %swap3A_478 = arith.index_cast %select_n3A_473 : i32 to index
      %swap3A_479 = arith.constant 24 : index
      %swap3A_480 = tpu.vector_load %arg12[%swap3A_475, %swap3A_476, %swap3A_477, %swap3A_478, %swap3A_479] {strides = array<i32>} : memref<2x2x3x8x128xf32, #tpu.memory_space<vmem>>, vector<1x1x1x1x16xf32>,
      %swap3A_481 = vector.shape_cast %swap3A_480 : vector<1x1x1x1x16xf32> to vector<16xf32>
      %swap3A_482 = vector.shape_cast %broadcast_in_dim3A_441 : vector<16xf32> to vector<1x1x1x1x16xf32>
      tpu.vector_store %arg12[%swap3A_475, %swap3A_476, %swap3A_477, %swap3A_478, %swap3A_479], %swap3A_482 {strides = array<i32>} : memref<2x2x3x8x128xf32, #tpu.memory_space<vmem>>, vector<1x1x1x1x16xf32>,
      %jit3A_483 = arith.constant 8 : i32
      %div3A_484 = arith.divsi %scan3A_440, %jit3A_483 : i32
      %sign3A_485 = arith.constant 0 : i32
      %sign3A_486 = arith.cmpi sgt, %scan3A_440, %sign3A_485 : i32
      %sign3A_487 = arith.extui %sign3A_486 : i1 to i32
      %sign3A_488 = arith.constant 0 : i32
      %sign3A_489 = arith.cmpi slt, %scan3A_440, %sign3A_488 : i32
      %sign3A_490 = arith.extui %sign3A_489 : i1 to i32
      %sign3A_491 = arith.subi %sign3A_487, %sign3A_490 : i32
      %sign3A_492 = arith.constant 0 : i32
      %sign3A_493 = arith.cmpi sgt, %jit3A_483, %sign3A_492 : i32
      %sign3A_494 = arith.extui %sign3A_493 : i1 to i32
      %sign3A_495 = arith.constant 0 : i32
      %sign3A_496 = arith.cmpi slt, %jit3A_483, %sign3A_495 : i32
      %sign3A_497 = arith.extui %sign3A_496 : i1 to i32
      %sign3A_498 = arith.subi %sign3A_494, %sign3A_497 : i32
      %ne3A_499 = arith.cmpi ne, %sign3A_491, %sign3A_498 : i32
      %rem3A_500 = arith.remsi %scan3A_440, %jit3A_483 : i32
      %ne3A_501 = arith.constant 0 : i32
      %ne3A_502 = arith.cmpi ne, %rem3A_500, %ne3A_501 : i32
      %and3A_503 = arith.andi %ne3A_499, %ne3A_502 : i1
      %sub3A_504 = arith.constant 1 : i32
      %sub3A_505 = arith.subi %div3A_484, %sub3A_504 : i32
      %select_n3A_506 = arith.select %and3A_503, %sub3A_505, %div3A_484 : i32
      %jit3A_507 = arith.constant 8 : i32
      %eq3A_508 = arith.constant 0 : i32
      %eq3A_509 = arith.cmpi eq, %jit3A_507, %eq3A_508 : i32
      %jit3A_510 = arith.constant 1 : i32
      %select_n3A_511 = arith.select %eq3A_509, %jit3A_510, %jit3A_507 : i32
      %rem3A_512 = arith.remsi %scan3A_440, %select_n3A_511 : i32
      %ne3A_513 = arith.constant 0 : i32
      %ne3A_514 = arith.cmpi ne, %rem3A_512, %ne3A_513 : i32
      %lt3A_515 = arith.constant 0 : i32
      %lt3A_516 = arith.cmpi slt, %rem3A_512, %lt3A_515 : i32
      %lt3A_517 = arith.constant 0 : i32
      %lt3A_518 = arith.cmpi slt, %select_n3A_511, %lt3A_517 : i32
      %ne3A_519 = arith.xori %lt3A_516, %lt3A_518 : i1
      %and3A_520 = arith.andi %ne3A_519, %ne3A_514 : i1
      %add3A_521 = arith.addi %rem3A_512, %select_n3A_511 : i32
      %select_n3A_522 = arith.select %and3A_520, %add3A_521, %rem3A_512 : i32
      %swap3A_523 = arith.constant 0 : i32
      %swap3A_524 = arith.constant 2 : i32
      %swap3A_525 = arith.index_cast %swap3A_523 : i32 to index
      %swap3A_526 = arith.index_cast %select_n3A_506 : i32 to index
      %swap3A_527 = arith.index_cast %swap3A_524 : i32 to index
      %swap3A_528 = arith.index_cast %select_n3A_522 : i32 to index
      %swap3A_529 = arith.constant 40 : index
      %swap3A_530 = tpu.vector_load %arg12[%swap3A_525, %swap3A_526, %swap3A_527, %swap3A_528, %swap3A_529] {strides = array<i32>} : memref<2x2x3x8x128xf32, #tpu.memory_space<vmem>>, vector<1x1x1x1x16xf32>,
      %swap3A_531 = vector.shape_cast %swap3A_530 : vector<1x1x1x1x16xf32> to vector<16xf32>
      %swap3A_532 = vector.shape_cast %broadcast_in_dim3A_441 : vector<16xf32> to vector<1x1x1x1x16xf32>
      tpu.vector_store %arg12[%swap3A_525, %swap3A_526, %swap3A_527, %swap3A_528, %swap3A_529], %swap3A_532 {strides = array<i32>} : memref<2x2x3x8x128xf32, #tpu.memory_space<vmem>>, vector<1x1x1x1x16xf32>,
      %jit3A_533 = arith.constant 8 : i32
      %div3A_534 = arith.divsi %scan3A_440, %jit3A_533 : i32
      %sign3A_535 = arith.constant 0 : i32
      %sign3A_536 = arith.cmpi sgt, %scan3A_440, %sign3A_535 : i32
      %sign3A_537 = arith.extui %sign3A_536 : i1 to i32
      %sign3A_538 = arith.constant 0 : i32
      %sign3A_539 = arith.cmpi slt, %scan3A_440, %sign3A_538 : i32
      %sign3A_540 = arith.extui %sign3A_539 : i1 to i32
      %sign3A_541 = arith.subi %sign3A_537, %sign3A_540 : i32
      %sign3A_542 = arith.constant 0 : i32
      %sign3A_543 = arith.cmpi sgt, %jit3A_533, %sign3A_542 : i32
      %sign3A_544 = arith.extui %sign3A_543 : i1 to i32
      %sign3A_545 = arith.constant 0 : i32
      %sign3A_546 = arith.cmpi slt, %jit3A_533, %sign3A_545 : i32
      %sign3A_547 = arith.extui %sign3A_546 : i1 to i32
      %sign3A_548 = arith.subi %sign3A_544, %sign3A_547 : i32
      %ne3A_549 = arith.cmpi ne, %sign3A_541, %sign3A_548 : i32
      %rem3A_550 = arith.remsi %scan3A_440, %jit3A_533 : i32
      %ne3A_551 = arith.constant 0 : i32
      %ne3A_552 = arith.cmpi ne, %rem3A_550, %ne3A_551 : i32
      %and3A_553 = arith.andi %ne3A_549, %ne3A_552 : i1
      %sub3A_554 = arith.constant 1 : i32
      %sub3A_555 = arith.subi %div3A_534, %sub3A_554 : i32
      %select_n3A_556 = arith.select %and3A_553, %sub3A_555, %div3A_534 : i32
      %jit3A_557 = arith.constant 8 : i32
      %eq3A_558 = arith.constant 0 : i32
      %eq3A_559 = arith.cmpi eq, %jit3A_557, %eq3A_558 : i32
      %jit3A_560 = arith.constant 1 : i32
      %select_n3A_561 = arith.select %eq3A_559, %jit3A_560, %jit3A_557 : i32
      %rem3A_562 = arith.remsi %scan3A_440, %select_n3A_561 : i32
      %ne3A_563 = arith.constant 0 : i32
      %ne3A_564 = arith.cmpi ne, %rem3A_562, %ne3A_563 : i32
      %lt3A_565 = arith.constant 0 : i32
      %lt3A_566 = arith.cmpi slt, %rem3A_562, %lt3A_565 : i32
      %lt3A_567 = arith.constant 0 : i32
      %lt3A_568 = arith.cmpi slt, %select_n3A_561, %lt3A_567 : i32
      %ne3A_569 = arith.xori %lt3A_566, %lt3A_568 : i1
      %and3A_570 = arith.andi %ne3A_569, %ne3A_564 : i1
      %add3A_571 = arith.addi %rem3A_562, %select_n3A_561 : i32
      %select_n3A_572 = arith.select %and3A_570, %add3A_571, %rem3A_562 : i32
      %swap3A_573 = arith.constant 0 : i32
      %swap3A_574 = arith.constant 2 : i32
      %swap3A_575 = arith.index_cast %swap3A_573 : i32 to index
      %swap3A_576 = arith.index_cast %select_n3A_556 : i32 to index
      %swap3A_577 = arith.index_cast %swap3A_574 : i32 to index
      %swap3A_578 = arith.index_cast %select_n3A_572 : i32 to index
      %swap3A_579 = arith.constant 56 : index
      %swap3A_580 = tpu.vector_load %arg12[%swap3A_575, %swap3A_576, %swap3A_577, %swap3A_578, %swap3A_579] {strides = array<i32>} : memref<2x2x3x8x128xf32, #tpu.memory_space<vmem>>, vector<1x1x1x1x16xf32>,
      %swap3A_581 = vector.shape_cast %swap3A_580 : vector<1x1x1x1x16xf32> to vector<16xf32>
      %swap3A_582 = vector.shape_cast %broadcast_in_dim3A_441 : vector<16xf32> to vector<1x1x1x1x16xf32>
      tpu.vector_store %arg12[%swap3A_575, %swap3A_576, %swap3A_577, %swap3A_578, %swap3A_579], %swap3A_582 {strides = array<i32>} : memref<2x2x3x8x128xf32, #tpu.memory_space<vmem>>, vector<1x1x1x1x16xf32>,
      %jit3A_583 = arith.constant 8 : i32
      %div3A_584 = arith.divsi %scan3A_440, %jit3A_583 : i32
      %sign3A_585 = arith.constant 0 : i32
      %sign3A_586 = arith.cmpi sgt, %scan3A_440, %sign3A_585 : i32
      %sign3A_587 = arith.extui %sign3A_586 : i1 to i32
      %sign3A_588 = arith.constant 0 : i32
      %sign3A_589 = arith.cmpi slt, %scan3A_440, %sign3A_588 : i32
      %sign3A_590 = arith.extui %sign3A_589 : i1 to i32
      %sign3A_591 = arith.subi %sign3A_587, %sign3A_590 : i32
      %sign3A_592 = arith.constant 0 : i32
      %sign3A_593 = arith.cmpi sgt, %jit3A_583, %sign3A_592 : i32
      %sign3A_594 = arith.extui %sign3A_593 : i1 to i32
      %sign3A_595 = arith.constant 0 : i32
      %sign3A_596 = arith.cmpi slt, %jit3A_583, %sign3A_595 : i32
      %sign3A_597 = arith.extui %sign3A_596 : i1 to i32
      %sign3A_598 = arith.subi %sign3A_594, %sign3A_597 : i32
      %ne3A_599 = arith.cmpi ne, %sign3A_591, %sign3A_598 : i32
      %rem3A_600 = arith.remsi %scan3A_440, %jit3A_583 : i32
      %ne3A_601 = arith.constant 0 : i32
      %ne3A_602 = arith.cmpi ne, %rem3A_600, %ne3A_601 : i32
      %and3A_603 = arith.andi %ne3A_599, %ne3A_602 : i1
      %sub3A_604 = arith.constant 1 : i32
      %sub3A_605 = arith.subi %div3A_584, %sub3A_604 : i32
      %select_n3A_606 = arith.select %and3A_603, %sub3A_605, %div3A_584 : i32
      %jit3A_607 = arith.constant 8 : i32
      %eq3A_608 = arith.constant 0 : i32
      %eq3A_609 = arith.cmpi eq, %jit3A_607, %eq3A_608 : i32
      %jit3A_610 = arith.constant 1 : i32
      %select_n3A_611 = arith.select %eq3A_609, %jit3A_610, %jit3A_607 : i32
      %rem3A_612 = arith.remsi %scan3A_440, %select_n3A_611 : i32
      %ne3A_613 = arith.constant 0 : i32
      %ne3A_614 = arith.cmpi ne, %rem3A_612, %ne3A_613 : i32
      %lt3A_615 = arith.constant 0 : i32
      %lt3A_616 = arith.cmpi slt, %rem3A_612, %lt3A_615 : i32
      %lt3A_617 = arith.constant 0 : i32
      %lt3A_618 = arith.cmpi slt, %select_n3A_611, %lt3A_617 : i32
      %ne3A_619 = arith.xori %lt3A_616, %lt3A_618 : i1
      %and3A_620 = arith.andi %ne3A_619, %ne3A_614 : i1
      %add3A_621 = arith.addi %rem3A_612, %select_n3A_611 : i32
      %select_n3A_622 = arith.select %and3A_620, %add3A_621, %rem3A_612 : i32
      %swap3A_623 = arith.constant 0 : i32
      %swap3A_624 = arith.constant 2 : i32
      %swap3A_625 = arith.index_cast %swap3A_623 : i32 to index
      %swap3A_626 = arith.index_cast %select_n3A_606 : i32 to index
      %swap3A_627 = arith.index_cast %swap3A_624 : i32 to index
      %swap3A_628 = arith.index_cast %select_n3A_622 : i32 to index
      %swap3A_629 = arith.constant 72 : index
      %swap3A_630 = tpu.vector_load %arg12[%swap3A_625, %swap3A_626, %swap3A_627, %swap3A_628, %swap3A_629] {strides = array<i32>} : memref<2x2x3x8x128xf32, #tpu.memory_space<vmem>>, vector<1x1x1x1x16xf32>,
      %swap3A_631 = vector.shape_cast %swap3A_630 : vector<1x1x1x1x16xf32> to vector<16xf32>
      %swap3A_632 = vector.shape_cast %broadcast_in_dim3A_441 : vector<16xf32> to vector<1x1x1x1x16xf32>
      tpu.vector_store %arg12[%swap3A_625, %swap3A_626, %swap3A_627, %swap3A_628, %swap3A_629], %swap3A_632 {strides = array<i32>} : memref<2x2x3x8x128xf32, #tpu.memory_space<vmem>>, vector<1x1x1x1x16xf32>,
      %jit3A_633 = arith.constant 8 : i32
      %div3A_634 = arith.divsi %scan3A_440, %jit3A_633 : i32
      %sign3A_635 = arith.constant 0 : i32
      %sign3A_636 = arith.cmpi sgt, %scan3A_440, %sign3A_635 : i32
      %sign3A_637 = arith.extui %sign3A_636 : i1 to i32
      %sign3A_638 = arith.constant 0 : i32
      %sign3A_639 = arith.cmpi slt, %scan3A_440, %sign3A_638 : i32
      %sign3A_640 = arith.extui %sign3A_639 : i1 to i32
      %sign3A_641 = arith.subi %sign3A_637, %sign3A_640 : i32
      %sign3A_642 = arith.constant 0 : i32
      %sign3A_643 = arith.cmpi sgt, %jit3A_633, %sign3A_642 : i32
      %sign3A_644 = arith.extui %sign3A_643 : i1 to i32
      %sign3A_645 = arith.constant 0 : i32
      %sign3A_646 = arith.cmpi slt, %jit3A_633, %sign3A_645 : i32
      %sign3A_647 = arith.extui %sign3A_646 : i1 to i32
      %sign3A_648 = arith.subi %sign3A_644, %sign3A_647 : i32
      %ne3A_649 = arith.cmpi ne, %sign3A_641, %sign3A_648 : i32
      %rem3A_650 = arith.remsi %scan3A_440, %jit3A_633 : i32
      %ne3A_651 = arith.constant 0 : i32
      %ne3A_652 = arith.cmpi ne, %rem3A_650, %ne3A_651 : i32
      %and3A_653 = arith.andi %ne3A_649, %ne3A_652 : i1
      %sub3A_654 = arith.constant 1 : i32
      %sub3A_655 = arith.subi %div3A_634, %sub3A_654 : i32
      %select_n3A_656 = arith.select %and3A_653, %sub3A_655, %div3A_634 : i32
      %jit3A_657 = arith.constant 8 : i32
      %eq3A_658 = arith.constant 0 : i32
      %eq3A_659 = arith.cmpi eq, %jit3A_657, %eq3A_658 : i32
      %jit3A_660 = arith.constant 1 : i32
      %select_n3A_661 = arith.select %eq3A_659, %jit3A_660, %jit3A_657 : i32
      %rem3A_662 = arith.remsi %scan3A_440, %select_n3A_661 : i32
      %ne3A_663 = arith.constant 0 : i32
      %ne3A_664 = arith.cmpi ne, %rem3A_662, %ne3A_663 : i32
      %lt3A_665 = arith.constant 0 : i32
      %lt3A_666 = arith.cmpi slt, %rem3A_662, %lt3A_665 : i32
      %lt3A_667 = arith.constant 0 : i32
      %lt3A_668 = arith.cmpi slt, %select_n3A_661, %lt3A_667 : i32
      %ne3A_669 = arith.xori %lt3A_666, %lt3A_668 : i1
      %and3A_670 = arith.andi %ne3A_669, %ne3A_664 : i1
      %add3A_671 = arith.addi %rem3A_662, %select_n3A_661 : i32
      %select_n3A_672 = arith.select %and3A_670, %add3A_671, %rem3A_662 : i32
      %swap3A_673 = arith.constant 0 : i32
      %swap3A_674 = arith.constant 2 : i32
      %swap3A_675 = arith.index_cast %swap3A_673 : i32 to index
      %swap3A_676 = arith.index_cast %select_n3A_656 : i32 to index
      %swap3A_677 = arith.index_cast %swap3A_674 : i32 to index
      %swap3A_678 = arith.index_cast %select_n3A_672 : i32 to index
      %swap3A_679 = arith.constant 88 : index
      %swap3A_680 = tpu.vector_load %arg12[%swap3A_675, %swap3A_676, %swap3A_677, %swap3A_678, %swap3A_679] {strides = array<i32>} : memref<2x2x3x8x128xf32, #tpu.memory_space<vmem>>, vector<1x1x1x1x16xf32>,
      %swap3A_681 = vector.shape_cast %swap3A_680 : vector<1x1x1x1x16xf32> to vector<16xf32>
      %swap3A_682 = vector.shape_cast %broadcast_in_dim3A_441 : vector<16xf32> to vector<1x1x1x1x16xf32>
      tpu.vector_store %arg12[%swap3A_675, %swap3A_676, %swap3A_677, %swap3A_678, %swap3A_679], %swap3A_682 {strides = array<i32>} : memref<2x2x3x8x128xf32, #tpu.memory_space<vmem>>, vector<1x1x1x1x16xf32>,
      %jit3A_683 = arith.constant 8 : i32
      %div3A_684 = arith.divsi %scan3A_440, %jit3A_683 : i32
      %sign3A_685 = arith.constant 0 : i32
      %sign3A_686 = arith.cmpi sgt, %scan3A_440, %sign3A_685 : i32
      %sign3A_687 = arith.extui %sign3A_686 : i1 to i32
      %sign3A_688 = arith.constant 0 : i32
      %sign3A_689 = arith.cmpi slt, %scan3A_440, %sign3A_688 : i32
      %sign3A_690 = arith.extui %sign3A_689 : i1 to i32
      %sign3A_691 = arith.subi %sign3A_687, %sign3A_690 : i32
      %sign3A_692 = arith.constant 0 : i32
      %sign3A_693 = arith.cmpi sgt, %jit3A_683, %sign3A_692 : i32
      %sign3A_694 = arith.extui %sign3A_693 : i1 to i32
      %sign3A_695 = arith.constant 0 : i32
      %sign3A_696 = arith.cmpi slt, %jit3A_683, %sign3A_695 : i32
      %sign3A_697 = arith.extui %sign3A_696 : i1 to i32
      %sign3A_698 = arith.subi %sign3A_694, %sign3A_697 : i32
      %ne3A_699 = arith.cmpi ne, %sign3A_691, %sign3A_698 : i32
      %rem3A_700 = arith.remsi %scan3A_440, %jit3A_683 : i32
      %ne3A_701 = arith.constant 0 : i32
      %ne3A_702 = arith.cmpi ne, %rem3A_700, %ne3A_701 : i32
      %and3A_703 = arith.andi %ne3A_699, %ne3A_702 : i1
      %sub3A_704 = arith.constant 1 : i32
      %sub3A_705 = arith.subi %div3A_684, %sub3A_704 : i32
      %select_n3A_706 = arith.select %and3A_703, %sub3A_705, %div3A_684 : i32
      %jit3A_707 = arith.constant 8 : i32
      %eq3A_708 = arith.constant 0 : i32
      %eq3A_709 = arith.cmpi eq, %jit3A_707, %eq3A_708 : i32
      %jit3A_710 = arith.constant 1 : i32
      %select_n3A_711 = arith.select %eq3A_709, %jit3A_710, %jit3A_707 : i32
      %rem3A_712 = arith.remsi %scan3A_440, %select_n3A_711 : i32
      %ne3A_713 = arith.constant 0 : i32
      %ne3A_714 = arith.cmpi ne, %rem3A_712, %ne3A_713 : i32
      %lt3A_715 = arith.constant 0 : i32
      %lt3A_716 = arith.cmpi slt, %rem3A_712, %lt3A_715 : i32
      %lt3A_717 = arith.constant 0 : i32
      %lt3A_718 = arith.cmpi slt, %select_n3A_711, %lt3A_717 : i32
      %ne3A_719 = arith.xori %lt3A_716, %lt3A_718 : i1
      %and3A_720 = arith.andi %ne3A_719, %ne3A_714 : i1
      %add3A_721 = arith.addi %rem3A_712, %select_n3A_711 : i32
      %select_n3A_722 = arith.select %and3A_720, %add3A_721, %rem3A_712 : i32
      %swap3A_723 = arith.constant 0 : i32
      %swap3A_724 = arith.constant 2 : i32
      %swap3A_725 = arith.index_cast %swap3A_723 : i32 to index
      %swap3A_726 = arith.index_cast %select_n3A_706 : i32 to index
      %swap3A_727 = arith.index_cast %swap3A_724 : i32 to index
      %swap3A_728 = arith.index_cast %select_n3A_722 : i32 to index
      %swap3A_729 = arith.constant 104 : index
      %swap3A_730 = tpu.vector_load %arg12[%swap3A_725, %swap3A_726, %swap3A_727, %swap3A_728, %swap3A_729] {strides = array<i32>} : memref<2x2x3x8x128xf32, #tpu.memory_space<vmem>>, vector<1x1x1x1x16xf32>,
      %swap3A_731 = vector.shape_cast %swap3A_730 : vector<1x1x1x1x16xf32> to vector<16xf32>
      %swap3A_732 = vector.shape_cast %broadcast_in_dim3A_441 : vector<16xf32> to vector<1x1x1x1x16xf32>
      tpu.vector_store %arg12[%swap3A_725, %swap3A_726, %swap3A_727, %swap3A_728, %swap3A_729], %swap3A_732 {strides = array<i32>} : memref<2x2x3x8x128xf32, #tpu.memory_space<vmem>>, vector<1x1x1x1x16xf32>,
      %jit3A_733 = arith.constant 8 : i32
      %div3A_734 = arith.divsi %scan3A_440, %jit3A_733 : i32
      %sign3A_735 = arith.constant 0 : i32
      %sign3A_736 = arith.cmpi sgt, %scan3A_440, %sign3A_735 : i32
      %sign3A_737 = arith.extui %sign3A_736 : i1 to i32
      %sign3A_738 = arith.constant 0 : i32
      %sign3A_739 = arith.cmpi slt, %scan3A_440, %sign3A_738 : i32
      %sign3A_740 = arith.extui %sign3A_739 : i1 to i32
      %sign3A_741 = arith.subi %sign3A_737, %sign3A_740 : i32
      %sign3A_742 = arith.constant 0 : i32
      %sign3A_743 = arith.cmpi sgt, %jit3A_733, %sign3A_742 : i32
      %sign3A_744 = arith.extui %sign3A_743 : i1 to i32
      %sign3A_745 = arith.constant 0 : i32
      %sign3A_746 = arith.cmpi slt, %jit3A_733, %sign3A_745 : i32
      %sign3A_747 = arith.extui %sign3A_746 : i1 to i32
      %sign3A_748 = arith.subi %sign3A_744, %sign3A_747 : i32
      %ne3A_749 = arith.cmpi ne, %sign3A_741, %sign3A_748 : i32
      %rem3A_750 = arith.remsi %scan3A_440, %jit3A_733 : i32
      %ne3A_751 = arith.constant 0 : i32
      %ne3A_752 = arith.cmpi ne, %rem3A_750, %ne3A_751 : i32
      %and3A_753 = arith.andi %ne3A_749, %ne3A_752 : i1
      %sub3A_754 = arith.constant 1 : i32
      %sub3A_755 = arith.subi %div3A_734, %sub3A_754 : i32
      %select_n3A_756 = arith.select %and3A_753, %sub3A_755, %div3A_734 : i32
      %jit3A_757 = arith.constant 8 : i32
      %eq3A_758 = arith.constant 0 : i32
      %eq3A_759 = arith.cmpi eq, %jit3A_757, %eq3A_758 : i32
      %jit3A_760 = arith.constant 1 : i32
      %select_n3A_761 = arith.select %eq3A_759, %jit3A_760, %jit3A_757 : i32
      %rem3A_762 = arith.remsi %scan3A_440, %select_n3A_761 : i32
      %ne3A_763 = arith.constant 0 : i32
      %ne3A_764 = arith.cmpi ne, %rem3A_762, %ne3A_763 : i32
      %lt3A_765 = arith.constant 0 : i32
      %lt3A_766 = arith.cmpi slt, %rem3A_762, %lt3A_765 : i32
      %lt3A_767 = arith.constant 0 : i32
      %lt3A_768 = arith.cmpi slt, %select_n3A_761, %lt3A_767 : i32
      %ne3A_769 = arith.xori %lt3A_766, %lt3A_768 : i1
      %and3A_770 = arith.andi %ne3A_769, %ne3A_764 : i1
      %add3A_771 = arith.addi %rem3A_762, %select_n3A_761 : i32
      %select_n3A_772 = arith.select %and3A_770, %add3A_771, %rem3A_762 : i32
      %swap3A_773 = arith.constant 0 : i32
      %swap3A_774 = arith.constant 2 : i32
      %swap3A_775 = arith.index_cast %swap3A_773 : i32 to index
      %swap3A_776 = arith.index_cast %select_n3A_756 : i32 to index
      %swap3A_777 = arith.index_cast %swap3A_774 : i32 to index
      %swap3A_778 = arith.index_cast %select_n3A_772 : i32 to index
      %swap3A_779 = arith.constant 112 : index
      %swap3A_780 = tpu.vector_load %arg12[%swap3A_775, %swap3A_776, %swap3A_777, %swap3A_778, %swap3A_779] {strides = array<i32>} : memref<2x2x3x8x128xf32, #tpu.memory_space<vmem>>, vector<1x1x1x1x16xf32>,
      %swap3A_781 = vector.shape_cast %swap3A_780 : vector<1x1x1x1x16xf32> to vector<16xf32>
      %swap3A_782 = vector.shape_cast %broadcast_in_dim3A_441 : vector<16xf32> to vector<1x1x1x1x16xf32>
      tpu.vector_store %arg12[%swap3A_775, %swap3A_776, %swap3A_777, %swap3A_778, %swap3A_779], %swap3A_782 {strides = array<i32>} : memref<2x2x3x8x128xf32, #tpu.memory_space<vmem>>, vector<1x1x1x1x16xf32>,
      %jit3A_783 = arith.constant 8 : i32
      %div3A_784 = arith.divsi %scan3A_440, %jit3A_783 : i32
      %sign3A_785 = arith.constant 0 : i32
      %sign3A_786 = arith.cmpi sgt, %scan3A_440, %sign3A_785 : i32
      %sign3A_787 = arith.extui %sign3A_786 : i1 to i32
      %sign3A_788 = arith.constant 0 : i32
      %sign3A_789 = arith.cmpi slt, %scan3A_440, %sign3A_788 : i32
      %sign3A_790 = arith.extui %sign3A_789 : i1 to i32
      %sign3A_791 = arith.subi %sign3A_787, %sign3A_790 : i32
      %sign3A_792 = arith.constant 0 : i32
      %sign3A_793 = arith.cmpi sgt, %jit3A_783, %sign3A_792 : i32
      %sign3A_794 = arith.extui %sign3A_793 : i1 to i32
      %sign3A_795 = arith.constant 0 : i32
      %sign3A_796 = arith.cmpi slt, %jit3A_783, %sign3A_795 : i32
      %sign3A_797 = arith.extui %sign3A_796 : i1 to i32
      %sign3A_798 = arith.subi %sign3A_794, %sign3A_797 : i32
      %ne3A_799 = arith.cmpi ne, %sign3A_791, %sign3A_798 : i32
      %rem3A_800 = arith.remsi %scan3A_440, %jit3A_783 : i32
      %ne3A_801 = arith.constant 0 : i32
      %ne3A_802 = arith.cmpi ne, %rem3A_800, %ne3A_801 : i32
      %and3A_803 = arith.andi %ne3A_799, %ne3A_802 : i1
      %sub3A_804 = arith.constant 1 : i32
      %sub3A_805 = arith.subi %div3A_784, %sub3A_804 : i32
      %select_n3A_806 = arith.select %and3A_803, %sub3A_805, %div3A_784 : i32
      %jit3A_807 = arith.constant 8 : i32
      %eq3A_808 = arith.constant 0 : i32
      %eq3A_809 = arith.cmpi eq, %jit3A_807, %eq3A_808 : i32
      %jit3A_810 = arith.constant 1 : i32
      %select_n3A_811 = arith.select %eq3A_809, %jit3A_810, %jit3A_807 : i32
      %rem3A_812 = arith.remsi %scan3A_440, %select_n3A_811 : i32
      %ne3A_813 = arith.constant 0 : i32
      %ne3A_814 = arith.cmpi ne, %rem3A_812, %ne3A_813 : i32
      %lt3A_815 = arith.constant 0 : i32
      %lt3A_816 = arith.cmpi slt, %rem3A_812, %lt3A_815 : i32
      %lt3A_817 = arith.constant 0 : i32
      %lt3A_818 = arith.cmpi slt, %select_n3A_811, %lt3A_817 : i32
      %ne3A_819 = arith.xori %lt3A_816, %lt3A_818 : i1
      %and3A_820 = arith.andi %ne3A_819, %ne3A_814 : i1
      %add3A_821 = arith.addi %rem3A_812, %select_n3A_811 : i32
      %select_n3A_822 = arith.select %and3A_820, %add3A_821, %rem3A_812 : i32
      %swap3A_823 = arith.constant 1 : i32
      %swap3A_824 = arith.constant 2 : i32
      %swap3A_825 = arith.index_cast %swap3A_823 : i32 to index
      %swap3A_826 = arith.index_cast %select_n3A_806 : i32 to index
      %swap3A_827 = arith.index_cast %swap3A_824 : i32 to index
      %swap3A_828 = arith.index_cast %select_n3A_822 : i32 to index
      %swap3A_829 = arith.constant 24 : index
      %swap3A_830 = tpu.vector_load %arg12[%swap3A_825, %swap3A_826, %swap3A_827, %swap3A_828, %swap3A_829] {strides = array<i32>} : memref<2x2x3x8x128xf32, #tpu.memory_space<vmem>>, vector<1x1x1x1x16xf32>,
      %swap3A_831 = vector.shape_cast %swap3A_830 : vector<1x1x1x1x16xf32> to vector<16xf32>
      %swap3A_832 = vector.shape_cast %broadcast_in_dim3A_441 : vector<16xf32> to vector<1x1x1x1x16xf32>
      tpu.vector_store %arg12[%swap3A_825, %swap3A_826, %swap3A_827, %swap3A_828, %swap3A_829], %swap3A_832 {strides = array<i32>} : memref<2x2x3x8x128xf32, #tpu.memory_space<vmem>>, vector<1x1x1x1x16xf32>,
      %jit3A_833 = arith.constant 8 : i32
      %div3A_834 = arith.divsi %scan3A_440, %jit3A_833 : i32
      %sign3A_835 = arith.constant 0 : i32
      %sign3A_836 = arith.cmpi sgt, %scan3A_440, %sign3A_835 : i32
      %sign3A_837 = arith.extui %sign3A_836 : i1 to i32
      %sign3A_838 = arith.constant 0 : i32
      %sign3A_839 = arith.cmpi slt, %scan3A_440, %sign3A_838 : i32
      %sign3A_840 = arith.extui %sign3A_839 : i1 to i32
      %sign3A_841 = arith.subi %sign3A_837, %sign3A_840 : i32
      %sign3A_842 = arith.constant 0 : i32
      %sign3A_843 = arith.cmpi sgt, %jit3A_833, %sign3A_842 : i32
      %sign3A_844 = arith.extui %sign3A_843 : i1 to i32
      %sign3A_845 = arith.constant 0 : i32
      %sign3A_846 = arith.cmpi slt, %jit3A_833, %sign3A_845 : i32
      %sign3A_847 = arith.extui %sign3A_846 : i1 to i32
      %sign3A_848 = arith.subi %sign3A_844, %sign3A_847 : i32
      %ne3A_849 = arith.cmpi ne, %sign3A_841, %sign3A_848 : i32
      %rem3A_850 = arith.remsi %scan3A_440, %jit3A_833 : i32
      %ne3A_851 = arith.constant 0 : i32
      %ne3A_852 = arith.cmpi ne, %rem3A_850, %ne3A_851 : i32
      %and3A_853 = arith.andi %ne3A_849, %ne3A_852 : i1
      %sub3A_854 = arith.constant 1 : i32
      %sub3A_855 = arith.subi %div3A_834, %sub3A_854 : i32
      %select_n3A_856 = arith.select %and3A_853, %sub3A_855, %div3A_834 : i32
      %jit3A_857 = arith.constant 8 : i32
      %eq3A_858 = arith.constant 0 : i32
      %eq3A_859 = arith.cmpi eq, %jit3A_857, %eq3A_858 : i32
      %jit3A_860 = arith.constant 1 : i32
      %select_n3A_861 = arith.select %eq3A_859, %jit3A_860, %jit3A_857 : i32
      %rem3A_862 = arith.remsi %scan3A_440, %select_n3A_861 : i32
      %ne3A_863 = arith.constant 0 : i32
      %ne3A_864 = arith.cmpi ne, %rem3A_862, %ne3A_863 : i32
      %lt3A_865 = arith.constant 0 : i32
      %lt3A_866 = arith.cmpi slt, %rem3A_862, %lt3A_865 : i32
      %lt3A_867 = arith.constant 0 : i32
      %lt3A_868 = arith.cmpi slt, %select_n3A_861, %lt3A_867 : i32
      %ne3A_869 = arith.xori %lt3A_866, %lt3A_868 : i1
      %and3A_870 = arith.andi %ne3A_869, %ne3A_864 : i1
      %add3A_871 = arith.addi %rem3A_862, %select_n3A_861 : i32
      %select_n3A_872 = arith.select %and3A_870, %add3A_871, %rem3A_862 : i32
      %swap3A_873 = arith.constant 1 : i32
      %swap3A_874 = arith.constant 2 : i32
      %swap3A_875 = arith.index_cast %swap3A_873 : i32 to index
      %swap3A_876 = arith.index_cast %select_n3A_856 : i32 to index
      %swap3A_877 = arith.index_cast %swap3A_874 : i32 to index
      %swap3A_878 = arith.index_cast %select_n3A_872 : i32 to index
      %swap3A_879 = arith.constant 40 : index
      %swap3A_880 = tpu.vector_load %arg12[%swap3A_875, %swap3A_876, %swap3A_877, %swap3A_878, %swap3A_879] {strides = array<i32>} : memref<2x2x3x8x128xf32, #tpu.memory_space<vmem>>, vector<1x1x1x1x16xf32>,
      %swap3A_881 = vector.shape_cast %swap3A_880 : vector<1x1x1x1x16xf32> to vector<16xf32>
      %swap3A_882 = vector.shape_cast %broadcast_in_dim3A_441 : vector<16xf32> to vector<1x1x1x1x16xf32>
      tpu.vector_store %arg12[%swap3A_875, %swap3A_876, %swap3A_877, %swap3A_878, %swap3A_879], %swap3A_882 {strides = array<i32>} : memref<2x2x3x8x128xf32, #tpu.memory_space<vmem>>, vector<1x1x1x1x16xf32>,
      %jit3A_883 = arith.constant 8 : i32
      %div3A_884 = arith.divsi %scan3A_440, %jit3A_883 : i32
      %sign3A_885 = arith.constant 0 : i32
      %sign3A_886 = arith.cmpi sgt, %scan3A_440, %sign3A_885 : i32
      %sign3A_887 = arith.extui %sign3A_886 : i1 to i32
      %sign3A_888 = arith.constant 0 : i32
      %sign3A_889 = arith.cmpi slt, %scan3A_440, %sign3A_888 : i32
      %sign3A_890 = arith.extui %sign3A_889 : i1 to i32
      %sign3A_891 = arith.subi %sign3A_887, %sign3A_890 : i32
      %sign3A_892 = arith.constant 0 : i32
      %sign3A_893 = arith.cmpi sgt, %jit3A_883, %sign3A_892 : i32
      %sign3A_894 = arith.extui %sign3A_893 : i1 to i32
      %sign3A_895 = arith.constant 0 : i32
      %sign3A_896 = arith.cmpi slt, %jit3A_883, %sign3A_895 : i32
      %sign3A_897 = arith.extui %sign3A_896 : i1 to i32
      %sign3A_898 = arith.subi %sign3A_894, %sign3A_897 : i32
      %ne3A_899 = arith.cmpi ne, %sign3A_891, %sign3A_898 : i32
      %rem3A_900 = arith.remsi %scan3A_440, %jit3A_883 : i32
      %ne3A_901 = arith.constant 0 : i32
      %ne3A_902 = arith.cmpi ne, %rem3A_900, %ne3A_901 : i32
      %and3A_903 = arith.andi %ne3A_899, %ne3A_902 : i1
      %sub3A_904 = arith.constant 1 : i32
      %sub3A_905 = arith.subi %div3A_884, %sub3A_904 : i32
      %select_n3A_906 = arith.select %and3A_903, %sub3A_905, %div3A_884 : i32
      %jit3A_907 = arith.constant 8 : i32
      %eq3A_908 = arith.constant 0 : i32
      %eq3A_909 = arith.cmpi eq, %jit3A_907, %eq3A_908 : i32
      %jit3A_910 = arith.constant 1 : i32
      %select_n3A_911 = arith.select %eq3A_909, %jit3A_910, %jit3A_907 : i32
      %rem3A_912 = arith.remsi %scan3A_440, %select_n3A_911 : i32
      %ne3A_913 = arith.constant 0 : i32
      %ne3A_914 = arith.cmpi ne, %rem3A_912, %ne3A_913 : i32
      %lt3A_915 = arith.constant 0 : i32
      %lt3A_916 = arith.cmpi slt, %rem3A_912, %lt3A_915 : i32
      %lt3A_917 = arith.constant 0 : i32
      %lt3A_918 = arith.cmpi slt, %select_n3A_911, %lt3A_917 : i32
      %ne3A_919 = arith.xori %lt3A_916, %lt3A_918 : i1
      %and3A_920 = arith.andi %ne3A_919, %ne3A_914 : i1
      %add3A_921 = arith.addi %rem3A_912, %select_n3A_911 : i32
      %select_n3A_922 = arith.select %and3A_920, %add3A_921, %rem3A_912 : i32
      %swap3A_923 = arith.constant 1 : i32
      %swap3A_924 = arith.constant 2 : i32
      %swap3A_925 = arith.index_cast %swap3A_923 : i32 to index
      %swap3A_926 = arith.index_cast %select_n3A_906 : i32 to index
      %swap3A_927 = arith.index_cast %swap3A_924 : i32 to index
      %swap3A_928 = arith.index_cast %select_n3A_922 : i32 to index
      %swap3A_929 = arith.constant 56 : index
      %swap3A_930 = tpu.vector_load %arg12[%swap3A_925, %swap3A_926, %swap3A_927, %swap3A_928, %swap3A_929] {strides = array<i32>} : memref<2x2x3x8x128xf32, #tpu.memory_space<vmem>>, vector<1x1x1x1x16xf32>,
      %swap3A_931 = vector.shape_cast %swap3A_930 : vector<1x1x1x1x16xf32> to vector<16xf32>
      %swap3A_932 = vector.shape_cast %broadcast_in_dim3A_441 : vector<16xf32> to vector<1x1x1x1x16xf32>
      tpu.vector_store %arg12[%swap3A_925, %swap3A_926, %swap3A_927, %swap3A_928, %swap3A_929], %swap3A_932 {strides = array<i32>} : memref<2x2x3x8x128xf32, #tpu.memory_space<vmem>>, vector<1x1x1x1x16xf32>,
      %jit3A_933 = arith.constant 8 : i32
      %div3A_934 = arith.divsi %scan3A_440, %jit3A_933 : i32
      %sign3A_935 = arith.constant 0 : i32
      %sign3A_936 = arith.cmpi sgt, %scan3A_440, %sign3A_935 : i32
      %sign3A_937 = arith.extui %sign3A_936 : i1 to i32
      %sign3A_938 = arith.constant 0 : i32
      %sign3A_939 = arith.cmpi slt, %scan3A_440, %sign3A_938 : i32
      %sign3A_940 = arith.extui %sign3A_939 : i1 to i32
      %sign3A_941 = arith.subi %sign3A_937, %sign3A_940 : i32
      %sign3A_942 = arith.constant 0 : i32
      %sign3A_943 = arith.cmpi sgt, %jit3A_933, %sign3A_942 : i32
      %sign3A_944 = arith.extui %sign3A_943 : i1 to i32
      %sign3A_945 = arith.constant 0 : i32
      %sign3A_946 = arith.cmpi slt, %jit3A_933, %sign3A_945 : i32
      %sign3A_947 = arith.extui %sign3A_946 : i1 to i32
      %sign3A_948 = arith.subi %sign3A_944, %sign3A_947 : i32
      %ne3A_949 = arith.cmpi ne, %sign3A_941, %sign3A_948 : i32
      %rem3A_950 = arith.remsi %scan3A_440, %jit3A_933 : i32
      %ne3A_951 = arith.constant 0 : i32
      %ne3A_952 = arith.cmpi ne, %rem3A_950, %ne3A_951 : i32
      %and3A_953 = arith.andi %ne3A_949, %ne3A_952 : i1
      %sub3A_954 = arith.constant 1 : i32
      %sub3A_955 = arith.subi %div3A_934, %sub3A_954 : i32
      %select_n3A_956 = arith.select %and3A_953, %sub3A_955, %div3A_934 : i32
      %jit3A_957 = arith.constant 8 : i32
      %eq3A_958 = arith.constant 0 : i32
      %eq3A_959 = arith.cmpi eq, %jit3A_957, %eq3A_958 : i32
      %jit3A_960 = arith.constant 1 : i32
      %select_n3A_961 = arith.select %eq3A_959, %jit3A_960, %jit3A_957 : i32
      %rem3A_962 = arith.remsi %scan3A_440, %select_n3A_961 : i32
      %ne3A_963 = arith.constant 0 : i32
      %ne3A_964 = arith.cmpi ne, %rem3A_962, %ne3A_963 : i32
      %lt3A_965 = arith.constant 0 : i32
      %lt3A_966 = arith.cmpi slt, %rem3A_962, %lt3A_965 : i32
      %lt3A_967 = arith.constant 0 : i32
      %lt3A_968 = arith.cmpi slt, %select_n3A_961, %lt3A_967 : i32
      %ne3A_969 = arith.xori %lt3A_966, %lt3A_968 : i1
      %and3A_970 = arith.andi %ne3A_969, %ne3A_964 : i1
      %add3A_971 = arith.addi %rem3A_962, %select_n3A_961 : i32
      %select_n3A_972 = arith.select %and3A_970, %add3A_971, %rem3A_962 : i32
      %swap3A_973 = arith.constant 1 : i32
      %swap3A_974 = arith.constant 2 : i32
      %swap3A_975 = arith.index_cast %swap3A_973 : i32 to index
      %swap3A_976 = arith.index_cast %select_n3A_956 : i32 to index
      %swap3A_977 = arith.index_cast %swap3A_974 : i32 to index
      %swap3A_978 = arith.index_cast %select_n3A_972 : i32 to index
      %swap3A_979 = arith.constant 72 : index
      %swap3A_980 = tpu.vector_load %arg12[%swap3A_975, %swap3A_976, %swap3A_977, %swap3A_978, %swap3A_979] {strides = array<i32>} : memref<2x2x3x8x128xf32, #tpu.memory_space<vmem>>, vector<1x1x1x1x16xf32>,
      %swap3A_981 = vector.shape_cast %swap3A_980 : vector<1x1x1x1x16xf32> to vector<16xf32>
      %swap3A_982 = vector.shape_cast %broadcast_in_dim3A_441 : vector<16xf32> to vector<1x1x1x1x16xf32>
      tpu.vector_store %arg12[%swap3A_975, %swap3A_976, %swap3A_977, %swap3A_978, %swap3A_979], %swap3A_982 {strides = array<i32>} : memref<2x2x3x8x128xf32, #tpu.memory_space<vmem>>, vector<1x1x1x1x16xf32>,
      %jit3A_983 = arith.constant 8 : i32
      %div3A_984 = arith.divsi %scan3A_440, %jit3A_983 : i32
      %sign3A_985 = arith.constant 0 : i32
      %sign3A_986 = arith.cmpi sgt, %scan3A_440, %sign3A_985 : i32
      %sign3A_987 = arith.extui %sign3A_986 : i1 to i32
      %sign3A_988 = arith.constant 0 : i32
      %sign3A_989 = arith.cmpi slt, %scan3A_440, %sign3A_988 : i32
      %sign3A_990 = arith.extui %sign3A_989 : i1 to i32
      %sign3A_991 = arith.subi %sign3A_987, %sign3A_990 : i32
      %sign3A_992 = arith.constant 0 : i32
      %sign3A_993 = arith.cmpi sgt, %jit3A_983, %sign3A_992 : i32
      %sign3A_994 = arith.extui %sign3A_993 : i1 to i32
      %sign3A_995 = arith.constant 0 : i32
      %sign3A_996 = arith.cmpi slt, %jit3A_983, %sign3A_995 : i32
      %sign3A_997 = arith.extui %sign3A_996 : i1 to i32
      %sign3A_998 = arith.subi %sign3A_994, %sign3A_997 : i32
      %ne3A_999 = arith.cmpi ne, %sign3A_991, %sign3A_998 : i32
      %rem3A_1000 = arith.remsi %scan3A_440, %jit3A_983 : i32
      %ne3A_1001 = arith.constant 0 : i32
      %ne3A_1002 = arith.cmpi ne, %rem3A_1000, %ne3A_1001 : i32
      %and3A_1003 = arith.andi %ne3A_999, %ne3A_1002 : i1
      %sub3A_1004 = arith.constant 1 : i32
      %sub3A_1005 = arith.subi %div3A_984, %sub3A_1004 : i32
      %select_n3A_1006 = arith.select %and3A_1003, %sub3A_1005, %div3A_984 : i32
      %jit3A_1007 = arith.constant 8 : i32
      %eq3A_1008 = arith.constant 0 : i32
      %eq3A_1009 = arith.cmpi eq, %jit3A_1007, %eq3A_1008 : i32
      %jit3A_1010 = arith.constant 1 : i32
      %select_n3A_1011 = arith.select %eq3A_1009, %jit3A_1010, %jit3A_1007 : i32
      %rem3A_1012 = arith.remsi %scan3A_440, %select_n3A_1011 : i32
      %ne3A_1013 = arith.constant 0 : i32
      %ne3A_1014 = arith.cmpi ne, %rem3A_1012, %ne3A_1013 : i32
      %lt3A_1015 = arith.constant 0 : i32
      %lt3A_1016 = arith.cmpi slt, %rem3A_1012, %lt3A_1015 : i32
      %lt3A_1017 = arith.constant 0 : i32
      %lt3A_1018 = arith.cmpi slt, %select_n3A_1011, %lt3A_1017 : i32
      %ne3A_1019 = arith.xori %lt3A_1016, %lt3A_1018 : i1
      %and3A_1020 = arith.andi %ne3A_1019, %ne3A_1014 : i1
      %add3A_1021 = arith.addi %rem3A_1012, %select_n3A_1011 : i32
      %select_n3A_1022 = arith.select %and3A_1020, %add3A_1021, %rem3A_1012 : i32
      %swap3A_1023 = arith.constant 1 : i32
      %swap3A_1024 = arith.constant 2 : i32
      %swap3A_1025 = arith.index_cast %swap3A_1023 : i32 to index
      %swap3A_1026 = arith.index_cast %select_n3A_1006 : i32 to index
      %swap3A_1027 = arith.index_cast %swap3A_1024 : i32 to index
      %swap3A_1028 = arith.index_cast %select_n3A_1022 : i32 to index
      %swap3A_1029 = arith.constant 88 : index
      %swap3A_1030 = tpu.vector_load %arg12[%swap3A_1025, %swap3A_1026, %swap3A_1027, %swap3A_1028, %swap3A_1029] {strides = array<i32>} : memref<2x2x3x8x128xf32, #tpu.memory_space<vmem>>, vector<1x1x1x1x16xf32>,
      %swap3A_1031 = vector.shape_cast %swap3A_1030 : vector<1x1x1x1x16xf32> to vector<16xf32>
      %swap3A_1032 = vector.shape_cast %broadcast_in_dim3A_441 : vector<16xf32> to vector<1x1x1x1x16xf32>
      tpu.vector_store %arg12[%swap3A_1025, %swap3A_1026, %swap3A_1027, %swap3A_1028, %swap3A_1029], %swap3A_1032 {strides = array<i32>} : memref<2x2x3x8x128xf32, #tpu.memory_space<vmem>>, vector<1x1x1x1x16xf32>,
      %jit3A_1033 = arith.constant 8 : i32
      %div3A_1034 = arith.divsi %scan3A_440, %jit3A_1033 : i32
      %sign3A_1035 = arith.constant 0 : i32
      %sign3A_1036 = arith.cmpi sgt, %scan3A_440, %sign3A_1035 : i32
      %sign3A_1037 = arith.extui %sign3A_1036 : i1 to i32
      %sign3A_1038 = arith.constant 0 : i32
      %sign3A_1039 = arith.cmpi slt, %scan3A_440, %sign3A_1038 : i32
      %sign3A_1040 = arith.extui %sign3A_1039 : i1 to i32
      %sign3A_1041 = arith.subi %sign3A_1037, %sign3A_1040 : i32
      %sign3A_1042 = arith.constant 0 : i32
      %sign3A_1043 = arith.cmpi sgt, %jit3A_1033, %sign3A_1042 : i32
      %sign3A_1044 = arith.extui %sign3A_1043 : i1 to i32
      %sign3A_1045 = arith.constant 0 : i32
      %sign3A_1046 = arith.cmpi slt, %jit3A_1033, %sign3A_1045 : i32
      %sign3A_1047 = arith.extui %sign3A_1046 : i1 to i32
      %sign3A_1048 = arith.subi %sign3A_1044, %sign3A_1047 : i32
      %ne3A_1049 = arith.cmpi ne, %sign3A_1041, %sign3A_1048 : i32
      %rem3A_1050 = arith.remsi %scan3A_440, %jit3A_1033 : i32
      %ne3A_1051 = arith.constant 0 : i32
      %ne3A_1052 = arith.cmpi ne, %rem3A_1050, %ne3A_1051 : i32
      %and3A_1053 = arith.andi %ne3A_1049, %ne3A_1052 : i1
      %sub3A_1054 = arith.constant 1 : i32
      %sub3A_1055 = arith.subi %div3A_1034, %sub3A_1054 : i32
      %select_n3A_1056 = arith.select %and3A_1053, %sub3A_1055, %div3A_1034 : i32
      %jit3A_1057 = arith.constant 8 : i32
      %eq3A_1058 = arith.constant 0 : i32
      %eq3A_1059 = arith.cmpi eq, %jit3A_1057, %eq3A_1058 : i32
      %jit3A_1060 = arith.constant 1 : i32
      %select_n3A_1061 = arith.select %eq3A_1059, %jit3A_1060, %jit3A_1057 : i32
      %rem3A_1062 = arith.remsi %scan3A_440, %select_n3A_1061 : i32
      %ne3A_1063 = arith.constant 0 : i32
      %ne3A_1064 = arith.cmpi ne, %rem3A_1062, %ne3A_1063 : i32
      %lt3A_1065 = arith.constant 0 : i32
      %lt3A_1066 = arith.cmpi slt, %rem3A_1062, %lt3A_1065 : i32
      %lt3A_1067 = arith.constant 0 : i32
      %lt3A_1068 = arith.cmpi slt, %select_n3A_1061, %lt3A_1067 : i32
      %ne3A_1069 = arith.xori %lt3A_1066, %lt3A_1068 : i1
      %and3A_1070 = arith.andi %ne3A_1069, %ne3A_1064 : i1
      %add3A_1071 = arith.addi %rem3A_1062, %select_n3A_1061 : i32
      %select_n3A_1072 = arith.select %and3A_1070, %add3A_1071, %rem3A_1062 : i32
      %swap3A_1073 = arith.constant 1 : i32
      %swap3A_1074 = arith.constant 2 : i32
      %swap3A_1075 = arith.index_cast %swap3A_1073 : i32 to index
      %swap3A_1076 = arith.index_cast %select_n3A_1056 : i32 to index
      %swap3A_1077 = arith.index_cast %swap3A_1074 : i32 to index
      %swap3A_1078 = arith.index_cast %select_n3A_1072 : i32 to index
      %swap3A_1079 = arith.constant 104 : index
      %swap3A_1080 = tpu.vector_load %arg12[%swap3A_1075, %swap3A_1076, %swap3A_1077, %swap3A_1078, %swap3A_1079] {strides = array<i32>} : memref<2x2x3x8x128xf32, #tpu.memory_space<vmem>>, vector<1x1x1x1x16xf32>,
      %swap3A_1081 = vector.shape_cast %swap3A_1080 : vector<1x1x1x1x16xf32> to vector<16xf32>
      %swap3A_1082 = vector.shape_cast %broadcast_in_dim3A_441 : vector<16xf32> to vector<1x1x1x1x16xf32>
      tpu.vector_store %arg12[%swap3A_1075, %swap3A_1076, %swap3A_1077, %swap3A_1078, %swap3A_1079], %swap3A_1082 {strides = array<i32>} : memref<2x2x3x8x128xf32, #tpu.memory_space<vmem>>, vector<1x1x1x1x16xf32>,
      %jit3A_1083 = arith.constant 8 : i32
      %div3A_1084 = arith.divsi %scan3A_440, %jit3A_1083 : i32
      %sign3A_1085 = arith.constant 0 : i32
      %sign3A_1086 = arith.cmpi sgt, %scan3A_440, %sign3A_1085 : i32
      %sign3A_1087 = arith.extui %sign3A_1086 : i1 to i32
      %sign3A_1088 = arith.constant 0 : i32
      %sign3A_1089 = arith.cmpi slt, %scan3A_440, %sign3A_1088 : i32
      %sign3A_1090 = arith.extui %sign3A_1089 : i1 to i32
      %sign3A_1091 = arith.subi %sign3A_1087, %sign3A_1090 : i32
      %sign3A_1092 = arith.constant 0 : i32
      %sign3A_1093 = arith.cmpi sgt, %jit3A_1083, %sign3A_1092 : i32
      %sign3A_1094 = arith.extui %sign3A_1093 : i1 to i32
      %sign3A_1095 = arith.constant 0 : i32
      %sign3A_1096 = arith.cmpi slt, %jit3A_1083, %sign3A_1095 : i32
      %sign3A_1097 = arith.extui %sign3A_1096 : i1 to i32
      %sign3A_1098 = arith.subi %sign3A_1094, %sign3A_1097 : i32
      %ne3A_1099 = arith.cmpi ne, %sign3A_1091, %sign3A_1098 : i32
      %rem3A_1100 = arith.remsi %scan3A_440, %jit3A_1083 : i32
      %ne3A_1101 = arith.constant 0 : i32
      %ne3A_1102 = arith.cmpi ne, %rem3A_1100, %ne3A_1101 : i32
      %and3A_1103 = arith.andi %ne3A_1099, %ne3A_1102 : i1
      %sub3A_1104 = arith.constant 1 : i32
      %sub3A_1105 = arith.subi %div3A_1084, %sub3A_1104 : i32
      %select_n3A_1106 = arith.select %and3A_1103, %sub3A_1105, %div3A_1084 : i32
      %jit3A_1107 = arith.constant 8 : i32
      %eq3A_1108 = arith.constant 0 : i32
      %eq3A_1109 = arith.cmpi eq, %jit3A_1107, %eq3A_1108 : i32
      %jit3A_1110 = arith.constant 1 : i32
      %select_n3A_1111 = arith.select %eq3A_1109, %jit3A_1110, %jit3A_1107 : i32
      %rem3A_1112 = arith.remsi %scan3A_440, %select_n3A_1111 : i32
      %ne3A_1113 = arith.constant 0 : i32
      %ne3A_1114 = arith.cmpi ne, %rem3A_1112, %ne3A_1113 : i32
      %lt3A_1115 = arith.constant 0 : i32
      %lt3A_1116 = arith.cmpi slt, %rem3A_1112, %lt3A_1115 : i32
      %lt3A_1117 = arith.constant 0 : i32
      %lt3A_1118 = arith.cmpi slt, %select_n3A_1111, %lt3A_1117 : i32
      %ne3A_1119 = arith.xori %lt3A_1116, %lt3A_1118 : i1
      %and3A_1120 = arith.andi %ne3A_1119, %ne3A_1114 : i1
      %add3A_1121 = arith.addi %rem3A_1112, %select_n3A_1111 : i32
      %select_n3A_1122 = arith.select %and3A_1120, %add3A_1121, %rem3A_1112 : i32
      %swap3A_1123 = arith.constant 1 : i32
      %swap3A_1124 = arith.constant 2 : i32
      %swap3A_1125 = arith.index_cast %swap3A_1123 : i32 to index
      %swap3A_1126 = arith.index_cast %select_n3A_1106 : i32 to index
      %swap3A_1127 = arith.index_cast %swap3A_1124 : i32 to index
      %swap3A_1128 = arith.index_cast %select_n3A_1122 : i32 to index
      %swap3A_1129 = arith.constant 112 : index
      %swap3A_1130 = tpu.vector_load %arg12[%swap3A_1125, %swap3A_1126, %swap3A_1127, %swap3A_1128, %swap3A_1129] {strides = array<i32>} : memref<2x2x3x8x128xf32, #tpu.memory_space<vmem>>, vector<1x1x1x1x16xf32>,
      %swap3A_1131 = vector.shape_cast %swap3A_1130 : vector<1x1x1x1x16xf32> to vector<16xf32>
      %swap3A_1132 = vector.shape_cast %broadcast_in_dim3A_441 : vector<16xf32> to vector<1x1x1x1x16xf32>
      tpu.vector_store %arg12[%swap3A_1125, %swap3A_1126, %swap3A_1127, %swap3A_1128, %swap3A_1129], %swap3A_1132 {strides = array<i32>} : memref<2x2x3x8x128xf32, #tpu.memory_space<vmem>>, vector<1x1x1x1x16xf32>,
    }
    %scan3A_13 = arith.constant 16 : i32
    %dma_start3A = arith.constant 0 : i32
    %dma_start3A_14 = arith.constant 0 : i32
    %dma_start3A_15 = arith.constant 0 : i32
    %dma_start3A_16 = arith.constant 0 : i32
    %dma_start3A_17 = arith.constant 0 : i32
    %dma_start3A_18 = arith.constant 0 : i32
    %dma_start3A_19 = arith.constant 0 : i32
    %dma_start3A_20 = tpu.memref_slice %arg11[%dma_start3A_14, %dma_start3A_15, %dma_start3A_18, %dma_start3A_19] : memref<2x3x80x56xf32, #tpu.memory_space<vmem>> -> memref<1x1x80x56xf32, #tpu.memory_space<vmem>>
    %dma_start3A_21 = tpu.memref_squeeze %dma_start3A_20 : memref<1x1x80x56xf32, #tpu.memory_space<vmem>> -> memref<80x56xf32, #tpu.memory_space<vmem>>
    %dma_start3A_22 = arith.constant 0 : i32
    %dma_start3A_23 = tpu.memref_slice %arg8[%dma_start3A, %dma_start3A_22] : memref<32x80xi32, #tpu.memory_space<vmem>> -> memref<1x80xi32, #tpu.memory_space<vmem>>
    %dma_start3A_24 = tpu.memref_squeeze %dma_start3A_23 : memref<1x80xi32, #tpu.memory_space<vmem>> -> memref<80xi32, #tpu.memory_space<vmem>>
    %dma_start3A_25 = arith.constant 0 : i32
    %dma_start3A_26 = arith.constant 0 : i32
    %dma_start3A_27 = tpu.memref_slice %arg2[%dma_start3A_25, %dma_start3A_26] : memref<100000x56xf32, #tpu.memory_space<hbm>> -> memref<100000x56xf32, #tpu.memory_space<hbm>>
    %dma_start3A_28 = tpu.memref_slice %arg13[%dma_start3A_16, %dma_start3A_17] : memref<2x3x!tpu.dma_semaphore, #tpu.memory_space<semaphore_mem>> -> memref<1x1x!tpu.dma_semaphore, #tpu.memory_space<semaphore_mem>>
    %dma_start3A_29 = tpu.memref_squeeze %dma_start3A_28 : memref<1x1x!tpu.dma_semaphore, #tpu.memory_space<semaphore_mem>> -> memref<!tpu.dma_semaphore, #tpu.memory_space<semaphore_mem>>
    tpu.enqueue_indirect_dma source(%dma_start3A_27 : memref<100000x56xf32, #tpu.memory_space<hbm>>) target(%dma_start3A_21 : memref<80x56xf32, #tpu.memory_space<vmem>>) offsets(%dma_start3A_24 : memref<80xi32, #tpu.memory_space<vmem>>) semaphore(%dma_start3A_29 : memref<!tpu.dma_semaphore, #tpu.memory_space<semaphore_mem>>)
    %dma_start3A_30 = arith.constant 0 : i32
    %dma_start3A_31 = arith.constant 0 : i32
    %dma_start3A_32 = arith.constant 1 : i32
    %dma_start3A_33 = arith.constant 0 : i32
    %dma_start3A_34 = arith.constant 1 : i32
    %dma_start3A_35 = arith.constant 0 : i32
    %dma_start3A_36 = arith.constant 0 : i32
    %dma_start3A_37 = tpu.memref_slice %arg11[%dma_start3A_31, %dma_start3A_32, %dma_start3A_35, %dma_start3A_36] : memref<2x3x80x56xf32, #tpu.memory_space<vmem>> -> memref<1x1x80x56xf32, #tpu.memory_space<vmem>>
    %dma_start3A_38 = tpu.memref_squeeze %dma_start3A_37 : memref<1x1x80x56xf32, #tpu.memory_space<vmem>> -> memref<80x56xf32, #tpu.memory_space<vmem>>
    %dma_start3A_39 = arith.constant 0 : i32
    %dma_start3A_40 = tpu.memref_slice %arg9[%dma_start3A_30, %dma_start3A_39] : memref<32x80xi32, #tpu.memory_space<vmem>> -> memref<1x80xi32, #tpu.memory_space<vmem>>
    %dma_start3A_41 = tpu.memref_squeeze %dma_start3A_40 : memref<1x80xi32, #tpu.memory_space<vmem>> -> memref<80xi32, #tpu.memory_space<vmem>>
    %dma_start3A_42 = arith.constant 0 : i32
    %dma_start3A_43 = arith.constant 0 : i32
    %dma_start3A_44 = tpu.memref_slice %arg3[%dma_start3A_42, %dma_start3A_43] : memref<50000x56xf32, #tpu.memory_space<hbm>> -> memref<50000x56xf32, #tpu.memory_space<hbm>>
    %dma_start3A_45 = tpu.memref_slice %arg13[%dma_start3A_33, %dma_start3A_34] : memref<2x3x!tpu.dma_semaphore, #tpu.memory_space<semaphore_mem>> -> memref<1x1x!tpu.dma_semaphore, #tpu.memory_space<semaphore_mem>>
    %dma_start3A_46 = tpu.memref_squeeze %dma_start3A_45 : memref<1x1x!tpu.dma_semaphore, #tpu.memory_space<semaphore_mem>> -> memref<!tpu.dma_semaphore, #tpu.memory_space<semaphore_mem>>
    tpu.enqueue_indirect_dma source(%dma_start3A_44 : memref<50000x56xf32, #tpu.memory_space<hbm>>) target(%dma_start3A_38 : memref<80x56xf32, #tpu.memory_space<vmem>>) offsets(%dma_start3A_41 : memref<80xi32, #tpu.memory_space<vmem>>) semaphore(%dma_start3A_46 : memref<!tpu.dma_semaphore, #tpu.memory_space<semaphore_mem>>)
    %dma_start3A_47 = arith.constant 0 : i32
    %dma_start3A_48 = arith.constant 0 : i32
    %dma_start3A_49 = arith.constant 2 : i32
    %dma_start3A_50 = arith.constant 0 : i32
    %dma_start3A_51 = arith.constant 2 : i32
    %dma_start3A_52 = arith.constant 0 : i32
    %dma_start3A_53 = arith.constant 0 : i32
    %dma_start3A_54 = tpu.memref_slice %arg11[%dma_start3A_48, %dma_start3A_49, %dma_start3A_52, %dma_start3A_53] : memref<2x3x80x56xf32, #tpu.memory_space<vmem>> -> memref<1x1x80x56xf32, #tpu.memory_space<vmem>>
    %dma_start3A_55 = tpu.memref_squeeze %dma_start3A_54 : memref<1x1x80x56xf32, #tpu.memory_space<vmem>> -> memref<80x56xf32, #tpu.memory_space<vmem>>
    %dma_start3A_56 = arith.constant 0 : i32
    %dma_start3A_57 = tpu.memref_slice %arg10[%dma_start3A_47, %dma_start3A_56] : memref<32x80xi32, #tpu.memory_space<vmem>> -> memref<1x80xi32, #tpu.memory_space<vmem>>
    %dma_start3A_58 = tpu.memref_squeeze %dma_start3A_57 : memref<1x80xi32, #tpu.memory_space<vmem>> -> memref<80xi32, #tpu.memory_space<vmem>>
    %dma_start3A_59 = arith.constant 0 : i32
    %dma_start3A_60 = arith.constant 0 : i32
    %dma_start3A_61 = tpu.memref_slice %arg3[%dma_start3A_59, %dma_start3A_60] : memref<50000x56xf32, #tpu.memory_space<hbm>> -> memref<50000x56xf32, #tpu.memory_space<hbm>>
    %dma_start3A_62 = tpu.memref_slice %arg13[%dma_start3A_50, %dma_start3A_51] : memref<2x3x!tpu.dma_semaphore, #tpu.memory_space<semaphore_mem>> -> memref<1x1x!tpu.dma_semaphore, #tpu.memory_space<semaphore_mem>>
    %dma_start3A_63 = tpu.memref_squeeze %dma_start3A_62 : memref<1x1x!tpu.dma_semaphore, #tpu.memory_space<semaphore_mem>> -> memref<!tpu.dma_semaphore, #tpu.memory_space<semaphore_mem>>
    tpu.enqueue_indirect_dma source(%dma_start3A_61 : memref<50000x56xf32, #tpu.memory_space<hbm>>) target(%dma_start3A_55 : memref<80x56xf32, #tpu.memory_space<vmem>>) offsets(%dma_start3A_58 : memref<80xi32, #tpu.memory_space<vmem>>) semaphore(%dma_start3A_63 : memref<!tpu.dma_semaphore, #tpu.memory_space<semaphore_mem>>)
    %dma_wait3A = arith.constant 0 : i32
    %dma_wait3A_64 = arith.constant 0 : i32
    %dma_wait3A_65 = arith.constant 0 : i32
    %dma_wait3A_66 = arith.constant 0 : i32
    %dma_wait3A_67 = arith.constant 0 : i32
    %dma_wait3A_68 = arith.constant 0 : i32
    %dma_wait3A_69 = arith.constant 0 : i32
    %dma_wait3A_70 = tpu.memref_slice %arg11[%dma_wait3A_64, %dma_wait3A_65, %dma_wait3A_68, %dma_wait3A_69] : memref<2x3x80x56xf32, #tpu.memory_space<vmem>> -> memref<1x1x80x56xf32, #tpu.memory_space<vmem>>
    %dma_wait3A_71 = tpu.memref_squeeze %dma_wait3A_70 : memref<1x1x80x56xf32, #tpu.memory_space<vmem>> -> memref<80x56xf32, #tpu.memory_space<vmem>>
    %dma_wait3A_72 = arith.constant 0 : i32
    %dma_wait3A_73 = tpu.memref_slice %arg8[%dma_wait3A, %dma_wait3A_72] : memref<32x80xi32, #tpu.memory_space<vmem>> -> memref<1x80xi32, #tpu.memory_space<vmem>>
    %dma_wait3A_74 = tpu.memref_squeeze %dma_wait3A_73 : memref<1x80xi32, #tpu.memory_space<vmem>> -> memref<80xi32, #tpu.memory_space<vmem>>
    %dma_wait3A_75 = arith.constant 0 : i32
    %dma_wait3A_76 = arith.constant 0 : i32
    %dma_wait3A_77 = tpu.memref_slice %arg2[%dma_wait3A_75, %dma_wait3A_76] : memref<100000x56xf32, #tpu.memory_space<hbm>> -> memref<100000x56xf32, #tpu.memory_space<hbm>>
    %dma_wait3A_78 = tpu.memref_slice %arg13[%dma_wait3A_66, %dma_wait3A_67] : memref<2x3x!tpu.dma_semaphore, #tpu.memory_space<semaphore_mem>> -> memref<1x1x!tpu.dma_semaphore, #tpu.memory_space<semaphore_mem>>
    %dma_wait3A_79 = tpu.memref_squeeze %dma_wait3A_78 : memref<1x1x!tpu.dma_semaphore, #tpu.memory_space<semaphore_mem>> -> memref<!tpu.dma_semaphore, #tpu.memory_space<semaphore_mem>>
    tpu.wait_indirect_dma semaphore(%dma_wait3A_79 : memref<!tpu.dma_semaphore, #tpu.memory_space<semaphore_mem>>) src(%dma_wait3A_77 : memref<100000x56xf32, #tpu.memory_space<hbm>>) dst(%dma_wait3A_71 : memref<80x56xf32, #tpu.memory_space<vmem>>)
    %dma_wait3A_80 = arith.constant 0 : i32
    %dma_wait3A_81 = arith.constant 0 : i32
    %dma_wait3A_82 = arith.constant 1 : i32
    %dma_wait3A_83 = arith.constant 0 : i32
    %dma_wait3A_84 = arith.constant 1 : i32
    %dma_wait3A_85 = arith.constant 0 : i32
    %dma_wait3A_86 = arith.constant 0 : i32
    %dma_wait3A_87 = tpu.memref_slice %arg11[%dma_wait3A_81, %dma_wait3A_82, %dma_wait3A_85, %dma_wait3A_86] : memref<2x3x80x56xf32, #tpu.memory_space<vmem>> -> memref<1x1x80x56xf32, #tpu.memory_space<vmem>>
    %dma_wait3A_88 = tpu.memref_squeeze %dma_wait3A_87 : memref<1x1x80x56xf32, #tpu.memory_space<vmem>> -> memref<80x56xf32, #tpu.memory_space<vmem>>
    %dma_wait3A_89 = arith.constant 0 : i32
    %dma_wait3A_90 = tpu.memref_slice %arg8[%dma_wait3A_80, %dma_wait3A_89] : memref<32x80xi32, #tpu.memory_space<vmem>> -> memref<1x80xi32, #tpu.memory_space<vmem>>
    %dma_wait3A_91 = tpu.memref_squeeze %dma_wait3A_90 : memref<1x80xi32, #tpu.memory_space<vmem>> -> memref<80xi32, #tpu.memory_space<vmem>>
    %dma_wait3A_92 = arith.constant 0 : i32
    %dma_wait3A_93 = arith.constant 0 : i32
    %dma_wait3A_94 = tpu.memref_slice %arg2[%dma_wait3A_92, %dma_wait3A_93] : memref<100000x56xf32, #tpu.memory_space<hbm>> -> memref<100000x56xf32, #tpu.memory_space<hbm>>
    %dma_wait3A_95 = tpu.memref_slice %arg13[%dma_wait3A_83, %dma_wait3A_84] : memref<2x3x!tpu.dma_semaphore, #tpu.memory_space<semaphore_mem>> -> memref<1x1x!tpu.dma_semaphore, #tpu.memory_space<semaphore_mem>>
    %dma_wait3A_96 = tpu.memref_squeeze %dma_wait3A_95 : memref<1x1x!tpu.dma_semaphore, #tpu.memory_space<semaphore_mem>> -> memref<!tpu.dma_semaphore, #tpu.memory_space<semaphore_mem>>
    tpu.wait_indirect_dma semaphore(%dma_wait3A_96 : memref<!tpu.dma_semaphore, #tpu.memory_space<semaphore_mem>>) src(%dma_wait3A_94 : memref<100000x56xf32, #tpu.memory_space<hbm>>) dst(%dma_wait3A_88 : memref<80x56xf32, #tpu.memory_space<vmem>>)
    %dma_wait3A_97 = arith.constant 0 : i32
    %dma_wait3A_98 = arith.constant 0 : i32
    %dma_wait3A_99 = arith.constant 2 : i32
    %dma_wait3A_100 = arith.constant 0 : i32
    %dma_wait3A_101 = arith.constant 2 : i32
    %dma_wait3A_102 = arith.constant 0 : i32
    %dma_wait3A_103 = arith.constant 0 : i32
    %dma_wait3A_104 = tpu.memref_slice %arg11[%dma_wait3A_98, %dma_wait3A_99, %dma_wait3A_102, %dma_wait3A_103] : memref<2x3x80x56xf32, #tpu.memory_space<vmem>> -> memref<1x1x80x56xf32, #tpu.memory_space<vmem>>
    %dma_wait3A_105 = tpu.memref_squeeze %dma_wait3A_104 : memref<1x1x80x56xf32, #tpu.memory_space<vmem>> -> memref<80x56xf32, #tpu.memory_space<vmem>>
    %dma_wait3A_106 = arith.constant 0 : i32
    %dma_wait3A_107 = tpu.memref_slice %arg8[%dma_wait3A_97, %dma_wait3A_106] : memref<32x80xi32, #tpu.memory_space<vmem>> -> memref<1x80xi32, #tpu.memory_space<vmem>>
    %dma_wait3A_108 = tpu.memref_squeeze %dma_wait3A_107 : memref<1x80xi32, #tpu.memory_space<vmem>> -> memref<80xi32, #tpu.memory_space<vmem>>
    %dma_wait3A_109 = arith.constant 0 : i32
    %dma_wait3A_110 = arith.constant 0 : i32
    %dma_wait3A_111 = tpu.memref_slice %arg2[%dma_wait3A_109, %dma_wait3A_110] : memref<100000x56xf32, #tpu.memory_space<hbm>> -> memref<100000x56xf32, #tpu.memory_space<hbm>>
    %dma_wait3A_112 = tpu.memref_slice %arg13[%dma_wait3A_100, %dma_wait3A_101] : memref<2x3x!tpu.dma_semaphore, #tpu.memory_space<semaphore_mem>> -> memref<1x1x!tpu.dma_semaphore, #tpu.memory_space<semaphore_mem>>
    %dma_wait3A_113 = tpu.memref_squeeze %dma_wait3A_112 : memref<1x1x!tpu.dma_semaphore, #tpu.memory_space<semaphore_mem>> -> memref<!tpu.dma_semaphore, #tpu.memory_space<semaphore_mem>>
    tpu.wait_indirect_dma semaphore(%dma_wait3A_113 : memref<!tpu.dma_semaphore, #tpu.memory_space<semaphore_mem>>) src(%dma_wait3A_111 : memref<100000x56xf32, #tpu.memory_space<hbm>>) dst(%dma_wait3A_105 : memref<80x56xf32, #tpu.memory_space<vmem>>)
    %jit3A = arith.constant true
    %jit3A_114 = arith.constant 1 : i32
    %jit3A_115 = arith.constant 0 : i32
    %select_n3A = arith.select %jit3A, %jit3A_114, %jit3A_115 : i32
    %dma_start3A_116 = arith.constant 1 : i32
    %dma_start3A_117 = arith.constant 0 : i32
    %dma_start3A_118 = arith.constant 1 : i32
    %dma_start3A_119 = arith.constant 0 : i32
    %dma_start3A_120 = arith.constant 0 : i32
    %dma_start3A_121 = arith.constant 0 : i32
    %dma_start3A_122 = tpu.memref_slice %arg11[%dma_start3A_116, %dma_start3A_117, %dma_start3A_120, %dma_start3A_121] : memref<2x3x80x56xf32, #tpu.memory_space<vmem>> -> memref<1x1x80x56xf32, #tpu.memory_space<vmem>>
    %dma_start3A_123 = tpu.memref_squeeze %dma_start3A_122 : memref<1x1x80x56xf32, #tpu.memory_space<vmem>> -> memref<80x56xf32, #tpu.memory_space<vmem>>
    %dma_start3A_124 = arith.constant 0 : i32
    %dma_start3A_125 = tpu.memref_slice %arg8[%select_n3A, %dma_start3A_124] : memref<32x80xi32, #tpu.memory_space<vmem>> -> memref<1x80xi32, #tpu.memory_space<vmem>>
    %dma_start3A_126 = tpu.memref_squeeze %dma_start3A_125 : memref<1x80xi32, #tpu.memory_space<vmem>> -> memref<80xi32, #tpu.memory_space<vmem>>
    %dma_start3A_127 = arith.constant 0 : i32
    %dma_start3A_128 = arith.constant 0 : i32
    %dma_start3A_129 = tpu.memref_slice %arg2[%dma_start3A_127, %dma_start3A_128] : memref<100000x56xf32, #tpu.memory_space<hbm>> -> memref<100000x56xf32, #tpu.memory_space<hbm>>
    %dma_start3A_130 = tpu.memref_slice %arg13[%dma_start3A_118, %dma_start3A_119] : memref<2x3x!tpu.dma_semaphore, #tpu.memory_space<semaphore_mem>> -> memref<1x1x!tpu.dma_semaphore, #tpu.memory_space<semaphore_mem>>
    %dma_start3A_131 = tpu.memref_squeeze %dma_start3A_130 : memref<1x1x!tpu.dma_semaphore, #tpu.memory_space<semaphore_mem>> -> memref<!tpu.dma_semaphore, #tpu.memory_space<semaphore_mem>>
    tpu.enqueue_indirect_dma source(%dma_start3A_129 : memref<100000x56xf32, #tpu.memory_space<hbm>>) target(%dma_start3A_123 : memref<80x56xf32, #tpu.memory_space<vmem>>) offsets(%dma_start3A_126 : memref<80xi32, #tpu.memory_space<vmem>>) semaphore(%dma_start3A_131 : memref<!tpu.dma_semaphore, #tpu.memory_space<semaphore_mem>>)
    %dma_start3A_132 = arith.constant 1 : i32
    %dma_start3A_133 = arith.constant 1 : i32
    %dma_start3A_134 = arith.constant 1 : i32
    %dma_start3A_135 = arith.constant 1 : i32
    %dma_start3A_136 = arith.constant 0 : i32
    %dma_start3A_137 = arith.constant 0 : i32
    %dma_start3A_138 = tpu.memref_slice %arg11[%dma_start3A_132, %dma_start3A_133, %dma_start3A_136, %dma_start3A_137] : memref<2x3x80x56xf32, #tpu.memory_space<vmem>> -> memref<1x1x80x56xf32, #tpu.memory_space<vmem>>
    %dma_start3A_139 = tpu.memref_squeeze %dma_start3A_138 : memref<1x1x80x56xf32, #tpu.memory_space<vmem>> -> memref<80x56xf32, #tpu.memory_space<vmem>>
    %dma_start3A_140 = arith.constant 0 : i32
    %dma_start3A_141 = tpu.memref_slice %arg9[%select_n3A, %dma_start3A_140] : memref<32x80xi32, #tpu.memory_space<vmem>> -> memref<1x80xi32, #tpu.memory_space<vmem>>
    %dma_start3A_142 = tpu.memref_squeeze %dma_start3A_141 : memref<1x80xi32, #tpu.memory_space<vmem>> -> memref<80xi32, #tpu.memory_space<vmem>>
    %dma_start3A_143 = arith.constant 0 : i32
    %dma_start3A_144 = arith.constant 0 : i32
    %dma_start3A_145 = tpu.memref_slice %arg3[%dma_start3A_143, %dma_start3A_144] : memref<50000x56xf32, #tpu.memory_space<hbm>> -> memref<50000x56xf32, #tpu.memory_space<hbm>>
    %dma_start3A_146 = tpu.memref_slice %arg13[%dma_start3A_134, %dma_start3A_135] : memref<2x3x!tpu.dma_semaphore, #tpu.memory_space<semaphore_mem>> -> memref<1x1x!tpu.dma_semaphore, #tpu.memory_space<semaphore_mem>>
    %dma_start3A_147 = tpu.memref_squeeze %dma_start3A_146 : memref<1x1x!tpu.dma_semaphore, #tpu.memory_space<semaphore_mem>> -> memref<!tpu.dma_semaphore, #tpu.memory_space<semaphore_mem>>
    tpu.enqueue_indirect_dma source(%dma_start3A_145 : memref<50000x56xf32, #tpu.memory_space<hbm>>) target(%dma_start3A_139 : memref<80x56xf32, #tpu.memory_space<vmem>>) offsets(%dma_start3A_142 : memref<80xi32, #tpu.memory_space<vmem>>) semaphore(%dma_start3A_147 : memref<!tpu.dma_semaphore, #tpu.memory_space<semaphore_mem>>)
    %dma_start3A_148 = arith.constant 1 : i32
    %dma_start3A_149 = arith.constant 2 : i32
    %dma_start3A_150 = arith.constant 1 : i32
    %dma_start3A_151 = arith.constant 2 : i32
    %dma_start3A_152 = arith.constant 0 : i32
    %dma_start3A_153 = arith.constant 0 : i32
    %dma_start3A_154 = tpu.memref_slice %arg11[%dma_start3A_148, %dma_start3A_149, %dma_start3A_152, %dma_start3A_153] : memref<2x3x80x56xf32, #tpu.memory_space<vmem>> -> memref<1x1x80x56xf32, #tpu.memory_space<vmem>>
    %dma_start3A_155 = tpu.memref_squeeze %dma_start3A_154 : memref<1x1x80x56xf32, #tpu.memory_space<vmem>> -> memref<80x56xf32, #tpu.memory_space<vmem>>
    %dma_start3A_156 = arith.constant 0 : i32
    %dma_start3A_157 = tpu.memref_slice %arg10[%select_n3A, %dma_start3A_156] : memref<32x80xi32, #tpu.memory_space<vmem>> -> memref<1x80xi32, #tpu.memory_space<vmem>>
    %dma_start3A_158 = tpu.memref_squeeze %dma_start3A_157 : memref<1x80xi32, #tpu.memory_space<vmem>> -> memref<80xi32, #tpu.memory_space<vmem>>
    %dma_start3A_159 = arith.constant 0 : i32
    %dma_start3A_160 = arith.constant 0 : i32
    %dma_start3A_161 = tpu.memref_slice %arg3[%dma_start3A_159, %dma_start3A_160] : memref<50000x56xf32, #tpu.memory_space<hbm>> -> memref<50000x56xf32, #tpu.memory_space<hbm>>
    %dma_start3A_162 = tpu.memref_slice %arg13[%dma_start3A_150, %dma_start3A_151] : memref<2x3x!tpu.dma_semaphore, #tpu.memory_space<semaphore_mem>> -> memref<1x1x!tpu.dma_semaphore, #tpu.memory_space<semaphore_mem>>
    %dma_start3A_163 = tpu.memref_squeeze %dma_start3A_162 : memref<1x1x!tpu.dma_semaphore, #tpu.memory_space<semaphore_mem>> -> memref<!tpu.dma_semaphore, #tpu.memory_space<semaphore_mem>>
    tpu.enqueue_indirect_dma source(%dma_start3A_161 : memref<50000x56xf32, #tpu.memory_space<hbm>>) target(%dma_start3A_155 : memref<80x56xf32, #tpu.memory_space<vmem>>) offsets(%dma_start3A_158 : memref<80xi32, #tpu.memory_space<vmem>>) semaphore(%dma_start3A_163 : memref<!tpu.dma_semaphore, #tpu.memory_space<semaphore_mem>>)
    %scan3A_164 = arith.constant 0 : i32
    %scan3A_165 = arith.constant 0 : i32
    %scan3A_166 = arith.constant 16 : i32
    %scan3A_167 = arith.addi %scan3A_165, %scan3A_166 : i32
    %scan3A_168 = arith.constant 1 : i32
    scf.for %scan3A_440 = %scan3A_165 to %scan3A_167 step %scan3A_168  : i32 {
      %jit3A_441 = arith.constant 8 : i32
      %div3A = arith.divsi %scan3A_440, %jit3A_441 : i32
      %sign3A = arith.constant 0 : i32
      %sign3A_442 = arith.cmpi sgt, %scan3A_440, %sign3A : i32
      %sign3A_443 = arith.extui %sign3A_442 : i1 to i32
      %sign3A_444 = arith.constant 0 : i32
      %sign3A_445 = arith.cmpi slt, %scan3A_440, %sign3A_444 : i32
      %sign3A_446 = arith.extui %sign3A_445 : i1 to i32
      %sign3A_447 = arith.subi %sign3A_443, %sign3A_446 : i32
      %sign3A_448 = arith.constant 0 : i32
      %sign3A_449 = arith.cmpi sgt, %jit3A_441, %sign3A_448 : i32
      %sign3A_450 = arith.extui %sign3A_449 : i1 to i32
      %sign3A_451 = arith.constant 0 : i32
      %sign3A_452 = arith.cmpi slt, %jit3A_441, %sign3A_451 : i32
      %sign3A_453 = arith.extui %sign3A_452 : i1 to i32
      %sign3A_454 = arith.subi %sign3A_450, %sign3A_453 : i32
      %ne3A = arith.cmpi ne, %sign3A_447, %sign3A_454 : i32
      %rem3A = arith.remsi %scan3A_440, %jit3A_441 : i32
      %ne3A_455 = arith.constant 0 : i32
      %ne3A_456 = arith.cmpi ne, %rem3A, %ne3A_455 : i32
      %and3A = arith.andi %ne3A, %ne3A_456 : i1
      %sub3A = arith.constant 1 : i32
      %sub3A_457 = arith.subi %div3A, %sub3A : i32
      %select_n3A_458 = arith.select %and3A, %sub3A_457, %div3A : i32
      %jit3A_459 = arith.constant 8 : i32
      %eq3A = arith.constant 0 : i32
      %eq3A_460 = arith.cmpi eq, %jit3A_459, %eq3A : i32
      %jit3A_461 = arith.constant 1 : i32
      %select_n3A_462 = arith.select %eq3A_460, %jit3A_461, %jit3A_459 : i32
      %rem3A_463 = arith.remsi %scan3A_440, %select_n3A_462 : i32
      %ne3A_464 = arith.constant 0 : i32
      %ne3A_465 = arith.cmpi ne, %rem3A_463, %ne3A_464 : i32
      %lt3A = arith.constant 0 : i32
      %lt3A_466 = arith.cmpi slt, %rem3A_463, %lt3A : i32
      %lt3A_467 = arith.constant 0 : i32
      %lt3A_468 = arith.cmpi slt, %select_n3A_462, %lt3A_467 : i32
      %ne3A_469 = arith.xori %lt3A_466, %lt3A_468 : i1
      %and3A_470 = arith.andi %ne3A_469, %ne3A_465 : i1
      %add3A_471 = arith.addi %rem3A_463, %select_n3A_462 : i32
      %select_n3A_472 = arith.select %and3A_470, %add3A_471, %rem3A_463 : i32
      %mul3A_473 = arith.constant 5 : i32
      %mul3A_474 = arith.muli %scan3A_440, %mul3A_473 : i32
      %add3A_475 = arith.constant 0 : i32
      %add3A_476 = arith.addi %mul3A_474, %add3A_475 : i32
      %get3A = arith.constant 0 : i32
      %get3A_477 = arith.constant 0 : i32
      %get3A_478 = arith.index_cast %get3A : i32 to index
      %get3A_479 = arith.index_cast %get3A_477 : i32 to index
      %get3A_480 = arith.index_cast %add3A_476 : i32 to index
      %get3A_481 = arith.constant 0 : index
      %get3A_482 = tpu.vector_load %arg11[%get3A_478, %get3A_479, %get3A_480, %get3A_481] {strides = array<i32>} : memref<2x3x80x56xf32, #tpu.memory_space<vmem>>, vector<1x1x1x16xf32>,
      %get3A_483 = vector.shape_cast %get3A_482 : vector<1x1x1x16xf32> to vector<16xf32>
      %add3A_484 = arith.constant 0 : i32
      %add3A_485 = arith.addi %mul3A_474, %add3A_484 : i32
      %get3A_486 = arith.constant 0 : i32
      %get3A_487 = arith.constant 1 : i32
      %get3A_488 = arith.index_cast %get3A_486 : i32 to index
      %get3A_489 = arith.index_cast %get3A_487 : i32 to index
      %get3A_490 = arith.index_cast %add3A_485 : i32 to index
      %get3A_491 = arith.constant 0 : index
      %get3A_492 = tpu.vector_load %arg11[%get3A_488, %get3A_489, %get3A_490, %get3A_491] {strides = array<i32>} : memref<2x3x80x56xf32, #tpu.memory_space<vmem>>, vector<1x1x1x16xf32>,
      %get3A_493 = vector.shape_cast %get3A_492 : vector<1x1x1x16xf32> to vector<16xf32>
      %add3A_494 = arith.addf %get3A_483, %get3A_493 : vector<16xf32>
      %add3A_495 = arith.constant 0 : i32
      %add3A_496 = arith.addi %mul3A_474, %add3A_495 : i32
      %get3A_497 = arith.constant 0 : i32
      %get3A_498 = arith.constant 2 : i32
      %get3A_499 = arith.index_cast %get3A_497 : i32 to index
      %get3A_500 = arith.index_cast %get3A_498 : i32 to index
      %get3A_501 = arith.index_cast %add3A_496 : i32 to index
      %get3A_502 = arith.constant 0 : index
      %get3A_503 = tpu.vector_load %arg11[%get3A_499, %get3A_500, %get3A_501, %get3A_502] {strides = array<i32>} : memref<2x3x80x56xf32, #tpu.memory_space<vmem>>, vector<1x1x1x16xf32>,
      %get3A_504 = vector.shape_cast %get3A_503 : vector<1x1x1x16xf32> to vector<16xf32>
      %add3A_505 = arith.addf %add3A_494, %get3A_504 : vector<16xf32>
      %swap3A = arith.constant 0 : i32
      %swap3A_506 = arith.constant 0 : i32
      %swap3A_507 = arith.index_cast %swap3A : i32 to index
      %swap3A_508 = arith.index_cast %select_n3A_458 : i32 to index
      %swap3A_509 = arith.index_cast %swap3A_506 : i32 to index
      %swap3A_510 = arith.index_cast %select_n3A_472 : i32 to index
      %swap3A_511 = arith.constant 0 : index
      %swap3A_512 = tpu.vector_load %arg12[%swap3A_507, %swap3A_508, %swap3A_509, %swap3A_510, %swap3A_511] {strides = array<i32>} : memref<2x2x3x8x128xf32, #tpu.memory_space<vmem>>, vector<1x1x1x1x16xf32>,
      %swap3A_513 = vector.shape_cast %swap3A_512 : vector<1x1x1x1x16xf32> to vector<16xf32>
      %swap3A_514 = vector.shape_cast %add3A_505 : vector<16xf32> to vector<1x1x1x1x16xf32>
      tpu.vector_store %arg12[%swap3A_507, %swap3A_508, %swap3A_509, %swap3A_510, %swap3A_511], %swap3A_514 {strides = array<i32>} : memref<2x2x3x8x128xf32, #tpu.memory_space<vmem>>, vector<1x1x1x1x16xf32>,
      %add3A_515 = arith.constant 0 : i32
      %add3A_516 = arith.addi %mul3A_474, %add3A_515 : i32
      %get3A_517 = arith.constant 0 : i32
      %get3A_518 = arith.constant 0 : i32
      %get3A_519 = arith.index_cast %get3A_517 : i32 to index
      %get3A_520 = arith.index_cast %get3A_518 : i32 to index
      %get3A_521 = arith.index_cast %add3A_516 : i32 to index
      %get3A_522 = arith.constant 16 : index
      %get3A_523 = tpu.vector_load %arg11[%get3A_519, %get3A_520, %get3A_521, %get3A_522] {strides = array<i32>} : memref<2x3x80x56xf32, #tpu.memory_space<vmem>>, vector<1x1x1x16xf32>,
      %get3A_524 = vector.shape_cast %get3A_523 : vector<1x1x1x16xf32> to vector<16xf32>
      %add3A_525 = arith.constant 0 : i32
      %add3A_526 = arith.addi %mul3A_474, %add3A_525 : i32
      %get3A_527 = arith.constant 0 : i32
      %get3A_528 = arith.constant 1 : i32
      %get3A_529 = arith.index_cast %get3A_527 : i32 to index
      %get3A_530 = arith.index_cast %get3A_528 : i32 to index
      %get3A_531 = arith.index_cast %add3A_526 : i32 to index
      %get3A_532 = arith.constant 16 : index
      %get3A_533 = tpu.vector_load %arg11[%get3A_529, %get3A_530, %get3A_531, %get3A_532] {strides = array<i32>} : memref<2x3x80x56xf32, #tpu.memory_space<vmem>>, vector<1x1x1x16xf32>,
      %get3A_534 = vector.shape_cast %get3A_533 : vector<1x1x1x16xf32> to vector<16xf32>
      %add3A_535 = arith.addf %get3A_524, %get3A_534 : vector<16xf32>
      %add3A_536 = arith.constant 0 : i32
      %add3A_537 = arith.addi %mul3A_474, %add3A_536 : i32
      %get3A_538 = arith.constant 0 : i32
      %get3A_539 = arith.constant 2 : i32
      %get3A_540 = arith.index_cast %get3A_538 : i32 to index
      %get3A_541 = arith.index_cast %get3A_539 : i32 to index
      %get3A_542 = arith.index_cast %add3A_537 : i32 to index
      %get3A_543 = arith.constant 16 : index
      %get3A_544 = tpu.vector_load %arg11[%get3A_540, %get3A_541, %get3A_542, %get3A_543] {strides = array<i32>} : memref<2x3x80x56xf32, #tpu.memory_space<vmem>>, vector<1x1x1x16xf32>,
      %get3A_545 = vector.shape_cast %get3A_544 : vector<1x1x1x16xf32> to vector<16xf32>
      %add3A_546 = arith.addf %add3A_535, %get3A_545 : vector<16xf32>
      %swap3A_547 = arith.constant 0 : i32
      %swap3A_548 = arith.constant 0 : i32
      %swap3A_549 = arith.index_cast %swap3A_547 : i32 to index
      %swap3A_550 = arith.index_cast %select_n3A_458 : i32 to index
      %swap3A_551 = arith.index_cast %swap3A_548 : i32 to index
      %swap3A_552 = arith.index_cast %select_n3A_472 : i32 to index
      %swap3A_553 = arith.constant 16 : index
      %swap3A_554 = tpu.vector_load %arg12[%swap3A_549, %swap3A_550, %swap3A_551, %swap3A_552, %swap3A_553] {strides = array<i32>} : memref<2x2x3x8x128xf32, #tpu.memory_space<vmem>>, vector<1x1x1x1x16xf32>,
      %swap3A_555 = vector.shape_cast %swap3A_554 : vector<1x1x1x1x16xf32> to vector<16xf32>
      %swap3A_556 = vector.shape_cast %add3A_546 : vector<16xf32> to vector<1x1x1x1x16xf32>
      tpu.vector_store %arg12[%swap3A_549, %swap3A_550, %swap3A_551, %swap3A_552, %swap3A_553], %swap3A_556 {strides = array<i32>} : memref<2x2x3x8x128xf32, #tpu.memory_space<vmem>>, vector<1x1x1x1x16xf32>,
      %add3A_557 = arith.constant 0 : i32
      %add3A_558 = arith.addi %mul3A_474, %add3A_557 : i32
      %get3A_559 = arith.constant 0 : i32
      %get3A_560 = arith.constant 0 : i32
      %get3A_561 = arith.index_cast %get3A_559 : i32 to index
      %get3A_562 = arith.index_cast %get3A_560 : i32 to index
      %get3A_563 = arith.index_cast %add3A_558 : i32 to index
      %get3A_564 = arith.constant 32 : index
      %get3A_565 = tpu.vector_load %arg11[%get3A_561, %get3A_562, %get3A_563, %get3A_564] {strides = array<i32>} : memref<2x3x80x56xf32, #tpu.memory_space<vmem>>, vector<1x1x1x16xf32>,
      %get3A_566 = vector.shape_cast %get3A_565 : vector<1x1x1x16xf32> to vector<16xf32>
      %add3A_567 = arith.constant 0 : i32
      %add3A_568 = arith.addi %mul3A_474, %add3A_567 : i32
      %get3A_569 = arith.constant 0 : i32
      %get3A_570 = arith.constant 1 : i32
      %get3A_571 = arith.index_cast %get3A_569 : i32 to index
      %get3A_572 = arith.index_cast %get3A_570 : i32 to index
      %get3A_573 = arith.index_cast %add3A_568 : i32 to index
      %get3A_574 = arith.constant 32 : index
      %get3A_575 = tpu.vector_load %arg11[%get3A_571, %get3A_572, %get3A_573, %get3A_574] {strides = array<i32>} : memref<2x3x80x56xf32, #tpu.memory_space<vmem>>, vector<1x1x1x16xf32>,
      %get3A_576 = vector.shape_cast %get3A_575 : vector<1x1x1x16xf32> to vector<16xf32>
      %add3A_577 = arith.addf %get3A_566, %get3A_576 : vector<16xf32>
      %add3A_578 = arith.constant 0 : i32
      %add3A_579 = arith.addi %mul3A_474, %add3A_578 : i32
      %get3A_580 = arith.constant 0 : i32
      %get3A_581 = arith.constant 2 : i32
      %get3A_582 = arith.index_cast %get3A_580 : i32 to index
      %get3A_583 = arith.index_cast %get3A_581 : i32 to index
      %get3A_584 = arith.index_cast %add3A_579 : i32 to index
      %get3A_585 = arith.constant 32 : index
      %get3A_586 = tpu.vector_load %arg11[%get3A_582, %get3A_583, %get3A_584, %get3A_585] {strides = array<i32>} : memref<2x3x80x56xf32, #tpu.memory_space<vmem>>, vector<1x1x1x16xf32>,
      %get3A_587 = vector.shape_cast %get3A_586 : vector<1x1x1x16xf32> to vector<16xf32>
      %add3A_588 = arith.addf %add3A_577, %get3A_587 : vector<16xf32>
      %swap3A_589 = arith.constant 0 : i32
      %swap3A_590 = arith.constant 0 : i32
      %swap3A_591 = arith.index_cast %swap3A_589 : i32 to index
      %swap3A_592 = arith.index_cast %select_n3A_458 : i32 to index
      %swap3A_593 = arith.index_cast %swap3A_590 : i32 to index
      %swap3A_594 = arith.index_cast %select_n3A_472 : i32 to index
      %swap3A_595 = arith.constant 32 : index
      %swap3A_596 = tpu.vector_load %arg12[%swap3A_591, %swap3A_592, %swap3A_593, %swap3A_594, %swap3A_595] {strides = array<i32>} : memref<2x2x3x8x128xf32, #tpu.memory_space<vmem>>, vector<1x1x1x1x16xf32>,
      %swap3A_597 = vector.shape_cast %swap3A_596 : vector<1x1x1x1x16xf32> to vector<16xf32>
      %swap3A_598 = vector.shape_cast %add3A_588 : vector<16xf32> to vector<1x1x1x1x16xf32>
      tpu.vector_store %arg12[%swap3A_591, %swap3A_592, %swap3A_593, %swap3A_594, %swap3A_595], %swap3A_598 {strides = array<i32>} : memref<2x2x3x8x128xf32, #tpu.memory_space<vmem>>, vector<1x1x1x1x16xf32>,
      %add3A_599 = arith.constant 0 : i32
      %add3A_600 = arith.addi %mul3A_474, %add3A_599 : i32
      %get3A_601 = arith.constant 0 : i32
      %get3A_602 = arith.constant 0 : i32
      %get3A_603 = arith.index_cast %get3A_601 : i32 to index
      %get3A_604 = arith.index_cast %get3A_602 : i32 to index
      %get3A_605 = arith.index_cast %add3A_600 : i32 to index
      %get3A_606 = arith.constant 40 : index
      %get3A_607 = tpu.vector_load %arg11[%get3A_603, %get3A_604, %get3A_605, %get3A_606] {strides = array<i32>} : memref<2x3x80x56xf32, #tpu.memory_space<vmem>>, vector<1x1x1x16xf32>,
      %get3A_608 = vector.shape_cast %get3A_607 : vector<1x1x1x16xf32> to vector<16xf32>
      %add3A_609 = arith.constant 0 : i32
      %add3A_610 = arith.addi %mul3A_474, %add3A_609 : i32
      %get3A_611 = arith.constant 0 : i32
      %get3A_612 = arith.constant 1 : i32
      %get3A_613 = arith.index_cast %get3A_611 : i32 to index
      %get3A_614 = arith.index_cast %get3A_612 : i32 to index
      %get3A_615 = arith.index_cast %add3A_610 : i32 to index
      %get3A_616 = arith.constant 40 : index
      %get3A_617 = tpu.vector_load %arg11[%get3A_613, %get3A_614, %get3A_615, %get3A_616] {strides = array<i32>} : memref<2x3x80x56xf32, #tpu.memory_space<vmem>>, vector<1x1x1x16xf32>,
      %get3A_618 = vector.shape_cast %get3A_617 : vector<1x1x1x16xf32> to vector<16xf32>
      %add3A_619 = arith.addf %get3A_608, %get3A_618 : vector<16xf32>
      %add3A_620 = arith.constant 0 : i32
      %add3A_621 = arith.addi %mul3A_474, %add3A_620 : i32
      %get3A_622 = arith.constant 0 : i32
      %get3A_623 = arith.constant 2 : i32
      %get3A_624 = arith.index_cast %get3A_622 : i32 to index
      %get3A_625 = arith.index_cast %get3A_623 : i32 to index
      %get3A_626 = arith.index_cast %add3A_621 : i32 to index
      %get3A_627 = arith.constant 40 : index
      %get3A_628 = tpu.vector_load %arg11[%get3A_624, %get3A_625, %get3A_626, %get3A_627] {strides = array<i32>} : memref<2x3x80x56xf32, #tpu.memory_space<vmem>>, vector<1x1x1x16xf32>,
      %get3A_629 = vector.shape_cast %get3A_628 : vector<1x1x1x16xf32> to vector<16xf32>
      %add3A_630 = arith.addf %add3A_619, %get3A_629 : vector<16xf32>
      %swap3A_631 = arith.constant 0 : i32
      %swap3A_632 = arith.constant 0 : i32
      %swap3A_633 = arith.index_cast %swap3A_631 : i32 to index
      %swap3A_634 = arith.index_cast %select_n3A_458 : i32 to index
      %swap3A_635 = arith.index_cast %swap3A_632 : i32 to index
      %swap3A_636 = arith.index_cast %select_n3A_472 : i32 to index
      %swap3A_637 = arith.constant 40 : index
      %swap3A_638 = tpu.vector_load %arg12[%swap3A_633, %swap3A_634, %swap3A_635, %swap3A_636, %swap3A_637] {strides = array<i32>} : memref<2x2x3x8x128xf32, #tpu.memory_space<vmem>>, vector<1x1x1x1x16xf32>,
      %swap3A_639 = vector.shape_cast %swap3A_638 : vector<1x1x1x1x16xf32> to vector<16xf32>
      %swap3A_640 = vector.shape_cast %add3A_630 : vector<16xf32> to vector<1x1x1x1x16xf32>
      tpu.vector_store %arg12[%swap3A_633, %swap3A_634, %swap3A_635, %swap3A_636, %swap3A_637], %swap3A_640 {strides = array<i32>} : memref<2x2x3x8x128xf32, #tpu.memory_space<vmem>>, vector<1x1x1x1x16xf32>,
      %add3A_641 = arith.constant 1 : i32
      %add3A_642 = arith.addi %mul3A_474, %add3A_641 : i32
      %get3A_643 = arith.constant 0 : i32
      %get3A_644 = arith.constant 0 : i32
      %get3A_645 = arith.index_cast %get3A_643 : i32 to index
      %get3A_646 = arith.index_cast %get3A_644 : i32 to index
      %get3A_647 = arith.index_cast %add3A_642 : i32 to index
      %get3A_648 = arith.constant 0 : index
      %get3A_649 = tpu.vector_load %arg11[%get3A_645, %get3A_646, %get3A_647, %get3A_648] {strides = array<i32>} : memref<2x3x80x56xf32, #tpu.memory_space<vmem>>, vector<1x1x1x16xf32>,
      %get3A_650 = vector.shape_cast %get3A_649 : vector<1x1x1x16xf32> to vector<16xf32>
      %add3A_651 = arith.constant 1 : i32
      %add3A_652 = arith.addi %mul3A_474, %add3A_651 : i32
      %get3A_653 = arith.constant 0 : i32
      %get3A_654 = arith.constant 1 : i32
      %get3A_655 = arith.index_cast %get3A_653 : i32 to index
      %get3A_656 = arith.index_cast %get3A_654 : i32 to index
      %get3A_657 = arith.index_cast %add3A_652 : i32 to index
      %get3A_658 = arith.constant 0 : index
      %get3A_659 = tpu.vector_load %arg11[%get3A_655, %get3A_656, %get3A_657, %get3A_658] {strides = array<i32>} : memref<2x3x80x56xf32, #tpu.memory_space<vmem>>, vector<1x1x1x16xf32>,
      %get3A_660 = vector.shape_cast %get3A_659 : vector<1x1x1x16xf32> to vector<16xf32>
      %add3A_661 = arith.addf %get3A_650, %get3A_660 : vector<16xf32>
      %add3A_662 = arith.constant 1 : i32
      %add3A_663 = arith.addi %mul3A_474, %add3A_662 : i32
      %get3A_664 = arith.constant 0 : i32
      %get3A_665 = arith.constant 2 : i32
      %get3A_666 = arith.index_cast %get3A_664 : i32 to index
      %get3A_667 = arith.index_cast %get3A_665 : i32 to index
      %get3A_668 = arith.index_cast %add3A_663 : i32 to index
      %get3A_669 = arith.constant 0 : index
      %get3A_670 = tpu.vector_load %arg11[%get3A_666, %get3A_667, %get3A_668, %get3A_669] {strides = array<i32>} : memref<2x3x80x56xf32, #tpu.memory_space<vmem>>, vector<1x1x1x16xf32>,
      %get3A_671 = vector.shape_cast %get3A_670 : vector<1x1x1x16xf32> to vector<16xf32>
      %add3A_672 = arith.addf %add3A_661, %get3A_671 : vector<16xf32>
      %swap3A_673 = arith.constant 0 : i32
      %swap3A_674 = arith.constant 0 : i32
      %swap3A_675 = arith.index_cast %swap3A_673 : i32 to index
      %swap3A_676 = arith.index_cast %select_n3A_458 : i32 to index
      %swap3A_677 = arith.index_cast %swap3A_674 : i32 to index
      %swap3A_678 = arith.index_cast %select_n3A_472 : i32 to index
      %swap3A_679 = arith.constant 56 : index
      %swap3A_680 = tpu.vector_load %arg12[%swap3A_675, %swap3A_676, %swap3A_677, %swap3A_678, %swap3A_679] {strides = array<i32>} : memref<2x2x3x8x128xf32, #tpu.memory_space<vmem>>, vector<1x1x1x1x16xf32>,
      %swap3A_681 = vector.shape_cast %swap3A_680 : vector<1x1x1x1x16xf32> to vector<16xf32>
      %swap3A_682 = vector.shape_cast %add3A_672 : vector<16xf32> to vector<1x1x1x1x16xf32>
      tpu.vector_store %arg12[%swap3A_675, %swap3A_676, %swap3A_677, %swap3A_678, %swap3A_679], %swap3A_682 {strides = array<i32>} : memref<2x2x3x8x128xf32, #tpu.memory_space<vmem>>, vector<1x1x1x1x16xf32>,
      %add3A_683 = arith.constant 1 : i32
      %add3A_684 = arith.addi %mul3A_474, %add3A_683 : i32
      %get3A_685 = arith.constant 0 : i32
      %get3A_686 = arith.constant 0 : i32
      %get3A_687 = arith.index_cast %get3A_685 : i32 to index
      %get3A_688 = arith.index_cast %get3A_686 : i32 to index
      %get3A_689 = arith.index_cast %add3A_684 : i32 to index
      %get3A_690 = arith.constant 16 : index
      %get3A_691 = tpu.vector_load %arg11[%get3A_687, %get3A_688, %get3A_689, %get3A_690] {strides = array<i32>} : memref<2x3x80x56xf32, #tpu.memory_space<vmem>>, vector<1x1x1x16xf32>,
      %get3A_692 = vector.shape_cast %get3A_691 : vector<1x1x1x16xf32> to vector<16xf32>
      %add3A_693 = arith.constant 1 : i32
      %add3A_694 = arith.addi %mul3A_474, %add3A_693 : i32
      %get3A_695 = arith.constant 0 : i32
      %get3A_696 = arith.constant 1 : i32
      %get3A_697 = arith.index_cast %get3A_695 : i32 to index
      %get3A_698 = arith.index_cast %get3A_696 : i32 to index
      %get3A_699 = arith.index_cast %add3A_694 : i32 to index
      %get3A_700 = arith.constant 16 : index
      %get3A_701 = tpu.vector_load %arg11[%get3A_697, %get3A_698, %get3A_699, %get3A_700] {strides = array<i32>} : memref<2x3x80x56xf32, #tpu.memory_space<vmem>>, vector<1x1x1x16xf32>,
      %get3A_702 = vector.shape_cast %get3A_701 : vector<1x1x1x16xf32> to vector<16xf32>
      %add3A_703 = arith.addf %get3A_692, %get3A_702 : vector<16xf32>
      %add3A_704 = arith.constant 1 : i32
      %add3A_705 = arith.addi %mul3A_474, %add3A_704 : i32
      %get3A_706 = arith.constant 0 : i32
      %get3A_707 = arith.constant 2 : i32
      %get3A_708 = arith.index_cast %get3A_706 : i32 to index
      %get3A_709 = arith.index_cast %get3A_707 : i32 to index
      %get3A_710 = arith.index_cast %add3A_705 : i32 to index
      %get3A_711 = arith.constant 16 : index
      %get3A_712 = tpu.vector_load %arg11[%get3A_708, %get3A_709, %get3A_710, %get3A_711] {strides = array<i32>} : memref<2x3x80x56xf32, #tpu.memory_space<vmem>>, vector<1x1x1x16xf32>,
      %get3A_713 = vector.shape_cast %get3A_712 : vector<1x1x1x16xf32> to vector<16xf32>
      %add3A_714 = arith.addf %add3A_703, %get3A_713 : vector<16xf32>
      %swap3A_715 = arith.constant 0 : i32
      %swap3A_716 = arith.constant 0 : i32
      %swap3A_717 = arith.index_cast %swap3A_715 : i32 to index
      %swap3A_718 = arith.index_cast %select_n3A_458 : i32 to index
      %swap3A_719 = arith.index_cast %swap3A_716 : i32 to index
      %swap3A_720 = arith.index_cast %select_n3A_472 : i32 to index
      %swap3A_721 = arith.constant 72 : index
      %swap3A_722 = tpu.vector_load %arg12[%swap3A_717, %swap3A_718, %swap3A_719, %swap3A_720, %swap3A_721] {strides = array<i32>} : memref<2x2x3x8x128xf32, #tpu.memory_space<vmem>>, vector<1x1x1x1x16xf32>,
      %swap3A_723 = vector.shape_cast %swap3A_722 : vector<1x1x1x1x16xf32> to vector<16xf32>
      %swap3A_724 = vector.shape_cast %add3A_714 : vector<16xf32> to vector<1x1x1x1x16xf32>
      tpu.vector_store %arg12[%swap3A_717, %swap3A_718, %swap3A_719, %swap3A_720, %swap3A_721], %swap3A_724 {strides = array<i32>} : memref<2x2x3x8x128xf32, #tpu.memory_space<vmem>>, vector<1x1x1x1x16xf32>,
      %add3A_725 = arith.constant 1 : i32
      %add3A_726 = arith.addi %mul3A_474, %add3A_725 : i32
      %get3A_727 = arith.constant 0 : i32
      %get3A_728 = arith.constant 0 : i32
      %get3A_729 = arith.index_cast %get3A_727 : i32 to index
      %get3A_730 = arith.index_cast %get3A_728 : i32 to index
      %get3A_731 = arith.index_cast %add3A_726 : i32 to index
      %get3A_732 = arith.constant 32 : index
      %get3A_733 = tpu.vector_load %arg11[%get3A_729, %get3A_730, %get3A_731, %get3A_732] {strides = array<i32>} : memref<2x3x80x56xf32, #tpu.memory_space<vmem>>, vector<1x1x1x16xf32>,
      %get3A_734 = vector.shape_cast %get3A_733 : vector<1x1x1x16xf32> to vector<16xf32>
      %add3A_735 = arith.constant 1 : i32
      %add3A_736 = arith.addi %mul3A_474, %add3A_735 : i32
      %get3A_737 = arith.constant 0 : i32
      %get3A_738 = arith.constant 1 : i32
      %get3A_739 = arith.index_cast %get3A_737 : i32 to index
      %get3A_740 = arith.index_cast %get3A_738 : i32 to index
      %get3A_741 = arith.index_cast %add3A_736 : i32 to index
      %get3A_742 = arith.constant 32 : index
      %get3A_743 = tpu.vector_load %arg11[%get3A_739, %get3A_740, %get3A_741, %get3A_742] {strides = array<i32>} : memref<2x3x80x56xf32, #tpu.memory_space<vmem>>, vector<1x1x1x16xf32>,
      %get3A_744 = vector.shape_cast %get3A_743 : vector<1x1x1x16xf32> to vector<16xf32>
      %add3A_745 = arith.addf %get3A_734, %get3A_744 : vector<16xf32>
      %add3A_746 = arith.constant 1 : i32
      %add3A_747 = arith.addi %mul3A_474, %add3A_746 : i32
      %get3A_748 = arith.constant 0 : i32
      %get3A_749 = arith.constant 2 : i32
      %get3A_750 = arith.index_cast %get3A_748 : i32 to index
      %get3A_751 = arith.index_cast %get3A_749 : i32 to index
      %get3A_752 = arith.index_cast %add3A_747 : i32 to index
      %get3A_753 = arith.constant 32 : index
      %get3A_754 = tpu.vector_load %arg11[%get3A_750, %get3A_751, %get3A_752, %get3A_753] {strides = array<i32>} : memref<2x3x80x56xf32, #tpu.memory_space<vmem>>, vector<1x1x1x16xf32>,
      %get3A_755 = vector.shape_cast %get3A_754 : vector<1x1x1x16xf32> to vector<16xf32>
      %add3A_756 = arith.addf %add3A_745, %get3A_755 : vector<16xf32>
      %swap3A_757 = arith.constant 0 : i32
      %swap3A_758 = arith.constant 0 : i32
      %swap3A_759 = arith.index_cast %swap3A_757 : i32 to index
      %swap3A_760 = arith.index_cast %select_n3A_458 : i32 to index
      %swap3A_761 = arith.index_cast %swap3A_758 : i32 to index
      %swap3A_762 = arith.index_cast %select_n3A_472 : i32 to index
      %swap3A_763 = arith.constant 88 : index
      %swap3A_764 = tpu.vector_load %arg12[%swap3A_759, %swap3A_760, %swap3A_761, %swap3A_762, %swap3A_763] {strides = array<i32>} : memref<2x2x3x8x128xf32, #tpu.memory_space<vmem>>, vector<1x1x1x1x16xf32>,
      %swap3A_765 = vector.shape_cast %swap3A_764 : vector<1x1x1x1x16xf32> to vector<16xf32>
      %swap3A_766 = vector.shape_cast %add3A_756 : vector<16xf32> to vector<1x1x1x1x16xf32>
      tpu.vector_store %arg12[%swap3A_759, %swap3A_760, %swap3A_761, %swap3A_762, %swap3A_763], %swap3A_766 {strides = array<i32>} : memref<2x2x3x8x128xf32, #tpu.memory_space<vmem>>, vector<1x1x1x1x16xf32>,
      %add3A_767 = arith.constant 1 : i32
      %add3A_768 = arith.addi %mul3A_474, %add3A_767 : i32
      %get3A_769 = arith.constant 0 : i32
      %get3A_770 = arith.constant 0 : i32
      %get3A_771 = arith.index_cast %get3A_769 : i32 to index
      %get3A_772 = arith.index_cast %get3A_770 : i32 to index
      %get3A_773 = arith.index_cast %add3A_768 : i32 to index
      %get3A_774 = arith.constant 40 : index
      %get3A_775 = tpu.vector_load %arg11[%get3A_771, %get3A_772, %get3A_773, %get3A_774] {strides = array<i32>} : memref<2x3x80x56xf32, #tpu.memory_space<vmem>>, vector<1x1x1x16xf32>,
      %get3A_776 = vector.shape_cast %get3A_775 : vector<1x1x1x16xf32> to vector<16xf32>
      %add3A_777 = arith.constant 1 : i32
      %add3A_778 = arith.addi %mul3A_474, %add3A_777 : i32
      %get3A_779 = arith.constant 0 : i32
      %get3A_780 = arith.constant 1 : i32
      %get3A_781 = arith.index_cast %get3A_779 : i32 to index
      %get3A_782 = arith.index_cast %get3A_780 : i32 to index
      %get3A_783 = arith.index_cast %add3A_778 : i32 to index
      %get3A_784 = arith.constant 40 : index
      %get3A_785 = tpu.vector_load %arg11[%get3A_781, %get3A_782, %get3A_783, %get3A_784] {strides = array<i32>} : memref<2x3x80x56xf32, #tpu.memory_space<vmem>>, vector<1x1x1x16xf32>,
      %get3A_786 = vector.shape_cast %get3A_785 : vector<1x1x1x16xf32> to vector<16xf32>
      %add3A_787 = arith.addf %get3A_776, %get3A_786 : vector<16xf32>
      %add3A_788 = arith.constant 1 : i32
      %add3A_789 = arith.addi %mul3A_474, %add3A_788 : i32
      %get3A_790 = arith.constant 0 : i32
      %get3A_791 = arith.constant 2 : i32
      %get3A_792 = arith.index_cast %get3A_790 : i32 to index
      %get3A_793 = arith.index_cast %get3A_791 : i32 to index
      %get3A_794 = arith.index_cast %add3A_789 : i32 to index
      %get3A_795 = arith.constant 40 : index
      %get3A_796 = tpu.vector_load %arg11[%get3A_792, %get3A_793, %get3A_794, %get3A_795] {strides = array<i32>} : memref<2x3x80x56xf32, #tpu.memory_space<vmem>>, vector<1x1x1x16xf32>,
      %get3A_797 = vector.shape_cast %get3A_796 : vector<1x1x1x16xf32> to vector<16xf32>
      %add3A_798 = arith.addf %add3A_787, %get3A_797 : vector<16xf32>
      %swap3A_799 = arith.constant 0 : i32
      %swap3A_800 = arith.constant 0 : i32
      %swap3A_801 = arith.index_cast %swap3A_799 : i32 to index
      %swap3A_802 = arith.index_cast %select_n3A_458 : i32 to index
      %swap3A_803 = arith.index_cast %swap3A_800 : i32 to index
      %swap3A_804 = arith.index_cast %select_n3A_472 : i32 to index
      %swap3A_805 = arith.constant 96 : index
      %swap3A_806 = tpu.vector_load %arg12[%swap3A_801, %swap3A_802, %swap3A_803, %swap3A_804, %swap3A_805] {strides = array<i32>} : memref<2x2x3x8x128xf32, #tpu.memory_space<vmem>>, vector<1x1x1x1x16xf32>,
      %swap3A_807 = vector.shape_cast %swap3A_806 : vector<1x1x1x1x16xf32> to vector<16xf32>
      %swap3A_808 = vector.shape_cast %add3A_798 : vector<16xf32> to vector<1x1x1x1x16xf32>
      tpu.vector_store %arg12[%swap3A_801, %swap3A_802, %swap3A_803, %swap3A_804, %swap3A_805], %swap3A_808 {strides = array<i32>} : memref<2x2x3x8x128xf32, #tpu.memory_space<vmem>>, vector<1x1x1x1x16xf32>,
      %add3A_809 = arith.constant 2 : i32
      %add3A_810 = arith.addi %mul3A_474, %add3A_809 : i32
      %get3A_811 = arith.constant 0 : i32
      %get3A_812 = arith.constant 0 : i32
      %get3A_813 = arith.index_cast %get3A_811 : i32 to index
      %get3A_814 = arith.index_cast %get3A_812 : i32 to index
      %get3A_815 = arith.index_cast %add3A_810 : i32 to index
      %get3A_816 = arith.constant 0 : index
      %get3A_817 = tpu.vector_load %arg11[%get3A_813, %get3A_814, %get3A_815, %get3A_816] {strides = array<i32>} : memref<2x3x80x56xf32, #tpu.memory_space<vmem>>, vector<1x1x1x16xf32>,
      %get3A_818 = vector.shape_cast %get3A_817 : vector<1x1x1x16xf32> to vector<16xf32>
      %add3A_819 = arith.constant 2 : i32
      %add3A_820 = arith.addi %mul3A_474, %add3A_819 : i32
      %get3A_821 = arith.constant 0 : i32
      %get3A_822 = arith.constant 1 : i32
      %get3A_823 = arith.index_cast %get3A_821 : i32 to index
      %get3A_824 = arith.index_cast %get3A_822 : i32 to index
      %get3A_825 = arith.index_cast %add3A_820 : i32 to index
      %get3A_826 = arith.constant 0 : index
      %get3A_827 = tpu.vector_load %arg11[%get3A_823, %get3A_824, %get3A_825, %get3A_826] {strides = array<i32>} : memref<2x3x80x56xf32, #tpu.memory_space<vmem>>, vector<1x1x1x16xf32>,
      %get3A_828 = vector.shape_cast %get3A_827 : vector<1x1x1x16xf32> to vector<16xf32>
      %add3A_829 = arith.addf %get3A_818, %get3A_828 : vector<16xf32>
      %add3A_830 = arith.constant 2 : i32
      %add3A_831 = arith.addi %mul3A_474, %add3A_830 : i32
      %get3A_832 = arith.constant 0 : i32
      %get3A_833 = arith.constant 2 : i32
      %get3A_834 = arith.index_cast %get3A_832 : i32 to index
      %get3A_835 = arith.index_cast %get3A_833 : i32 to index
      %get3A_836 = arith.index_cast %add3A_831 : i32 to index
      %get3A_837 = arith.constant 0 : index
      %get3A_838 = tpu.vector_load %arg11[%get3A_834, %get3A_835, %get3A_836, %get3A_837] {strides = array<i32>} : memref<2x3x80x56xf32, #tpu.memory_space<vmem>>, vector<1x1x1x16xf32>,
      %get3A_839 = vector.shape_cast %get3A_838 : vector<1x1x1x16xf32> to vector<16xf32>
      %add3A_840 = arith.addf %add3A_829, %get3A_839 : vector<16xf32>
      %swap3A_841 = arith.constant 0 : i32
      %swap3A_842 = arith.constant 0 : i32
      %swap3A_843 = arith.index_cast %swap3A_841 : i32 to index
      %swap3A_844 = arith.index_cast %select_n3A_458 : i32 to index
      %swap3A_845 = arith.index_cast %swap3A_842 : i32 to index
      %swap3A_846 = arith.index_cast %select_n3A_472 : i32 to index
      %swap3A_847 = arith.constant 112 : index
      %swap3A_848 = tpu.vector_load %arg12[%swap3A_843, %swap3A_844, %swap3A_845, %swap3A_846, %swap3A_847] {strides = array<i32>} : memref<2x2x3x8x128xf32, #tpu.memory_space<vmem>>, vector<1x1x1x1x16xf32>,
      %swap3A_849 = vector.shape_cast %swap3A_848 : vector<1x1x1x1x16xf32> to vector<16xf32>
      %swap3A_850 = vector.shape_cast %add3A_840 : vector<16xf32> to vector<1x1x1x1x16xf32>
      tpu.vector_store %arg12[%swap3A_843, %swap3A_844, %swap3A_845, %swap3A_846, %swap3A_847], %swap3A_850 {strides = array<i32>} : memref<2x2x3x8x128xf32, #tpu.memory_space<vmem>>, vector<1x1x1x1x16xf32>,
      %add3A_851 = arith.constant 2 : i32
      %add3A_852 = arith.addi %mul3A_474, %add3A_851 : i32
      %get3A_853 = arith.constant 0 : i32
      %get3A_854 = arith.constant 0 : i32
      %get3A_855 = arith.index_cast %get3A_853 : i32 to index
      %get3A_856 = arith.index_cast %get3A_854 : i32 to index
      %get3A_857 = arith.index_cast %add3A_852 : i32 to index
      %get3A_858 = arith.constant 16 : index
      %get3A_859 = tpu.vector_load %arg11[%get3A_855, %get3A_856, %get3A_857, %get3A_858] {strides = array<i32>} : memref<2x3x80x56xf32, #tpu.memory_space<vmem>>, vector<1x1x1x16xf32>,
      %get3A_860 = vector.shape_cast %get3A_859 : vector<1x1x1x16xf32> to vector<16xf32>
      %add3A_861 = arith.constant 2 : i32
      %add3A_862 = arith.addi %mul3A_474, %add3A_861 : i32
      %get3A_863 = arith.constant 0 : i32
      %get3A_864 = arith.constant 1 : i32
      %get3A_865 = arith.index_cast %get3A_863 : i32 to index
      %get3A_866 = arith.index_cast %get3A_864 : i32 to index
      %get3A_867 = arith.index_cast %add3A_862 : i32 to index
      %get3A_868 = arith.constant 16 : index
      %get3A_869 = tpu.vector_load %arg11[%get3A_865, %get3A_866, %get3A_867, %get3A_868] {strides = array<i32>} : memref<2x3x80x56xf32, #tpu.memory_space<vmem>>, vector<1x1x1x16xf32>,
      %get3A_870 = vector.shape_cast %get3A_869 : vector<1x1x1x16xf32> to vector<16xf32>
      %add3A_871 = arith.addf %get3A_860, %get3A_870 : vector<16xf32>
      %add3A_872 = arith.constant 2 : i32
      %add3A_873 = arith.addi %mul3A_474, %add3A_872 : i32
      %get3A_874 = arith.constant 0 : i32
      %get3A_875 = arith.constant 2 : i32
      %get3A_876 = arith.index_cast %get3A_874 : i32 to index
      %get3A_877 = arith.index_cast %get3A_875 : i32 to index
      %get3A_878 = arith.index_cast %add3A_873 : i32 to index
      %get3A_879 = arith.constant 16 : index
      %get3A_880 = tpu.vector_load %arg11[%get3A_876, %get3A_877, %get3A_878, %get3A_879] {strides = array<i32>} : memref<2x3x80x56xf32, #tpu.memory_space<vmem>>, vector<1x1x1x16xf32>,
      %get3A_881 = vector.shape_cast %get3A_880 : vector<1x1x1x16xf32> to vector<16xf32>
      %add3A_882 = arith.addf %add3A_871, %get3A_881 : vector<16xf32>
      %swap3A_883 = arith.constant 0 : i32
      %swap3A_884 = arith.constant 1 : i32
      %swap3A_885 = arith.index_cast %swap3A_883 : i32 to index
      %swap3A_886 = arith.index_cast %select_n3A_458 : i32 to index
      %swap3A_887 = arith.index_cast %swap3A_884 : i32 to index
      %swap3A_888 = arith.index_cast %select_n3A_472 : i32 to index
      %swap3A_889 = arith.constant 0 : index
      %swap3A_890 = tpu.vector_load %arg12[%swap3A_885, %swap3A_886, %swap3A_887, %swap3A_888, %swap3A_889] {strides = array<i32>} : memref<2x2x3x8x128xf32, #tpu.memory_space<vmem>>, vector<1x1x1x1x16xf32>,
      %swap3A_891 = vector.shape_cast %swap3A_890 : vector<1x1x1x1x16xf32> to vector<16xf32>
      %swap3A_892 = vector.shape_cast %add3A_882 : vector<16xf32> to vector<1x1x1x1x16xf32>
      tpu.vector_store %arg12[%swap3A_885, %swap3A_886, %swap3A_887, %swap3A_888, %swap3A_889], %swap3A_892 {strides = array<i32>} : memref<2x2x3x8x128xf32, #tpu.memory_space<vmem>>, vector<1x1x1x1x16xf32>,
      %add3A_893 = arith.constant 2 : i32
      %add3A_894 = arith.addi %mul3A_474, %add3A_893 : i32
      %get3A_895 = arith.constant 0 : i32
      %get3A_896 = arith.constant 0 : i32
      %get3A_897 = arith.index_cast %get3A_895 : i32 to index
      %get3A_898 = arith.index_cast %get3A_896 : i32 to index
      %get3A_899 = arith.index_cast %add3A_894 : i32 to index
      %get3A_900 = arith.constant 32 : index
      %get3A_901 = tpu.vector_load %arg11[%get3A_897, %get3A_898, %get3A_899, %get3A_900] {strides = array<i32>} : memref<2x3x80x56xf32, #tpu.memory_space<vmem>>, vector<1x1x1x16xf32>,
      %get3A_902 = vector.shape_cast %get3A_901 : vector<1x1x1x16xf32> to vector<16xf32>
      %add3A_903 = arith.constant 2 : i32
      %add3A_904 = arith.addi %mul3A_474, %add3A_903 : i32
      %get3A_905 = arith.constant 0 : i32
      %get3A_906 = arith.constant 1 : i32
      %get3A_907 = arith.index_cast %get3A_905 : i32 to index
      %get3A_908 = arith.index_cast %get3A_906 : i32 to index
      %get3A_909 = arith.index_cast %add3A_904 : i32 to index
      %get3A_910 = arith.constant 32 : index
      %get3A_911 = tpu.vector_load %arg11[%get3A_907, %get3A_908, %get3A_909, %get3A_910] {strides = array<i32>} : memref<2x3x80x56xf32, #tpu.memory_space<vmem>>, vector<1x1x1x16xf32>,
      %get3A_912 = vector.shape_cast %get3A_911 : vector<1x1x1x16xf32> to vector<16xf32>
      %add3A_913 = arith.addf %get3A_902, %get3A_912 : vector<16xf32>
      %add3A_914 = arith.constant 2 : i32
      %add3A_915 = arith.addi %mul3A_474, %add3A_914 : i32
      %get3A_916 = arith.constant 0 : i32
      %get3A_917 = arith.constant 2 : i32
      %get3A_918 = arith.index_cast %get3A_916 : i32 to index
      %get3A_919 = arith.index_cast %get3A_917 : i32 to index
      %get3A_920 = arith.index_cast %add3A_915 : i32 to index
      %get3A_921 = arith.constant 32 : index
      %get3A_922 = tpu.vector_load %arg11[%get3A_918, %get3A_919, %get3A_920, %get3A_921] {strides = array<i32>} : memref<2x3x80x56xf32, #tpu.memory_space<vmem>>, vector<1x1x1x16xf32>,
      %get3A_923 = vector.shape_cast %get3A_922 : vector<1x1x1x16xf32> to vector<16xf32>
      %add3A_924 = arith.addf %add3A_913, %get3A_923 : vector<16xf32>
      %swap3A_925 = arith.constant 0 : i32
      %swap3A_926 = arith.constant 1 : i32
      %swap3A_927 = arith.index_cast %swap3A_925 : i32 to index
      %swap3A_928 = arith.index_cast %select_n3A_458 : i32 to index
      %swap3A_929 = arith.index_cast %swap3A_926 : i32 to index
      %swap3A_930 = arith.index_cast %select_n3A_472 : i32 to index
      %swap3A_931 = arith.constant 16 : index
      %swap3A_932 = tpu.vector_load %arg12[%swap3A_927, %swap3A_928, %swap3A_929, %swap3A_930, %swap3A_931] {strides = array<i32>} : memref<2x2x3x8x128xf32, #tpu.memory_space<vmem>>, vector<1x1x1x1x16xf32>,
      %swap3A_933 = vector.shape_cast %swap3A_932 : vector<1x1x1x1x16xf32> to vector<16xf32>
      %swap3A_934 = vector.shape_cast %add3A_924 : vector<16xf32> to vector<1x1x1x1x16xf32>
      tpu.vector_store %arg12[%swap3A_927, %swap3A_928, %swap3A_929, %swap3A_930, %swap3A_931], %swap3A_934 {strides = array<i32>} : memref<2x2x3x8x128xf32, #tpu.memory_space<vmem>>, vector<1x1x1x1x16xf32>,
      %add3A_935 = arith.constant 2 : i32
      %add3A_936 = arith.addi %mul3A_474, %add3A_935 : i32
      %get3A_937 = arith.constant 0 : i32
      %get3A_938 = arith.constant 0 : i32
      %get3A_939 = arith.index_cast %get3A_937 : i32 to index
      %get3A_940 = arith.index_cast %get3A_938 : i32 to index
      %get3A_941 = arith.index_cast %add3A_936 : i32 to index
      %get3A_942 = arith.constant 40 : index
      %get3A_943 = tpu.vector_load %arg11[%get3A_939, %get3A_940, %get3A_941, %get3A_942] {strides = array<i32>} : memref<2x3x80x56xf32, #tpu.memory_space<vmem>>, vector<1x1x1x16xf32>,
      %get3A_944 = vector.shape_cast %get3A_943 : vector<1x1x1x16xf32> to vector<16xf32>
      %add3A_945 = arith.constant 2 : i32
      %add3A_946 = arith.addi %mul3A_474, %add3A_945 : i32
      %get3A_947 = arith.constant 0 : i32
      %get3A_948 = arith.constant 1 : i32
      %get3A_949 = arith.index_cast %get3A_947 : i32 to index
      %get3A_950 = arith.index_cast %get3A_948 : i32 to index
      %get3A_951 = arith.index_cast %add3A_946 : i32 to index
      %get3A_952 = arith.constant 40 : index
      %get3A_953 = tpu.vector_load %arg11[%get3A_949, %get3A_950, %get3A_951, %get3A_952] {strides = array<i32>} : memref<2x3x80x56xf32, #tpu.memory_space<vmem>>, vector<1x1x1x16xf32>,
      %get3A_954 = vector.shape_cast %get3A_953 : vector<1x1x1x16xf32> to vector<16xf32>
      %add3A_955 = arith.addf %get3A_944, %get3A_954 : vector<16xf32>
      %add3A_956 = arith.constant 2 : i32
      %add3A_957 = arith.addi %mul3A_474, %add3A_956 : i32
      %get3A_958 = arith.constant 0 : i32
      %get3A_959 = arith.constant 2 : i32
      %get3A_960 = arith.index_cast %get3A_958 : i32 to index
      %get3A_961 = arith.index_cast %get3A_959 : i32 to index
      %get3A_962 = arith.index_cast %add3A_957 : i32 to index
      %get3A_963 = arith.constant 40 : index
      %get3A_964 = tpu.vector_load %arg11[%get3A_960, %get3A_961, %get3A_962, %get3A_963] {strides = array<i32>} : memref<2x3x80x56xf32, #tpu.memory_space<vmem>>, vector<1x1x1x16xf32>,
      %get3A_965 = vector.shape_cast %get3A_964 : vector<1x1x1x16xf32> to vector<16xf32>
      %add3A_966 = arith.addf %add3A_955, %get3A_965 : vector<16xf32>
      %swap3A_967 = arith.constant 0 : i32
      %swap3A_968 = arith.constant 1 : i32
      %swap3A_969 = arith.index_cast %swap3A_967 : i32 to index
      %swap3A_970 = arith.index_cast %select_n3A_458 : i32 to index
      %swap3A_971 = arith.index_cast %swap3A_968 : i32 to index
      %swap3A_972 = arith.index_cast %select_n3A_472 : i32 to index
      %swap3A_973 = arith.constant 24 : index
      %swap3A_974 = tpu.vector_load %arg12[%swap3A_969, %swap3A_970, %swap3A_971, %swap3A_972, %swap3A_973] {strides = array<i32>} : memref<2x2x3x8x128xf32, #tpu.memory_space<vmem>>, vector<1x1x1x1x16xf32>,
      %swap3A_975 = vector.shape_cast %swap3A_974 : vector<1x1x1x1x16xf32> to vector<16xf32>
      %swap3A_976 = vector.shape_cast %add3A_966 : vector<16xf32> to vector<1x1x1x1x16xf32>
      tpu.vector_store %arg12[%swap3A_969, %swap3A_970, %swap3A_971, %swap3A_972, %swap3A_973], %swap3A_976 {strides = array<i32>} : memref<2x2x3x8x128xf32, #tpu.memory_space<vmem>>, vector<1x1x1x1x16xf32>,
      %add3A_977 = arith.constant 3 : i32
      %add3A_978 = arith.addi %mul3A_474, %add3A_977 : i32
      %get3A_979 = arith.constant 0 : i32
      %get3A_980 = arith.constant 0 : i32
      %get3A_981 = arith.index_cast %get3A_979 : i32 to index
      %get3A_982 = arith.index_cast %get3A_980 : i32 to index
      %get3A_983 = arith.index_cast %add3A_978 : i32 to index
      %get3A_984 = arith.constant 0 : index
      %get3A_985 = tpu.vector_load %arg11[%get3A_981, %get3A_982, %get3A_983, %get3A_984] {strides = array<i32>} : memref<2x3x80x56xf32, #tpu.memory_space<vmem>>, vector<1x1x1x16xf32>,
      %get3A_986 = vector.shape_cast %get3A_985 : vector<1x1x1x16xf32> to vector<16xf32>
      %add3A_987 = arith.constant 3 : i32
      %add3A_988 = arith.addi %mul3A_474, %add3A_987 : i32
      %get3A_989 = arith.constant 0 : i32
      %get3A_990 = arith.constant 1 : i32
      %get3A_991 = arith.index_cast %get3A_989 : i32 to index
      %get3A_992 = arith.index_cast %get3A_990 : i32 to index
      %get3A_993 = arith.index_cast %add3A_988 : i32 to index
      %get3A_994 = arith.constant 0 : index
      %get3A_995 = tpu.vector_load %arg11[%get3A_991, %get3A_992, %get3A_993, %get3A_994] {strides = array<i32>} : memref<2x3x80x56xf32, #tpu.memory_space<vmem>>, vector<1x1x1x16xf32>,
      %get3A_996 = vector.shape_cast %get3A_995 : vector<1x1x1x16xf32> to vector<16xf32>
      %add3A_997 = arith.addf %get3A_986, %get3A_996 : vector<16xf32>
      %add3A_998 = arith.constant 3 : i32
      %add3A_999 = arith.addi %mul3A_474, %add3A_998 : i32
      %get3A_1000 = arith.constant 0 : i32
      %get3A_1001 = arith.constant 2 : i32
      %get3A_1002 = arith.index_cast %get3A_1000 : i32 to index
      %get3A_1003 = arith.index_cast %get3A_1001 : i32 to index
      %get3A_1004 = arith.index_cast %add3A_999 : i32 to index
      %get3A_1005 = arith.constant 0 : index
      %get3A_1006 = tpu.vector_load %arg11[%get3A_1002, %get3A_1003, %get3A_1004, %get3A_1005] {strides = array<i32>} : memref<2x3x80x56xf32, #tpu.memory_space<vmem>>, vector<1x1x1x16xf32>,
      %get3A_1007 = vector.shape_cast %get3A_1006 : vector<1x1x1x16xf32> to vector<16xf32>
      %add3A_1008 = arith.addf %add3A_997, %get3A_1007 : vector<16xf32>
      %swap3A_1009 = arith.constant 0 : i32
      %swap3A_1010 = arith.constant 1 : i32
      %swap3A_1011 = arith.index_cast %swap3A_1009 : i32 to index
      %swap3A_1012 = arith.index_cast %select_n3A_458 : i32 to index
      %swap3A_1013 = arith.index_cast %swap3A_1010 : i32 to index
      %swap3A_1014 = arith.index_cast %select_n3A_472 : i32 to index
      %swap3A_1015 = arith.constant 40 : index
      %swap3A_1016 = tpu.vector_load %arg12[%swap3A_1011, %swap3A_1012, %swap3A_1013, %swap3A_1014, %swap3A_1015] {strides = array<i32>} : memref<2x2x3x8x128xf32, #tpu.memory_space<vmem>>, vector<1x1x1x1x16xf32>,
      %swap3A_1017 = vector.shape_cast %swap3A_1016 : vector<1x1x1x1x16xf32> to vector<16xf32>
      %swap3A_1018 = vector.shape_cast %add3A_1008 : vector<16xf32> to vector<1x1x1x1x16xf32>
      tpu.vector_store %arg12[%swap3A_1011, %swap3A_1012, %swap3A_1013, %swap3A_1014, %swap3A_1015], %swap3A_1018 {strides = array<i32>} : memref<2x2x3x8x128xf32, #tpu.memory_space<vmem>>, vector<1x1x1x1x16xf32>,
      %add3A_1019 = arith.constant 3 : i32
      %add3A_1020 = arith.addi %mul3A_474, %add3A_1019 : i32
      %get3A_1021 = arith.constant 0 : i32
      %get3A_1022 = arith.constant 0 : i32
      %get3A_1023 = arith.index_cast %get3A_1021 : i32 to index
      %get3A_1024 = arith.index_cast %get3A_1022 : i32 to index
      %get3A_1025 = arith.index_cast %add3A_1020 : i32 to index
      %get3A_1026 = arith.constant 16 : index
      %get3A_1027 = tpu.vector_load %arg11[%get3A_1023, %get3A_1024, %get3A_1025, %get3A_1026] {strides = array<i32>} : memref<2x3x80x56xf32, #tpu.memory_space<vmem>>, vector<1x1x1x16xf32>,
      %get3A_1028 = vector.shape_cast %get3A_1027 : vector<1x1x1x16xf32> to vector<16xf32>
      %add3A_1029 = arith.constant 3 : i32
      %add3A_1030 = arith.addi %mul3A_474, %add3A_1029 : i32
      %get3A_1031 = arith.constant 0 : i32
      %get3A_1032 = arith.constant 1 : i32
      %get3A_1033 = arith.index_cast %get3A_1031 : i32 to index
      %get3A_1034 = arith.index_cast %get3A_1032 : i32 to index
      %get3A_1035 = arith.index_cast %add3A_1030 : i32 to index
      %get3A_1036 = arith.constant 16 : index
      %get3A_1037 = tpu.vector_load %arg11[%get3A_1033, %get3A_1034, %get3A_1035, %get3A_1036] {strides = array<i32>} : memref<2x3x80x56xf32, #tpu.memory_space<vmem>>, vector<1x1x1x16xf32>,
      %get3A_1038 = vector.shape_cast %get3A_1037 : vector<1x1x1x16xf32> to vector<16xf32>
      %add3A_1039 = arith.addf %get3A_1028, %get3A_1038 : vector<16xf32>
      %add3A_1040 = arith.constant 3 : i32
      %add3A_1041 = arith.addi %mul3A_474, %add3A_1040 : i32
      %get3A_1042 = arith.constant 0 : i32
      %get3A_1043 = arith.constant 2 : i32
      %get3A_1044 = arith.index_cast %get3A_1042 : i32 to index
      %get3A_1045 = arith.index_cast %get3A_1043 : i32 to index
      %get3A_1046 = arith.index_cast %add3A_1041 : i32 to index
      %get3A_1047 = arith.constant 16 : index
      %get3A_1048 = tpu.vector_load %arg11[%get3A_1044, %get3A_1045, %get3A_1046, %get3A_1047] {strides = array<i32>} : memref<2x3x80x56xf32, #tpu.memory_space<vmem>>, vector<1x1x1x16xf32>,
      %get3A_1049 = vector.shape_cast %get3A_1048 : vector<1x1x1x16xf32> to vector<16xf32>
      %add3A_1050 = arith.addf %add3A_1039, %get3A_1049 : vector<16xf32>
      %swap3A_1051 = arith.constant 0 : i32
      %swap3A_1052 = arith.constant 1 : i32
      %swap3A_1053 = arith.index_cast %swap3A_1051 : i32 to index
      %swap3A_1054 = arith.index_cast %select_n3A_458 : i32 to index
      %swap3A_1055 = arith.index_cast %swap3A_1052 : i32 to index
      %swap3A_1056 = arith.index_cast %select_n3A_472 : i32 to index
      %swap3A_1057 = arith.constant 56 : index
      %swap3A_1058 = tpu.vector_load %arg12[%swap3A_1053, %swap3A_1054, %swap3A_1055, %swap3A_1056, %swap3A_1057] {strides = array<i32>} : memref<2x2x3x8x128xf32, #tpu.memory_space<vmem>>, vector<1x1x1x1x16xf32>,
      %swap3A_1059 = vector.shape_cast %swap3A_1058 : vector<1x1x1x1x16xf32> to vector<16xf32>
      %swap3A_1060 = vector.shape_cast %add3A_1050 : vector<16xf32> to vector<1x1x1x1x16xf32>
      tpu.vector_store %arg12[%swap3A_1053, %swap3A_1054, %swap3A_1055, %swap3A_1056, %swap3A_1057], %swap3A_1060 {strides = array<i32>} : memref<2x2x3x8x128xf32, #tpu.memory_space<vmem>>, vector<1x1x1x1x16xf32>,
      %add3A_1061 = arith.constant 3 : i32
      %add3A_1062 = arith.addi %mul3A_474, %add3A_1061 : i32
      %get3A_1063 = arith.constant 0 : i32
      %get3A_1064 = arith.constant 0 : i32
      %get3A_1065 = arith.index_cast %get3A_1063 : i32 to index
      %get3A_1066 = arith.index_cast %get3A_1064 : i32 to index
      %get3A_1067 = arith.index_cast %add3A_1062 : i32 to index
      %get3A_1068 = arith.constant 32 : index
      %get3A_1069 = tpu.vector_load %arg11[%get3A_1065, %get3A_1066, %get3A_1067, %get3A_1068] {strides = array<i32>} : memref<2x3x80x56xf32, #tpu.memory_space<vmem>>, vector<1x1x1x16xf32>,
      %get3A_1070 = vector.shape_cast %get3A_1069 : vector<1x1x1x16xf32> to vector<16xf32>
      %add3A_1071 = arith.constant 3 : i32
      %add3A_1072 = arith.addi %mul3A_474, %add3A_1071 : i32
      %get3A_1073 = arith.constant 0 : i32
      %get3A_1074 = arith.constant 1 : i32
      %get3A_1075 = arith.index_cast %get3A_1073 : i32 to index
      %get3A_1076 = arith.index_cast %get3A_1074 : i32 to index
      %get3A_1077 = arith.index_cast %add3A_1072 : i32 to index
      %get3A_1078 = arith.constant 32 : index
      %get3A_1079 = tpu.vector_load %arg11[%get3A_1075, %get3A_1076, %get3A_1077, %get3A_1078] {strides = array<i32>} : memref<2x3x80x56xf32, #tpu.memory_space<vmem>>, vector<1x1x1x16xf32>,
      %get3A_1080 = vector.shape_cast %get3A_1079 : vector<1x1x1x16xf32> to vector<16xf32>
      %add3A_1081 = arith.addf %get3A_1070, %get3A_1080 : vector<16xf32>
      %add3A_1082 = arith.constant 3 : i32
      %add3A_1083 = arith.addi %mul3A_474, %add3A_1082 : i32
      %get3A_1084 = arith.constant 0 : i32
      %get3A_1085 = arith.constant 2 : i32
      %get3A_1086 = arith.index_cast %get3A_1084 : i32 to index
      %get3A_1087 = arith.index_cast %get3A_1085 : i32 to index
      %get3A_1088 = arith.index_cast %add3A_1083 : i32 to index
      %get3A_1089 = arith.constant 32 : index
      %get3A_1090 = tpu.vector_load %arg11[%get3A_1086, %get3A_1087, %get3A_1088, %get3A_1089] {strides = array<i32>} : memref<2x3x80x56xf32, #tpu.memory_space<vmem>>, vector<1x1x1x16xf32>,
      %get3A_1091 = vector.shape_cast %get3A_1090 : vector<1x1x1x16xf32> to vector<16xf32>
      %add3A_1092 = arith.addf %add3A_1081, %get3A_1091 : vector<16xf32>
      %swap3A_1093 = arith.constant 0 : i32
      %swap3A_1094 = arith.constant 1 : i32
      %swap3A_1095 = arith.index_cast %swap3A_1093 : i32 to index
      %swap3A_1096 = arith.index_cast %select_n3A_458 : i32 to index
      %swap3A_1097 = arith.index_cast %swap3A_1094 : i32 to index
      %swap3A_1098 = arith.index_cast %select_n3A_472 : i32 to index
      %swap3A_1099 = arith.constant 72 : index
      %swap3A_1100 = tpu.vector_load %arg12[%swap3A_1095, %swap3A_1096, %swap3A_1097, %swap3A_1098, %swap3A_1099] {strides = array<i32>} : memref<2x2x3x8x128xf32, #tpu.memory_space<vmem>>, vector<1x1x1x1x16xf32>,
      %swap3A_1101 = vector.shape_cast %swap3A_1100 : vector<1x1x1x1x16xf32> to vector<16xf32>
      %swap3A_1102 = vector.shape_cast %add3A_1092 : vector<16xf32> to vector<1x1x1x1x16xf32>
      tpu.vector_store %arg12[%swap3A_1095, %swap3A_1096, %swap3A_1097, %swap3A_1098, %swap3A_1099], %swap3A_1102 {strides = array<i32>} : memref<2x2x3x8x128xf32, #tpu.memory_space<vmem>>, vector<1x1x1x1x16xf32>,
      %add3A_1103 = arith.constant 3 : i32
      %add3A_1104 = arith.addi %mul3A_474, %add3A_1103 : i32
      %get3A_1105 = arith.constant 0 : i32
      %get3A_1106 = arith.constant 0 : i32
      %get3A_1107 = arith.index_cast %get3A_1105 : i32 to index
      %get3A_1108 = arith.index_cast %get3A_1106 : i32 to index
      %get3A_1109 = arith.index_cast %add3A_1104 : i32 to index
      %get3A_1110 = arith.constant 40 : index
      %get3A_1111 = tpu.vector_load %arg11[%get3A_1107, %get3A_1108, %get3A_1109, %get3A_1110] {strides = array<i32>} : memref<2x3x80x56xf32, #tpu.memory_space<vmem>>, vector<1x1x1x16xf32>,
      %get3A_1112 = vector.shape_cast %get3A_1111 : vector<1x1x1x16xf32> to vector<16xf32>
      %add3A_1113 = arith.constant 3 : i32
      %add3A_1114 = arith.addi %mul3A_474, %add3A_1113 : i32
      %get3A_1115 = arith.constant 0 : i32
      %get3A_1116 = arith.constant 1 : i32
      %get3A_1117 = arith.index_cast %get3A_1115 : i32 to index
      %get3A_1118 = arith.index_cast %get3A_1116 : i32 to index
      %get3A_1119 = arith.index_cast %add3A_1114 : i32 to index
      %get3A_1120 = arith.constant 40 : index
      %get3A_1121 = tpu.vector_load %arg11[%get3A_1117, %get3A_1118, %get3A_1119, %get3A_1120] {strides = array<i32>} : memref<2x3x80x56xf32, #tpu.memory_space<vmem>>, vector<1x1x1x16xf32>,
      %get3A_1122 = vector.shape_cast %get3A_1121 : vector<1x1x1x16xf32> to vector<16xf32>
      %add3A_1123 = arith.addf %get3A_1112, %get3A_1122 : vector<16xf32>
      %add3A_1124 = arith.constant 3 : i32
      %add3A_1125 = arith.addi %mul3A_474, %add3A_1124 : i32
      %get3A_1126 = arith.constant 0 : i32
      %get3A_1127 = arith.constant 2 : i32
      %get3A_1128 = arith.index_cast %get3A_1126 : i32 to index
      %get3A_1129 = arith.index_cast %get3A_1127 : i32 to index
      %get3A_1130 = arith.index_cast %add3A_1125 : i32 to index
      %get3A_1131 = arith.constant 40 : index
      %get3A_1132 = tpu.vector_load %arg11[%get3A_1128, %get3A_1129, %get3A_1130, %get3A_1131] {strides = array<i32>} : memref<2x3x80x56xf32, #tpu.memory_space<vmem>>, vector<1x1x1x16xf32>,
      %get3A_1133 = vector.shape_cast %get3A_1132 : vector<1x1x1x16xf32> to vector<16xf32>
      %add3A_1134 = arith.addf %add3A_1123, %get3A_1133 : vector<16xf32>
      %swap3A_1135 = arith.constant 0 : i32
      %swap3A_1136 = arith.constant 1 : i32
      %swap3A_1137 = arith.index_cast %swap3A_1135 : i32 to index
      %swap3A_1138 = arith.index_cast %select_n3A_458 : i32 to index
      %swap3A_1139 = arith.index_cast %swap3A_1136 : i32 to index
      %swap3A_1140 = arith.index_cast %select_n3A_472 : i32 to index
      %swap3A_1141 = arith.constant 80 : index
      %swap3A_1142 = tpu.vector_load %arg12[%swap3A_1137, %swap3A_1138, %swap3A_1139, %swap3A_1140, %swap3A_1141] {strides = array<i32>} : memref<2x2x3x8x128xf32, #tpu.memory_space<vmem>>, vector<1x1x1x1x16xf32>,
      %swap3A_1143 = vector.shape_cast %swap3A_1142 : vector<1x1x1x1x16xf32> to vector<16xf32>
      %swap3A_1144 = vector.shape_cast %add3A_1134 : vector<16xf32> to vector<1x1x1x1x16xf32>
      tpu.vector_store %arg12[%swap3A_1137, %swap3A_1138, %swap3A_1139, %swap3A_1140, %swap3A_1141], %swap3A_1144 {strides = array<i32>} : memref<2x2x3x8x128xf32, #tpu.memory_space<vmem>>, vector<1x1x1x1x16xf32>,
      %add3A_1145 = arith.constant 4 : i32
      %add3A_1146 = arith.addi %mul3A_474, %add3A_1145 : i32
      %get3A_1147 = arith.constant 0 : i32
      %get3A_1148 = arith.constant 0 : i32
      %get3A_1149 = arith.index_cast %get3A_1147 : i32 to index
      %get3A_1150 = arith.index_cast %get3A_1148 : i32 to index
      %get3A_1151 = arith.index_cast %add3A_1146 : i32 to index
      %get3A_1152 = arith.constant 0 : index
      %get3A_1153 = tpu.vector_load %arg11[%get3A_1149, %get3A_1150, %get3A_1151, %get3A_1152] {strides = array<i32>} : memref<2x3x80x56xf32, #tpu.memory_space<vmem>>, vector<1x1x1x16xf32>,
      %get3A_1154 = vector.shape_cast %get3A_1153 : vector<1x1x1x16xf32> to vector<16xf32>
      %add3A_1155 = arith.constant 4 : i32
      %add3A_1156 = arith.addi %mul3A_474, %add3A_1155 : i32
      %get3A_1157 = arith.constant 0 : i32
      %get3A_1158 = arith.constant 1 : i32
      %get3A_1159 = arith.index_cast %get3A_1157 : i32 to index
      %get3A_1160 = arith.index_cast %get3A_1158 : i32 to index
      %get3A_1161 = arith.index_cast %add3A_1156 : i32 to index
      %get3A_1162 = arith.constant 0 : index
      %get3A_1163 = tpu.vector_load %arg11[%get3A_1159, %get3A_1160, %get3A_1161, %get3A_1162] {strides = array<i32>} : memref<2x3x80x56xf32, #tpu.memory_space<vmem>>, vector<1x1x1x16xf32>,
      %get3A_1164 = vector.shape_cast %get3A_1163 : vector<1x1x1x16xf32> to vector<16xf32>
      %add3A_1165 = arith.addf %get3A_1154, %get3A_1164 : vector<16xf32>
      %add3A_1166 = arith.constant 4 : i32
      %add3A_1167 = arith.addi %mul3A_474, %add3A_1166 : i32
      %get3A_1168 = arith.constant 0 : i32
      %get3A_1169 = arith.constant 2 : i32
      %get3A_1170 = arith.index_cast %get3A_1168 : i32 to index
      %get3A_1171 = arith.index_cast %get3A_1169 : i32 to index
      %get3A_1172 = arith.index_cast %add3A_1167 : i32 to index
      %get3A_1173 = arith.constant 0 : index
      %get3A_1174 = tpu.vector_load %arg11[%get3A_1170, %get3A_1171, %get3A_1172, %get3A_1173] {strides = array<i32>} : memref<2x3x80x56xf32, #tpu.memory_space<vmem>>, vector<1x1x1x16xf32>,
      %get3A_1175 = vector.shape_cast %get3A_1174 : vector<1x1x1x16xf32> to vector<16xf32>
      %add3A_1176 = arith.addf %add3A_1165, %get3A_1175 : vector<16xf32>
      %swap3A_1177 = arith.constant 0 : i32
      %swap3A_1178 = arith.constant 1 : i32
      %swap3A_1179 = arith.index_cast %swap3A_1177 : i32 to index
      %swap3A_1180 = arith.index_cast %select_n3A_458 : i32 to index
      %swap3A_1181 = arith.index_cast %swap3A_1178 : i32 to index
      %swap3A_1182 = arith.index_cast %select_n3A_472 : i32 to index
      %swap3A_1183 = arith.constant 96 : index
      %swap3A_1184 = tpu.vector_load %arg12[%swap3A_1179, %swap3A_1180, %swap3A_1181, %swap3A_1182, %swap3A_1183] {strides = array<i32>} : memref<2x2x3x8x128xf32, #tpu.memory_space<vmem>>, vector<1x1x1x1x16xf32>,
      %swap3A_1185 = vector.shape_cast %swap3A_1184 : vector<1x1x1x1x16xf32> to vector<16xf32>
      %swap3A_1186 = vector.shape_cast %add3A_1176 : vector<16xf32> to vector<1x1x1x1x16xf32>
      tpu.vector_store %arg12[%swap3A_1179, %swap3A_1180, %swap3A_1181, %swap3A_1182, %swap3A_1183], %swap3A_1186 {strides = array<i32>} : memref<2x2x3x8x128xf32, #tpu.memory_space<vmem>>, vector<1x1x1x1x16xf32>,
      %add3A_1187 = arith.constant 4 : i32
      %add3A_1188 = arith.addi %mul3A_474, %add3A_1187 : i32
      %get3A_1189 = arith.constant 0 : i32
      %get3A_1190 = arith.constant 0 : i32
      %get3A_1191 = arith.index_cast %get3A_1189 : i32 to index
      %get3A_1192 = arith.index_cast %get3A_1190 : i32 to index
      %get3A_1193 = arith.index_cast %add3A_1188 : i32 to index
      %get3A_1194 = arith.constant 16 : index
      %get3A_1195 = tpu.vector_load %arg11[%get3A_1191, %get3A_1192, %get3A_1193, %get3A_1194] {strides = array<i32>} : memref<2x3x80x56xf32, #tpu.memory_space<vmem>>, vector<1x1x1x16xf32>,
      %get3A_1196 = vector.shape_cast %get3A_1195 : vector<1x1x1x16xf32> to vector<16xf32>
      %add3A_1197 = arith.constant 4 : i32
      %add3A_1198 = arith.addi %mul3A_474, %add3A_1197 : i32
      %get3A_1199 = arith.constant 0 : i32
      %get3A_1200 = arith.constant 1 : i32
      %get3A_1201 = arith.index_cast %get3A_1199 : i32 to index
      %get3A_1202 = arith.index_cast %get3A_1200 : i32 to index
      %get3A_1203 = arith.index_cast %add3A_1198 : i32 to index
      %get3A_1204 = arith.constant 16 : index
      %get3A_1205 = tpu.vector_load %arg11[%get3A_1201, %get3A_1202, %get3A_1203, %get3A_1204] {strides = array<i32>} : memref<2x3x80x56xf32, #tpu.memory_space<vmem>>, vector<1x1x1x16xf32>,
      %get3A_1206 = vector.shape_cast %get3A_1205 : vector<1x1x1x16xf32> to vector<16xf32>
      %add3A_1207 = arith.addf %get3A_1196, %get3A_1206 : vector<16xf32>
      %add3A_1208 = arith.constant 4 : i32
      %add3A_1209 = arith.addi %mul3A_474, %add3A_1208 : i32
      %get3A_1210 = arith.constant 0 : i32
      %get3A_1211 = arith.constant 2 : i32
      %get3A_1212 = arith.index_cast %get3A_1210 : i32 to index
      %get3A_1213 = arith.index_cast %get3A_1211 : i32 to index
      %get3A_1214 = arith.index_cast %add3A_1209 : i32 to index
      %get3A_1215 = arith.constant 16 : index
      %get3A_1216 = tpu.vector_load %arg11[%get3A_1212, %get3A_1213, %get3A_1214, %get3A_1215] {strides = array<i32>} : memref<2x3x80x56xf32, #tpu.memory_space<vmem>>, vector<1x1x1x16xf32>,
      %get3A_1217 = vector.shape_cast %get3A_1216 : vector<1x1x1x16xf32> to vector<16xf32>
      %add3A_1218 = arith.addf %add3A_1207, %get3A_1217 : vector<16xf32>
      %swap3A_1219 = arith.constant 0 : i32
      %swap3A_1220 = arith.constant 1 : i32
      %swap3A_1221 = arith.index_cast %swap3A_1219 : i32 to index
      %swap3A_1222 = arith.index_cast %select_n3A_458 : i32 to index
      %swap3A_1223 = arith.index_cast %swap3A_1220 : i32 to index
      %swap3A_1224 = arith.index_cast %select_n3A_472 : i32 to index
      %swap3A_1225 = arith.constant 112 : index
      %swap3A_1226 = tpu.vector_load %arg12[%swap3A_1221, %swap3A_1222, %swap3A_1223, %swap3A_1224, %swap3A_1225] {strides = array<i32>} : memref<2x2x3x8x128xf32, #tpu.memory_space<vmem>>, vector<1x1x1x1x16xf32>,
      %swap3A_1227 = vector.shape_cast %swap3A_1226 : vector<1x1x1x1x16xf32> to vector<16xf32>
      %swap3A_1228 = vector.shape_cast %add3A_1218 : vector<16xf32> to vector<1x1x1x1x16xf32>
      tpu.vector_store %arg12[%swap3A_1221, %swap3A_1222, %swap3A_1223, %swap3A_1224, %swap3A_1225], %swap3A_1228 {strides = array<i32>} : memref<2x2x3x8x128xf32, #tpu.memory_space<vmem>>, vector<1x1x1x1x16xf32>,
      %add3A_1229 = arith.constant 4 : i32
      %add3A_1230 = arith.addi %mul3A_474, %add3A_1229 : i32
      %get3A_1231 = arith.constant 0 : i32
      %get3A_1232 = arith.constant 0 : i32
      %get3A_1233 = arith.index_cast %get3A_1231 : i32 to index
      %get3A_1234 = arith.index_cast %get3A_1232 : i32 to index
      %get3A_1235 = arith.index_cast %add3A_1230 : i32 to index
      %get3A_1236 = arith.constant 32 : index
      %get3A_1237 = tpu.vector_load %arg11[%get3A_1233, %get3A_1234, %get3A_1235, %get3A_1236] {strides = array<i32>} : memref<2x3x80x56xf32, #tpu.memory_space<vmem>>, vector<1x1x1x16xf32>,
      %get3A_1238 = vector.shape_cast %get3A_1237 : vector<1x1x1x16xf32> to vector<16xf32>
      %add3A_1239 = arith.constant 4 : i32
      %add3A_1240 = arith.addi %mul3A_474, %add3A_1239 : i32
      %get3A_1241 = arith.constant 0 : i32
      %get3A_1242 = arith.constant 1 : i32
      %get3A_1243 = arith.index_cast %get3A_1241 : i32 to index
      %get3A_1244 = arith.index_cast %get3A_1242 : i32 to index
      %get3A_1245 = arith.index_cast %add3A_1240 : i32 to index
      %get3A_1246 = arith.constant 32 : index
      %get3A_1247 = tpu.vector_load %arg11[%get3A_1243, %get3A_1244, %get3A_1245, %get3A_1246] {strides = array<i32>} : memref<2x3x80x56xf32, #tpu.memory_space<vmem>>, vector<1x1x1x16xf32>,
      %get3A_1248 = vector.shape_cast %get3A_1247 : vector<1x1x1x16xf32> to vector<16xf32>
      %add3A_1249 = arith.addf %get3A_1238, %get3A_1248 : vector<16xf32>
      %add3A_1250 = arith.constant 4 : i32
      %add3A_1251 = arith.addi %mul3A_474, %add3A_1250 : i32
      %get3A_1252 = arith.constant 0 : i32
      %get3A_1253 = arith.constant 2 : i32
      %get3A_1254 = arith.index_cast %get3A_1252 : i32 to index
      %get3A_1255 = arith.index_cast %get3A_1253 : i32 to index
      %get3A_1256 = arith.index_cast %add3A_1251 : i32 to index
      %get3A_1257 = arith.constant 32 : index
      %get3A_1258 = tpu.vector_load %arg11[%get3A_1254, %get3A_1255, %get3A_1256, %get3A_1257] {strides = array<i32>} : memref<2x3x80x56xf32, #tpu.memory_space<vmem>>, vector<1x1x1x16xf32>,
      %get3A_1259 = vector.shape_cast %get3A_1258 : vector<1x1x1x16xf32> to vector<16xf32>
      %add3A_1260 = arith.addf %add3A_1249, %get3A_1259 : vector<16xf32>
      %swap3A_1261 = arith.constant 0 : i32
      %swap3A_1262 = arith.constant 2 : i32
      %swap3A_1263 = arith.index_cast %swap3A_1261 : i32 to index
      %swap3A_1264 = arith.index_cast %select_n3A_458 : i32 to index
      %swap3A_1265 = arith.index_cast %swap3A_1262 : i32 to index
      %swap3A_1266 = arith.index_cast %select_n3A_472 : i32 to index
      %swap3A_1267 = arith.constant 0 : index
      %swap3A_1268 = tpu.vector_load %arg12[%swap3A_1263, %swap3A_1264, %swap3A_1265, %swap3A_1266, %swap3A_1267] {strides = array<i32>} : memref<2x2x3x8x128xf32, #tpu.memory_space<vmem>>, vector<1x1x1x1x16xf32>,
      %swap3A_1269 = vector.shape_cast %swap3A_1268 : vector<1x1x1x1x16xf32> to vector<16xf32>
      %swap3A_1270 = vector.shape_cast %add3A_1260 : vector<16xf32> to vector<1x1x1x1x16xf32>
      tpu.vector_store %arg12[%swap3A_1263, %swap3A_1264, %swap3A_1265, %swap3A_1266, %swap3A_1267], %swap3A_1270 {strides = array<i32>} : memref<2x2x3x8x128xf32, #tpu.memory_space<vmem>>, vector<1x1x1x1x16xf32>,
      %add3A_1271 = arith.constant 4 : i32
      %add3A_1272 = arith.addi %mul3A_474, %add3A_1271 : i32
      %get3A_1273 = arith.constant 0 : i32
      %get3A_1274 = arith.constant 0 : i32
      %get3A_1275 = arith.index_cast %get3A_1273 : i32 to index
      %get3A_1276 = arith.index_cast %get3A_1274 : i32 to index
      %get3A_1277 = arith.index_cast %add3A_1272 : i32 to index
      %get3A_1278 = arith.constant 40 : index
      %get3A_1279 = tpu.vector_load %arg11[%get3A_1275, %get3A_1276, %get3A_1277, %get3A_1278] {strides = array<i32>} : memref<2x3x80x56xf32, #tpu.memory_space<vmem>>, vector<1x1x1x16xf32>,
      %get3A_1280 = vector.shape_cast %get3A_1279 : vector<1x1x1x16xf32> to vector<16xf32>
      %add3A_1281 = arith.constant 4 : i32
      %add3A_1282 = arith.addi %mul3A_474, %add3A_1281 : i32
      %get3A_1283 = arith.constant 0 : i32
      %get3A_1284 = arith.constant 1 : i32
      %get3A_1285 = arith.index_cast %get3A_1283 : i32 to index
      %get3A_1286 = arith.index_cast %get3A_1284 : i32 to index
      %get3A_1287 = arith.index_cast %add3A_1282 : i32 to index
      %get3A_1288 = arith.constant 40 : index
      %get3A_1289 = tpu.vector_load %arg11[%get3A_1285, %get3A_1286, %get3A_1287, %get3A_1288] {strides = array<i32>} : memref<2x3x80x56xf32, #tpu.memory_space<vmem>>, vector<1x1x1x16xf32>,
      %get3A_1290 = vector.shape_cast %get3A_1289 : vector<1x1x1x16xf32> to vector<16xf32>
      %add3A_1291 = arith.addf %get3A_1280, %get3A_1290 : vector<16xf32>
      %add3A_1292 = arith.constant 4 : i32
      %add3A_1293 = arith.addi %mul3A_474, %add3A_1292 : i32
      %get3A_1294 = arith.constant 0 : i32
      %get3A_1295 = arith.constant 2 : i32
      %get3A_1296 = arith.index_cast %get3A_1294 : i32 to index
      %get3A_1297 = arith.index_cast %get3A_1295 : i32 to index
      %get3A_1298 = arith.index_cast %add3A_1293 : i32 to index
      %get3A_1299 = arith.constant 40 : index
      %get3A_1300 = tpu.vector_load %arg11[%get3A_1296, %get3A_1297, %get3A_1298, %get3A_1299] {strides = array<i32>} : memref<2x3x80x56xf32, #tpu.memory_space<vmem>>, vector<1x1x1x16xf32>,
      %get3A_1301 = vector.shape_cast %get3A_1300 : vector<1x1x1x16xf32> to vector<16xf32>
      %add3A_1302 = arith.addf %add3A_1291, %get3A_1301 : vector<16xf32>
      %swap3A_1303 = arith.constant 0 : i32
      %swap3A_1304 = arith.constant 2 : i32
      %swap3A_1305 = arith.index_cast %swap3A_1303 : i32 to index
      %swap3A_1306 = arith.index_cast %select_n3A_458 : i32 to index
      %swap3A_1307 = arith.index_cast %swap3A_1304 : i32 to index
      %swap3A_1308 = arith.index_cast %select_n3A_472 : i32 to index
      %swap3A_1309 = arith.constant 8 : index
      %swap3A_1310 = tpu.vector_load %arg12[%swap3A_1305, %swap3A_1306, %swap3A_1307, %swap3A_1308, %swap3A_1309] {strides = array<i32>} : memref<2x2x3x8x128xf32, #tpu.memory_space<vmem>>, vector<1x1x1x1x16xf32>,
      %swap3A_1311 = vector.shape_cast %swap3A_1310 : vector<1x1x1x1x16xf32> to vector<16xf32>
      %swap3A_1312 = vector.shape_cast %add3A_1302 : vector<16xf32> to vector<1x1x1x1x16xf32>
      tpu.vector_store %arg12[%swap3A_1305, %swap3A_1306, %swap3A_1307, %swap3A_1308, %swap3A_1309], %swap3A_1312 {strides = array<i32>} : memref<2x2x3x8x128xf32, #tpu.memory_space<vmem>>, vector<1x1x1x1x16xf32>,
    }
    %scan3A_169 = arith.constant 16 : i32
    %add3A_170 = arith.constant 0 : i32
    %add3A_171 = arith.addi %mul3A_2, %add3A_170 : i32
    %dma_start3A_172 = arith.constant 0 : i32
    %dma_start3A_173 = arith.constant 0 : i32
    %dma_start3A_174 = arith.constant 0 : i32
    %dma_start3A_175 = arith.constant 0 : i32
    %dma_start3A_176 = arith.constant 0 : i32
    %dma_start3A_177 = arith.constant 0 : i32
    %dma_start3A_178 = tpu.memref_slice %arg12[%dma_start3A_172, %dma_start3A_174, %dma_start3A_175, %dma_start3A_176, %dma_start3A_177] : memref<2x2x3x8x128xf32, #tpu.memory_space<vmem>> -> memref<1x2x3x8x128xf32, #tpu.memory_space<vmem>>
    %dma_start3A_179 = tpu.memref_squeeze %dma_start3A_178 : memref<1x2x3x8x128xf32, #tpu.memory_space<vmem>> -> memref<2x3x8x128xf32, #tpu.memory_space<vmem>>
    %dma_start3A_180 = arith.constant 0 : i32
    %dma_start3A_181 = arith.constant 0 : i32
    %dma_start3A_182 = arith.constant 0 : i32
    %dma_start3A_183 = tpu.memref_slice %arg7[%add3A_171, %dma_start3A_180, %dma_start3A_181, %dma_start3A_182] : memref<2048x3x8x128xf32, #tpu.memory_space<hbm>> -> memref<2x3x8x128xf32, #tpu.memory_space<hbm>>
    %dma_start3A_184 = tpu.memref_slice %arg14[%dma_start3A_173] : memref<2x!tpu.dma_semaphore, #tpu.memory_space<semaphore_mem>> -> memref<1x!tpu.dma_semaphore, #tpu.memory_space<semaphore_mem>>
    %dma_start3A_185 = tpu.memref_squeeze %dma_start3A_184 : memref<1x!tpu.dma_semaphore, #tpu.memory_space<semaphore_mem>> -> memref<!tpu.dma_semaphore, #tpu.memory_space<semaphore_mem>>
    %dma_start3A_186 = arith.constant 0 : i32
    %dma_start3A_187 = arith.constant 0 : i32
    %dma_start3A_188 = arith.constant 0 : i32
    %dma_start3A_189 = tpu.memref_slice %arg7[%add3A_171, %dma_start3A_186, %dma_start3A_187, %dma_start3A_188] : memref<2048x3x8x128xf32, #tpu.memory_space<hbm>> -> memref<2x3x8x128xf32, #tpu.memory_space<hbm>>
    %dma_start3A_190 = arith.constant 0 : i32
    %dma_start3A_191 = arith.constant 0 : i32
    %dma_start3A_192 = arith.constant 0 : i32
    %dma_start3A_193 = arith.constant 0 : i32
    %dma_start3A_194 = tpu.memref_slice %arg12[%dma_start3A_172, %dma_start3A_190, %dma_start3A_191, %dma_start3A_192, %dma_start3A_193] : memref<2x2x3x8x128xf32, #tpu.memory_space<vmem>> -> memref<1x2x3x8x128xf32, #tpu.memory_space<vmem>>
    %dma_start3A_195 = tpu.memref_squeeze %dma_start3A_194 : memref<1x2x3x8x128xf32, #tpu.memory_space<vmem>> -> memref<2x3x8x128xf32, #tpu.memory_space<vmem>>
    tpu.enqueue_dma source(%dma_start3A_195 : memref<2x3x8x128xf32, #tpu.memory_space<vmem>>) target(%dma_start3A_189 : memref<2x3x8x128xf32, #tpu.memory_space<hbm>>) target_semaphore(%dma_start3A_185 : memref<!tpu.dma_semaphore, #tpu.memory_space<semaphore_mem>>)
    %dma_wait3A_196 = arith.constant 0 : i32
    %dma_wait3A_197 = arith.constant 1 : i32
    %dma_wait3A_198 = arith.constant 0 : i32
    %dma_wait3A_199 = arith.constant 1 : i32
    %dma_wait3A_200 = arith.constant 0 : i32
    %dma_wait3A_201 = arith.constant 0 : i32
    %dma_wait3A_202 = arith.constant 0 : i32
    %dma_wait3A_203 = tpu.memref_slice %arg11[%dma_wait3A_197, %dma_wait3A_198, %dma_wait3A_201, %dma_wait3A_202] : memref<2x3x80x56xf32, #tpu.memory_space<vmem>> -> memref<1x1x80x56xf32, #tpu.memory_space<vmem>>
    %dma_wait3A_204 = tpu.memref_squeeze %dma_wait3A_203 : memref<1x1x80x56xf32, #tpu.memory_space<vmem>> -> memref<80x56xf32, #tpu.memory_space<vmem>>
    %dma_wait3A_205 = arith.constant 0 : i32
    %dma_wait3A_206 = tpu.memref_slice %arg8[%dma_wait3A_196, %dma_wait3A_205] : memref<32x80xi32, #tpu.memory_space<vmem>> -> memref<1x80xi32, #tpu.memory_space<vmem>>
    %dma_wait3A_207 = tpu.memref_squeeze %dma_wait3A_206 : memref<1x80xi32, #tpu.memory_space<vmem>> -> memref<80xi32, #tpu.memory_space<vmem>>
    %dma_wait3A_208 = arith.constant 0 : i32
    %dma_wait3A_209 = arith.constant 0 : i32
    %dma_wait3A_210 = tpu.memref_slice %arg2[%dma_wait3A_208, %dma_wait3A_209] : memref<100000x56xf32, #tpu.memory_space<hbm>> -> memref<100000x56xf32, #tpu.memory_space<hbm>>
    %dma_wait3A_211 = tpu.memref_slice %arg13[%dma_wait3A_199, %dma_wait3A_200] : memref<2x3x!tpu.dma_semaphore, #tpu.memory_space<semaphore_mem>> -> memref<1x1x!tpu.dma_semaphore, #tpu.memory_space<semaphore_mem>>
    %dma_wait3A_212 = tpu.memref_squeeze %dma_wait3A_211 : memref<1x1x!tpu.dma_semaphore, #tpu.memory_space<semaphore_mem>> -> memref<!tpu.dma_semaphore, #tpu.memory_space<semaphore_mem>>
    tpu.wait_indirect_dma semaphore(%dma_wait3A_212 : memref<!tpu.dma_semaphore, #tpu.memory_space<semaphore_mem>>) src(%dma_wait3A_210 : memref<100000x56xf32, #tpu.memory_space<hbm>>) dst(%dma_wait3A_204 : memref<80x56xf32, #tpu.memory_space<vmem>>)
    %dma_wait3A_213 = arith.constant 0 : i32
    %dma_wait3A_214 = arith.constant 1 : i32
    %dma_wait3A_215 = arith.constant 1 : i32
    %dma_wait3A_216 = arith.constant 1 : i32
    %dma_wait3A_217 = arith.constant 1 : i32
    %dma_wait3A_218 = arith.constant 0 : i32
    %dma_wait3A_219 = arith.constant 0 : i32
    %dma_wait3A_220 = tpu.memref_slice %arg11[%dma_wait3A_214, %dma_wait3A_215, %dma_wait3A_218, %dma_wait3A_219] : memref<2x3x80x56xf32, #tpu.memory_space<vmem>> -> memref<1x1x80x56xf32, #tpu.memory_space<vmem>>
    %dma_wait3A_221 = tpu.memref_squeeze %dma_wait3A_220 : memref<1x1x80x56xf32, #tpu.memory_space<vmem>> -> memref<80x56xf32, #tpu.memory_space<vmem>>
    %dma_wait3A_222 = arith.constant 0 : i32
    %dma_wait3A_223 = tpu.memref_slice %arg8[%dma_wait3A_213, %dma_wait3A_222] : memref<32x80xi32, #tpu.memory_space<vmem>> -> memref<1x80xi32, #tpu.memory_space<vmem>>
    %dma_wait3A_224 = tpu.memref_squeeze %dma_wait3A_223 : memref<1x80xi32, #tpu.memory_space<vmem>> -> memref<80xi32, #tpu.memory_space<vmem>>
    %dma_wait3A_225 = arith.constant 0 : i32
    %dma_wait3A_226 = arith.constant 0 : i32
    %dma_wait3A_227 = tpu.memref_slice %arg2[%dma_wait3A_225, %dma_wait3A_226] : memref<100000x56xf32, #tpu.memory_space<hbm>> -> memref<100000x56xf32, #tpu.memory_space<hbm>>
    %dma_wait3A_228 = tpu.memref_slice %arg13[%dma_wait3A_216, %dma_wait3A_217] : memref<2x3x!tpu.dma_semaphore, #tpu.memory_space<semaphore_mem>> -> memref<1x1x!tpu.dma_semaphore, #tpu.memory_space<semaphore_mem>>
    %dma_wait3A_229 = tpu.memref_squeeze %dma_wait3A_228 : memref<1x1x!tpu.dma_semaphore, #tpu.memory_space<semaphore_mem>> -> memref<!tpu.dma_semaphore, #tpu.memory_space<semaphore_mem>>
    tpu.wait_indirect_dma semaphore(%dma_wait3A_229 : memref<!tpu.dma_semaphore, #tpu.memory_space<semaphore_mem>>) src(%dma_wait3A_227 : memref<100000x56xf32, #tpu.memory_space<hbm>>) dst(%dma_wait3A_221 : memref<80x56xf32, #tpu.memory_space<vmem>>)
    %dma_wait3A_230 = arith.constant 0 : i32
    %dma_wait3A_231 = arith.constant 1 : i32
    %dma_wait3A_232 = arith.constant 2 : i32
    %dma_wait3A_233 = arith.constant 1 : i32
    %dma_wait3A_234 = arith.constant 2 : i32
    %dma_wait3A_235 = arith.constant 0 : i32
    %dma_wait3A_236 = arith.constant 0 : i32
    %dma_wait3A_237 = tpu.memref_slice %arg11[%dma_wait3A_231, %dma_wait3A_232, %dma_wait3A_235, %dma_wait3A_236] : memref<2x3x80x56xf32, #tpu.memory_space<vmem>> -> memref<1x1x80x56xf32, #tpu.memory_space<vmem>>
    %dma_wait3A_238 = tpu.memref_squeeze %dma_wait3A_237 : memref<1x1x80x56xf32, #tpu.memory_space<vmem>> -> memref<80x56xf32, #tpu.memory_space<vmem>>
    %dma_wait3A_239 = arith.constant 0 : i32
    %dma_wait3A_240 = tpu.memref_slice %arg8[%dma_wait3A_230, %dma_wait3A_239] : memref<32x80xi32, #tpu.memory_space<vmem>> -> memref<1x80xi32, #tpu.memory_space<vmem>>
    %dma_wait3A_241 = tpu.memref_squeeze %dma_wait3A_240 : memref<1x80xi32, #tpu.memory_space<vmem>> -> memref<80xi32, #tpu.memory_space<vmem>>
    %dma_wait3A_242 = arith.constant 0 : i32
    %dma_wait3A_243 = arith.constant 0 : i32
    %dma_wait3A_244 = tpu.memref_slice %arg2[%dma_wait3A_242, %dma_wait3A_243] : memref<100000x56xf32, #tpu.memory_space<hbm>> -> memref<100000x56xf32, #tpu.memory_space<hbm>>
    %dma_wait3A_245 = tpu.memref_slice %arg13[%dma_wait3A_233, %dma_wait3A_234] : memref<2x3x!tpu.dma_semaphore, #tpu.memory_space<semaphore_mem>> -> memref<1x1x!tpu.dma_semaphore, #tpu.memory_space<semaphore_mem>>
    %dma_wait3A_246 = tpu.memref_squeeze %dma_wait3A_245 : memref<1x1x!tpu.dma_semaphore, #tpu.memory_space<semaphore_mem>> -> memref<!tpu.dma_semaphore, #tpu.memory_space<semaphore_mem>>
    tpu.wait_indirect_dma semaphore(%dma_wait3A_246 : memref<!tpu.dma_semaphore, #tpu.memory_space<semaphore_mem>>) src(%dma_wait3A_244 : memref<100000x56xf32, #tpu.memory_space<hbm>>) dst(%dma_wait3A_238 : memref<80x56xf32, #tpu.memory_space<vmem>>)
    %jit3A_247 = arith.constant true
    %jit3A_248 = arith.constant 2 : i32
    %jit3A_249 = arith.constant 0 : i32
    %select_n3A_250 = arith.select %jit3A_247, %jit3A_248, %jit3A_249 : i32
    %dma_start3A_251 = arith.constant 0 : i32
    %dma_start3A_252 = arith.constant 0 : i32
    %dma_start3A_253 = arith.constant 0 : i32
    %dma_start3A_254 = arith.constant 0 : i32
    %dma_start3A_255 = arith.constant 0 : i32
    %dma_start3A_256 = arith.constant 0 : i32
    %dma_start3A_257 = tpu.memref_slice %arg11[%dma_start3A_251, %dma_start3A_252, %dma_start3A_255, %dma_start3A_256] : memref<2x3x80x56xf32, #tpu.memory_space<vmem>> -> memref<1x1x80x56xf32, #tpu.memory_space<vmem>>
    %dma_start3A_258 = tpu.memref_squeeze %dma_start3A_257 : memref<1x1x80x56xf32, #tpu.memory_space<vmem>> -> memref<80x56xf32, #tpu.memory_space<vmem>>
    %dma_start3A_259 = arith.constant 0 : i32
    %dma_start3A_260 = tpu.memref_slice %arg8[%select_n3A_250, %dma_start3A_259] : memref<32x80xi32, #tpu.memory_space<vmem>> -> memref<1x80xi32, #tpu.memory_space<vmem>>
    %dma_start3A_261 = tpu.memref_squeeze %dma_start3A_260 : memref<1x80xi32, #tpu.memory_space<vmem>> -> memref<80xi32, #tpu.memory_space<vmem>>
    %dma_start3A_262 = arith.constant 0 : i32
    %dma_start3A_263 = arith.constant 0 : i32
    %dma_start3A_264 = tpu.memref_slice %arg2[%dma_start3A_262, %dma_start3A_263] : memref<100000x56xf32, #tpu.memory_space<hbm>> -> memref<100000x56xf32, #tpu.memory_space<hbm>>
    %dma_start3A_265 = tpu.memref_slice %arg13[%dma_start3A_253, %dma_start3A_254] : memref<2x3x!tpu.dma_semaphore, #tpu.memory_space<semaphore_mem>> -> memref<1x1x!tpu.dma_semaphore, #tpu.memory_space<semaphore_mem>>
    %dma_start3A_266 = tpu.memref_squeeze %dma_start3A_265 : memref<1x1x!tpu.dma_semaphore, #tpu.memory_space<semaphore_mem>> -> memref<!tpu.dma_semaphore, #tpu.memory_space<semaphore_mem>>
    tpu.enqueue_indirect_dma source(%dma_start3A_264 : memref<100000x56xf32, #tpu.memory_space<hbm>>) target(%dma_start3A_258 : memref<80x56xf32, #tpu.memory_space<vmem>>) offsets(%dma_start3A_261 : memref<80xi32, #tpu.memory_space<vmem>>) semaphore(%dma_start3A_266 : memref<!tpu.dma_semaphore, #tpu.memory_space<semaphore_mem>>)
    %dma_start3A_267 = arith.constant 0 : i32
    %dma_start3A_268 = arith.constant 1 : i32
    %dma_start3A_269 = arith.constant 0 : i32
    %dma_start3A_270 = arith.constant 1 : i32
    %dma_start3A_271 = arith.constant 0 : i32
    %dma_start3A_272 = arith.constant 0 : i32
    %dma_start3A_273 = tpu.memref_slice %arg11[%dma_start3A_267, %dma_start3A_268, %dma_start3A_271, %dma_start3A_272] : memref<2x3x80x56xf32, #tpu.memory_space<vmem>> -> memref<1x1x80x56xf32, #tpu.memory_space<vmem>>
    %dma_start3A_274 = tpu.memref_squeeze %dma_start3A_273 : memref<1x1x80x56xf32, #tpu.memory_space<vmem>> -> memref<80x56xf32, #tpu.memory_space<vmem>>
    %dma_start3A_275 = arith.constant 0 : i32
    %dma_start3A_276 = tpu.memref_slice %arg9[%select_n3A_250, %dma_start3A_275] : memref<32x80xi32, #tpu.memory_space<vmem>> -> memref<1x80xi32, #tpu.memory_space<vmem>>
    %dma_start3A_277 = tpu.memref_squeeze %dma_start3A_276 : memref<1x80xi32, #tpu.memory_space<vmem>> -> memref<80xi32, #tpu.memory_space<vmem>>
    %dma_start3A_278 = arith.constant 0 : i32
    %dma_start3A_279 = arith.constant 0 : i32
    %dma_start3A_280 = tpu.memref_slice %arg3[%dma_start3A_278, %dma_start3A_279] : memref<50000x56xf32, #tpu.memory_space<hbm>> -> memref<50000x56xf32, #tpu.memory_space<hbm>>
    %dma_start3A_281 = tpu.memref_slice %arg13[%dma_start3A_269, %dma_start3A_270] : memref<2x3x!tpu.dma_semaphore, #tpu.memory_space<semaphore_mem>> -> memref<1x1x!tpu.dma_semaphore, #tpu.memory_space<semaphore_mem>>
    %dma_start3A_282 = tpu.memref_squeeze %dma_start3A_281 : memref<1x1x!tpu.dma_semaphore, #tpu.memory_space<semaphore_mem>> -> memref<!tpu.dma_semaphore, #tpu.memory_space<semaphore_mem>>
    tpu.enqueue_indirect_dma source(%dma_start3A_280 : memref<50000x56xf32, #tpu.memory_space<hbm>>) target(%dma_start3A_274 : memref<80x56xf32, #tpu.memory_space<vmem>>) offsets(%dma_start3A_277 : memref<80xi32, #tpu.memory_space<vmem>>) semaphore(%dma_start3A_282 : memref<!tpu.dma_semaphore, #tpu.memory_space<semaphore_mem>>)
    %dma_start3A_283 = arith.constant 0 : i32
    %dma_start3A_284 = arith.constant 2 : i32
    %dma_start3A_285 = arith.constant 0 : i32
    %dma_start3A_286 = arith.constant 2 : i32
    %dma_start3A_287 = arith.constant 0 : i32
    %dma_start3A_288 = arith.constant 0 : i32
    %dma_start3A_289 = tpu.memref_slice %arg11[%dma_start3A_283, %dma_start3A_284, %dma_start3A_287, %dma_start3A_288] : memref<2x3x80x56xf32, #tpu.memory_space<vmem>> -> memref<1x1x80x56xf32, #tpu.memory_space<vmem>>
    %dma_start3A_290 = tpu.memref_squeeze %dma_start3A_289 : memref<1x1x80x56xf32, #tpu.memory_space<vmem>> -> memref<80x56xf32, #tpu.memory_space<vmem>>
    %dma_start3A_291 = arith.constant 0 : i32
    %dma_start3A_292 = tpu.memref_slice %arg10[%select_n3A_250, %dma_start3A_291] : memref<32x80xi32, #tpu.memory_space<vmem>> -> memref<1x80xi32, #tpu.memory_space<vmem>>
    %dma_start3A_293 = tpu.memref_squeeze %dma_start3A_292 : memref<1x80xi32, #tpu.memory_space<vmem>> -> memref<80xi32, #tpu.memory_space<vmem>>
    %dma_start3A_294 = arith.constant 0 : i32
    %dma_start3A_295 = arith.constant 0 : i32
    %dma_start3A_296 = tpu.memref_slice %arg3[%dma_start3A_294, %dma_start3A_295] : memref<50000x56xf32, #tpu.memory_space<hbm>> -> memref<50000x56xf32, #tpu.memory_space<hbm>>
    %dma_start3A_297 = tpu.memref_slice %arg13[%dma_start3A_285, %dma_start3A_286] : memref<2x3x!tpu.dma_semaphore, #tpu.memory_space<semaphore_mem>> -> memref<1x1x!tpu.dma_semaphore, #tpu.memory_space<semaphore_mem>>
    %dma_start3A_298 = tpu.memref_squeeze %dma_start3A_297 : memref<1x1x!tpu.dma_semaphore, #tpu.memory_space<semaphore_mem>> -> memref<!tpu.dma_semaphore, #tpu.memory_space<semaphore_mem>>
    tpu.enqueue_indirect_dma source(%dma_start3A_296 : memref<50000x56xf32, #tpu.memory_space<hbm>>) target(%dma_start3A_290 : memref<80x56xf32, #tpu.memory_space<vmem>>) offsets(%dma_start3A_293 : memref<80xi32, #tpu.memory_space<vmem>>) semaphore(%dma_start3A_298 : memref<!tpu.dma_semaphore, #tpu.memory_space<semaphore_mem>>)
    %scan3A_299 = arith.constant 0 : i32
    %scan3A_300 = arith.constant 0 : i32
    %scan3A_301 = arith.constant 16 : i32
    %scan3A_302 = arith.addi %scan3A_300, %scan3A_301 : i32
    %scan3A_303 = arith.constant 1 : i32
    scf.for %scan3A_440 = %scan3A_300 to %scan3A_302 step %scan3A_303  : i32 {
      %jit3A_441 = arith.constant 8 : i32
      %div3A = arith.divsi %scan3A_440, %jit3A_441 : i32
      %sign3A = arith.constant 0 : i32
      %sign3A_442 = arith.cmpi sgt, %scan3A_440, %sign3A : i32
      %sign3A_443 = arith.extui %sign3A_442 : i1 to i32
      %sign3A_444 = arith.constant 0 : i32
      %sign3A_445 = arith.cmpi slt, %scan3A_440, %sign3A_444 : i32
      %sign3A_446 = arith.extui %sign3A_445 : i1 to i32
      %sign3A_447 = arith.subi %sign3A_443, %sign3A_446 : i32
      %sign3A_448 = arith.constant 0 : i32
      %sign3A_449 = arith.cmpi sgt, %jit3A_441, %sign3A_448 : i32
      %sign3A_450 = arith.extui %sign3A_449 : i1 to i32
      %sign3A_451 = arith.constant 0 : i32
      %sign3A_452 = arith.cmpi slt, %jit3A_441, %sign3A_451 : i32
      %sign3A_453 = arith.extui %sign3A_452 : i1 to i32
      %sign3A_454 = arith.subi %sign3A_450, %sign3A_453 : i32
      %ne3A = arith.cmpi ne, %sign3A_447, %sign3A_454 : i32
      %rem3A = arith.remsi %scan3A_440, %jit3A_441 : i32
      %ne3A_455 = arith.constant 0 : i32
      %ne3A_456 = arith.cmpi ne, %rem3A, %ne3A_455 : i32
      %and3A = arith.andi %ne3A, %ne3A_456 : i1
      %sub3A = arith.constant 1 : i32
      %sub3A_457 = arith.subi %div3A, %sub3A : i32
      %select_n3A_458 = arith.select %and3A, %sub3A_457, %div3A : i32
      %jit3A_459 = arith.constant 8 : i32
      %eq3A = arith.constant 0 : i32
      %eq3A_460 = arith.cmpi eq, %jit3A_459, %eq3A : i32
      %jit3A_461 = arith.constant 1 : i32
      %select_n3A_462 = arith.select %eq3A_460, %jit3A_461, %jit3A_459 : i32
      %rem3A_463 = arith.remsi %scan3A_440, %select_n3A_462 : i32
      %ne3A_464 = arith.constant 0 : i32
      %ne3A_465 = arith.cmpi ne, %rem3A_463, %ne3A_464 : i32
      %lt3A = arith.constant 0 : i32
      %lt3A_466 = arith.cmpi slt, %rem3A_463, %lt3A : i32
      %lt3A_467 = arith.constant 0 : i32
      %lt3A_468 = arith.cmpi slt, %select_n3A_462, %lt3A_467 : i32
      %ne3A_469 = arith.xori %lt3A_466, %lt3A_468 : i1
      %and3A_470 = arith.andi %ne3A_469, %ne3A_465 : i1
      %add3A_471 = arith.addi %rem3A_463, %select_n3A_462 : i32
      %select_n3A_472 = arith.select %and3A_470, %add3A_471, %rem3A_463 : i32
      %mul3A_473 = arith.constant 5 : i32
      %mul3A_474 = arith.muli %scan3A_440, %mul3A_473 : i32
      %add3A_475 = arith.constant 0 : i32
      %add3A_476 = arith.addi %mul3A_474, %add3A_475 : i32
      %get3A = arith.constant 1 : i32
      %get3A_477 = arith.constant 0 : i32
      %get3A_478 = arith.index_cast %get3A : i32 to index
      %get3A_479 = arith.index_cast %get3A_477 : i32 to index
      %get3A_480 = arith.index_cast %add3A_476 : i32 to index
      %get3A_481 = arith.constant 0 : index
      %get3A_482 = tpu.vector_load %arg11[%get3A_478, %get3A_479, %get3A_480, %get3A_481] {strides = array<i32>} : memref<2x3x80x56xf32, #tpu.memory_space<vmem>>, vector<1x1x1x16xf32>,
      %get3A_483 = vector.shape_cast %get3A_482 : vector<1x1x1x16xf32> to vector<16xf32>
      %add3A_484 = arith.constant 0 : i32
      %add3A_485 = arith.addi %mul3A_474, %add3A_484 : i32
      %get3A_486 = arith.constant 1 : i32
      %get3A_487 = arith.constant 1 : i32
      %get3A_488 = arith.index_cast %get3A_486 : i32 to index
      %get3A_489 = arith.index_cast %get3A_487 : i32 to index
      %get3A_490 = arith.index_cast %add3A_485 : i32 to index
      %get3A_491 = arith.constant 0 : index
      %get3A_492 = tpu.vector_load %arg11[%get3A_488, %get3A_489, %get3A_490, %get3A_491] {strides = array<i32>} : memref<2x3x80x56xf32, #tpu.memory_space<vmem>>, vector<1x1x1x16xf32>,
      %get3A_493 = vector.shape_cast %get3A_492 : vector<1x1x1x16xf32> to vector<16xf32>
      %add3A_494 = arith.addf %get3A_483, %get3A_493 : vector<16xf32>
      %add3A_495 = arith.constant 0 : i32
      %add3A_496 = arith.addi %mul3A_474, %add3A_495 : i32
      %get3A_497 = arith.constant 1 : i32
      %get3A_498 = arith.constant 2 : i32
      %get3A_499 = arith.index_cast %get3A_497 : i32 to index
      %get3A_500 = arith.index_cast %get3A_498 : i32 to index
      %get3A_501 = arith.index_cast %add3A_496 : i32 to index
      %get3A_502 = arith.constant 0 : index
      %get3A_503 = tpu.vector_load %arg11[%get3A_499, %get3A_500, %get3A_501, %get3A_502] {strides = array<i32>} : memref<2x3x80x56xf32, #tpu.memory_space<vmem>>, vector<1x1x1x16xf32>,
      %get3A_504 = vector.shape_cast %get3A_503 : vector<1x1x1x16xf32> to vector<16xf32>
      %add3A_505 = arith.addf %add3A_494, %get3A_504 : vector<16xf32>
      %swap3A = arith.constant 1 : i32
      %swap3A_506 = arith.constant 0 : i32
      %swap3A_507 = arith.index_cast %swap3A : i32 to index
      %swap3A_508 = arith.index_cast %select_n3A_458 : i32 to index
      %swap3A_509 = arith.index_cast %swap3A_506 : i32 to index
      %swap3A_510 = arith.index_cast %select_n3A_472 : i32 to index
      %swap3A_511 = arith.constant 0 : index
      %swap3A_512 = tpu.vector_load %arg12[%swap3A_507, %swap3A_508, %swap3A_509, %swap3A_510, %swap3A_511] {strides = array<i32>} : memref<2x2x3x8x128xf32, #tpu.memory_space<vmem>>, vector<1x1x1x1x16xf32>,
      %swap3A_513 = vector.shape_cast %swap3A_512 : vector<1x1x1x1x16xf32> to vector<16xf32>
      %swap3A_514 = vector.shape_cast %add3A_505 : vector<16xf32> to vector<1x1x1x1x16xf32>
      tpu.vector_store %arg12[%swap3A_507, %swap3A_508, %swap3A_509, %swap3A_510, %swap3A_511], %swap3A_514 {strides = array<i32>} : memref<2x2x3x8x128xf32, #tpu.memory_space<vmem>>, vector<1x1x1x1x16xf32>,
      %add3A_515 = arith.constant 0 : i32
      %add3A_516 = arith.addi %mul3A_474, %add3A_515 : i32
      %get3A_517 = arith.constant 1 : i32
      %get3A_518 = arith.constant 0 : i32
      %get3A_519 = arith.index_cast %get3A_517 : i32 to index
      %get3A_520 = arith.index_cast %get3A_518 : i32 to index
      %get3A_521 = arith.index_cast %add3A_516 : i32 to index
      %get3A_522 = arith.constant 16 : index
      %get3A_523 = tpu.vector_load %arg11[%get3A_519, %get3A_520, %get3A_521, %get3A_522] {strides = array<i32>} : memref<2x3x80x56xf32, #tpu.memory_space<vmem>>, vector<1x1x1x16xf32>,
      %get3A_524 = vector.shape_cast %get3A_523 : vector<1x1x1x16xf32> to vector<16xf32>
      %add3A_525 = arith.constant 0 : i32
      %add3A_526 = arith.addi %mul3A_474, %add3A_525 : i32
      %get3A_527 = arith.constant 1 : i32
      %get3A_528 = arith.constant 1 : i32
      %get3A_529 = arith.index_cast %get3A_527 : i32 to index
      %get3A_530 = arith.index_cast %get3A_528 : i32 to index
      %get3A_531 = arith.index_cast %add3A_526 : i32 to index
      %get3A_532 = arith.constant 16 : index
      %get3A_533 = tpu.vector_load %arg11[%get3A_529, %get3A_530, %get3A_531, %get3A_532] {strides = array<i32>} : memref<2x3x80x56xf32, #tpu.memory_space<vmem>>, vector<1x1x1x16xf32>,
      %get3A_534 = vector.shape_cast %get3A_533 : vector<1x1x1x16xf32> to vector<16xf32>
      %add3A_535 = arith.addf %get3A_524, %get3A_534 : vector<16xf32>
      %add3A_536 = arith.constant 0 : i32
      %add3A_537 = arith.addi %mul3A_474, %add3A_536 : i32
      %get3A_538 = arith.constant 1 : i32
      %get3A_539 = arith.constant 2 : i32
      %get3A_540 = arith.index_cast %get3A_538 : i32 to index
      %get3A_541 = arith.index_cast %get3A_539 : i32 to index
      %get3A_542 = arith.index_cast %add3A_537 : i32 to index
      %get3A_543 = arith.constant 16 : index
      %get3A_544 = tpu.vector_load %arg11[%get3A_540, %get3A_541, %get3A_542, %get3A_543] {strides = array<i32>} : memref<2x3x80x56xf32, #tpu.memory_space<vmem>>, vector<1x1x1x16xf32>,
      %get3A_545 = vector.shape_cast %get3A_544 : vector<1x1x1x16xf32> to vector<16xf32>
      %add3A_546 = arith.addf %add3A_535, %get3A_545 : vector<16xf32>
      %swap3A_547 = arith.constant 1 : i32
      %swap3A_548 = arith.constant 0 : i32
      %swap3A_549 = arith.index_cast %swap3A_547 : i32 to index
      %swap3A_550 = arith.index_cast %select_n3A_458 : i32 to index
      %swap3A_551 = arith.index_cast %swap3A_548 : i32 to index
      %swap3A_552 = arith.index_cast %select_n3A_472 : i32 to index
      %swap3A_553 = arith.constant 16 : index
      %swap3A_554 = tpu.vector_load %arg12[%swap3A_549, %swap3A_550, %swap3A_551, %swap3A_552, %swap3A_553] {strides = array<i32>} : memref<2x2x3x8x128xf32, #tpu.memory_space<vmem>>, vector<1x1x1x1x16xf32>,
      %swap3A_555 = vector.shape_cast %swap3A_554 : vector<1x1x1x1x16xf32> to vector<16xf32>
      %swap3A_556 = vector.shape_cast %add3A_546 : vector<16xf32> to vector<1x1x1x1x16xf32>
      tpu.vector_store %arg12[%swap3A_549, %swap3A_550, %swap3A_551, %swap3A_552, %swap3A_553], %swap3A_556 {strides = array<i32>} : memref<2x2x3x8x128xf32, #tpu.memory_space<vmem>>, vector<1x1x1x1x16xf32>,
      %add3A_557 = arith.constant 0 : i32
      %add3A_558 = arith.addi %mul3A_474, %add3A_557 : i32
      %get3A_559 = arith.constant 1 : i32
      %get3A_560 = arith.constant 0 : i32
      %get3A_561 = arith.index_cast %get3A_559 : i32 to index
      %get3A_562 = arith.index_cast %get3A_560 : i32 to index
      %get3A_563 = arith.index_cast %add3A_558 : i32 to index
      %get3A_564 = arith.constant 32 : index
      %get3A_565 = tpu.vector_load %arg11[%get3A_561, %get3A_562, %get3A_563, %get3A_564] {strides = array<i32>} : memref<2x3x80x56xf32, #tpu.memory_space<vmem>>, vector<1x1x1x16xf32>,
      %get3A_566 = vector.shape_cast %get3A_565 : vector<1x1x1x16xf32> to vector<16xf32>
      %add3A_567 = arith.constant 0 : i32
      %add3A_568 = arith.addi %mul3A_474, %add3A_567 : i32
      %get3A_569 = arith.constant 1 : i32
      %get3A_570 = arith.constant 1 : i32
      %get3A_571 = arith.index_cast %get3A_569 : i32 to index
      %get3A_572 = arith.index_cast %get3A_570 : i32 to index
      %get3A_573 = arith.index_cast %add3A_568 : i32 to index
      %get3A_574 = arith.constant 32 : index
      %get3A_575 = tpu.vector_load %arg11[%get3A_571, %get3A_572, %get3A_573, %get3A_574] {strides = array<i32>} : memref<2x3x80x56xf32, #tpu.memory_space<vmem>>, vector<1x1x1x16xf32>,
      %get3A_576 = vector.shape_cast %get3A_575 : vector<1x1x1x16xf32> to vector<16xf32>
      %add3A_577 = arith.addf %get3A_566, %get3A_576 : vector<16xf32>
      %add3A_578 = arith.constant 0 : i32
      %add3A_579 = arith.addi %mul3A_474, %add3A_578 : i32
      %get3A_580 = arith.constant 1 : i32
      %get3A_581 = arith.constant 2 : i32
      %get3A_582 = arith.index_cast %get3A_580 : i32 to index
      %get3A_583 = arith.index_cast %get3A_581 : i32 to index
      %get3A_584 = arith.index_cast %add3A_579 : i32 to index
      %get3A_585 = arith.constant 32 : index
      %get3A_586 = tpu.vector_load %arg11[%get3A_582, %get3A_583, %get3A_584, %get3A_585] {strides = array<i32>} : memref<2x3x80x56xf32, #tpu.memory_space<vmem>>, vector<1x1x1x16xf32>,
      %get3A_587 = vector.shape_cast %get3A_586 : vector<1x1x1x16xf32> to vector<16xf32>
      %add3A_588 = arith.addf %add3A_577, %get3A_587 : vector<16xf32>
      %swap3A_589 = arith.constant 1 : i32
      %swap3A_590 = arith.constant 0 : i32
      %swap3A_591 = arith.index_cast %swap3A_589 : i32 to index
      %swap3A_592 = arith.index_cast %select_n3A_458 : i32 to index
      %swap3A_593 = arith.index_cast %swap3A_590 : i32 to index
      %swap3A_594 = arith.index_cast %select_n3A_472 : i32 to index
      %swap3A_595 = arith.constant 32 : index
      %swap3A_596 = tpu.vector_load %arg12[%swap3A_591, %swap3A_592, %swap3A_593, %swap3A_594, %swap3A_595] {strides = array<i32>} : memref<2x2x3x8x128xf32, #tpu.memory_space<vmem>>, vector<1x1x1x1x16xf32>,
      %swap3A_597 = vector.shape_cast %swap3A_596 : vector<1x1x1x1x16xf32> to vector<16xf32>
      %swap3A_598 = vector.shape_cast %add3A_588 : vector<16xf32> to vector<1x1x1x1x16xf32>
      tpu.vector_store %arg12[%swap3A_591, %swap3A_592, %swap3A_593, %swap3A_594, %swap3A_595], %swap3A_598 {strides = array<i32>} : memref<2x2x3x8x128xf32, #tpu.memory_space<vmem>>, vector<1x1x1x1x16xf32>,
      %add3A_599 = arith.constant 0 : i32
      %add3A_600 = arith.addi %mul3A_474, %add3A_599 : i32
      %get3A_601 = arith.constant 1 : i32
      %get3A_602 = arith.constant 0 : i32
      %get3A_603 = arith.index_cast %get3A_601 : i32 to index
      %get3A_604 = arith.index_cast %get3A_602 : i32 to index
      %get3A_605 = arith.index_cast %add3A_600 : i32 to index
      %get3A_606 = arith.constant 40 : index
      %get3A_607 = tpu.vector_load %arg11[%get3A_603, %get3A_604, %get3A_605, %get3A_606] {strides = array<i32>} : memref<2x3x80x56xf32, #tpu.memory_space<vmem>>, vector<1x1x1x16xf32>,
      %get3A_608 = vector.shape_cast %get3A_607 : vector<1x1x1x16xf32> to vector<16xf32>
      %add3A_609 = arith.constant 0 : i32
      %add3A_610 = arith.addi %mul3A_474, %add3A_609 : i32
      %get3A_611 = arith.constant 1 : i32
      %get3A_612 = arith.constant 1 : i32
      %get3A_613 = arith.index_cast %get3A_611 : i32 to index
      %get3A_614 = arith.index_cast %get3A_612 : i32 to index
      %get3A_615 = arith.index_cast %add3A_610 : i32 to index
      %get3A_616 = arith.constant 40 : index
      %get3A_617 = tpu.vector_load %arg11[%get3A_613, %get3A_614, %get3A_615, %get3A_616] {strides = array<i32>} : memref<2x3x80x56xf32, #tpu.memory_space<vmem>>, vector<1x1x1x16xf32>,
      %get3A_618 = vector.shape_cast %get3A_617 : vector<1x1x1x16xf32> to vector<16xf32>
      %add3A_619 = arith.addf %get3A_608, %get3A_618 : vector<16xf32>
      %add3A_620 = arith.constant 0 : i32
      %add3A_621 = arith.addi %mul3A_474, %add3A_620 : i32
      %get3A_622 = arith.constant 1 : i32
      %get3A_623 = arith.constant 2 : i32
      %get3A_624 = arith.index_cast %get3A_622 : i32 to index
      %get3A_625 = arith.index_cast %get3A_623 : i32 to index
      %get3A_626 = arith.index_cast %add3A_621 : i32 to index
      %get3A_627 = arith.constant 40 : index
      %get3A_628 = tpu.vector_load %arg11[%get3A_624, %get3A_625, %get3A_626, %get3A_627] {strides = array<i32>} : memref<2x3x80x56xf32, #tpu.memory_space<vmem>>, vector<1x1x1x16xf32>,
      %get3A_629 = vector.shape_cast %get3A_628 : vector<1x1x1x16xf32> to vector<16xf32>
      %add3A_630 = arith.addf %add3A_619, %get3A_629 : vector<16xf32>
      %swap3A_631 = arith.constant 1 : i32
      %swap3A_632 = arith.constant 0 : i32
      %swap3A_633 = arith.index_cast %swap3A_631 : i32 to index
      %swap3A_634 = arith.index_cast %select_n3A_458 : i32 to index
      %swap3A_635 = arith.index_cast %swap3A_632 : i32 to index
      %swap3A_636 = arith.index_cast %select_n3A_472 : i32 to index
      %swap3A_637 = arith.constant 40 : index
      %swap3A_638 = tpu.vector_load %arg12[%swap3A_633, %swap3A_634, %swap3A_635, %swap3A_636, %swap3A_637] {strides = array<i32>} : memref<2x2x3x8x128xf32, #tpu.memory_space<vmem>>, vector<1x1x1x1x16xf32>,
      %swap3A_639 = vector.shape_cast %swap3A_638 : vector<1x1x1x1x16xf32> to vector<16xf32>
      %swap3A_640 = vector.shape_cast %add3A_630 : vector<16xf32> to vector<1x1x1x1x16xf32>
      tpu.vector_store %arg12[%swap3A_633, %swap3A_634, %swap3A_635, %swap3A_636, %swap3A_637], %swap3A_640 {strides = array<i32>} : memref<2x2x3x8x128xf32, #tpu.memory_space<vmem>>, vector<1x1x1x1x16xf32>,
      %add3A_641 = arith.constant 1 : i32
      %add3A_642 = arith.addi %mul3A_474, %add3A_641 : i32
      %get3A_643 = arith.constant 1 : i32
      %get3A_644 = arith.constant 0 : i32
      %get3A_645 = arith.index_cast %get3A_643 : i32 to index
      %get3A_646 = arith.index_cast %get3A_644 : i32 to index
      %get3A_647 = arith.index_cast %add3A_642 : i32 to index
      %get3A_648 = arith.constant 0 : index
      %get3A_649 = tpu.vector_load %arg11[%get3A_645, %get3A_646, %get3A_647, %get3A_648] {strides = array<i32>} : memref<2x3x80x56xf32, #tpu.memory_space<vmem>>, vector<1x1x1x16xf32>,
      %get3A_650 = vector.shape_cast %get3A_649 : vector<1x1x1x16xf32> to vector<16xf32>
      %add3A_651 = arith.constant 1 : i32
      %add3A_652 = arith.addi %mul3A_474, %add3A_651 : i32
      %get3A_653 = arith.constant 1 : i32
      %get3A_654 = arith.constant 1 : i32
      %get3A_655 = arith.index_cast %get3A_653 : i32 to index
      %get3A_656 = arith.index_cast %get3A_654 : i32 to index
      %get3A_657 = arith.index_cast %add3A_652 : i32 to index
      %get3A_658 = arith.constant 0 : index
      %get3A_659 = tpu.vector_load %arg11[%get3A_655, %get3A_656, %get3A_657, %get3A_658] {strides = array<i32>} : memref<2x3x80x56xf32, #tpu.memory_space<vmem>>, vector<1x1x1x16xf32>,
      %get3A_660 = vector.shape_cast %get3A_659 : vector<1x1x1x16xf32> to vector<16xf32>
      %add3A_661 = arith.addf %get3A_650, %get3A_660 : vector<16xf32>
      %add3A_662 = arith.constant 1 : i32
      %add3A_663 = arith.addi %mul3A_474, %add3A_662 : i32
      %get3A_664 = arith.constant 1 : i32
      %get3A_665 = arith.constant 2 : i32
      %get3A_666 = arith.index_cast %get3A_664 : i32 to index
      %get3A_667 = arith.index_cast %get3A_665 : i32 to index
      %get3A_668 = arith.index_cast %add3A_663 : i32 to index
      %get3A_669 = arith.constant 0 : index
      %get3A_670 = tpu.vector_load %arg11[%get3A_666, %get3A_667, %get3A_668, %get3A_669] {strides = array<i32>} : memref<2x3x80x56xf32, #tpu.memory_space<vmem>>, vector<1x1x1x16xf32>,
      %get3A_671 = vector.shape_cast %get3A_670 : vector<1x1x1x16xf32> to vector<16xf32>
      %add3A_672 = arith.addf %add3A_661, %get3A_671 : vector<16xf32>
      %swap3A_673 = arith.constant 1 : i32
      %swap3A_674 = arith.constant 0 : i32
      %swap3A_675 = arith.index_cast %swap3A_673 : i32 to index
      %swap3A_676 = arith.index_cast %select_n3A_458 : i32 to index
      %swap3A_677 = arith.index_cast %swap3A_674 : i32 to index
      %swap3A_678 = arith.index_cast %select_n3A_472 : i32 to index
      %swap3A_679 = arith.constant 56 : index
      %swap3A_680 = tpu.vector_load %arg12[%swap3A_675, %swap3A_676, %swap3A_677, %swap3A_678, %swap3A_679] {strides = array<i32>} : memref<2x2x3x8x128xf32, #tpu.memory_space<vmem>>, vector<1x1x1x1x16xf32>,
      %swap3A_681 = vector.shape_cast %swap3A_680 : vector<1x1x1x1x16xf32> to vector<16xf32>
      %swap3A_682 = vector.shape_cast %add3A_672 : vector<16xf32> to vector<1x1x1x1x16xf32>
      tpu.vector_store %arg12[%swap3A_675, %swap3A_676, %swap3A_677, %swap3A_678, %swap3A_679], %swap3A_682 {strides = array<i32>} : memref<2x2x3x8x128xf32, #tpu.memory_space<vmem>>, vector<1x1x1x1x16xf32>,
      %add3A_683 = arith.constant 1 : i32
      %add3A_684 = arith.addi %mul3A_474, %add3A_683 : i32
      %get3A_685 = arith.constant 1 : i32
      %get3A_686 = arith.constant 0 : i32
      %get3A_687 = arith.index_cast %get3A_685 : i32 to index
      %get3A_688 = arith.index_cast %get3A_686 : i32 to index
      %get3A_689 = arith.index_cast %add3A_684 : i32 to index
      %get3A_690 = arith.constant 16 : index
      %get3A_691 = tpu.vector_load %arg11[%get3A_687, %get3A_688, %get3A_689, %get3A_690] {strides = array<i32>} : memref<2x3x80x56xf32, #tpu.memory_space<vmem>>, vector<1x1x1x16xf32>,
      %get3A_692 = vector.shape_cast %get3A_691 : vector<1x1x1x16xf32> to vector<16xf32>
      %add3A_693 = arith.constant 1 : i32
      %add3A_694 = arith.addi %mul3A_474, %add3A_693 : i32
      %get3A_695 = arith.constant 1 : i32
      %get3A_696 = arith.constant 1 : i32
      %get3A_697 = arith.index_cast %get3A_695 : i32 to index
      %get3A_698 = arith.index_cast %get3A_696 : i32 to index
      %get3A_699 = arith.index_cast %add3A_694 : i32 to index
      %get3A_700 = arith.constant 16 : index
      %get3A_701 = tpu.vector_load %arg11[%get3A_697, %get3A_698, %get3A_699, %get3A_700] {strides = array<i32>} : memref<2x3x80x56xf32, #tpu.memory_space<vmem>>, vector<1x1x1x16xf32>,
      %get3A_702 = vector.shape_cast %get3A_701 : vector<1x1x1x16xf32> to vector<16xf32>
      %add3A_703 = arith.addf %get3A_692, %get3A_702 : vector<16xf32>
      %add3A_704 = arith.constant 1 : i32
      %add3A_705 = arith.addi %mul3A_474, %add3A_704 : i32
      %get3A_706 = arith.constant 1 : i32
      %get3A_707 = arith.constant 2 : i32
      %get3A_708 = arith.index_cast %get3A_706 : i32 to index
      %get3A_709 = arith.index_cast %get3A_707 : i32 to index
      %get3A_710 = arith.index_cast %add3A_705 : i32 to index
      %get3A_711 = arith.constant 16 : index
      %get3A_712 = tpu.vector_load %arg11[%get3A_708, %get3A_709, %get3A_710, %get3A_711] {strides = array<i32>} : memref<2x3x80x56xf32, #tpu.memory_space<vmem>>, vector<1x1x1x16xf32>,
      %get3A_713 = vector.shape_cast %get3A_712 : vector<1x1x1x16xf32> to vector<16xf32>
      %add3A_714 = arith.addf %add3A_703, %get3A_713 : vector<16xf32>
      %swap3A_715 = arith.constant 1 : i32
      %swap3A_716 = arith.constant 0 : i32
      %swap3A_717 = arith.index_cast %swap3A_715 : i32 to index
      %swap3A_718 = arith.index_cast %select_n3A_458 : i32 to index
      %swap3A_719 = arith.index_cast %swap3A_716 : i32 to index
      %swap3A_720 = arith.index_cast %select_n3A_472 : i32 to index
      %swap3A_721 = arith.constant 72 : index
      %swap3A_722 = tpu.vector_load %arg12[%swap3A_717, %swap3A_718, %swap3A_719, %swap3A_720, %swap3A_721] {strides = array<i32>} : memref<2x2x3x8x128xf32, #tpu.memory_space<vmem>>, vector<1x1x1x1x16xf32>,
      %swap3A_723 = vector.shape_cast %swap3A_722 : vector<1x1x1x1x16xf32> to vector<16xf32>
      %swap3A_724 = vector.shape_cast %add3A_714 : vector<16xf32> to vector<1x1x1x1x16xf32>
      tpu.vector_store %arg12[%swap3A_717, %swap3A_718, %swap3A_719, %swap3A_720, %swap3A_721], %swap3A_724 {strides = array<i32>} : memref<2x2x3x8x128xf32, #tpu.memory_space<vmem>>, vector<1x1x1x1x16xf32>,
      %add3A_725 = arith.constant 1 : i32
      %add3A_726 = arith.addi %mul3A_474, %add3A_725 : i32
      %get3A_727 = arith.constant 1 : i32
      %get3A_728 = arith.constant 0 : i32
      %get3A_729 = arith.index_cast %get3A_727 : i32 to index
      %get3A_730 = arith.index_cast %get3A_728 : i32 to index
      %get3A_731 = arith.index_cast %add3A_726 : i32 to index
      %get3A_732 = arith.constant 32 : index
      %get3A_733 = tpu.vector_load %arg11[%get3A_729, %get3A_730, %get3A_731, %get3A_732] {strides = array<i32>} : memref<2x3x80x56xf32, #tpu.memory_space<vmem>>, vector<1x1x1x16xf32>,
      %get3A_734 = vector.shape_cast %get3A_733 : vector<1x1x1x16xf32> to vector<16xf32>
      %add3A_735 = arith.constant 1 : i32
      %add3A_736 = arith.addi %mul3A_474, %add3A_735 : i32
      %get3A_737 = arith.constant 1 : i32
      %get3A_738 = arith.constant 1 : i32
      %get3A_739 = arith.index_cast %get3A_737 : i32 to index
      %get3A_740 = arith.index_cast %get3A_738 : i32 to index
      %get3A_741 = arith.index_cast %add3A_736 : i32 to index
      %get3A_742 = arith.constant 32 : index
      %get3A_743 = tpu.vector_load %arg11[%get3A_739, %get3A_740, %get3A_741, %get3A_742] {strides = array<i32>} : memref<2x3x80x56xf32, #tpu.memory_space<vmem>>, vector<1x1x1x16xf32>,
      %get3A_744 = vector.shape_cast %get3A_743 : vector<1x1x1x16xf32> to vector<16xf32>
      %add3A_745 = arith.addf %get3A_734, %get3A_744 : vector<16xf32>
      %add3A_746 = arith.constant 1 : i32
      %add3A_747 = arith.addi %mul3A_474, %add3A_746 : i32
      %get3A_748 = arith.constant 1 : i32
      %get3A_749 = arith.constant 2 : i32
      %get3A_750 = arith.index_cast %get3A_748 : i32 to index
      %get3A_751 = arith.index_cast %get3A_749 : i32 to index
      %get3A_752 = arith.index_cast %add3A_747 : i32 to index
      %get3A_753 = arith.constant 32 : index
      %get3A_754 = tpu.vector_load %arg11[%get3A_750, %get3A_751, %get3A_752, %get3A_753] {strides = array<i32>} : memref<2x3x80x56xf32, #tpu.memory_space<vmem>>, vector<1x1x1x16xf32>,
      %get3A_755 = vector.shape_cast %get3A_754 : vector<1x1x1x16xf32> to vector<16xf32>
      %add3A_756 = arith.addf %add3A_745, %get3A_755 : vector<16xf32>
      %swap3A_757 = arith.constant 1 : i32
      %swap3A_758 = arith.constant 0 : i32
      %swap3A_759 = arith.index_cast %swap3A_757 : i32 to index
      %swap3A_760 = arith.index_cast %select_n3A_458 : i32 to index
      %swap3A_761 = arith.index_cast %swap3A_758 : i32 to index
      %swap3A_762 = arith.index_cast %select_n3A_472 : i32 to index
      %swap3A_763 = arith.constant 88 : index
      %swap3A_764 = tpu.vector_load %arg12[%swap3A_759, %swap3A_760, %swap3A_761, %swap3A_762, %swap3A_763] {strides = array<i32>} : memref<2x2x3x8x128xf32, #tpu.memory_space<vmem>>, vector<1x1x1x1x16xf32>,
      %swap3A_765 = vector.shape_cast %swap3A_764 : vector<1x1x1x1x16xf32> to vector<16xf32>
      %swap3A_766 = vector.shape_cast %add3A_756 : vector<16xf32> to vector<1x1x1x1x16xf32>
      tpu.vector_store %arg12[%swap3A_759, %swap3A_760, %swap3A_761, %swap3A_762, %swap3A_763], %swap3A_766 {strides = array<i32>} : memref<2x2x3x8x128xf32, #tpu.memory_space<vmem>>, vector<1x1x1x1x16xf32>,
      %add3A_767 = arith.constant 1 : i32
      %add3A_768 = arith.addi %mul3A_474, %add3A_767 : i32
      %get3A_769 = arith.constant 1 : i32
      %get3A_770 = arith.constant 0 : i32
      %get3A_771 = arith.index_cast %get3A_769 : i32 to index
      %get3A_772 = arith.index_cast %get3A_770 : i32 to index
      %get3A_773 = arith.index_cast %add3A_768 : i32 to index
      %get3A_774 = arith.constant 40 : index
      %get3A_775 = tpu.vector_load %arg11[%get3A_771, %get3A_772, %get3A_773, %get3A_774] {strides = array<i32>} : memref<2x3x80x56xf32, #tpu.memory_space<vmem>>, vector<1x1x1x16xf32>,
      %get3A_776 = vector.shape_cast %get3A_775 : vector<1x1x1x16xf32> to vector<16xf32>
      %add3A_777 = arith.constant 1 : i32
      %add3A_778 = arith.addi %mul3A_474, %add3A_777 : i32
      %get3A_779 = arith.constant 1 : i32
      %get3A_780 = arith.constant 1 : i32
      %get3A_781 = arith.index_cast %get3A_779 : i32 to index
      %get3A_782 = arith.index_cast %get3A_780 : i32 to index
      %get3A_783 = arith.index_cast %add3A_778 : i32 to index
      %get3A_784 = arith.constant 40 : index
      %get3A_785 = tpu.vector_load %arg11[%get3A_781, %get3A_782, %get3A_783, %get3A_784] {strides = array<i32>} : memref<2x3x80x56xf32, #tpu.memory_space<vmem>>, vector<1x1x1x16xf32>,
      %get3A_786 = vector.shape_cast %get3A_785 : vector<1x1x1x16xf32> to vector<16xf32>
      %add3A_787 = arith.addf %get3A_776, %get3A_786 : vector<16xf32>
      %add3A_788 = arith.constant 1 : i32
      %add3A_789 = arith.addi %mul3A_474, %add3A_788 : i32
      %get3A_790 = arith.constant 1 : i32
      %get3A_791 = arith.constant 2 : i32
      %get3A_792 = arith.index_cast %get3A_790 : i32 to index
      %get3A_793 = arith.index_cast %get3A_791 : i32 to index
      %get3A_794 = arith.index_cast %add3A_789 : i32 to index
      %get3A_795 = arith.constant 40 : index
      %get3A_796 = tpu.vector_load %arg11[%get3A_792, %get3A_793, %get3A_794, %get3A_795] {strides = array<i32>} : memref<2x3x80x56xf32, #tpu.memory_space<vmem>>, vector<1x1x1x16xf32>,
      %get3A_797 = vector.shape_cast %get3A_796 : vector<1x1x1x16xf32> to vector<16xf32>
      %add3A_798 = arith.addf %add3A_787, %get3A_797 : vector<16xf32>
      %swap3A_799 = arith.constant 1 : i32
      %swap3A_800 = arith.constant 0 : i32
      %swap3A_801 = arith.index_cast %swap3A_799 : i32 to index
      %swap3A_802 = arith.index_cast %select_n3A_458 : i32 to index
      %swap3A_803 = arith.index_cast %swap3A_800 : i32 to index
      %swap3A_804 = arith.index_cast %select_n3A_472 : i32 to index
      %swap3A_805 = arith.constant 96 : index
      %swap3A_806 = tpu.vector_load %arg12[%swap3A_801, %swap3A_802, %swap3A_803, %swap3A_804, %swap3A_805] {strides = array<i32>} : memref<2x2x3x8x128xf32, #tpu.memory_space<vmem>>, vector<1x1x1x1x16xf32>,
      %swap3A_807 = vector.shape_cast %swap3A_806 : vector<1x1x1x1x16xf32> to vector<16xf32>
      %swap3A_808 = vector.shape_cast %add3A_798 : vector<16xf32> to vector<1x1x1x1x16xf32>
      tpu.vector_store %arg12[%swap3A_801, %swap3A_802, %swap3A_803, %swap3A_804, %swap3A_805], %swap3A_808 {strides = array<i32>} : memref<2x2x3x8x128xf32, #tpu.memory_space<vmem>>, vector<1x1x1x1x16xf32>,
      %add3A_809 = arith.constant 2 : i32
      %add3A_810 = arith.addi %mul3A_474, %add3A_809 : i32
      %get3A_811 = arith.constant 1 : i32
      %get3A_812 = arith.constant 0 : i32
      %get3A_813 = arith.index_cast %get3A_811 : i32 to index
      %get3A_814 = arith.index_cast %get3A_812 : i32 to index
      %get3A_815 = arith.index_cast %add3A_810 : i32 to index
      %get3A_816 = arith.constant 0 : index
      %get3A_817 = tpu.vector_load %arg11[%get3A_813, %get3A_814, %get3A_815, %get3A_816] {strides = array<i32>} : memref<2x3x80x56xf32, #tpu.memory_space<vmem>>, vector<1x1x1x16xf32>,
      %get3A_818 = vector.shape_cast %get3A_817 : vector<1x1x1x16xf32> to vector<16xf32>
      %add3A_819 = arith.constant 2 : i32
      %add3A_820 = arith.addi %mul3A_474, %add3A_819 : i32
      %get3A_821 = arith.constant 1 : i32
      %get3A_822 = arith.constant 1 : i32
      %get3A_823 = arith.index_cast %get3A_821 : i32 to index
      %get3A_824 = arith.index_cast %get3A_822 : i32 to index
      %get3A_825 = arith.index_cast %add3A_820 : i32 to index
      %get3A_826 = arith.constant 0 : index
      %get3A_827 = tpu.vector_load %arg11[%get3A_823, %get3A_824, %get3A_825, %get3A_826] {strides = array<i32>} : memref<2x3x80x56xf32, #tpu.memory_space<vmem>>, vector<1x1x1x16xf32>,
      %get3A_828 = vector.shape_cast %get3A_827 : vector<1x1x1x16xf32> to vector<16xf32>
      %add3A_829 = arith.addf %get3A_818, %get3A_828 : vector<16xf32>
      %add3A_830 = arith.constant 2 : i32
      %add3A_831 = arith.addi %mul3A_474, %add3A_830 : i32
      %get3A_832 = arith.constant 1 : i32
      %get3A_833 = arith.constant 2 : i32
      %get3A_834 = arith.index_cast %get3A_832 : i32 to index
      %get3A_835 = arith.index_cast %get3A_833 : i32 to index
      %get3A_836 = arith.index_cast %add3A_831 : i32 to index
      %get3A_837 = arith.constant 0 : index
      %get3A_838 = tpu.vector_load %arg11[%get3A_834, %get3A_835, %get3A_836, %get3A_837] {strides = array<i32>} : memref<2x3x80x56xf32, #tpu.memory_space<vmem>>, vector<1x1x1x16xf32>,
      %get3A_839 = vector.shape_cast %get3A_838 : vector<1x1x1x16xf32> to vector<16xf32>
      %add3A_840 = arith.addf %add3A_829, %get3A_839 : vector<16xf32>
      %swap3A_841 = arith.constant 1 : i32
      %swap3A_842 = arith.constant 0 : i32
      %swap3A_843 = arith.index_cast %swap3A_841 : i32 to index
      %swap3A_844 = arith.index_cast %select_n3A_458 : i32 to index
      %swap3A_845 = arith.index_cast %swap3A_842 : i32 to index
      %swap3A_846 = arith.index_cast %select_n3A_472 : i32 to index
      %swap3A_847 = arith.constant 112 : index
      %swap3A_848 = tpu.vector_load %arg12[%swap3A_843, %swap3A_844, %swap3A_845, %swap3A_846, %swap3A_847] {strides = array<i32>} : memref<2x2x3x8x128xf32, #tpu.memory_space<vmem>>, vector<1x1x1x1x16xf32>,
      %swap3A_849 = vector.shape_cast %swap3A_848 : vector<1x1x1x1x16xf32> to vector<16xf32>
      %swap3A_850 = vector.shape_cast %add3A_840 : vector<16xf32> to vector<1x1x1x1x16xf32>
      tpu.vector_store %arg12[%swap3A_843, %swap3A_844, %swap3A_845, %swap3A_846, %swap3A_847], %swap3A_850 {strides = array<i32>} : memref<2x2x3x8x128xf32, #tpu.memory_space<vmem>>, vector<1x1x1x1x16xf32>,
      %add3A_851 = arith.constant 2 : i32
      %add3A_852 = arith.addi %mul3A_474, %add3A_851 : i32
      %get3A_853 = arith.constant 1 : i32
      %get3A_854 = arith.constant 0 : i32
      %get3A_855 = arith.index_cast %get3A_853 : i32 to index
      %get3A_856 = arith.index_cast %get3A_854 : i32 to index
      %get3A_857 = arith.index_cast %add3A_852 : i32 to index
      %get3A_858 = arith.constant 16 : index
      %get3A_859 = tpu.vector_load %arg11[%get3A_855, %get3A_856, %get3A_857, %get3A_858] {strides = array<i32>} : memref<2x3x80x56xf32, #tpu.memory_space<vmem>>, vector<1x1x1x16xf32>,
      %get3A_860 = vector.shape_cast %get3A_859 : vector<1x1x1x16xf32> to vector<16xf32>
      %add3A_861 = arith.constant 2 : i32
      %add3A_862 = arith.addi %mul3A_474, %add3A_861 : i32
      %get3A_863 = arith.constant 1 : i32
      %get3A_864 = arith.constant 1 : i32
      %get3A_865 = arith.index_cast %get3A_863 : i32 to index
      %get3A_866 = arith.index_cast %get3A_864 : i32 to index
      %get3A_867 = arith.index_cast %add3A_862 : i32 to index
      %get3A_868 = arith.constant 16 : index
      %get3A_869 = tpu.vector_load %arg11[%get3A_865, %get3A_866, %get3A_867, %get3A_868] {strides = array<i32>} : memref<2x3x80x56xf32, #tpu.memory_space<vmem>>, vector<1x1x1x16xf32>,
      %get3A_870 = vector.shape_cast %get3A_869 : vector<1x1x1x16xf32> to vector<16xf32>
      %add3A_871 = arith.addf %get3A_860, %get3A_870 : vector<16xf32>
      %add3A_872 = arith.constant 2 : i32
      %add3A_873 = arith.addi %mul3A_474, %add3A_872 : i32
      %get3A_874 = arith.constant 1 : i32
      %get3A_875 = arith.constant 2 : i32
      %get3A_876 = arith.index_cast %get3A_874 : i32 to index
      %get3A_877 = arith.index_cast %get3A_875 : i32 to index
      %get3A_878 = arith.index_cast %add3A_873 : i32 to index
      %get3A_879 = arith.constant 16 : index
      %get3A_880 = tpu.vector_load %arg11[%get3A_876, %get3A_877, %get3A_878, %get3A_879] {strides = array<i32>} : memref<2x3x80x56xf32, #tpu.memory_space<vmem>>, vector<1x1x1x16xf32>,
      %get3A_881 = vector.shape_cast %get3A_880 : vector<1x1x1x16xf32> to vector<16xf32>
      %add3A_882 = arith.addf %add3A_871, %get3A_881 : vector<16xf32>
      %swap3A_883 = arith.constant 1 : i32
      %swap3A_884 = arith.constant 1 : i32
      %swap3A_885 = arith.index_cast %swap3A_883 : i32 to index
      %swap3A_886 = arith.index_cast %select_n3A_458 : i32 to index
      %swap3A_887 = arith.index_cast %swap3A_884 : i32 to index
      %swap3A_888 = arith.index_cast %select_n3A_472 : i32 to index
      %swap3A_889 = arith.constant 0 : index
      %swap3A_890 = tpu.vector_load %arg12[%swap3A_885, %swap3A_886, %swap3A_887, %swap3A_888, %swap3A_889] {strides = array<i32>} : memref<2x2x3x8x128xf32, #tpu.memory_space<vmem>>, vector<1x1x1x1x16xf32>,
      %swap3A_891 = vector.shape_cast %swap3A_890 : vector<1x1x1x1x16xf32> to vector<16xf32>
      %swap3A_892 = vector.shape_cast %add3A_882 : vector<16xf32> to vector<1x1x1x1x16xf32>
      tpu.vector_store %arg12[%swap3A_885, %swap3A_886, %swap3A_887, %swap3A_888, %swap3A_889], %swap3A_892 {strides = array<i32>} : memref<2x2x3x8x128xf32, #tpu.memory_space<vmem>>, vector<1x1x1x1x16xf32>,
      %add3A_893 = arith.constant 2 : i32
      %add3A_894 = arith.addi %mul3A_474, %add3A_893 : i32
      %get3A_895 = arith.constant 1 : i32
      %get3A_896 = arith.constant 0 : i32
      %get3A_897 = arith.index_cast %get3A_895 : i32 to index
      %get3A_898 = arith.index_cast %get3A_896 : i32 to index
      %get3A_899 = arith.index_cast %add3A_894 : i32 to index
      %get3A_900 = arith.constant 32 : index
      %get3A_901 = tpu.vector_load %arg11[%get3A_897, %get3A_898, %get3A_899, %get3A_900] {strides = array<i32>} : memref<2x3x80x56xf32, #tpu.memory_space<vmem>>, vector<1x1x1x16xf32>,
      %get3A_902 = vector.shape_cast %get3A_901 : vector<1x1x1x16xf32> to vector<16xf32>
      %add3A_903 = arith.constant 2 : i32
      %add3A_904 = arith.addi %mul3A_474, %add3A_903 : i32
      %get3A_905 = arith.constant 1 : i32
      %get3A_906 = arith.constant 1 : i32
      %get3A_907 = arith.index_cast %get3A_905 : i32 to index
      %get3A_908 = arith.index_cast %get3A_906 : i32 to index
      %get3A_909 = arith.index_cast %add3A_904 : i32 to index
      %get3A_910 = arith.constant 32 : index
      %get3A_911 = tpu.vector_load %arg11[%get3A_907, %get3A_908, %get3A_909, %get3A_910] {strides = array<i32>} : memref<2x3x80x56xf32, #tpu.memory_space<vmem>>, vector<1x1x1x16xf32>,
      %get3A_912 = vector.shape_cast %get3A_911 : vector<1x1x1x16xf32> to vector<16xf32>
      %add3A_913 = arith.addf %get3A_902, %get3A_912 : vector<16xf32>
      %add3A_914 = arith.constant 2 : i32
      %add3A_915 = arith.addi %mul3A_474, %add3A_914 : i32
      %get3A_916 = arith.constant 1 : i32
      %get3A_917 = arith.constant 2 : i32
      %get3A_918 = arith.index_cast %get3A_916 : i32 to index
      %get3A_919 = arith.index_cast %get3A_917 : i32 to index
      %get3A_920 = arith.index_cast %add3A_915 : i32 to index
      %get3A_921 = arith.constant 32 : index
      %get3A_922 = tpu.vector_load %arg11[%get3A_918, %get3A_919, %get3A_920, %get3A_921] {strides = array<i32>} : memref<2x3x80x56xf32, #tpu.memory_space<vmem>>, vector<1x1x1x16xf32>,
      %get3A_923 = vector.shape_cast %get3A_922 : vector<1x1x1x16xf32> to vector<16xf32>
      %add3A_924 = arith.addf %add3A_913, %get3A_923 : vector<16xf32>
      %swap3A_925 = arith.constant 1 : i32
      %swap3A_926 = arith.constant 1 : i32
      %swap3A_927 = arith.index_cast %swap3A_925 : i32 to index
      %swap3A_928 = arith.index_cast %select_n3A_458 : i32 to index
      %swap3A_929 = arith.index_cast %swap3A_926 : i32 to index
      %swap3A_930 = arith.index_cast %select_n3A_472 : i32 to index
      %swap3A_931 = arith.constant 16 : index
      %swap3A_932 = tpu.vector_load %arg12[%swap3A_927, %swap3A_928, %swap3A_929, %swap3A_930, %swap3A_931] {strides = array<i32>} : memref<2x2x3x8x128xf32, #tpu.memory_space<vmem>>, vector<1x1x1x1x16xf32>,
      %swap3A_933 = vector.shape_cast %swap3A_932 : vector<1x1x1x1x16xf32> to vector<16xf32>
      %swap3A_934 = vector.shape_cast %add3A_924 : vector<16xf32> to vector<1x1x1x1x16xf32>
      tpu.vector_store %arg12[%swap3A_927, %swap3A_928, %swap3A_929, %swap3A_930, %swap3A_931], %swap3A_934 {strides = array<i32>} : memref<2x2x3x8x128xf32, #tpu.memory_space<vmem>>, vector<1x1x1x1x16xf32>,
      %add3A_935 = arith.constant 2 : i32
      %add3A_936 = arith.addi %mul3A_474, %add3A_935 : i32
      %get3A_937 = arith.constant 1 : i32
      %get3A_938 = arith.constant 0 : i32
      %get3A_939 = arith.index_cast %get3A_937 : i32 to index
      %get3A_940 = arith.index_cast %get3A_938 : i32 to index
      %get3A_941 = arith.index_cast %add3A_936 : i32 to index
      %get3A_942 = arith.constant 40 : index
      %get3A_943 = tpu.vector_load %arg11[%get3A_939, %get3A_940, %get3A_941, %get3A_942] {strides = array<i32>} : memref<2x3x80x56xf32, #tpu.memory_space<vmem>>, vector<1x1x1x16xf32>,
      %get3A_944 = vector.shape_cast %get3A_943 : vector<1x1x1x16xf32> to vector<16xf32>
      %add3A_945 = arith.constant 2 : i32
      %add3A_946 = arith.addi %mul3A_474, %add3A_945 : i32
      %get3A_947 = arith.constant 1 : i32
      %get3A_948 = arith.constant 1 : i32
      %get3A_949 = arith.index_cast %get3A_947 : i32 to index
      %get3A_950 = arith.index_cast %get3A_948 : i32 to index
      %get3A_951 = arith.index_cast %add3A_946 : i32 to index
      %get3A_952 = arith.constant 40 : index
      %get3A_953 = tpu.vector_load %arg11[%get3A_949, %get3A_950, %get3A_951, %get3A_952] {strides = array<i32>} : memref<2x3x80x56xf32, #tpu.memory_space<vmem>>, vector<1x1x1x16xf32>,
      %get3A_954 = vector.shape_cast %get3A_953 : vector<1x1x1x16xf32> to vector<16xf32>
      %add3A_955 = arith.addf %get3A_944, %get3A_954 : vector<16xf32>
      %add3A_956 = arith.constant 2 : i32
      %add3A_957 = arith.addi %mul3A_474, %add3A_956 : i32
      %get3A_958 = arith.constant 1 : i32
      %get3A_959 = arith.constant 2 : i32
      %get3A_960 = arith.index_cast %get3A_958 : i32 to index
      %get3A_961 = arith.index_cast %get3A_959 : i32 to index
      %get3A_962 = arith.index_cast %add3A_957 : i32 to index
      %get3A_963 = arith.constant 40 : index
      %get3A_964 = tpu.vector_load %arg11[%get3A_960, %get3A_961, %get3A_962, %get3A_963] {strides = array<i32>} : memref<2x3x80x56xf32, #tpu.memory_space<vmem>>, vector<1x1x1x16xf32>,
      %get3A_965 = vector.shape_cast %get3A_964 : vector<1x1x1x16xf32> to vector<16xf32>
      %add3A_966 = arith.addf %add3A_955, %get3A_965 : vector<16xf32>
      %swap3A_967 = arith.constant 1 : i32
      %swap3A_968 = arith.constant 1 : i32
      %swap3A_969 = arith.index_cast %swap3A_967 : i32 to index
      %swap3A_970 = arith.index_cast %select_n3A_458 : i32 to index
      %swap3A_971 = arith.index_cast %swap3A_968 : i32 to index
      %swap3A_972 = arith.index_cast %select_n3A_472 : i32 to index
      %swap3A_973 = arith.constant 24 : index
      %swap3A_974 = tpu.vector_load %arg12[%swap3A_969, %swap3A_970, %swap3A_971, %swap3A_972, %swap3A_973] {strides = array<i32>} : memref<2x2x3x8x128xf32, #tpu.memory_space<vmem>>, vector<1x1x1x1x16xf32>,
      %swap3A_975 = vector.shape_cast %swap3A_974 : vector<1x1x1x1x16xf32> to vector<16xf32>
      %swap3A_976 = vector.shape_cast %add3A_966 : vector<16xf32> to vector<1x1x1x1x16xf32>
      tpu.vector_store %arg12[%swap3A_969, %swap3A_970, %swap3A_971, %swap3A_972, %swap3A_973], %swap3A_976 {strides = array<i32>} : memref<2x2x3x8x128xf32, #tpu.memory_space<vmem>>, vector<1x1x1x1x16xf32>,
      %add3A_977 = arith.constant 3 : i32
      %add3A_978 = arith.addi %mul3A_474, %add3A_977 : i32
      %get3A_979 = arith.constant 1 : i32
      %get3A_980 = arith.constant 0 : i32
      %get3A_981 = arith.index_cast %get3A_979 : i32 to index
      %get3A_982 = arith.index_cast %get3A_980 : i32 to index
      %get3A_983 = arith.index_cast %add3A_978 : i32 to index
      %get3A_984 = arith.constant 0 : index
      %get3A_985 = tpu.vector_load %arg11[%get3A_981, %get3A_982, %get3A_983, %get3A_984] {strides = array<i32>} : memref<2x3x80x56xf32, #tpu.memory_space<vmem>>, vector<1x1x1x16xf32>,
      %get3A_986 = vector.shape_cast %get3A_985 : vector<1x1x1x16xf32> to vector<16xf32>
      %add3A_987 = arith.constant 3 : i32
      %add3A_988 = arith.addi %mul3A_474, %add3A_987 : i32
      %get3A_989 = arith.constant 1 : i32
      %get3A_990 = arith.constant 1 : i32
      %get3A_991 = arith.index_cast %get3A_989 : i32 to index
      %get3A_992 = arith.index_cast %get3A_990 : i32 to index
      %get3A_993 = arith.index_cast %add3A_988 : i32 to index
      %get3A_994 = arith.constant 0 : index
      %get3A_995 = tpu.vector_load %arg11[%get3A_991, %get3A_992, %get3A_993, %get3A_994] {strides = array<i32>} : memref<2x3x80x56xf32, #tpu.memory_space<vmem>>, vector<1x1x1x16xf32>,
      %get3A_996 = vector.shape_cast %get3A_995 : vector<1x1x1x16xf32> to vector<16xf32>
      %add3A_997 = arith.addf %get3A_986, %get3A_996 : vector<16xf32>
      %add3A_998 = arith.constant 3 : i32
      %add3A_999 = arith.addi %mul3A_474, %add3A_998 : i32
      %get3A_1000 = arith.constant 1 : i32
      %get3A_1001 = arith.constant 2 : i32
      %get3A_1002 = arith.index_cast %get3A_1000 : i32 to index
      %get3A_1003 = arith.index_cast %get3A_1001 : i32 to index
      %get3A_1004 = arith.index_cast %add3A_999 : i32 to index
      %get3A_1005 = arith.constant 0 : index
      %get3A_1006 = tpu.vector_load %arg11[%get3A_1002, %get3A_1003, %get3A_1004, %get3A_1005] {strides = array<i32>} : memref<2x3x80x56xf32, #tpu.memory_space<vmem>>, vector<1x1x1x16xf32>,
      %get3A_1007 = vector.shape_cast %get3A_1006 : vector<1x1x1x16xf32> to vector<16xf32>
      %add3A_1008 = arith.addf %add3A_997, %get3A_1007 : vector<16xf32>
      %swap3A_1009 = arith.constant 1 : i32
      %swap3A_1010 = arith.constant 1 : i32
      %swap3A_1011 = arith.index_cast %swap3A_1009 : i32 to index
      %swap3A_1012 = arith.index_cast %select_n3A_458 : i32 to index
      %swap3A_1013 = arith.index_cast %swap3A_1010 : i32 to index
      %swap3A_1014 = arith.index_cast %select_n3A_472 : i32 to index
      %swap3A_1015 = arith.constant 40 : index
      %swap3A_1016 = tpu.vector_load %arg12[%swap3A_1011, %swap3A_1012, %swap3A_1013, %swap3A_1014, %swap3A_1015] {strides = array<i32>} : memref<2x2x3x8x128xf32, #tpu.memory_space<vmem>>, vector<1x1x1x1x16xf32>,
      %swap3A_1017 = vector.shape_cast %swap3A_1016 : vector<1x1x1x1x16xf32> to vector<16xf32>
      %swap3A_1018 = vector.shape_cast %add3A_1008 : vector<16xf32> to vector<1x1x1x1x16xf32>
      tpu.vector_store %arg12[%swap3A_1011, %swap3A_1012, %swap3A_1013, %swap3A_1014, %swap3A_1015], %swap3A_1018 {strides = array<i32>} : memref<2x2x3x8x128xf32, #tpu.memory_space<vmem>>, vector<1x1x1x1x16xf32>,
      %add3A_1019 = arith.constant 3 : i32
      %add3A_1020 = arith.addi %mul3A_474, %add3A_1019 : i32
      %get3A_1021 = arith.constant 1 : i32
      %get3A_1022 = arith.constant 0 : i32
      %get3A_1023 = arith.index_cast %get3A_1021 : i32 to index
      %get3A_1024 = arith.index_cast %get3A_1022 : i32 to index
      %get3A_1025 = arith.index_cast %add3A_1020 : i32 to index
      %get3A_1026 = arith.constant 16 : index
      %get3A_1027 = tpu.vector_load %arg11[%get3A_1023, %get3A_1024, %get3A_1025, %get3A_1026] {strides = array<i32>} : memref<2x3x80x56xf32, #tpu.memory_space<vmem>>, vector<1x1x1x16xf32>,
      %get3A_1028 = vector.shape_cast %get3A_1027 : vector<1x1x1x16xf32> to vector<16xf32>
      %add3A_1029 = arith.constant 3 : i32
      %add3A_1030 = arith.addi %mul3A_474, %add3A_1029 : i32
      %get3A_1031 = arith.constant 1 : i32
      %get3A_1032 = arith.constant 1 : i32
      %get3A_1033 = arith.index_cast %get3A_1031 : i32 to index
      %get3A_1034 = arith.index_cast %get3A_1032 : i32 to index
      %get3A_1035 = arith.index_cast %add3A_1030 : i32 to index
      %get3A_1036 = arith.constant 16 : index
      %get3A_1037 = tpu.vector_load %arg11[%get3A_1033, %get3A_1034, %get3A_1035, %get3A_1036] {strides = array<i32>} : memref<2x3x80x56xf32, #tpu.memory_space<vmem>>, vector<1x1x1x16xf32>,
      %get3A_1038 = vector.shape_cast %get3A_1037 : vector<1x1x1x16xf32> to vector<16xf32>
      %add3A_1039 = arith.addf %get3A_1028, %get3A_1038 : vector<16xf32>
      %add3A_1040 = arith.constant 3 : i32
      %add3A_1041 = arith.addi %mul3A_474, %add3A_1040 : i32
      %get3A_1042 = arith.constant 1 : i32
      %get3A_1043 = arith.constant 2 : i32
      %get3A_1044 = arith.index_cast %get3A_1042 : i32 to index
      %get3A_1045 = arith.index_cast %get3A_1043 : i32 to index
      %get3A_1046 = arith.index_cast %add3A_1041 : i32 to index
      %get3A_1047 = arith.constant 16 : index
      %get3A_1048 = tpu.vector_load %arg11[%get3A_1044, %get3A_1045, %get3A_1046, %get3A_1047] {strides = array<i32>} : memref<2x3x80x56xf32, #tpu.memory_space<vmem>>, vector<1x1x1x16xf32>,
      %get3A_1049 = vector.shape_cast %get3A_1048 : vector<1x1x1x16xf32> to vector<16xf32>
      %add3A_1050 = arith.addf %add3A_1039, %get3A_1049 : vector<16xf32>
      %swap3A_1051 = arith.constant 1 : i32
      %swap3A_1052 = arith.constant 1 : i32
      %swap3A_1053 = arith.index_cast %swap3A_1051 : i32 to index
      %swap3A_1054 = arith.index_cast %select_n3A_458 : i32 to index
      %swap3A_1055 = arith.index_cast %swap3A_1052 : i32 to index
      %swap3A_1056 = arith.index_cast %select_n3A_472 : i32 to index
      %swap3A_1057 = arith.constant 56 : index
      %swap3A_1058 = tpu.vector_load %arg12[%swap3A_1053, %swap3A_1054, %swap3A_1055, %swap3A_1056, %swap3A_1057] {strides = array<i32>} : memref<2x2x3x8x128xf32, #tpu.memory_space<vmem>>, vector<1x1x1x1x16xf32>,
      %swap3A_1059 = vector.shape_cast %swap3A_1058 : vector<1x1x1x1x16xf32> to vector<16xf32>
      %swap3A_1060 = vector.shape_cast %add3A_1050 : vector<16xf32> to vector<1x1x1x1x16xf32>
      tpu.vector_store %arg12[%swap3A_1053, %swap3A_1054, %swap3A_1055, %swap3A_1056, %swap3A_1057], %swap3A_1060 {strides = array<i32>} : memref<2x2x3x8x128xf32, #tpu.memory_space<vmem>>, vector<1x1x1x1x16xf32>,
      %add3A_1061 = arith.constant 3 : i32
      %add3A_1062 = arith.addi %mul3A_474, %add3A_1061 : i32
      %get3A_1063 = arith.constant 1 : i32
      %get3A_1064 = arith.constant 0 : i32
      %get3A_1065 = arith.index_cast %get3A_1063 : i32 to index
      %get3A_1066 = arith.index_cast %get3A_1064 : i32 to index
      %get3A_1067 = arith.index_cast %add3A_1062 : i32 to index
      %get3A_1068 = arith.constant 32 : index
      %get3A_1069 = tpu.vector_load %arg11[%get3A_1065, %get3A_1066, %get3A_1067, %get3A_1068] {strides = array<i32>} : memref<2x3x80x56xf32, #tpu.memory_space<vmem>>, vector<1x1x1x16xf32>,
      %get3A_1070 = vector.shape_cast %get3A_1069 : vector<1x1x1x16xf32> to vector<16xf32>
      %add3A_1071 = arith.constant 3 : i32
      %add3A_1072 = arith.addi %mul3A_474, %add3A_1071 : i32
      %get3A_1073 = arith.constant 1 : i32
      %get3A_1074 = arith.constant 1 : i32
      %get3A_1075 = arith.index_cast %get3A_1073 : i32 to index
      %get3A_1076 = arith.index_cast %get3A_1074 : i32 to index
      %get3A_1077 = arith.index_cast %add3A_1072 : i32 to index
      %get3A_1078 = arith.constant 32 : index
      %get3A_1079 = tpu.vector_load %arg11[%get3A_1075, %get3A_1076, %get3A_1077, %get3A_1078] {strides = array<i32>} : memref<2x3x80x56xf32, #tpu.memory_space<vmem>>, vector<1x1x1x16xf32>,
      %get3A_1080 = vector.shape_cast %get3A_1079 : vector<1x1x1x16xf32> to vector<16xf32>
      %add3A_1081 = arith.addf %get3A_1070, %get3A_1080 : vector<16xf32>
      %add3A_1082 = arith.constant 3 : i32
      %add3A_1083 = arith.addi %mul3A_474, %add3A_1082 : i32
      %get3A_1084 = arith.constant 1 : i32
      %get3A_1085 = arith.constant 2 : i32
      %get3A_1086 = arith.index_cast %get3A_1084 : i32 to index
      %get3A_1087 = arith.index_cast %get3A_1085 : i32 to index
      %get3A_1088 = arith.index_cast %add3A_1083 : i32 to index
      %get3A_1089 = arith.constant 32 : index
      %get3A_1090 = tpu.vector_load %arg11[%get3A_1086, %get3A_1087, %get3A_1088, %get3A_1089] {strides = array<i32>} : memref<2x3x80x56xf32, #tpu.memory_space<vmem>>, vector<1x1x1x16xf32>,
      %get3A_1091 = vector.shape_cast %get3A_1090 : vector<1x1x1x16xf32> to vector<16xf32>
      %add3A_1092 = arith.addf %add3A_1081, %get3A_1091 : vector<16xf32>
      %swap3A_1093 = arith.constant 1 : i32
      %swap3A_1094 = arith.constant 1 : i32
      %swap3A_1095 = arith.index_cast %swap3A_1093 : i32 to index
      %swap3A_1096 = arith.index_cast %select_n3A_458 : i32 to index
      %swap3A_1097 = arith.index_cast %swap3A_1094 : i32 to index
      %swap3A_1098 = arith.index_cast %select_n3A_472 : i32 to index
      %swap3A_1099 = arith.constant 72 : index
      %swap3A_1100 = tpu.vector_load %arg12[%swap3A_1095, %swap3A_1096, %swap3A_1097, %swap3A_1098, %swap3A_1099] {strides = array<i32>} : memref<2x2x3x8x128xf32, #tpu.memory_space<vmem>>, vector<1x1x1x1x16xf32>,
      %swap3A_1101 = vector.shape_cast %swap3A_1100 : vector<1x1x1x1x16xf32> to vector<16xf32>
      %swap3A_1102 = vector.shape_cast %add3A_1092 : vector<16xf32> to vector<1x1x1x1x16xf32>
      tpu.vector_store %arg12[%swap3A_1095, %swap3A_1096, %swap3A_1097, %swap3A_1098, %swap3A_1099], %swap3A_1102 {strides = array<i32>} : memref<2x2x3x8x128xf32, #tpu.memory_space<vmem>>, vector<1x1x1x1x16xf32>,
      %add3A_1103 = arith.constant 3 : i32
      %add3A_1104 = arith.addi %mul3A_474, %add3A_1103 : i32
      %get3A_1105 = arith.constant 1 : i32
      %get3A_1106 = arith.constant 0 : i32
      %get3A_1107 = arith.index_cast %get3A_1105 : i32 to index
      %get3A_1108 = arith.index_cast %get3A_1106 : i32 to index
      %get3A_1109 = arith.index_cast %add3A_1104 : i32 to index
      %get3A_1110 = arith.constant 40 : index
      %get3A_1111 = tpu.vector_load %arg11[%get3A_1107, %get3A_1108, %get3A_1109, %get3A_1110] {strides = array<i32>} : memref<2x3x80x56xf32, #tpu.memory_space<vmem>>, vector<1x1x1x16xf32>,
      %get3A_1112 = vector.shape_cast %get3A_1111 : vector<1x1x1x16xf32> to vector<16xf32>
      %add3A_1113 = arith.constant 3 : i32
      %add3A_1114 = arith.addi %mul3A_474, %add3A_1113 : i32
      %get3A_1115 = arith.constant 1 : i32
      %get3A_1116 = arith.constant 1 : i32
      %get3A_1117 = arith.index_cast %get3A_1115 : i32 to index
      %get3A_1118 = arith.index_cast %get3A_1116 : i32 to index
      %get3A_1119 = arith.index_cast %add3A_1114 : i32 to index
      %get3A_1120 = arith.constant 40 : index
      %get3A_1121 = tpu.vector_load %arg11[%get3A_1117, %get3A_1118, %get3A_1119, %get3A_1120] {strides = array<i32>} : memref<2x3x80x56xf32, #tpu.memory_space<vmem>>, vector<1x1x1x16xf32>,
      %get3A_1122 = vector.shape_cast %get3A_1121 : vector<1x1x1x16xf32> to vector<16xf32>
      %add3A_1123 = arith.addf %get3A_1112, %get3A_1122 : vector<16xf32>
      %add3A_1124 = arith.constant 3 : i32
      %add3A_1125 = arith.addi %mul3A_474, %add3A_1124 : i32
      %get3A_1126 = arith.constant 1 : i32
      %get3A_1127 = arith.constant 2 : i32
      %get3A_1128 = arith.index_cast %get3A_1126 : i32 to index
      %get3A_1129 = arith.index_cast %get3A_1127 : i32 to index
      %get3A_1130 = arith.index_cast %add3A_1125 : i32 to index
      %get3A_1131 = arith.constant 40 : index
      %get3A_1132 = tpu.vector_load %arg11[%get3A_1128, %get3A_1129, %get3A_1130, %get3A_1131] {strides = array<i32>} : memref<2x3x80x56xf32, #tpu.memory_space<vmem>>, vector<1x1x1x16xf32>,
      %get3A_1133 = vector.shape_cast %get3A_1132 : vector<1x1x1x16xf32> to vector<16xf32>
      %add3A_1134 = arith.addf %add3A_1123, %get3A_1133 : vector<16xf32>
      %swap3A_1135 = arith.constant 1 : i32
      %swap3A_1136 = arith.constant 1 : i32
      %swap3A_1137 = arith.index_cast %swap3A_1135 : i32 to index
      %swap3A_1138 = arith.index_cast %select_n3A_458 : i32 to index
      %swap3A_1139 = arith.index_cast %swap3A_1136 : i32 to index
      %swap3A_1140 = arith.index_cast %select_n3A_472 : i32 to index
      %swap3A_1141 = arith.constant 80 : index
      %swap3A_1142 = tpu.vector_load %arg12[%swap3A_1137, %swap3A_1138, %swap3A_1139, %swap3A_1140, %swap3A_1141] {strides = array<i32>} : memref<2x2x3x8x128xf32, #tpu.memory_space<vmem>>, vector<1x1x1x1x16xf32>,
      %swap3A_1143 = vector.shape_cast %swap3A_1142 : vector<1x1x1x1x16xf32> to vector<16xf32>
      %swap3A_1144 = vector.shape_cast %add3A_1134 : vector<16xf32> to vector<1x1x1x1x16xf32>
      tpu.vector_store %arg12[%swap3A_1137, %swap3A_1138, %swap3A_1139, %swap3A_1140, %swap3A_1141], %swap3A_1144 {strides = array<i32>} : memref<2x2x3x8x128xf32, #tpu.memory_space<vmem>>, vector<1x1x1x1x16xf32>,
      %add3A_1145 = arith.constant 4 : i32
      %add3A_1146 = arith.addi %mul3A_474, %add3A_1145 : i32
      %get3A_1147 = arith.constant 1 : i32
      %get3A_1148 = arith.constant 0 : i32
      %get3A_1149 = arith.index_cast %get3A_1147 : i32 to index
      %get3A_1150 = arith.index_cast %get3A_1148 : i32 to index
      %get3A_1151 = arith.index_cast %add3A_1146 : i32 to index
      %get3A_1152 = arith.constant 0 : index
      %get3A_1153 = tpu.vector_load %arg11[%get3A_1149, %get3A_1150, %get3A_1151, %get3A_1152] {strides = array<i32>} : memref<2x3x80x56xf32, #tpu.memory_space<vmem>>, vector<1x1x1x16xf32>,
      %get3A_1154 = vector.shape_cast %get3A_1153 : vector<1x1x1x16xf32> to vector<16xf32>
      %add3A_1155 = arith.constant 4 : i32
      %add3A_1156 = arith.addi %mul3A_474, %add3A_1155 : i32
      %get3A_1157 = arith.constant 1 : i32
      %get3A_1158 = arith.constant 1 : i32
      %get3A_1159 = arith.index_cast %get3A_1157 : i32 to index
      %get3A_1160 = arith.index_cast %get3A_1158 : i32 to index
      %get3A_1161 = arith.index_cast %add3A_1156 : i32 to index
      %get3A_1162 = arith.constant 0 : index
      %get3A_1163 = tpu.vector_load %arg11[%get3A_1159, %get3A_1160, %get3A_1161, %get3A_1162] {strides = array<i32>} : memref<2x3x80x56xf32, #tpu.memory_space<vmem>>, vector<1x1x1x16xf32>,
      %get3A_1164 = vector.shape_cast %get3A_1163 : vector<1x1x1x16xf32> to vector<16xf32>
      %add3A_1165 = arith.addf %get3A_1154, %get3A_1164 : vector<16xf32>
      %add3A_1166 = arith.constant 4 : i32
      %add3A_1167 = arith.addi %mul3A_474, %add3A_1166 : i32
      %get3A_1168 = arith.constant 1 : i32
      %get3A_1169 = arith.constant 2 : i32
      %get3A_1170 = arith.index_cast %get3A_1168 : i32 to index
      %get3A_1171 = arith.index_cast %get3A_1169 : i32 to index
      %get3A_1172 = arith.index_cast %add3A_1167 : i32 to index
      %get3A_1173 = arith.constant 0 : index
      %get3A_1174 = tpu.vector_load %arg11[%get3A_1170, %get3A_1171, %get3A_1172, %get3A_1173] {strides = array<i32>} : memref<2x3x80x56xf32, #tpu.memory_space<vmem>>, vector<1x1x1x16xf32>,
      %get3A_1175 = vector.shape_cast %get3A_1174 : vector<1x1x1x16xf32> to vector<16xf32>
      %add3A_1176 = arith.addf %add3A_1165, %get3A_1175 : vector<16xf32>
      %swap3A_1177 = arith.constant 1 : i32
      %swap3A_1178 = arith.constant 1 : i32
      %swap3A_1179 = arith.index_cast %swap3A_1177 : i32 to index
      %swap3A_1180 = arith.index_cast %select_n3A_458 : i32 to index
      %swap3A_1181 = arith.index_cast %swap3A_1178 : i32 to index
      %swap3A_1182 = arith.index_cast %select_n3A_472 : i32 to index
      %swap3A_1183 = arith.constant 96 : index
      %swap3A_1184 = tpu.vector_load %arg12[%swap3A_1179, %swap3A_1180, %swap3A_1181, %swap3A_1182, %swap3A_1183] {strides = array<i32>} : memref<2x2x3x8x128xf32, #tpu.memory_space<vmem>>, vector<1x1x1x1x16xf32>,
      %swap3A_1185 = vector.shape_cast %swap3A_1184 : vector<1x1x1x1x16xf32> to vector<16xf32>
      %swap3A_1186 = vector.shape_cast %add3A_1176 : vector<16xf32> to vector<1x1x1x1x16xf32>
      tpu.vector_store %arg12[%swap3A_1179, %swap3A_1180, %swap3A_1181, %swap3A_1182, %swap3A_1183], %swap3A_1186 {strides = array<i32>} : memref<2x2x3x8x128xf32, #tpu.memory_space<vmem>>, vector<1x1x1x1x16xf32>,
      %add3A_1187 = arith.constant 4 : i32
      %add3A_1188 = arith.addi %mul3A_474, %add3A_1187 : i32
      %get3A_1189 = arith.constant 1 : i32
      %get3A_1190 = arith.constant 0 : i32
      %get3A_1191 = arith.index_cast %get3A_1189 : i32 to index
      %get3A_1192 = arith.index_cast %get3A_1190 : i32 to index
      %get3A_1193 = arith.index_cast %add3A_1188 : i32 to index
      %get3A_1194 = arith.constant 16 : index
      %get3A_1195 = tpu.vector_load %arg11[%get3A_1191, %get3A_1192, %get3A_1193, %get3A_1194] {strides = array<i32>} : memref<2x3x80x56xf32, #tpu.memory_space<vmem>>, vector<1x1x1x16xf32>,
      %get3A_1196 = vector.shape_cast %get3A_1195 : vector<1x1x1x16xf32> to vector<16xf32>
      %add3A_1197 = arith.constant 4 : i32
      %add3A_1198 = arith.addi %mul3A_474, %add3A_1197 : i32
      %get3A_1199 = arith.constant 1 : i32
      %get3A_1200 = arith.constant 1 : i32
      %get3A_1201 = arith.index_cast %get3A_1199 : i32 to index
      %get3A_1202 = arith.index_cast %get3A_1200 : i32 to index
      %get3A_1203 = arith.index_cast %add3A_1198 : i32 to index
      %get3A_1204 = arith.constant 16 : index
      %get3A_1205 = tpu.vector_load %arg11[%get3A_1201, %get3A_1202, %get3A_1203, %get3A_1204] {strides = array<i32>} : memref<2x3x80x56xf32, #tpu.memory_space<vmem>>, vector<1x1x1x16xf32>,
      %get3A_1206 = vector.shape_cast %get3A_1205 : vector<1x1x1x16xf32> to vector<16xf32>
      %add3A_1207 = arith.addf %get3A_1196, %get3A_1206 : vector<16xf32>
      %add3A_1208 = arith.constant 4 : i32
      %add3A_1209 = arith.addi %mul3A_474, %add3A_1208 : i32
      %get3A_1210 = arith.constant 1 : i32
      %get3A_1211 = arith.constant 2 : i32
      %get3A_1212 = arith.index_cast %get3A_1210 : i32 to index
      %get3A_1213 = arith.index_cast %get3A_1211 : i32 to index
      %get3A_1214 = arith.index_cast %add3A_1209 : i32 to index
      %get3A_1215 = arith.constant 16 : index
      %get3A_1216 = tpu.vector_load %arg11[%get3A_1212, %get3A_1213, %get3A_1214, %get3A_1215] {strides = array<i32>} : memref<2x3x80x56xf32, #tpu.memory_space<vmem>>, vector<1x1x1x16xf32>,
      %get3A_1217 = vector.shape_cast %get3A_1216 : vector<1x1x1x16xf32> to vector<16xf32>
      %add3A_1218 = arith.addf %add3A_1207, %get3A_1217 : vector<16xf32>
      %swap3A_1219 = arith.constant 1 : i32
      %swap3A_1220 = arith.constant 1 : i32
      %swap3A_1221 = arith.index_cast %swap3A_1219 : i32 to index
      %swap3A_1222 = arith.index_cast %select_n3A_458 : i32 to index
      %swap3A_1223 = arith.index_cast %swap3A_1220 : i32 to index
      %swap3A_1224 = arith.index_cast %select_n3A_472 : i32 to index
      %swap3A_1225 = arith.constant 112 : index
      %swap3A_1226 = tpu.vector_load %arg12[%swap3A_1221, %swap3A_1222, %swap3A_1223, %swap3A_1224, %swap3A_1225] {strides = array<i32>} : memref<2x2x3x8x128xf32, #tpu.memory_space<vmem>>, vector<1x1x1x1x16xf32>,
      %swap3A_1227 = vector.shape_cast %swap3A_1226 : vector<1x1x1x1x16xf32> to vector<16xf32>
      %swap3A_1228 = vector.shape_cast %add3A_1218 : vector<16xf32> to vector<1x1x1x1x16xf32>
      tpu.vector_store %arg12[%swap3A_1221, %swap3A_1222, %swap3A_1223, %swap3A_1224, %swap3A_1225], %swap3A_1228 {strides = array<i32>} : memref<2x2x3x8x128xf32, #tpu.memory_space<vmem>>, vector<1x1x1x1x16xf32>,
      %add3A_1229 = arith.constant 4 : i32
      %add3A_1230 = arith.addi %mul3A_474, %add3A_1229 : i32
      %get3A_1231 = arith.constant 1 : i32
      %get3A_1232 = arith.constant 0 : i32
      %get3A_1233 = arith.index_cast %get3A_1231 : i32 to index
      %get3A_1234 = arith.index_cast %get3A_1232 : i32 to index
      %get3A_1235 = arith.index_cast %add3A_1230 : i32 to index
      %get3A_1236 = arith.constant 32 : index
      %get3A_1237 = tpu.vector_load %arg11[%get3A_1233, %get3A_1234, %get3A_1235, %get3A_1236] {strides = array<i32>} : memref<2x3x80x56xf32, #tpu.memory_space<vmem>>, vector<1x1x1x16xf32>,
      %get3A_1238 = vector.shape_cast %get3A_1237 : vector<1x1x1x16xf32> to vector<16xf32>
      %add3A_1239 = arith.constant 4 : i32
      %add3A_1240 = arith.addi %mul3A_474, %add3A_1239 : i32
      %get3A_1241 = arith.constant 1 : i32
      %get3A_1242 = arith.constant 1 : i32
      %get3A_1243 = arith.index_cast %get3A_1241 : i32 to index
      %get3A_1244 = arith.index_cast %get3A_1242 : i32 to index
      %get3A_1245 = arith.index_cast %add3A_1240 : i32 to index
      %get3A_1246 = arith.constant 32 : index
      %get3A_1247 = tpu.vector_load %arg11[%get3A_1243, %get3A_1244, %get3A_1245, %get3A_1246] {strides = array<i32>} : memref<2x3x80x56xf32, #tpu.memory_space<vmem>>, vector<1x1x1x16xf32>,
      %get3A_1248 = vector.shape_cast %get3A_1247 : vector<1x1x1x16xf32> to vector<16xf32>
      %add3A_1249 = arith.addf %get3A_1238, %get3A_1248 : vector<16xf32>
      %add3A_1250 = arith.constant 4 : i32
      %add3A_1251 = arith.addi %mul3A_474, %add3A_1250 : i32
      %get3A_1252 = arith.constant 1 : i32
      %get3A_1253 = arith.constant 2 : i32
      %get3A_1254 = arith.index_cast %get3A_1252 : i32 to index
      %get3A_1255 = arith.index_cast %get3A_1253 : i32 to index
      %get3A_1256 = arith.index_cast %add3A_1251 : i32 to index
      %get3A_1257 = arith.constant 32 : index
      %get3A_1258 = tpu.vector_load %arg11[%get3A_1254, %get3A_1255, %get3A_1256, %get3A_1257] {strides = array<i32>} : memref<2x3x80x56xf32, #tpu.memory_space<vmem>>, vector<1x1x1x16xf32>,
      %get3A_1259 = vector.shape_cast %get3A_1258 : vector<1x1x1x16xf32> to vector<16xf32>
      %add3A_1260 = arith.addf %add3A_1249, %get3A_1259 : vector<16xf32>
      %swap3A_1261 = arith.constant 1 : i32
      %swap3A_1262 = arith.constant 2 : i32
      %swap3A_1263 = arith.index_cast %swap3A_1261 : i32 to index
      %swap3A_1264 = arith.index_cast %select_n3A_458 : i32 to index
      %swap3A_1265 = arith.index_cast %swap3A_1262 : i32 to index
      %swap3A_1266 = arith.index_cast %select_n3A_472 : i32 to index
      %swap3A_1267 = arith.constant 0 : index
      %swap3A_1268 = tpu.vector_load %arg12[%swap3A_1263, %swap3A_1264, %swap3A_1265, %swap3A_1266, %swap3A_1267] {strides = array<i32>} : memref<2x2x3x8x128xf32, #tpu.memory_space<vmem>>, vector<1x1x1x1x16xf32>,
      %swap3A_1269 = vector.shape_cast %swap3A_1268 : vector<1x1x1x1x16xf32> to vector<16xf32>
      %swap3A_1270 = vector.shape_cast %add3A_1260 : vector<16xf32> to vector<1x1x1x1x16xf32>
      tpu.vector_store %arg12[%swap3A_1263, %swap3A_1264, %swap3A_1265, %swap3A_1266, %swap3A_1267], %swap3A_1270 {strides = array<i32>} : memref<2x2x3x8x128xf32, #tpu.memory_space<vmem>>, vector<1x1x1x1x16xf32>,
      %add3A_1271 = arith.constant 4 : i32
      %add3A_1272 = arith.addi %mul3A_474, %add3A_1271 : i32
      %get3A_1273 = arith.constant 1 : i32
      %get3A_1274 = arith.constant 0 : i32
      %get3A_1275 = arith.index_cast %get3A_1273 : i32 to index
      %get3A_1276 = arith.index_cast %get3A_1274 : i32 to index
      %get3A_1277 = arith.index_cast %add3A_1272 : i32 to index
      %get3A_1278 = arith.constant 40 : index
      %get3A_1279 = tpu.vector_load %arg11[%get3A_1275, %get3A_1276, %get3A_1277, %get3A_1278] {strides = array<i32>} : memref<2x3x80x56xf32, #tpu.memory_space<vmem>>, vector<1x1x1x16xf32>,
      %get3A_1280 = vector.shape_cast %get3A_1279 : vector<1x1x1x16xf32> to vector<16xf32>
      %add3A_1281 = arith.constant 4 : i32
      %add3A_1282 = arith.addi %mul3A_474, %add3A_1281 : i32
      %get3A_1283 = arith.constant 1 : i32
      %get3A_1284 = arith.constant 1 : i32
      %get3A_1285 = arith.index_cast %get3A_1283 : i32 to index
      %get3A_1286 = arith.index_cast %get3A_1284 : i32 to index
      %get3A_1287 = arith.index_cast %add3A_1282 : i32 to index
      %get3A_1288 = arith.constant 40 : index
      %get3A_1289 = tpu.vector_load %arg11[%get3A_1285, %get3A_1286, %get3A_1287, %get3A_1288] {strides = array<i32>} : memref<2x3x80x56xf32, #tpu.memory_space<vmem>>, vector<1x1x1x16xf32>,
      %get3A_1290 = vector.shape_cast %get3A_1289 : vector<1x1x1x16xf32> to vector<16xf32>
      %add3A_1291 = arith.addf %get3A_1280, %get3A_1290 : vector<16xf32>
      %add3A_1292 = arith.constant 4 : i32
      %add3A_1293 = arith.addi %mul3A_474, %add3A_1292 : i32
      %get3A_1294 = arith.constant 1 : i32
      %get3A_1295 = arith.constant 2 : i32
      %get3A_1296 = arith.index_cast %get3A_1294 : i32 to index
      %get3A_1297 = arith.index_cast %get3A_1295 : i32 to index
      %get3A_1298 = arith.index_cast %add3A_1293 : i32 to index
      %get3A_1299 = arith.constant 40 : index
      %get3A_1300 = tpu.vector_load %arg11[%get3A_1296, %get3A_1297, %get3A_1298, %get3A_1299] {strides = array<i32>} : memref<2x3x80x56xf32, #tpu.memory_space<vmem>>, vector<1x1x1x16xf32>,
      %get3A_1301 = vector.shape_cast %get3A_1300 : vector<1x1x1x16xf32> to vector<16xf32>
      %add3A_1302 = arith.addf %add3A_1291, %get3A_1301 : vector<16xf32>
      %swap3A_1303 = arith.constant 1 : i32
      %swap3A_1304 = arith.constant 2 : i32
      %swap3A_1305 = arith.index_cast %swap3A_1303 : i32 to index
      %swap3A_1306 = arith.index_cast %select_n3A_458 : i32 to index
      %swap3A_1307 = arith.index_cast %swap3A_1304 : i32 to index
      %swap3A_1308 = arith.index_cast %select_n3A_472 : i32 to index
      %swap3A_1309 = arith.constant 8 : index
      %swap3A_1310 = tpu.vector_load %arg12[%swap3A_1305, %swap3A_1306, %swap3A_1307, %swap3A_1308, %swap3A_1309] {strides = array<i32>} : memref<2x2x3x8x128xf32, #tpu.memory_space<vmem>>, vector<1x1x1x1x16xf32>,
      %swap3A_1311 = vector.shape_cast %swap3A_1310 : vector<1x1x1x1x16xf32> to vector<16xf32>
      %swap3A_1312 = vector.shape_cast %add3A_1302 : vector<16xf32> to vector<1x1x1x1x16xf32>
      tpu.vector_store %arg12[%swap3A_1305, %swap3A_1306, %swap3A_1307, %swap3A_1308, %swap3A_1309], %swap3A_1312 {strides = array<i32>} : memref<2x2x3x8x128xf32, #tpu.memory_space<vmem>>, vector<1x1x1x1x16xf32>,
    }
    %scan3A_304 = arith.constant 16 : i32
    %add3A_305 = arith.constant 2 : i32
    %add3A_306 = arith.addi %mul3A_2, %add3A_305 : i32
    %dma_start3A_307 = arith.constant 1 : i32
    %dma_start3A_308 = arith.constant 1 : i32
    %dma_start3A_309 = arith.constant 0 : i32
    %dma_start3A_310 = arith.constant 0 : i32
    %dma_start3A_311 = arith.constant 0 : i32
    %dma_start3A_312 = arith.constant 0 : i32
    %dma_start3A_313 = tpu.memref_slice %arg12[%dma_start3A_307, %dma_start3A_309, %dma_start3A_310, %dma_start3A_311, %dma_start3A_312] : memref<2x2x3x8x128xf32, #tpu.memory_space<vmem>> -> memref<1x2x3x8x128xf32, #tpu.memory_space<vmem>>
    %dma_start3A_314 = tpu.memref_squeeze %dma_start3A_313 : memref<1x2x3x8x128xf32, #tpu.memory_space<vmem>> -> memref<2x3x8x128xf32, #tpu.memory_space<vmem>>
    %dma_start3A_315 = arith.constant 0 : i32
    %dma_start3A_316 = arith.constant 0 : i32
    %dma_start3A_317 = arith.constant 0 : i32
    %dma_start3A_318 = tpu.memref_slice %arg7[%add3A_306, %dma_start3A_315, %dma_start3A_316, %dma_start3A_317] : memref<2048x3x8x128xf32, #tpu.memory_space<hbm>> -> memref<2x3x8x128xf32, #tpu.memory_space<hbm>>
    %dma_start3A_319 = tpu.memref_slice %arg14[%dma_start3A_308] : memref<2x!tpu.dma_semaphore, #tpu.memory_space<semaphore_mem>> -> memref<1x!tpu.dma_semaphore, #tpu.memory_space<semaphore_mem>>
    %dma_start3A_320 = tpu.memref_squeeze %dma_start3A_319 : memref<1x!tpu.dma_semaphore, #tpu.memory_space<semaphore_mem>> -> memref<!tpu.dma_semaphore, #tpu.memory_space<semaphore_mem>>
    %dma_start3A_321 = arith.constant 0 : i32
    %dma_start3A_322 = arith.constant 0 : i32
    %dma_start3A_323 = arith.constant 0 : i32
    %dma_start3A_324 = tpu.memref_slice %arg7[%add3A_306, %dma_start3A_321, %dma_start3A_322, %dma_start3A_323] : memref<2048x3x8x128xf32, #tpu.memory_space<hbm>> -> memref<2x3x8x128xf32, #tpu.memory_space<hbm>>
    %dma_start3A_325 = arith.constant 0 : i32
    %dma_start3A_326 = arith.constant 0 : i32
    %dma_start3A_327 = arith.constant 0 : i32
    %dma_start3A_328 = arith.constant 0 : i32
    %dma_start3A_329 = tpu.memref_slice %arg12[%dma_start3A_307, %dma_start3A_325, %dma_start3A_326, %dma_start3A_327, %dma_start3A_328] : memref<2x2x3x8x128xf32, #tpu.memory_space<vmem>> -> memref<1x2x3x8x128xf32, #tpu.memory_space<vmem>>
    %dma_start3A_330 = tpu.memref_squeeze %dma_start3A_329 : memref<1x2x3x8x128xf32, #tpu.memory_space<vmem>> -> memref<2x3x8x128xf32, #tpu.memory_space<vmem>>
    tpu.enqueue_dma source(%dma_start3A_330 : memref<2x3x8x128xf32, #tpu.memory_space<vmem>>) target(%dma_start3A_324 : memref<2x3x8x128xf32, #tpu.memory_space<hbm>>) target_semaphore(%dma_start3A_320 : memref<!tpu.dma_semaphore, #tpu.memory_space<semaphore_mem>>)
    %scan3A_331 = arith.constant 0 : i32
    %scan3A_332 = arith.constant 1 : i32
    %scan3A_333 = arith.constant 15 : i32
    %scan3A_334 = arith.addi %scan3A_332, %scan3A_333 : i32
    %scan3A_335 = arith.constant 1 : i32
    scf.for %scan3A_440 = %scan3A_332 to %scan3A_334 step %scan3A_335  : i32 {
      %mul3A_441 = arith.constant 2 : i32
      %mul3A_442 = arith.muli %mul3A_441, %scan3A_440 : i32
      %dma_wait3A_443 = arith.constant 0 : i32
      %dma_wait3A_444 = arith.constant 0 : i32
      %dma_wait3A_445 = arith.constant 0 : i32
      %dma_wait3A_446 = arith.constant 0 : i32
      %dma_wait3A_447 = arith.constant 0 : i32
      %dma_wait3A_448 = arith.constant 0 : i32
      %dma_wait3A_449 = arith.constant 0 : i32
      %dma_wait3A_450 = tpu.memref_slice %arg11[%dma_wait3A_444, %dma_wait3A_445, %dma_wait3A_448, %dma_wait3A_449] : memref<2x3x80x56xf32, #tpu.memory_space<vmem>> -> memref<1x1x80x56xf32, #tpu.memory_space<vmem>>
      %dma_wait3A_451 = tpu.memref_squeeze %dma_wait3A_450 : memref<1x1x80x56xf32, #tpu.memory_space<vmem>> -> memref<80x56xf32, #tpu.memory_space<vmem>>
      %dma_wait3A_452 = arith.constant 0 : i32
      %dma_wait3A_453 = tpu.memref_slice %arg8[%dma_wait3A_443, %dma_wait3A_452] : memref<32x80xi32, #tpu.memory_space<vmem>> -> memref<1x80xi32, #tpu.memory_space<vmem>>
      %dma_wait3A_454 = tpu.memref_squeeze %dma_wait3A_453 : memref<1x80xi32, #tpu.memory_space<vmem>> -> memref<80xi32, #tpu.memory_space<vmem>>
      %dma_wait3A_455 = arith.constant 0 : i32
      %dma_wait3A_456 = arith.constant 0 : i32
      %dma_wait3A_457 = tpu.memref_slice %arg2[%dma_wait3A_455, %dma_wait3A_456] : memref<100000x56xf32, #tpu.memory_space<hbm>> -> memref<100000x56xf32, #tpu.memory_space<hbm>>
      %dma_wait3A_458 = tpu.memref_slice %arg13[%dma_wait3A_446, %dma_wait3A_447] : memref<2x3x!tpu.dma_semaphore, #tpu.memory_space<semaphore_mem>> -> memref<1x1x!tpu.dma_semaphore, #tpu.memory_space<semaphore_mem>>
      %dma_wait3A_459 = tpu.memref_squeeze %dma_wait3A_458 : memref<1x1x!tpu.dma_semaphore, #tpu.memory_space<semaphore_mem>> -> memref<!tpu.dma_semaphore, #tpu.memory_space<semaphore_mem>>
      tpu.wait_indirect_dma semaphore(%dma_wait3A_459 : memref<!tpu.dma_semaphore, #tpu.memory_space<semaphore_mem>>) src(%dma_wait3A_457 : memref<100000x56xf32, #tpu.memory_space<hbm>>) dst(%dma_wait3A_451 : memref<80x56xf32, #tpu.memory_space<vmem>>)
      %dma_wait3A_460 = arith.constant 0 : i32
      %dma_wait3A_461 = arith.constant 0 : i32
      %dma_wait3A_462 = arith.constant 1 : i32
      %dma_wait3A_463 = arith.constant 0 : i32
      %dma_wait3A_464 = arith.constant 1 : i32
      %dma_wait3A_465 = arith.constant 0 : i32
      %dma_wait3A_466 = arith.constant 0 : i32
      %dma_wait3A_467 = tpu.memref_slice %arg11[%dma_wait3A_461, %dma_wait3A_462, %dma_wait3A_465, %dma_wait3A_466] : memref<2x3x80x56xf32, #tpu.memory_space<vmem>> -> memref<1x1x80x56xf32, #tpu.memory_space<vmem>>
      %dma_wait3A_468 = tpu.memref_squeeze %dma_wait3A_467 : memref<1x1x80x56xf32, #tpu.memory_space<vmem>> -> memref<80x56xf32, #tpu.memory_space<vmem>>
      %dma_wait3A_469 = arith.constant 0 : i32
      %dma_wait3A_470 = tpu.memref_slice %arg8[%dma_wait3A_460, %dma_wait3A_469] : memref<32x80xi32, #tpu.memory_space<vmem>> -> memref<1x80xi32, #tpu.memory_space<vmem>>
      %dma_wait3A_471 = tpu.memref_squeeze %dma_wait3A_470 : memref<1x80xi32, #tpu.memory_space<vmem>> -> memref<80xi32, #tpu.memory_space<vmem>>
      %dma_wait3A_472 = arith.constant 0 : i32
      %dma_wait3A_473 = arith.constant 0 : i32
      %dma_wait3A_474 = tpu.memref_slice %arg2[%dma_wait3A_472, %dma_wait3A_473] : memref<100000x56xf32, #tpu.memory_space<hbm>> -> memref<100000x56xf32, #tpu.memory_space<hbm>>
      %dma_wait3A_475 = tpu.memref_slice %arg13[%dma_wait3A_463, %dma_wait3A_464] : memref<2x3x!tpu.dma_semaphore, #tpu.memory_space<semaphore_mem>> -> memref<1x1x!tpu.dma_semaphore, #tpu.memory_space<semaphore_mem>>
      %dma_wait3A_476 = tpu.memref_squeeze %dma_wait3A_475 : memref<1x1x!tpu.dma_semaphore, #tpu.memory_space<semaphore_mem>> -> memref<!tpu.dma_semaphore, #tpu.memory_space<semaphore_mem>>
      tpu.wait_indirect_dma semaphore(%dma_wait3A_476 : memref<!tpu.dma_semaphore, #tpu.memory_space<semaphore_mem>>) src(%dma_wait3A_474 : memref<100000x56xf32, #tpu.memory_space<hbm>>) dst(%dma_wait3A_468 : memref<80x56xf32, #tpu.memory_space<vmem>>)
      %dma_wait3A_477 = arith.constant 0 : i32
      %dma_wait3A_478 = arith.constant 0 : i32
      %dma_wait3A_479 = arith.constant 2 : i32
      %dma_wait3A_480 = arith.constant 0 : i32
      %dma_wait3A_481 = arith.constant 2 : i32
      %dma_wait3A_482 = arith.constant 0 : i32
      %dma_wait3A_483 = arith.constant 0 : i32
      %dma_wait3A_484 = tpu.memref_slice %arg11[%dma_wait3A_478, %dma_wait3A_479, %dma_wait3A_482, %dma_wait3A_483] : memref<2x3x80x56xf32, #tpu.memory_space<vmem>> -> memref<1x1x80x56xf32, #tpu.memory_space<vmem>>
      %dma_wait3A_485 = tpu.memref_squeeze %dma_wait3A_484 : memref<1x1x80x56xf32, #tpu.memory_space<vmem>> -> memref<80x56xf32, #tpu.memory_space<vmem>>
      %dma_wait3A_486 = arith.constant 0 : i32
      %dma_wait3A_487 = tpu.memref_slice %arg8[%dma_wait3A_477, %dma_wait3A_486] : memref<32x80xi32, #tpu.memory_space<vmem>> -> memref<1x80xi32, #tpu.memory_space<vmem>>
      %dma_wait3A_488 = tpu.memref_squeeze %dma_wait3A_487 : memref<1x80xi32, #tpu.memory_space<vmem>> -> memref<80xi32, #tpu.memory_space<vmem>>
      %dma_wait3A_489 = arith.constant 0 : i32
      %dma_wait3A_490 = arith.constant 0 : i32
      %dma_wait3A_491 = tpu.memref_slice %arg2[%dma_wait3A_489, %dma_wait3A_490] : memref<100000x56xf32, #tpu.memory_space<hbm>> -> memref<100000x56xf32, #tpu.memory_space<hbm>>
      %dma_wait3A_492 = tpu.memref_slice %arg13[%dma_wait3A_480, %dma_wait3A_481] : memref<2x3x!tpu.dma_semaphore, #tpu.memory_space<semaphore_mem>> -> memref<1x1x!tpu.dma_semaphore, #tpu.memory_space<semaphore_mem>>
      %dma_wait3A_493 = tpu.memref_squeeze %dma_wait3A_492 : memref<1x1x!tpu.dma_semaphore, #tpu.memory_space<semaphore_mem>> -> memref<!tpu.dma_semaphore, #tpu.memory_space<semaphore_mem>>
      tpu.wait_indirect_dma semaphore(%dma_wait3A_493 : memref<!tpu.dma_semaphore, #tpu.memory_space<semaphore_mem>>) src(%dma_wait3A_491 : memref<100000x56xf32, #tpu.memory_space<hbm>>) dst(%dma_wait3A_485 : memref<80x56xf32, #tpu.memory_space<vmem>>)
      %add3A_494 = arith.constant 1 : i32
      %add3A_495 = arith.addi %mul3A_442, %add3A_494 : i32
      %lt3A = arith.constant 32 : i32
      %lt3A_496 = arith.cmpi slt, %add3A_495, %lt3A : i32
      %jit3A_497 = arith.constant 0 : i32
      %select_n3A_498 = arith.select %lt3A_496, %add3A_495, %jit3A_497 : i32
      %dma_start3A_499 = arith.constant 1 : i32
      %dma_start3A_500 = arith.constant 0 : i32
      %dma_start3A_501 = arith.constant 1 : i32
      %dma_start3A_502 = arith.constant 0 : i32
      %dma_start3A_503 = arith.constant 0 : i32
      %dma_start3A_504 = arith.constant 0 : i32
      %dma_start3A_505 = tpu.memref_slice %arg11[%dma_start3A_499, %dma_start3A_500, %dma_start3A_503, %dma_start3A_504] : memref<2x3x80x56xf32, #tpu.memory_space<vmem>> -> memref<1x1x80x56xf32, #tpu.memory_space<vmem>>
      %dma_start3A_506 = tpu.memref_squeeze %dma_start3A_505 : memref<1x1x80x56xf32, #tpu.memory_space<vmem>> -> memref<80x56xf32, #tpu.memory_space<vmem>>
      %dma_start3A_507 = arith.constant 0 : i32
      %dma_start3A_508 = tpu.memref_slice %arg8[%select_n3A_498, %dma_start3A_507] : memref<32x80xi32, #tpu.memory_space<vmem>> -> memref<1x80xi32, #tpu.memory_space<vmem>>
      %dma_start3A_509 = tpu.memref_squeeze %dma_start3A_508 : memref<1x80xi32, #tpu.memory_space<vmem>> -> memref<80xi32, #tpu.memory_space<vmem>>
      %dma_start3A_510 = arith.constant 0 : i32
      %dma_start3A_511 = arith.constant 0 : i32
      %dma_start3A_512 = tpu.memref_slice %arg2[%dma_start3A_510, %dma_start3A_511] : memref<100000x56xf32, #tpu.memory_space<hbm>> -> memref<100000x56xf32, #tpu.memory_space<hbm>>
      %dma_start3A_513 = tpu.memref_slice %arg13[%dma_start3A_501, %dma_start3A_502] : memref<2x3x!tpu.dma_semaphore, #tpu.memory_space<semaphore_mem>> -> memref<1x1x!tpu.dma_semaphore, #tpu.memory_space<semaphore_mem>>
      %dma_start3A_514 = tpu.memref_squeeze %dma_start3A_513 : memref<1x1x!tpu.dma_semaphore, #tpu.memory_space<semaphore_mem>> -> memref<!tpu.dma_semaphore, #tpu.memory_space<semaphore_mem>>
      tpu.enqueue_indirect_dma source(%dma_start3A_512 : memref<100000x56xf32, #tpu.memory_space<hbm>>) target(%dma_start3A_506 : memref<80x56xf32, #tpu.memory_space<vmem>>) offsets(%dma_start3A_509 : memref<80xi32, #tpu.memory_space<vmem>>) semaphore(%dma_start3A_514 : memref<!tpu.dma_semaphore, #tpu.memory_space<semaphore_mem>>)
      %dma_start3A_515 = arith.constant 1 : i32
      %dma_start3A_516 = arith.constant 1 : i32
      %dma_start3A_517 = arith.constant 1 : i32
      %dma_start3A_518 = arith.constant 1 : i32
      %dma_start3A_519 = arith.constant 0 : i32
      %dma_start3A_520 = arith.constant 0 : i32
      %dma_start3A_521 = tpu.memref_slice %arg11[%dma_start3A_515, %dma_start3A_516, %dma_start3A_519, %dma_start3A_520] : memref<2x3x80x56xf32, #tpu.memory_space<vmem>> -> memref<1x1x80x56xf32, #tpu.memory_space<vmem>>
      %dma_start3A_522 = tpu.memref_squeeze %dma_start3A_521 : memref<1x1x80x56xf32, #tpu.memory_space<vmem>> -> memref<80x56xf32, #tpu.memory_space<vmem>>
      %dma_start3A_523 = arith.constant 0 : i32
      %dma_start3A_524 = tpu.memref_slice %arg9[%select_n3A_498, %dma_start3A_523] : memref<32x80xi32, #tpu.memory_space<vmem>> -> memref<1x80xi32, #tpu.memory_space<vmem>>
      %dma_start3A_525 = tpu.memref_squeeze %dma_start3A_524 : memref<1x80xi32, #tpu.memory_space<vmem>> -> memref<80xi32, #tpu.memory_space<vmem>>
      %dma_start3A_526 = arith.constant 0 : i32
      %dma_start3A_527 = arith.constant 0 : i32
      %dma_start3A_528 = tpu.memref_slice %arg3[%dma_start3A_526, %dma_start3A_527] : memref<50000x56xf32, #tpu.memory_space<hbm>> -> memref<50000x56xf32, #tpu.memory_space<hbm>>
      %dma_start3A_529 = tpu.memref_slice %arg13[%dma_start3A_517, %dma_start3A_518] : memref<2x3x!tpu.dma_semaphore, #tpu.memory_space<semaphore_mem>> -> memref<1x1x!tpu.dma_semaphore, #tpu.memory_space<semaphore_mem>>
      %dma_start3A_530 = tpu.memref_squeeze %dma_start3A_529 : memref<1x1x!tpu.dma_semaphore, #tpu.memory_space<semaphore_mem>> -> memref<!tpu.dma_semaphore, #tpu.memory_space<semaphore_mem>>
      tpu.enqueue_indirect_dma source(%dma_start3A_528 : memref<50000x56xf32, #tpu.memory_space<hbm>>) target(%dma_start3A_522 : memref<80x56xf32, #tpu.memory_space<vmem>>) offsets(%dma_start3A_525 : memref<80xi32, #tpu.memory_space<vmem>>) semaphore(%dma_start3A_530 : memref<!tpu.dma_semaphore, #tpu.memory_space<semaphore_mem>>)
      %dma_start3A_531 = arith.constant 1 : i32
      %dma_start3A_532 = arith.constant 2 : i32
      %dma_start3A_533 = arith.constant 1 : i32
      %dma_start3A_534 = arith.constant 2 : i32
      %dma_start3A_535 = arith.constant 0 : i32
      %dma_start3A_536 = arith.constant 0 : i32
      %dma_start3A_537 = tpu.memref_slice %arg11[%dma_start3A_531, %dma_start3A_532, %dma_start3A_535, %dma_start3A_536] : memref<2x3x80x56xf32, #tpu.memory_space<vmem>> -> memref<1x1x80x56xf32, #tpu.memory_space<vmem>>
      %dma_start3A_538 = tpu.memref_squeeze %dma_start3A_537 : memref<1x1x80x56xf32, #tpu.memory_space<vmem>> -> memref<80x56xf32, #tpu.memory_space<vmem>>
      %dma_start3A_539 = arith.constant 0 : i32
      %dma_start3A_540 = tpu.memref_slice %arg10[%select_n3A_498, %dma_start3A_539] : memref<32x80xi32, #tpu.memory_space<vmem>> -> memref<1x80xi32, #tpu.memory_space<vmem>>
      %dma_start3A_541 = tpu.memref_squeeze %dma_start3A_540 : memref<1x80xi32, #tpu.memory_space<vmem>> -> memref<80xi32, #tpu.memory_space<vmem>>
      %dma_start3A_542 = arith.constant 0 : i32
      %dma_start3A_543 = arith.constant 0 : i32
      %dma_start3A_544 = tpu.memref_slice %arg3[%dma_start3A_542, %dma_start3A_543] : memref<50000x56xf32, #tpu.memory_space<hbm>> -> memref<50000x56xf32, #tpu.memory_space<hbm>>
      %dma_start3A_545 = tpu.memref_slice %arg13[%dma_start3A_533, %dma_start3A_534] : memref<2x3x!tpu.dma_semaphore, #tpu.memory_space<semaphore_mem>> -> memref<1x1x!tpu.dma_semaphore, #tpu.memory_space<semaphore_mem>>
      %dma_start3A_546 = tpu.memref_squeeze %dma_start3A_545 : memref<1x1x!tpu.dma_semaphore, #tpu.memory_space<semaphore_mem>> -> memref<!tpu.dma_semaphore, #tpu.memory_space<semaphore_mem>>
      tpu.enqueue_indirect_dma source(%dma_start3A_544 : memref<50000x56xf32, #tpu.memory_space<hbm>>) target(%dma_start3A_538 : memref<80x56xf32, #tpu.memory_space<vmem>>) offsets(%dma_start3A_541 : memref<80xi32, #tpu.memory_space<vmem>>) semaphore(%dma_start3A_546 : memref<!tpu.dma_semaphore, #tpu.memory_space<semaphore_mem>>)
      %dma_wait3A_547 = arith.constant 0 : i32
      %dma_wait3A_548 = arith.constant 0 : i32
      %dma_wait3A_549 = arith.constant 0 : i32
      %dma_wait3A_550 = arith.constant 0 : i32
      %dma_wait3A_551 = arith.constant 0 : i32
      %dma_wait3A_552 = arith.constant 0 : i32
      %dma_wait3A_553 = tpu.memref_slice %arg12[%dma_wait3A_547, %dma_wait3A_549, %dma_wait3A_550, %dma_wait3A_551, %dma_wait3A_552] : memref<2x2x3x8x128xf32, #tpu.memory_space<vmem>> -> memref<1x2x3x8x128xf32, #tpu.memory_space<vmem>>
      %dma_wait3A_554 = tpu.memref_squeeze %dma_wait3A_553 : memref<1x2x3x8x128xf32, #tpu.memory_space<vmem>> -> memref<2x3x8x128xf32, #tpu.memory_space<vmem>>
      %dma_wait3A_555 = arith.constant 0 : i32
      %dma_wait3A_556 = arith.constant 0 : i32
      %dma_wait3A_557 = arith.constant 0 : i32
      %dma_wait3A_558 = arith.constant 0 : i32
      %dma_wait3A_559 = tpu.memref_slice %arg7[%dma_wait3A_555, %dma_wait3A_556, %dma_wait3A_557, %dma_wait3A_558] : memref<2048x3x8x128xf32, #tpu.memory_space<hbm>> -> memref<2x3x8x128xf32, #tpu.memory_space<hbm>>
      %dma_wait3A_560 = tpu.memref_slice %arg14[%dma_wait3A_548] : memref<2x!tpu.dma_semaphore, #tpu.memory_space<semaphore_mem>> -> memref<1x!tpu.dma_semaphore, #tpu.memory_space<semaphore_mem>>
      %dma_wait3A_561 = tpu.memref_squeeze %dma_wait3A_560 : memref<1x!tpu.dma_semaphore, #tpu.memory_space<semaphore_mem>> -> memref<!tpu.dma_semaphore, #tpu.memory_space<semaphore_mem>>
      %dma_wait3A_562 = arith.constant 0 : i32
      %dma_wait3A_563 = arith.constant 0 : i32
      %dma_wait3A_564 = arith.constant 0 : i32
      %dma_wait3A_565 = arith.constant 0 : i32
      %dma_wait3A_566 = tpu.memref_slice %arg12[%dma_wait3A_547, %dma_wait3A_562, %dma_wait3A_563, %dma_wait3A_564, %dma_wait3A_565] : memref<2x2x3x8x128xf32, #tpu.memory_space<vmem>> -> memref<1x2x3x8x128xf32, #tpu.memory_space<vmem>>
      %dma_wait3A_567 = tpu.memref_squeeze %dma_wait3A_566 : memref<1x2x3x8x128xf32, #tpu.memory_space<vmem>> -> memref<2x3x8x128xf32, #tpu.memory_space<vmem>>
      %dma_wait3A_568 = arith.constant 0 : i32
      %dma_wait3A_569 = arith.constant 0 : i32
      %dma_wait3A_570 = arith.constant 0 : i32
      %dma_wait3A_571 = arith.constant 0 : i32
      %dma_wait3A_572 = tpu.memref_slice %arg7[%dma_wait3A_568, %dma_wait3A_569, %dma_wait3A_570, %dma_wait3A_571] : memref<2048x3x8x128xf32, #tpu.memory_space<hbm>> -> memref<2x3x8x128xf32, #tpu.memory_space<hbm>>
      tpu.wait_dma2 semaphore(%dma_wait3A_561 : memref<!tpu.dma_semaphore, #tpu.memory_space<semaphore_mem>>) src(%dma_wait3A_572 : memref<2x3x8x128xf32, #tpu.memory_space<hbm>>) dst(%dma_wait3A_567 : memref<2x3x8x128xf32, #tpu.memory_space<vmem>>)
      %scan3A_573 = arith.constant 0 : i32
      %scan3A_574 = arith.constant 0 : i32
      %scan3A_575 = arith.constant 16 : i32
      %scan3A_576 = arith.addi %scan3A_574, %scan3A_575 : i32
      %scan3A_577 = arith.constant 1 : i32
      scf.for %scan3A_774 = %scan3A_574 to %scan3A_576 step %scan3A_577  : i32 {
        %jit3A_775 = arith.constant 8 : i32
        %div3A = arith.divsi %scan3A_774, %jit3A_775 : i32
        %sign3A = arith.constant 0 : i32
        %sign3A_776 = arith.cmpi sgt, %scan3A_774, %sign3A : i32
        %sign3A_777 = arith.extui %sign3A_776 : i1 to i32
        %sign3A_778 = arith.constant 0 : i32
        %sign3A_779 = arith.cmpi slt, %scan3A_774, %sign3A_778 : i32
        %sign3A_780 = arith.extui %sign3A_779 : i1 to i32
        %sign3A_781 = arith.subi %sign3A_777, %sign3A_780 : i32
        %sign3A_782 = arith.constant 0 : i32
        %sign3A_783 = arith.cmpi sgt, %jit3A_775, %sign3A_782 : i32
        %sign3A_784 = arith.extui %sign3A_783 : i1 to i32
        %sign3A_785 = arith.constant 0 : i32
        %sign3A_786 = arith.cmpi slt, %jit3A_775, %sign3A_785 : i32
        %sign3A_787 = arith.extui %sign3A_786 : i1 to i32
        %sign3A_788 = arith.subi %sign3A_784, %sign3A_787 : i32
        %ne3A = arith.cmpi ne, %sign3A_781, %sign3A_788 : i32
        %rem3A = arith.remsi %scan3A_774, %jit3A_775 : i32
        %ne3A_789 = arith.constant 0 : i32
        %ne3A_790 = arith.cmpi ne, %rem3A, %ne3A_789 : i32
        %and3A = arith.andi %ne3A, %ne3A_790 : i1
        %sub3A = arith.constant 1 : i32
        %sub3A_791 = arith.subi %div3A, %sub3A : i32
        %select_n3A_792 = arith.select %and3A, %sub3A_791, %div3A : i32
        %jit3A_793 = arith.constant 8 : i32
        %eq3A = arith.constant 0 : i32
        %eq3A_794 = arith.cmpi eq, %jit3A_793, %eq3A : i32
        %jit3A_795 = arith.constant 1 : i32
        %select_n3A_796 = arith.select %eq3A_794, %jit3A_795, %jit3A_793 : i32
        %rem3A_797 = arith.remsi %scan3A_774, %select_n3A_796 : i32
        %ne3A_798 = arith.constant 0 : i32
        %ne3A_799 = arith.cmpi ne, %rem3A_797, %ne3A_798 : i32
        %lt3A_800 = arith.constant 0 : i32
        %lt3A_801 = arith.cmpi slt, %rem3A_797, %lt3A_800 : i32
        %lt3A_802 = arith.constant 0 : i32
        %lt3A_803 = arith.cmpi slt, %select_n3A_796, %lt3A_802 : i32
        %ne3A_804 = arith.xori %lt3A_801, %lt3A_803 : i1
        %and3A_805 = arith.andi %ne3A_804, %ne3A_799 : i1
        %add3A_806 = arith.addi %rem3A_797, %select_n3A_796 : i32
        %select_n3A_807 = arith.select %and3A_805, %add3A_806, %rem3A_797 : i32
        %mul3A_808 = arith.constant 5 : i32
        %mul3A_809 = arith.muli %scan3A_774, %mul3A_808 : i32
        %add3A_810 = arith.constant 0 : i32
        %add3A_811 = arith.addi %mul3A_809, %add3A_810 : i32
        %get3A = arith.constant 0 : i32
        %get3A_812 = arith.constant 0 : i32
        %get3A_813 = arith.index_cast %get3A : i32 to index
        %get3A_814 = arith.index_cast %get3A_812 : i32 to index
        %get3A_815 = arith.index_cast %add3A_811 : i32 to index
        %get3A_816 = arith.constant 0 : index
        %get3A_817 = tpu.vector_load %arg11[%get3A_813, %get3A_814, %get3A_815, %get3A_816] {strides = array<i32>} : memref<2x3x80x56xf32, #tpu.memory_space<vmem>>, vector<1x1x1x16xf32>,
        %get3A_818 = vector.shape_cast %get3A_817 : vector<1x1x1x16xf32> to vector<16xf32>
        %add3A_819 = arith.constant 0 : i32
        %add3A_820 = arith.addi %mul3A_809, %add3A_819 : i32
        %get3A_821 = arith.constant 0 : i32
        %get3A_822 = arith.constant 1 : i32
        %get3A_823 = arith.index_cast %get3A_821 : i32 to index
        %get3A_824 = arith.index_cast %get3A_822 : i32 to index
        %get3A_825 = arith.index_cast %add3A_820 : i32 to index
        %get3A_826 = arith.constant 0 : index
        %get3A_827 = tpu.vector_load %arg11[%get3A_823, %get3A_824, %get3A_825, %get3A_826] {strides = array<i32>} : memref<2x3x80x56xf32, #tpu.memory_space<vmem>>, vector<1x1x1x16xf32>,
        %get3A_828 = vector.shape_cast %get3A_827 : vector<1x1x1x16xf32> to vector<16xf32>
        %add3A_829 = arith.addf %get3A_818, %get3A_828 : vector<16xf32>
        %add3A_830 = arith.constant 0 : i32
        %add3A_831 = arith.addi %mul3A_809, %add3A_830 : i32
        %get3A_832 = arith.constant 0 : i32
        %get3A_833 = arith.constant 2 : i32
        %get3A_834 = arith.index_cast %get3A_832 : i32 to index
        %get3A_835 = arith.index_cast %get3A_833 : i32 to index
        %get3A_836 = arith.index_cast %add3A_831 : i32 to index
        %get3A_837 = arith.constant 0 : index
        %get3A_838 = tpu.vector_load %arg11[%get3A_834, %get3A_835, %get3A_836, %get3A_837] {strides = array<i32>} : memref<2x3x80x56xf32, #tpu.memory_space<vmem>>, vector<1x1x1x16xf32>,
        %get3A_839 = vector.shape_cast %get3A_838 : vector<1x1x1x16xf32> to vector<16xf32>
        %add3A_840 = arith.addf %add3A_829, %get3A_839 : vector<16xf32>
        %swap3A = arith.constant 0 : i32
        %swap3A_841 = arith.constant 0 : i32
        %swap3A_842 = arith.index_cast %swap3A : i32 to index
        %swap3A_843 = arith.index_cast %select_n3A_792 : i32 to index
        %swap3A_844 = arith.index_cast %swap3A_841 : i32 to index
        %swap3A_845 = arith.index_cast %select_n3A_807 : i32 to index
        %swap3A_846 = arith.constant 0 : index
        %swap3A_847 = tpu.vector_load %arg12[%swap3A_842, %swap3A_843, %swap3A_844, %swap3A_845, %swap3A_846] {strides = array<i32>} : memref<2x2x3x8x128xf32, #tpu.memory_space<vmem>>, vector<1x1x1x1x16xf32>,
        %swap3A_848 = vector.shape_cast %swap3A_847 : vector<1x1x1x1x16xf32> to vector<16xf32>
        %swap3A_849 = vector.shape_cast %add3A_840 : vector<16xf32> to vector<1x1x1x1x16xf32>
        tpu.vector_store %arg12[%swap3A_842, %swap3A_843, %swap3A_844, %swap3A_845, %swap3A_846], %swap3A_849 {strides = array<i32>} : memref<2x2x3x8x128xf32, #tpu.memory_space<vmem>>, vector<1x1x1x1x16xf32>,
        %add3A_850 = arith.constant 0 : i32
        %add3A_851 = arith.addi %mul3A_809, %add3A_850 : i32
        %get3A_852 = arith.constant 0 : i32
        %get3A_853 = arith.constant 0 : i32
        %get3A_854 = arith.index_cast %get3A_852 : i32 to index
        %get3A_855 = arith.index_cast %get3A_853 : i32 to index
        %get3A_856 = arith.index_cast %add3A_851 : i32 to index
        %get3A_857 = arith.constant 16 : index
        %get3A_858 = tpu.vector_load %arg11[%get3A_854, %get3A_855, %get3A_856, %get3A_857] {strides = array<i32>} : memref<2x3x80x56xf32, #tpu.memory_space<vmem>>, vector<1x1x1x16xf32>,
        %get3A_859 = vector.shape_cast %get3A_858 : vector<1x1x1x16xf32> to vector<16xf32>
        %add3A_860 = arith.constant 0 : i32
        %add3A_861 = arith.addi %mul3A_809, %add3A_860 : i32
        %get3A_862 = arith.constant 0 : i32
        %get3A_863 = arith.constant 1 : i32
        %get3A_864 = arith.index_cast %get3A_862 : i32 to index
        %get3A_865 = arith.index_cast %get3A_863 : i32 to index
        %get3A_866 = arith.index_cast %add3A_861 : i32 to index
        %get3A_867 = arith.constant 16 : index
        %get3A_868 = tpu.vector_load %arg11[%get3A_864, %get3A_865, %get3A_866, %get3A_867] {strides = array<i32>} : memref<2x3x80x56xf32, #tpu.memory_space<vmem>>, vector<1x1x1x16xf32>,
        %get3A_869 = vector.shape_cast %get3A_868 : vector<1x1x1x16xf32> to vector<16xf32>
        %add3A_870 = arith.addf %get3A_859, %get3A_869 : vector<16xf32>
        %add3A_871 = arith.constant 0 : i32
        %add3A_872 = arith.addi %mul3A_809, %add3A_871 : i32
        %get3A_873 = arith.constant 0 : i32
        %get3A_874 = arith.constant 2 : i32
        %get3A_875 = arith.index_cast %get3A_873 : i32 to index
        %get3A_876 = arith.index_cast %get3A_874 : i32 to index
        %get3A_877 = arith.index_cast %add3A_872 : i32 to index
        %get3A_878 = arith.constant 16 : index
        %get3A_879 = tpu.vector_load %arg11[%get3A_875, %get3A_876, %get3A_877, %get3A_878] {strides = array<i32>} : memref<2x3x80x56xf32, #tpu.memory_space<vmem>>, vector<1x1x1x16xf32>,
        %get3A_880 = vector.shape_cast %get3A_879 : vector<1x1x1x16xf32> to vector<16xf32>
        %add3A_881 = arith.addf %add3A_870, %get3A_880 : vector<16xf32>
        %swap3A_882 = arith.constant 0 : i32
        %swap3A_883 = arith.constant 0 : i32
        %swap3A_884 = arith.index_cast %swap3A_882 : i32 to index
        %swap3A_885 = arith.index_cast %select_n3A_792 : i32 to index
        %swap3A_886 = arith.index_cast %swap3A_883 : i32 to index
        %swap3A_887 = arith.index_cast %select_n3A_807 : i32 to index
        %swap3A_888 = arith.constant 16 : index
        %swap3A_889 = tpu.vector_load %arg12[%swap3A_884, %swap3A_885, %swap3A_886, %swap3A_887, %swap3A_888] {strides = array<i32>} : memref<2x2x3x8x128xf32, #tpu.memory_space<vmem>>, vector<1x1x1x1x16xf32>,
        %swap3A_890 = vector.shape_cast %swap3A_889 : vector<1x1x1x1x16xf32> to vector<16xf32>
        %swap3A_891 = vector.shape_cast %add3A_881 : vector<16xf32> to vector<1x1x1x1x16xf32>
        tpu.vector_store %arg12[%swap3A_884, %swap3A_885, %swap3A_886, %swap3A_887, %swap3A_888], %swap3A_891 {strides = array<i32>} : memref<2x2x3x8x128xf32, #tpu.memory_space<vmem>>, vector<1x1x1x1x16xf32>,
        %add3A_892 = arith.constant 0 : i32
        %add3A_893 = arith.addi %mul3A_809, %add3A_892 : i32
        %get3A_894 = arith.constant 0 : i32
        %get3A_895 = arith.constant 0 : i32
        %get3A_896 = arith.index_cast %get3A_894 : i32 to index
        %get3A_897 = arith.index_cast %get3A_895 : i32 to index
        %get3A_898 = arith.index_cast %add3A_893 : i32 to index
        %get3A_899 = arith.constant 32 : index
        %get3A_900 = tpu.vector_load %arg11[%get3A_896, %get3A_897, %get3A_898, %get3A_899] {strides = array<i32>} : memref<2x3x80x56xf32, #tpu.memory_space<vmem>>, vector<1x1x1x16xf32>,
        %get3A_901 = vector.shape_cast %get3A_900 : vector<1x1x1x16xf32> to vector<16xf32>
        %add3A_902 = arith.constant 0 : i32
        %add3A_903 = arith.addi %mul3A_809, %add3A_902 : i32
        %get3A_904 = arith.constant 0 : i32
        %get3A_905 = arith.constant 1 : i32
        %get3A_906 = arith.index_cast %get3A_904 : i32 to index
        %get3A_907 = arith.index_cast %get3A_905 : i32 to index
        %get3A_908 = arith.index_cast %add3A_903 : i32 to index
        %get3A_909 = arith.constant 32 : index
        %get3A_910 = tpu.vector_load %arg11[%get3A_906, %get3A_907, %get3A_908, %get3A_909] {strides = array<i32>} : memref<2x3x80x56xf32, #tpu.memory_space<vmem>>, vector<1x1x1x16xf32>,
        %get3A_911 = vector.shape_cast %get3A_910 : vector<1x1x1x16xf32> to vector<16xf32>
        %add3A_912 = arith.addf %get3A_901, %get3A_911 : vector<16xf32>
        %add3A_913 = arith.constant 0 : i32
        %add3A_914 = arith.addi %mul3A_809, %add3A_913 : i32
        %get3A_915 = arith.constant 0 : i32
        %get3A_916 = arith.constant 2 : i32
        %get3A_917 = arith.index_cast %get3A_915 : i32 to index
        %get3A_918 = arith.index_cast %get3A_916 : i32 to index
        %get3A_919 = arith.index_cast %add3A_914 : i32 to index
        %get3A_920 = arith.constant 32 : index
        %get3A_921 = tpu.vector_load %arg11[%get3A_917, %get3A_918, %get3A_919, %get3A_920] {strides = array<i32>} : memref<2x3x80x56xf32, #tpu.memory_space<vmem>>, vector<1x1x1x16xf32>,
        %get3A_922 = vector.shape_cast %get3A_921 : vector<1x1x1x16xf32> to vector<16xf32>
        %add3A_923 = arith.addf %add3A_912, %get3A_922 : vector<16xf32>
        %swap3A_924 = arith.constant 0 : i32
        %swap3A_925 = arith.constant 0 : i32
        %swap3A_926 = arith.index_cast %swap3A_924 : i32 to index
        %swap3A_927 = arith.index_cast %select_n3A_792 : i32 to index
        %swap3A_928 = arith.index_cast %swap3A_925 : i32 to index
        %swap3A_929 = arith.index_cast %select_n3A_807 : i32 to index
        %swap3A_930 = arith.constant 32 : index
        %swap3A_931 = tpu.vector_load %arg12[%swap3A_926, %swap3A_927, %swap3A_928, %swap3A_929, %swap3A_930] {strides = array<i32>} : memref<2x2x3x8x128xf32, #tpu.memory_space<vmem>>, vector<1x1x1x1x16xf32>,
        %swap3A_932 = vector.shape_cast %swap3A_931 : vector<1x1x1x1x16xf32> to vector<16xf32>
        %swap3A_933 = vector.shape_cast %add3A_923 : vector<16xf32> to vector<1x1x1x1x16xf32>
        tpu.vector_store %arg12[%swap3A_926, %swap3A_927, %swap3A_928, %swap3A_929, %swap3A_930], %swap3A_933 {strides = array<i32>} : memref<2x2x3x8x128xf32, #tpu.memory_space<vmem>>, vector<1x1x1x1x16xf32>,
        %add3A_934 = arith.constant 0 : i32
        %add3A_935 = arith.addi %mul3A_809, %add3A_934 : i32
        %get3A_936 = arith.constant 0 : i32
        %get3A_937 = arith.constant 0 : i32
        %get3A_938 = arith.index_cast %get3A_936 : i32 to index
        %get3A_939 = arith.index_cast %get3A_937 : i32 to index
        %get3A_940 = arith.index_cast %add3A_935 : i32 to index
        %get3A_941 = arith.constant 40 : index
        %get3A_942 = tpu.vector_load %arg11[%get3A_938, %get3A_939, %get3A_940, %get3A_941] {strides = array<i32>} : memref<2x3x80x56xf32, #tpu.memory_space<vmem>>, vector<1x1x1x16xf32>,
        %get3A_943 = vector.shape_cast %get3A_942 : vector<1x1x1x16xf32> to vector<16xf32>
        %add3A_944 = arith.constant 0 : i32
        %add3A_945 = arith.addi %mul3A_809, %add3A_944 : i32
        %get3A_946 = arith.constant 0 : i32
        %get3A_947 = arith.constant 1 : i32
        %get3A_948 = arith.index_cast %get3A_946 : i32 to index
        %get3A_949 = arith.index_cast %get3A_947 : i32 to index
        %get3A_950 = arith.index_cast %add3A_945 : i32 to index
        %get3A_951 = arith.constant 40 : index
        %get3A_952 = tpu.vector_load %arg11[%get3A_948, %get3A_949, %get3A_950, %get3A_951] {strides = array<i32>} : memref<2x3x80x56xf32, #tpu.memory_space<vmem>>, vector<1x1x1x16xf32>,
        %get3A_953 = vector.shape_cast %get3A_952 : vector<1x1x1x16xf32> to vector<16xf32>
        %add3A_954 = arith.addf %get3A_943, %get3A_953 : vector<16xf32>
        %add3A_955 = arith.constant 0 : i32
        %add3A_956 = arith.addi %mul3A_809, %add3A_955 : i32
        %get3A_957 = arith.constant 0 : i32
        %get3A_958 = arith.constant 2 : i32
        %get3A_959 = arith.index_cast %get3A_957 : i32 to index
        %get3A_960 = arith.index_cast %get3A_958 : i32 to index
        %get3A_961 = arith.index_cast %add3A_956 : i32 to index
        %get3A_962 = arith.constant 40 : index
        %get3A_963 = tpu.vector_load %arg11[%get3A_959, %get3A_960, %get3A_961, %get3A_962] {strides = array<i32>} : memref<2x3x80x56xf32, #tpu.memory_space<vmem>>, vector<1x1x1x16xf32>,
        %get3A_964 = vector.shape_cast %get3A_963 : vector<1x1x1x16xf32> to vector<16xf32>
        %add3A_965 = arith.addf %add3A_954, %get3A_964 : vector<16xf32>
        %swap3A_966 = arith.constant 0 : i32
        %swap3A_967 = arith.constant 0 : i32
        %swap3A_968 = arith.index_cast %swap3A_966 : i32 to index
        %swap3A_969 = arith.index_cast %select_n3A_792 : i32 to index
        %swap3A_970 = arith.index_cast %swap3A_967 : i32 to index
        %swap3A_971 = arith.index_cast %select_n3A_807 : i32 to index
        %swap3A_972 = arith.constant 40 : index
        %swap3A_973 = tpu.vector_load %arg12[%swap3A_968, %swap3A_969, %swap3A_970, %swap3A_971, %swap3A_972] {strides = array<i32>} : memref<2x2x3x8x128xf32, #tpu.memory_space<vmem>>, vector<1x1x1x1x16xf32>,
        %swap3A_974 = vector.shape_cast %swap3A_973 : vector<1x1x1x1x16xf32> to vector<16xf32>
        %swap3A_975 = vector.shape_cast %add3A_965 : vector<16xf32> to vector<1x1x1x1x16xf32>
        tpu.vector_store %arg12[%swap3A_968, %swap3A_969, %swap3A_970, %swap3A_971, %swap3A_972], %swap3A_975 {strides = array<i32>} : memref<2x2x3x8x128xf32, #tpu.memory_space<vmem>>, vector<1x1x1x1x16xf32>,
        %add3A_976 = arith.constant 1 : i32
        %add3A_977 = arith.addi %mul3A_809, %add3A_976 : i32
        %get3A_978 = arith.constant 0 : i32
        %get3A_979 = arith.constant 0 : i32
        %get3A_980 = arith.index_cast %get3A_978 : i32 to index
        %get3A_981 = arith.index_cast %get3A_979 : i32 to index
        %get3A_982 = arith.index_cast %add3A_977 : i32 to index
        %get3A_983 = arith.constant 0 : index
        %get3A_984 = tpu.vector_load %arg11[%get3A_980, %get3A_981, %get3A_982, %get3A_983] {strides = array<i32>} : memref<2x3x80x56xf32, #tpu.memory_space<vmem>>, vector<1x1x1x16xf32>,
        %get3A_985 = vector.shape_cast %get3A_984 : vector<1x1x1x16xf32> to vector<16xf32>
        %add3A_986 = arith.constant 1 : i32
        %add3A_987 = arith.addi %mul3A_809, %add3A_986 : i32
        %get3A_988 = arith.constant 0 : i32
        %get3A_989 = arith.constant 1 : i32
        %get3A_990 = arith.index_cast %get3A_988 : i32 to index
        %get3A_991 = arith.index_cast %get3A_989 : i32 to index
        %get3A_992 = arith.index_cast %add3A_987 : i32 to index
        %get3A_993 = arith.constant 0 : index
        %get3A_994 = tpu.vector_load %arg11[%get3A_990, %get3A_991, %get3A_992, %get3A_993] {strides = array<i32>} : memref<2x3x80x56xf32, #tpu.memory_space<vmem>>, vector<1x1x1x16xf32>,
        %get3A_995 = vector.shape_cast %get3A_994 : vector<1x1x1x16xf32> to vector<16xf32>
        %add3A_996 = arith.addf %get3A_985, %get3A_995 : vector<16xf32>
        %add3A_997 = arith.constant 1 : i32
        %add3A_998 = arith.addi %mul3A_809, %add3A_997 : i32
        %get3A_999 = arith.constant 0 : i32
        %get3A_1000 = arith.constant 2 : i32
        %get3A_1001 = arith.index_cast %get3A_999 : i32 to index
        %get3A_1002 = arith.index_cast %get3A_1000 : i32 to index
        %get3A_1003 = arith.index_cast %add3A_998 : i32 to index
        %get3A_1004 = arith.constant 0 : index
        %get3A_1005 = tpu.vector_load %arg11[%get3A_1001, %get3A_1002, %get3A_1003, %get3A_1004] {strides = array<i32>} : memref<2x3x80x56xf32, #tpu.memory_space<vmem>>, vector<1x1x1x16xf32>,
        %get3A_1006 = vector.shape_cast %get3A_1005 : vector<1x1x1x16xf32> to vector<16xf32>
        %add3A_1007 = arith.addf %add3A_996, %get3A_1006 : vector<16xf32>
        %swap3A_1008 = arith.constant 0 : i32
        %swap3A_1009 = arith.constant 0 : i32
        %swap3A_1010 = arith.index_cast %swap3A_1008 : i32 to index
        %swap3A_1011 = arith.index_cast %select_n3A_792 : i32 to index
        %swap3A_1012 = arith.index_cast %swap3A_1009 : i32 to index
        %swap3A_1013 = arith.index_cast %select_n3A_807 : i32 to index
        %swap3A_1014 = arith.constant 56 : index
        %swap3A_1015 = tpu.vector_load %arg12[%swap3A_1010, %swap3A_1011, %swap3A_1012, %swap3A_1013, %swap3A_1014] {strides = array<i32>} : memref<2x2x3x8x128xf32, #tpu.memory_space<vmem>>, vector<1x1x1x1x16xf32>,
        %swap3A_1016 = vector.shape_cast %swap3A_1015 : vector<1x1x1x1x16xf32> to vector<16xf32>
        %swap3A_1017 = vector.shape_cast %add3A_1007 : vector<16xf32> to vector<1x1x1x1x16xf32>
        tpu.vector_store %arg12[%swap3A_1010, %swap3A_1011, %swap3A_1012, %swap3A_1013, %swap3A_1014], %swap3A_1017 {strides = array<i32>} : memref<2x2x3x8x128xf32, #tpu.memory_space<vmem>>, vector<1x1x1x1x16xf32>,
        %add3A_1018 = arith.constant 1 : i32
        %add3A_1019 = arith.addi %mul3A_809, %add3A_1018 : i32
        %get3A_1020 = arith.constant 0 : i32
        %get3A_1021 = arith.constant 0 : i32
        %get3A_1022 = arith.index_cast %get3A_1020 : i32 to index
        %get3A_1023 = arith.index_cast %get3A_1021 : i32 to index
        %get3A_1024 = arith.index_cast %add3A_1019 : i32 to index
        %get3A_1025 = arith.constant 16 : index
        %get3A_1026 = tpu.vector_load %arg11[%get3A_1022, %get3A_1023, %get3A_1024, %get3A_1025] {strides = array<i32>} : memref<2x3x80x56xf32, #tpu.memory_space<vmem>>, vector<1x1x1x16xf32>,
        %get3A_1027 = vector.shape_cast %get3A_1026 : vector<1x1x1x16xf32> to vector<16xf32>
        %add3A_1028 = arith.constant 1 : i32
        %add3A_1029 = arith.addi %mul3A_809, %add3A_1028 : i32
        %get3A_1030 = arith.constant 0 : i32
        %get3A_1031 = arith.constant 1 : i32
        %get3A_1032 = arith.index_cast %get3A_1030 : i32 to index
        %get3A_1033 = arith.index_cast %get3A_1031 : i32 to index
        %get3A_1034 = arith.index_cast %add3A_1029 : i32 to index
        %get3A_1035 = arith.constant 16 : index
        %get3A_1036 = tpu.vector_load %arg11[%get3A_1032, %get3A_1033, %get3A_1034, %get3A_1035] {strides = array<i32>} : memref<2x3x80x56xf32, #tpu.memory_space<vmem>>, vector<1x1x1x16xf32>,
        %get3A_1037 = vector.shape_cast %get3A_1036 : vector<1x1x1x16xf32> to vector<16xf32>
        %add3A_1038 = arith.addf %get3A_1027, %get3A_1037 : vector<16xf32>
        %add3A_1039 = arith.constant 1 : i32
        %add3A_1040 = arith.addi %mul3A_809, %add3A_1039 : i32
        %get3A_1041 = arith.constant 0 : i32
        %get3A_1042 = arith.constant 2 : i32
        %get3A_1043 = arith.index_cast %get3A_1041 : i32 to index
        %get3A_1044 = arith.index_cast %get3A_1042 : i32 to index
        %get3A_1045 = arith.index_cast %add3A_1040 : i32 to index
        %get3A_1046 = arith.constant 16 : index
        %get3A_1047 = tpu.vector_load %arg11[%get3A_1043, %get3A_1044, %get3A_1045, %get3A_1046] {strides = array<i32>} : memref<2x3x80x56xf32, #tpu.memory_space<vmem>>, vector<1x1x1x16xf32>,
        %get3A_1048 = vector.shape_cast %get3A_1047 : vector<1x1x1x16xf32> to vector<16xf32>
        %add3A_1049 = arith.addf %add3A_1038, %get3A_1048 : vector<16xf32>
        %swap3A_1050 = arith.constant 0 : i32
        %swap3A_1051 = arith.constant 0 : i32
        %swap3A_1052 = arith.index_cast %swap3A_1050 : i32 to index
        %swap3A_1053 = arith.index_cast %select_n3A_792 : i32 to index
        %swap3A_1054 = arith.index_cast %swap3A_1051 : i32 to index
        %swap3A_1055 = arith.index_cast %select_n3A_807 : i32 to index
        %swap3A_1056 = arith.constant 72 : index
        %swap3A_1057 = tpu.vector_load %arg12[%swap3A_1052, %swap3A_1053, %swap3A_1054, %swap3A_1055, %swap3A_1056] {strides = array<i32>} : memref<2x2x3x8x128xf32, #tpu.memory_space<vmem>>, vector<1x1x1x1x16xf32>,
        %swap3A_1058 = vector.shape_cast %swap3A_1057 : vector<1x1x1x1x16xf32> to vector<16xf32>
        %swap3A_1059 = vector.shape_cast %add3A_1049 : vector<16xf32> to vector<1x1x1x1x16xf32>
        tpu.vector_store %arg12[%swap3A_1052, %swap3A_1053, %swap3A_1054, %swap3A_1055, %swap3A_1056], %swap3A_1059 {strides = array<i32>} : memref<2x2x3x8x128xf32, #tpu.memory_space<vmem>>, vector<1x1x1x1x16xf32>,
        %add3A_1060 = arith.constant 1 : i32
        %add3A_1061 = arith.addi %mul3A_809, %add3A_1060 : i32
        %get3A_1062 = arith.constant 0 : i32
        %get3A_1063 = arith.constant 0 : i32
        %get3A_1064 = arith.index_cast %get3A_1062 : i32 to index
        %get3A_1065 = arith.index_cast %get3A_1063 : i32 to index
        %get3A_1066 = arith.index_cast %add3A_1061 : i32 to index
        %get3A_1067 = arith.constant 32 : index
        %get3A_1068 = tpu.vector_load %arg11[%get3A_1064, %get3A_1065, %get3A_1066, %get3A_1067] {strides = array<i32>} : memref<2x3x80x56xf32, #tpu.memory_space<vmem>>, vector<1x1x1x16xf32>,
        %get3A_1069 = vector.shape_cast %get3A_1068 : vector<1x1x1x16xf32> to vector<16xf32>
        %add3A_1070 = arith.constant 1 : i32
        %add3A_1071 = arith.addi %mul3A_809, %add3A_1070 : i32
        %get3A_1072 = arith.constant 0 : i32
        %get3A_1073 = arith.constant 1 : i32
        %get3A_1074 = arith.index_cast %get3A_1072 : i32 to index
        %get3A_1075 = arith.index_cast %get3A_1073 : i32 to index
        %get3A_1076 = arith.index_cast %add3A_1071 : i32 to index
        %get3A_1077 = arith.constant 32 : index
        %get3A_1078 = tpu.vector_load %arg11[%get3A_1074, %get3A_1075, %get3A_1076, %get3A_1077] {strides = array<i32>} : memref<2x3x80x56xf32, #tpu.memory_space<vmem>>, vector<1x1x1x16xf32>,
        %get3A_1079 = vector.shape_cast %get3A_1078 : vector<1x1x1x16xf32> to vector<16xf32>
        %add3A_1080 = arith.addf %get3A_1069, %get3A_1079 : vector<16xf32>
        %add3A_1081 = arith.constant 1 : i32
        %add3A_1082 = arith.addi %mul3A_809, %add3A_1081 : i32
        %get3A_1083 = arith.constant 0 : i32
        %get3A_1084 = arith.constant 2 : i32
        %get3A_1085 = arith.index_cast %get3A_1083 : i32 to index
        %get3A_1086 = arith.index_cast %get3A_1084 : i32 to index
        %get3A_1087 = arith.index_cast %add3A_1082 : i32 to index
        %get3A_1088 = arith.constant 32 : index
        %get3A_1089 = tpu.vector_load %arg11[%get3A_1085, %get3A_1086, %get3A_1087, %get3A_1088] {strides = array<i32>} : memref<2x3x80x56xf32, #tpu.memory_space<vmem>>, vector<1x1x1x16xf32>,
        %get3A_1090 = vector.shape_cast %get3A_1089 : vector<1x1x1x16xf32> to vector<16xf32>
        %add3A_1091 = arith.addf %add3A_1080, %get3A_1090 : vector<16xf32>
        %swap3A_1092 = arith.constant 0 : i32
        %swap3A_1093 = arith.constant 0 : i32
        %swap3A_1094 = arith.index_cast %swap3A_1092 : i32 to index
        %swap3A_1095 = arith.index_cast %select_n3A_792 : i32 to index
        %swap3A_1096 = arith.index_cast %swap3A_1093 : i32 to index
        %swap3A_1097 = arith.index_cast %select_n3A_807 : i32 to index
        %swap3A_1098 = arith.constant 88 : index
        %swap3A_1099 = tpu.vector_load %arg12[%swap3A_1094, %swap3A_1095, %swap3A_1096, %swap3A_1097, %swap3A_1098] {strides = array<i32>} : memref<2x2x3x8x128xf32, #tpu.memory_space<vmem>>, vector<1x1x1x1x16xf32>,
        %swap3A_1100 = vector.shape_cast %swap3A_1099 : vector<1x1x1x1x16xf32> to vector<16xf32>
        %swap3A_1101 = vector.shape_cast %add3A_1091 : vector<16xf32> to vector<1x1x1x1x16xf32>
        tpu.vector_store %arg12[%swap3A_1094, %swap3A_1095, %swap3A_1096, %swap3A_1097, %swap3A_1098], %swap3A_1101 {strides = array<i32>} : memref<2x2x3x8x128xf32, #tpu.memory_space<vmem>>, vector<1x1x1x1x16xf32>,
        %add3A_1102 = arith.constant 1 : i32
        %add3A_1103 = arith.addi %mul3A_809, %add3A_1102 : i32
        %get3A_1104 = arith.constant 0 : i32
        %get3A_1105 = arith.constant 0 : i32
        %get3A_1106 = arith.index_cast %get3A_1104 : i32 to index
        %get3A_1107 = arith.index_cast %get3A_1105 : i32 to index
        %get3A_1108 = arith.index_cast %add3A_1103 : i32 to index
        %get3A_1109 = arith.constant 40 : index
        %get3A_1110 = tpu.vector_load %arg11[%get3A_1106, %get3A_1107, %get3A_1108, %get3A_1109] {strides = array<i32>} : memref<2x3x80x56xf32, #tpu.memory_space<vmem>>, vector<1x1x1x16xf32>,
        %get3A_1111 = vector.shape_cast %get3A_1110 : vector<1x1x1x16xf32> to vector<16xf32>
        %add3A_1112 = arith.constant 1 : i32
        %add3A_1113 = arith.addi %mul3A_809, %add3A_1112 : i32
        %get3A_1114 = arith.constant 0 : i32
        %get3A_1115 = arith.constant 1 : i32
        %get3A_1116 = arith.index_cast %get3A_1114 : i32 to index
        %get3A_1117 = arith.index_cast %get3A_1115 : i32 to index
        %get3A_1118 = arith.index_cast %add3A_1113 : i32 to index
        %get3A_1119 = arith.constant 40 : index
        %get3A_1120 = tpu.vector_load %arg11[%get3A_1116, %get3A_1117, %get3A_1118, %get3A_1119] {strides = array<i32>} : memref<2x3x80x56xf32, #tpu.memory_space<vmem>>, vector<1x1x1x16xf32>,
        %get3A_1121 = vector.shape_cast %get3A_1120 : vector<1x1x1x16xf32> to vector<16xf32>
        %add3A_1122 = arith.addf %get3A_1111, %get3A_1121 : vector<16xf32>
        %add3A_1123 = arith.constant 1 : i32
        %add3A_1124 = arith.addi %mul3A_809, %add3A_1123 : i32
        %get3A_1125 = arith.constant 0 : i32
        %get3A_1126 = arith.constant 2 : i32
        %get3A_1127 = arith.index_cast %get3A_1125 : i32 to index
        %get3A_1128 = arith.index_cast %get3A_1126 : i32 to index
        %get3A_1129 = arith.index_cast %add3A_1124 : i32 to index
        %get3A_1130 = arith.constant 40 : index
        %get3A_1131 = tpu.vector_load %arg11[%get3A_1127, %get3A_1128, %get3A_1129, %get3A_1130] {strides = array<i32>} : memref<2x3x80x56xf32, #tpu.memory_space<vmem>>, vector<1x1x1x16xf32>,
        %get3A_1132 = vector.shape_cast %get3A_1131 : vector<1x1x1x16xf32> to vector<16xf32>
        %add3A_1133 = arith.addf %add3A_1122, %get3A_1132 : vector<16xf32>
        %swap3A_1134 = arith.constant 0 : i32
        %swap3A_1135 = arith.constant 0 : i32
        %swap3A_1136 = arith.index_cast %swap3A_1134 : i32 to index
        %swap3A_1137 = arith.index_cast %select_n3A_792 : i32 to index
        %swap3A_1138 = arith.index_cast %swap3A_1135 : i32 to index
        %swap3A_1139 = arith.index_cast %select_n3A_807 : i32 to index
        %swap3A_1140 = arith.constant 96 : index
        %swap3A_1141 = tpu.vector_load %arg12[%swap3A_1136, %swap3A_1137, %swap3A_1138, %swap3A_1139, %swap3A_1140] {strides = array<i32>} : memref<2x2x3x8x128xf32, #tpu.memory_space<vmem>>, vector<1x1x1x1x16xf32>,
        %swap3A_1142 = vector.shape_cast %swap3A_1141 : vector<1x1x1x1x16xf32> to vector<16xf32>
        %swap3A_1143 = vector.shape_cast %add3A_1133 : vector<16xf32> to vector<1x1x1x1x16xf32>
        tpu.vector_store %arg12[%swap3A_1136, %swap3A_1137, %swap3A_1138, %swap3A_1139, %swap3A_1140], %swap3A_1143 {strides = array<i32>} : memref<2x2x3x8x128xf32, #tpu.memory_space<vmem>>, vector<1x1x1x1x16xf32>,
        %add3A_1144 = arith.constant 2 : i32
        %add3A_1145 = arith.addi %mul3A_809, %add3A_1144 : i32
        %get3A_1146 = arith.constant 0 : i32
        %get3A_1147 = arith.constant 0 : i32
        %get3A_1148 = arith.index_cast %get3A_1146 : i32 to index
        %get3A_1149 = arith.index_cast %get3A_1147 : i32 to index
        %get3A_1150 = arith.index_cast %add3A_1145 : i32 to index
        %get3A_1151 = arith.constant 0 : index
        %get3A_1152 = tpu.vector_load %arg11[%get3A_1148, %get3A_1149, %get3A_1150, %get3A_1151] {strides = array<i32>} : memref<2x3x80x56xf32, #tpu.memory_space<vmem>>, vector<1x1x1x16xf32>,
        %get3A_1153 = vector.shape_cast %get3A_1152 : vector<1x1x1x16xf32> to vector<16xf32>
        %add3A_1154 = arith.constant 2 : i32
        %add3A_1155 = arith.addi %mul3A_809, %add3A_1154 : i32
        %get3A_1156 = arith.constant 0 : i32
        %get3A_1157 = arith.constant 1 : i32
        %get3A_1158 = arith.index_cast %get3A_1156 : i32 to index
        %get3A_1159 = arith.index_cast %get3A_1157 : i32 to index
        %get3A_1160 = arith.index_cast %add3A_1155 : i32 to index
        %get3A_1161 = arith.constant 0 : index
        %get3A_1162 = tpu.vector_load %arg11[%get3A_1158, %get3A_1159, %get3A_1160, %get3A_1161] {strides = array<i32>} : memref<2x3x80x56xf32, #tpu.memory_space<vmem>>, vector<1x1x1x16xf32>,
        %get3A_1163 = vector.shape_cast %get3A_1162 : vector<1x1x1x16xf32> to vector<16xf32>
        %add3A_1164 = arith.addf %get3A_1153, %get3A_1163 : vector<16xf32>
        %add3A_1165 = arith.constant 2 : i32
        %add3A_1166 = arith.addi %mul3A_809, %add3A_1165 : i32
        %get3A_1167 = arith.constant 0 : i32
        %get3A_1168 = arith.constant 2 : i32
        %get3A_1169 = arith.index_cast %get3A_1167 : i32 to index
        %get3A_1170 = arith.index_cast %get3A_1168 : i32 to index
        %get3A_1171 = arith.index_cast %add3A_1166 : i32 to index
        %get3A_1172 = arith.constant 0 : index
        %get3A_1173 = tpu.vector_load %arg11[%get3A_1169, %get3A_1170, %get3A_1171, %get3A_1172] {strides = array<i32>} : memref<2x3x80x56xf32, #tpu.memory_space<vmem>>, vector<1x1x1x16xf32>,
        %get3A_1174 = vector.shape_cast %get3A_1173 : vector<1x1x1x16xf32> to vector<16xf32>
        %add3A_1175 = arith.addf %add3A_1164, %get3A_1174 : vector<16xf32>
        %swap3A_1176 = arith.constant 0 : i32
        %swap3A_1177 = arith.constant 0 : i32
        %swap3A_1178 = arith.index_cast %swap3A_1176 : i32 to index
        %swap3A_1179 = arith.index_cast %select_n3A_792 : i32 to index
        %swap3A_1180 = arith.index_cast %swap3A_1177 : i32 to index
        %swap3A_1181 = arith.index_cast %select_n3A_807 : i32 to index
        %swap3A_1182 = arith.constant 112 : index
        %swap3A_1183 = tpu.vector_load %arg12[%swap3A_1178, %swap3A_1179, %swap3A_1180, %swap3A_1181, %swap3A_1182] {strides = array<i32>} : memref<2x2x3x8x128xf32, #tpu.memory_space<vmem>>, vector<1x1x1x1x16xf32>,
        %swap3A_1184 = vector.shape_cast %swap3A_1183 : vector<1x1x1x1x16xf32> to vector<16xf32>
        %swap3A_1185 = vector.shape_cast %add3A_1175 : vector<16xf32> to vector<1x1x1x1x16xf32>
        tpu.vector_store %arg12[%swap3A_1178, %swap3A_1179, %swap3A_1180, %swap3A_1181, %swap3A_1182], %swap3A_1185 {strides = array<i32>} : memref<2x2x3x8x128xf32, #tpu.memory_space<vmem>>, vector<1x1x1x1x16xf32>,
        %add3A_1186 = arith.constant 2 : i32
        %add3A_1187 = arith.addi %mul3A_809, %add3A_1186 : i32
        %get3A_1188 = arith.constant 0 : i32
        %get3A_1189 = arith.constant 0 : i32
        %get3A_1190 = arith.index_cast %get3A_1188 : i32 to index
        %get3A_1191 = arith.index_cast %get3A_1189 : i32 to index
        %get3A_1192 = arith.index_cast %add3A_1187 : i32 to index
        %get3A_1193 = arith.constant 16 : index
        %get3A_1194 = tpu.vector_load %arg11[%get3A_1190, %get3A_1191, %get3A_1192, %get3A_1193] {strides = array<i32>} : memref<2x3x80x56xf32, #tpu.memory_space<vmem>>, vector<1x1x1x16xf32>,
        %get3A_1195 = vector.shape_cast %get3A_1194 : vector<1x1x1x16xf32> to vector<16xf32>
        %add3A_1196 = arith.constant 2 : i32
        %add3A_1197 = arith.addi %mul3A_809, %add3A_1196 : i32
        %get3A_1198 = arith.constant 0 : i32
        %get3A_1199 = arith.constant 1 : i32
        %get3A_1200 = arith.index_cast %get3A_1198 : i32 to index
        %get3A_1201 = arith.index_cast %get3A_1199 : i32 to index
        %get3A_1202 = arith.index_cast %add3A_1197 : i32 to index
        %get3A_1203 = arith.constant 16 : index
        %get3A_1204 = tpu.vector_load %arg11[%get3A_1200, %get3A_1201, %get3A_1202, %get3A_1203] {strides = array<i32>} : memref<2x3x80x56xf32, #tpu.memory_space<vmem>>, vector<1x1x1x16xf32>,
        %get3A_1205 = vector.shape_cast %get3A_1204 : vector<1x1x1x16xf32> to vector<16xf32>
        %add3A_1206 = arith.addf %get3A_1195, %get3A_1205 : vector<16xf32>
        %add3A_1207 = arith.constant 2 : i32
        %add3A_1208 = arith.addi %mul3A_809, %add3A_1207 : i32
        %get3A_1209 = arith.constant 0 : i32
        %get3A_1210 = arith.constant 2 : i32
        %get3A_1211 = arith.index_cast %get3A_1209 : i32 to index
        %get3A_1212 = arith.index_cast %get3A_1210 : i32 to index
        %get3A_1213 = arith.index_cast %add3A_1208 : i32 to index
        %get3A_1214 = arith.constant 16 : index
        %get3A_1215 = tpu.vector_load %arg11[%get3A_1211, %get3A_1212, %get3A_1213, %get3A_1214] {strides = array<i32>} : memref<2x3x80x56xf32, #tpu.memory_space<vmem>>, vector<1x1x1x16xf32>,
        %get3A_1216 = vector.shape_cast %get3A_1215 : vector<1x1x1x16xf32> to vector<16xf32>
        %add3A_1217 = arith.addf %add3A_1206, %get3A_1216 : vector<16xf32>
        %swap3A_1218 = arith.constant 0 : i32
        %swap3A_1219 = arith.constant 1 : i32
        %swap3A_1220 = arith.index_cast %swap3A_1218 : i32 to index
        %swap3A_1221 = arith.index_cast %select_n3A_792 : i32 to index
        %swap3A_1222 = arith.index_cast %swap3A_1219 : i32 to index
        %swap3A_1223 = arith.index_cast %select_n3A_807 : i32 to index
        %swap3A_1224 = arith.constant 0 : index
        %swap3A_1225 = tpu.vector_load %arg12[%swap3A_1220, %swap3A_1221, %swap3A_1222, %swap3A_1223, %swap3A_1224] {strides = array<i32>} : memref<2x2x3x8x128xf32, #tpu.memory_space<vmem>>, vector<1x1x1x1x16xf32>,
        %swap3A_1226 = vector.shape_cast %swap3A_1225 : vector<1x1x1x1x16xf32> to vector<16xf32>
        %swap3A_1227 = vector.shape_cast %add3A_1217 : vector<16xf32> to vector<1x1x1x1x16xf32>
        tpu.vector_store %arg12[%swap3A_1220, %swap3A_1221, %swap3A_1222, %swap3A_1223, %swap3A_1224], %swap3A_1227 {strides = array<i32>} : memref<2x2x3x8x128xf32, #tpu.memory_space<vmem>>, vector<1x1x1x1x16xf32>,
        %add3A_1228 = arith.constant 2 : i32
        %add3A_1229 = arith.addi %mul3A_809, %add3A_1228 : i32
        %get3A_1230 = arith.constant 0 : i32
        %get3A_1231 = arith.constant 0 : i32
        %get3A_1232 = arith.index_cast %get3A_1230 : i32 to index
        %get3A_1233 = arith.index_cast %get3A_1231 : i32 to index
        %get3A_1234 = arith.index_cast %add3A_1229 : i32 to index
        %get3A_1235 = arith.constant 32 : index
        %get3A_1236 = tpu.vector_load %arg11[%get3A_1232, %get3A_1233, %get3A_1234, %get3A_1235] {strides = array<i32>} : memref<2x3x80x56xf32, #tpu.memory_space<vmem>>, vector<1x1x1x16xf32>,
        %get3A_1237 = vector.shape_cast %get3A_1236 : vector<1x1x1x16xf32> to vector<16xf32>
        %add3A_1238 = arith.constant 2 : i32
        %add3A_1239 = arith.addi %mul3A_809, %add3A_1238 : i32
        %get3A_1240 = arith.constant 0 : i32
        %get3A_1241 = arith.constant 1 : i32
        %get3A_1242 = arith.index_cast %get3A_1240 : i32 to index
        %get3A_1243 = arith.index_cast %get3A_1241 : i32 to index
        %get3A_1244 = arith.index_cast %add3A_1239 : i32 to index
        %get3A_1245 = arith.constant 32 : index
        %get3A_1246 = tpu.vector_load %arg11[%get3A_1242, %get3A_1243, %get3A_1244, %get3A_1245] {strides = array<i32>} : memref<2x3x80x56xf32, #tpu.memory_space<vmem>>, vector<1x1x1x16xf32>,
        %get3A_1247 = vector.shape_cast %get3A_1246 : vector<1x1x1x16xf32> to vector<16xf32>
        %add3A_1248 = arith.addf %get3A_1237, %get3A_1247 : vector<16xf32>
        %add3A_1249 = arith.constant 2 : i32
        %add3A_1250 = arith.addi %mul3A_809, %add3A_1249 : i32
        %get3A_1251 = arith.constant 0 : i32
        %get3A_1252 = arith.constant 2 : i32
        %get3A_1253 = arith.index_cast %get3A_1251 : i32 to index
        %get3A_1254 = arith.index_cast %get3A_1252 : i32 to index
        %get3A_1255 = arith.index_cast %add3A_1250 : i32 to index
        %get3A_1256 = arith.constant 32 : index
        %get3A_1257 = tpu.vector_load %arg11[%get3A_1253, %get3A_1254, %get3A_1255, %get3A_1256] {strides = array<i32>} : memref<2x3x80x56xf32, #tpu.memory_space<vmem>>, vector<1x1x1x16xf32>,
        %get3A_1258 = vector.shape_cast %get3A_1257 : vector<1x1x1x16xf32> to vector<16xf32>
        %add3A_1259 = arith.addf %add3A_1248, %get3A_1258 : vector<16xf32>
        %swap3A_1260 = arith.constant 0 : i32
        %swap3A_1261 = arith.constant 1 : i32
        %swap3A_1262 = arith.index_cast %swap3A_1260 : i32 to index
        %swap3A_1263 = arith.index_cast %select_n3A_792 : i32 to index
        %swap3A_1264 = arith.index_cast %swap3A_1261 : i32 to index
        %swap3A_1265 = arith.index_cast %select_n3A_807 : i32 to index
        %swap3A_1266 = arith.constant 16 : index
        %swap3A_1267 = tpu.vector_load %arg12[%swap3A_1262, %swap3A_1263, %swap3A_1264, %swap3A_1265, %swap3A_1266] {strides = array<i32>} : memref<2x2x3x8x128xf32, #tpu.memory_space<vmem>>, vector<1x1x1x1x16xf32>,
        %swap3A_1268 = vector.shape_cast %swap3A_1267 : vector<1x1x1x1x16xf32> to vector<16xf32>
        %swap3A_1269 = vector.shape_cast %add3A_1259 : vector<16xf32> to vector<1x1x1x1x16xf32>
        tpu.vector_store %arg12[%swap3A_1262, %swap3A_1263, %swap3A_1264, %swap3A_1265, %swap3A_1266], %swap3A_1269 {strides = array<i32>} : memref<2x2x3x8x128xf32, #tpu.memory_space<vmem>>, vector<1x1x1x1x16xf32>,
        %add3A_1270 = arith.constant 2 : i32
        %add3A_1271 = arith.addi %mul3A_809, %add3A_1270 : i32
        %get3A_1272 = arith.constant 0 : i32
        %get3A_1273 = arith.constant 0 : i32
        %get3A_1274 = arith.index_cast %get3A_1272 : i32 to index
        %get3A_1275 = arith.index_cast %get3A_1273 : i32 to index
        %get3A_1276 = arith.index_cast %add3A_1271 : i32 to index
        %get3A_1277 = arith.constant 40 : index
        %get3A_1278 = tpu.vector_load %arg11[%get3A_1274, %get3A_1275, %get3A_1276, %get3A_1277] {strides = array<i32>} : memref<2x3x80x56xf32, #tpu.memory_space<vmem>>, vector<1x1x1x16xf32>,
        %get3A_1279 = vector.shape_cast %get3A_1278 : vector<1x1x1x16xf32> to vector<16xf32>
        %add3A_1280 = arith.constant 2 : i32
        %add3A_1281 = arith.addi %mul3A_809, %add3A_1280 : i32
        %get3A_1282 = arith.constant 0 : i32
        %get3A_1283 = arith.constant 1 : i32
        %get3A_1284 = arith.index_cast %get3A_1282 : i32 to index
        %get3A_1285 = arith.index_cast %get3A_1283 : i32 to index
        %get3A_1286 = arith.index_cast %add3A_1281 : i32 to index
        %get3A_1287 = arith.constant 40 : index
        %get3A_1288 = tpu.vector_load %arg11[%get3A_1284, %get3A_1285, %get3A_1286, %get3A_1287] {strides = array<i32>} : memref<2x3x80x56xf32, #tpu.memory_space<vmem>>, vector<1x1x1x16xf32>,
        %get3A_1289 = vector.shape_cast %get3A_1288 : vector<1x1x1x16xf32> to vector<16xf32>
        %add3A_1290 = arith.addf %get3A_1279, %get3A_1289 : vector<16xf32>
        %add3A_1291 = arith.constant 2 : i32
        %add3A_1292 = arith.addi %mul3A_809, %add3A_1291 : i32
        %get3A_1293 = arith.constant 0 : i32
        %get3A_1294 = arith.constant 2 : i32
        %get3A_1295 = arith.index_cast %get3A_1293 : i32 to index
        %get3A_1296 = arith.index_cast %get3A_1294 : i32 to index
        %get3A_1297 = arith.index_cast %add3A_1292 : i32 to index
        %get3A_1298 = arith.constant 40 : index
        %get3A_1299 = tpu.vector_load %arg11[%get3A_1295, %get3A_1296, %get3A_1297, %get3A_1298] {strides = array<i32>} : memref<2x3x80x56xf32, #tpu.memory_space<vmem>>, vector<1x1x1x16xf32>,
        %get3A_1300 = vector.shape_cast %get3A_1299 : vector<1x1x1x16xf32> to vector<16xf32>
        %add3A_1301 = arith.addf %add3A_1290, %get3A_1300 : vector<16xf32>
        %swap3A_1302 = arith.constant 0 : i32
        %swap3A_1303 = arith.constant 1 : i32
        %swap3A_1304 = arith.index_cast %swap3A_1302 : i32 to index
        %swap3A_1305 = arith.index_cast %select_n3A_792 : i32 to index
        %swap3A_1306 = arith.index_cast %swap3A_1303 : i32 to index
        %swap3A_1307 = arith.index_cast %select_n3A_807 : i32 to index
        %swap3A_1308 = arith.constant 24 : index
        %swap3A_1309 = tpu.vector_load %arg12[%swap3A_1304, %swap3A_1305, %swap3A_1306, %swap3A_1307, %swap3A_1308] {strides = array<i32>} : memref<2x2x3x8x128xf32, #tpu.memory_space<vmem>>, vector<1x1x1x1x16xf32>,
        %swap3A_1310 = vector.shape_cast %swap3A_1309 : vector<1x1x1x1x16xf32> to vector<16xf32>
        %swap3A_1311 = vector.shape_cast %add3A_1301 : vector<16xf32> to vector<1x1x1x1x16xf32>
        tpu.vector_store %arg12[%swap3A_1304, %swap3A_1305, %swap3A_1306, %swap3A_1307, %swap3A_1308], %swap3A_1311 {strides = array<i32>} : memref<2x2x3x8x128xf32, #tpu.memory_space<vmem>>, vector<1x1x1x1x16xf32>,
        %add3A_1312 = arith.constant 3 : i32
        %add3A_1313 = arith.addi %mul3A_809, %add3A_1312 : i32
        %get3A_1314 = arith.constant 0 : i32
        %get3A_1315 = arith.constant 0 : i32
        %get3A_1316 = arith.index_cast %get3A_1314 : i32 to index
        %get3A_1317 = arith.index_cast %get3A_1315 : i32 to index
        %get3A_1318 = arith.index_cast %add3A_1313 : i32 to index
        %get3A_1319 = arith.constant 0 : index
        %get3A_1320 = tpu.vector_load %arg11[%get3A_1316, %get3A_1317, %get3A_1318, %get3A_1319] {strides = array<i32>} : memref<2x3x80x56xf32, #tpu.memory_space<vmem>>, vector<1x1x1x16xf32>,
        %get3A_1321 = vector.shape_cast %get3A_1320 : vector<1x1x1x16xf32> to vector<16xf32>
        %add3A_1322 = arith.constant 3 : i32
        %add3A_1323 = arith.addi %mul3A_809, %add3A_1322 : i32
        %get3A_1324 = arith.constant 0 : i32
        %get3A_1325 = arith.constant 1 : i32
        %get3A_1326 = arith.index_cast %get3A_1324 : i32 to index
        %get3A_1327 = arith.index_cast %get3A_1325 : i32 to index
        %get3A_1328 = arith.index_cast %add3A_1323 : i32 to index
        %get3A_1329 = arith.constant 0 : index
        %get3A_1330 = tpu.vector_load %arg11[%get3A_1326, %get3A_1327, %get3A_1328, %get3A_1329] {strides = array<i32>} : memref<2x3x80x56xf32, #tpu.memory_space<vmem>>, vector<1x1x1x16xf32>,
        %get3A_1331 = vector.shape_cast %get3A_1330 : vector<1x1x1x16xf32> to vector<16xf32>
        %add3A_1332 = arith.addf %get3A_1321, %get3A_1331 : vector<16xf32>
        %add3A_1333 = arith.constant 3 : i32
        %add3A_1334 = arith.addi %mul3A_809, %add3A_1333 : i32
        %get3A_1335 = arith.constant 0 : i32
        %get3A_1336 = arith.constant 2 : i32
        %get3A_1337 = arith.index_cast %get3A_1335 : i32 to index
        %get3A_1338 = arith.index_cast %get3A_1336 : i32 to index
        %get3A_1339 = arith.index_cast %add3A_1334 : i32 to index
        %get3A_1340 = arith.constant 0 : index
        %get3A_1341 = tpu.vector_load %arg11[%get3A_1337, %get3A_1338, %get3A_1339, %get3A_1340] {strides = array<i32>} : memref<2x3x80x56xf32, #tpu.memory_space<vmem>>, vector<1x1x1x16xf32>,
        %get3A_1342 = vector.shape_cast %get3A_1341 : vector<1x1x1x16xf32> to vector<16xf32>
        %add3A_1343 = arith.addf %add3A_1332, %get3A_1342 : vector<16xf32>
        %swap3A_1344 = arith.constant 0 : i32
        %swap3A_1345 = arith.constant 1 : i32
        %swap3A_1346 = arith.index_cast %swap3A_1344 : i32 to index
        %swap3A_1347 = arith.index_cast %select_n3A_792 : i32 to index
        %swap3A_1348 = arith.index_cast %swap3A_1345 : i32 to index
        %swap3A_1349 = arith.index_cast %select_n3A_807 : i32 to index
        %swap3A_1350 = arith.constant 40 : index
        %swap3A_1351 = tpu.vector_load %arg12[%swap3A_1346, %swap3A_1347, %swap3A_1348, %swap3A_1349, %swap3A_1350] {strides = array<i32>} : memref<2x2x3x8x128xf32, #tpu.memory_space<vmem>>, vector<1x1x1x1x16xf32>,
        %swap3A_1352 = vector.shape_cast %swap3A_1351 : vector<1x1x1x1x16xf32> to vector<16xf32>
        %swap3A_1353 = vector.shape_cast %add3A_1343 : vector<16xf32> to vector<1x1x1x1x16xf32>
        tpu.vector_store %arg12[%swap3A_1346, %swap3A_1347, %swap3A_1348, %swap3A_1349, %swap3A_1350], %swap3A_1353 {strides = array<i32>} : memref<2x2x3x8x128xf32, #tpu.memory_space<vmem>>, vector<1x1x1x1x16xf32>,
        %add3A_1354 = arith.constant 3 : i32
        %add3A_1355 = arith.addi %mul3A_809, %add3A_1354 : i32
        %get3A_1356 = arith.constant 0 : i32
        %get3A_1357 = arith.constant 0 : i32
        %get3A_1358 = arith.index_cast %get3A_1356 : i32 to index
        %get3A_1359 = arith.index_cast %get3A_1357 : i32 to index
        %get3A_1360 = arith.index_cast %add3A_1355 : i32 to index
        %get3A_1361 = arith.constant 16 : index
        %get3A_1362 = tpu.vector_load %arg11[%get3A_1358, %get3A_1359, %get3A_1360, %get3A_1361] {strides = array<i32>} : memref<2x3x80x56xf32, #tpu.memory_space<vmem>>, vector<1x1x1x16xf32>,
        %get3A_1363 = vector.shape_cast %get3A_1362 : vector<1x1x1x16xf32> to vector<16xf32>
        %add3A_1364 = arith.constant 3 : i32
        %add3A_1365 = arith.addi %mul3A_809, %add3A_1364 : i32
        %get3A_1366 = arith.constant 0 : i32
        %get3A_1367 = arith.constant 1 : i32
        %get3A_1368 = arith.index_cast %get3A_1366 : i32 to index
        %get3A_1369 = arith.index_cast %get3A_1367 : i32 to index
        %get3A_1370 = arith.index_cast %add3A_1365 : i32 to index
        %get3A_1371 = arith.constant 16 : index
        %get3A_1372 = tpu.vector_load %arg11[%get3A_1368, %get3A_1369, %get3A_1370, %get3A_1371] {strides = array<i32>} : memref<2x3x80x56xf32, #tpu.memory_space<vmem>>, vector<1x1x1x16xf32>,
        %get3A_1373 = vector.shape_cast %get3A_1372 : vector<1x1x1x16xf32> to vector<16xf32>
        %add3A_1374 = arith.addf %get3A_1363, %get3A_1373 : vector<16xf32>
        %add3A_1375 = arith.constant 3 : i32
        %add3A_1376 = arith.addi %mul3A_809, %add3A_1375 : i32
        %get3A_1377 = arith.constant 0 : i32
        %get3A_1378 = arith.constant 2 : i32
        %get3A_1379 = arith.index_cast %get3A_1377 : i32 to index
        %get3A_1380 = arith.index_cast %get3A_1378 : i32 to index
        %get3A_1381 = arith.index_cast %add3A_1376 : i32 to index
        %get3A_1382 = arith.constant 16 : index
        %get3A_1383 = tpu.vector_load %arg11[%get3A_1379, %get3A_1380, %get3A_1381, %get3A_1382] {strides = array<i32>} : memref<2x3x80x56xf32, #tpu.memory_space<vmem>>, vector<1x1x1x16xf32>,
        %get3A_1384 = vector.shape_cast %get3A_1383 : vector<1x1x1x16xf32> to vector<16xf32>
        %add3A_1385 = arith.addf %add3A_1374, %get3A_1384 : vector<16xf32>
        %swap3A_1386 = arith.constant 0 : i32
        %swap3A_1387 = arith.constant 1 : i32
        %swap3A_1388 = arith.index_cast %swap3A_1386 : i32 to index
        %swap3A_1389 = arith.index_cast %select_n3A_792 : i32 to index
        %swap3A_1390 = arith.index_cast %swap3A_1387 : i32 to index
        %swap3A_1391 = arith.index_cast %select_n3A_807 : i32 to index
        %swap3A_1392 = arith.constant 56 : index
        %swap3A_1393 = tpu.vector_load %arg12[%swap3A_1388, %swap3A_1389, %swap3A_1390, %swap3A_1391, %swap3A_1392] {strides = array<i32>} : memref<2x2x3x8x128xf32, #tpu.memory_space<vmem>>, vector<1x1x1x1x16xf32>,
        %swap3A_1394 = vector.shape_cast %swap3A_1393 : vector<1x1x1x1x16xf32> to vector<16xf32>
        %swap3A_1395 = vector.shape_cast %add3A_1385 : vector<16xf32> to vector<1x1x1x1x16xf32>
        tpu.vector_store %arg12[%swap3A_1388, %swap3A_1389, %swap3A_1390, %swap3A_1391, %swap3A_1392], %swap3A_1395 {strides = array<i32>} : memref<2x2x3x8x128xf32, #tpu.memory_space<vmem>>, vector<1x1x1x1x16xf32>,
        %add3A_1396 = arith.constant 3 : i32
        %add3A_1397 = arith.addi %mul3A_809, %add3A_1396 : i32
        %get3A_1398 = arith.constant 0 : i32
        %get3A_1399 = arith.constant 0 : i32
        %get3A_1400 = arith.index_cast %get3A_1398 : i32 to index
        %get3A_1401 = arith.index_cast %get3A_1399 : i32 to index
        %get3A_1402 = arith.index_cast %add3A_1397 : i32 to index
        %get3A_1403 = arith.constant 32 : index
        %get3A_1404 = tpu.vector_load %arg11[%get3A_1400, %get3A_1401, %get3A_1402, %get3A_1403] {strides = array<i32>} : memref<2x3x80x56xf32, #tpu.memory_space<vmem>>, vector<1x1x1x16xf32>,
        %get3A_1405 = vector.shape_cast %get3A_1404 : vector<1x1x1x16xf32> to vector<16xf32>
        %add3A_1406 = arith.constant 3 : i32
        %add3A_1407 = arith.addi %mul3A_809, %add3A_1406 : i32
        %get3A_1408 = arith.constant 0 : i32
        %get3A_1409 = arith.constant 1 : i32
        %get3A_1410 = arith.index_cast %get3A_1408 : i32 to index
        %get3A_1411 = arith.index_cast %get3A_1409 : i32 to index
        %get3A_1412 = arith.index_cast %add3A_1407 : i32 to index
        %get3A_1413 = arith.constant 32 : index
        %get3A_1414 = tpu.vector_load %arg11[%get3A_1410, %get3A_1411, %get3A_1412, %get3A_1413] {strides = array<i32>} : memref<2x3x80x56xf32, #tpu.memory_space<vmem>>, vector<1x1x1x16xf32>,
        %get3A_1415 = vector.shape_cast %get3A_1414 : vector<1x1x1x16xf32> to vector<16xf32>
        %add3A_1416 = arith.addf %get3A_1405, %get3A_1415 : vector<16xf32>
        %add3A_1417 = arith.constant 3 : i32
        %add3A_1418 = arith.addi %mul3A_809, %add3A_1417 : i32
        %get3A_1419 = arith.constant 0 : i32
        %get3A_1420 = arith.constant 2 : i32
        %get3A_1421 = arith.index_cast %get3A_1419 : i32 to index
        %get3A_1422 = arith.index_cast %get3A_1420 : i32 to index
        %get3A_1423 = arith.index_cast %add3A_1418 : i32 to index
        %get3A_1424 = arith.constant 32 : index
        %get3A_1425 = tpu.vector_load %arg11[%get3A_1421, %get3A_1422, %get3A_1423, %get3A_1424] {strides = array<i32>} : memref<2x3x80x56xf32, #tpu.memory_space<vmem>>, vector<1x1x1x16xf32>,
        %get3A_1426 = vector.shape_cast %get3A_1425 : vector<1x1x1x16xf32> to vector<16xf32>
        %add3A_1427 = arith.addf %add3A_1416, %get3A_1426 : vector<16xf32>
        %swap3A_1428 = arith.constant 0 : i32
        %swap3A_1429 = arith.constant 1 : i32
        %swap3A_1430 = arith.index_cast %swap3A_1428 : i32 to index
        %swap3A_1431 = arith.index_cast %select_n3A_792 : i32 to index
        %swap3A_1432 = arith.index_cast %swap3A_1429 : i32 to index
        %swap3A_1433 = arith.index_cast %select_n3A_807 : i32 to index
        %swap3A_1434 = arith.constant 72 : index
        %swap3A_1435 = tpu.vector_load %arg12[%swap3A_1430, %swap3A_1431, %swap3A_1432, %swap3A_1433, %swap3A_1434] {strides = array<i32>} : memref<2x2x3x8x128xf32, #tpu.memory_space<vmem>>, vector<1x1x1x1x16xf32>,
        %swap3A_1436 = vector.shape_cast %swap3A_1435 : vector<1x1x1x1x16xf32> to vector<16xf32>
        %swap3A_1437 = vector.shape_cast %add3A_1427 : vector<16xf32> to vector<1x1x1x1x16xf32>
        tpu.vector_store %arg12[%swap3A_1430, %swap3A_1431, %swap3A_1432, %swap3A_1433, %swap3A_1434], %swap3A_1437 {strides = array<i32>} : memref<2x2x3x8x128xf32, #tpu.memory_space<vmem>>, vector<1x1x1x1x16xf32>,
        %add3A_1438 = arith.constant 3 : i32
        %add3A_1439 = arith.addi %mul3A_809, %add3A_1438 : i32
        %get3A_1440 = arith.constant 0 : i32
        %get3A_1441 = arith.constant 0 : i32
        %get3A_1442 = arith.index_cast %get3A_1440 : i32 to index
        %get3A_1443 = arith.index_cast %get3A_1441 : i32 to index
        %get3A_1444 = arith.index_cast %add3A_1439 : i32 to index
        %get3A_1445 = arith.constant 40 : index
        %get3A_1446 = tpu.vector_load %arg11[%get3A_1442, %get3A_1443, %get3A_1444, %get3A_1445] {strides = array<i32>} : memref<2x3x80x56xf32, #tpu.memory_space<vmem>>, vector<1x1x1x16xf32>,
        %get3A_1447 = vector.shape_cast %get3A_1446 : vector<1x1x1x16xf32> to vector<16xf32>
        %add3A_1448 = arith.constant 3 : i32
        %add3A_1449 = arith.addi %mul3A_809, %add3A_1448 : i32
        %get3A_1450 = arith.constant 0 : i32
        %get3A_1451 = arith.constant 1 : i32
        %get3A_1452 = arith.index_cast %get3A_1450 : i32 to index
        %get3A_1453 = arith.index_cast %get3A_1451 : i32 to index
        %get3A_1454 = arith.index_cast %add3A_1449 : i32 to index
        %get3A_1455 = arith.constant 40 : index
        %get3A_1456 = tpu.vector_load %arg11[%get3A_1452, %get3A_1453, %get3A_1454, %get3A_1455] {strides = array<i32>} : memref<2x3x80x56xf32, #tpu.memory_space<vmem>>, vector<1x1x1x16xf32>,
        %get3A_1457 = vector.shape_cast %get3A_1456 : vector<1x1x1x16xf32> to vector<16xf32>
        %add3A_1458 = arith.addf %get3A_1447, %get3A_1457 : vector<16xf32>
        %add3A_1459 = arith.constant 3 : i32
        %add3A_1460 = arith.addi %mul3A_809, %add3A_1459 : i32
        %get3A_1461 = arith.constant 0 : i32
        %get3A_1462 = arith.constant 2 : i32
        %get3A_1463 = arith.index_cast %get3A_1461 : i32 to index
        %get3A_1464 = arith.index_cast %get3A_1462 : i32 to index
        %get3A_1465 = arith.index_cast %add3A_1460 : i32 to index
        %get3A_1466 = arith.constant 40 : index
        %get3A_1467 = tpu.vector_load %arg11[%get3A_1463, %get3A_1464, %get3A_1465, %get3A_1466] {strides = array<i32>} : memref<2x3x80x56xf32, #tpu.memory_space<vmem>>, vector<1x1x1x16xf32>,
        %get3A_1468 = vector.shape_cast %get3A_1467 : vector<1x1x1x16xf32> to vector<16xf32>
        %add3A_1469 = arith.addf %add3A_1458, %get3A_1468 : vector<16xf32>
        %swap3A_1470 = arith.constant 0 : i32
        %swap3A_1471 = arith.constant 1 : i32
        %swap3A_1472 = arith.index_cast %swap3A_1470 : i32 to index
        %swap3A_1473 = arith.index_cast %select_n3A_792 : i32 to index
        %swap3A_1474 = arith.index_cast %swap3A_1471 : i32 to index
        %swap3A_1475 = arith.index_cast %select_n3A_807 : i32 to index
        %swap3A_1476 = arith.constant 80 : index
        %swap3A_1477 = tpu.vector_load %arg12[%swap3A_1472, %swap3A_1473, %swap3A_1474, %swap3A_1475, %swap3A_1476] {strides = array<i32>} : memref<2x2x3x8x128xf32, #tpu.memory_space<vmem>>, vector<1x1x1x1x16xf32>,
        %swap3A_1478 = vector.shape_cast %swap3A_1477 : vector<1x1x1x1x16xf32> to vector<16xf32>
        %swap3A_1479 = vector.shape_cast %add3A_1469 : vector<16xf32> to vector<1x1x1x1x16xf32>
        tpu.vector_store %arg12[%swap3A_1472, %swap3A_1473, %swap3A_1474, %swap3A_1475, %swap3A_1476], %swap3A_1479 {strides = array<i32>} : memref<2x2x3x8x128xf32, #tpu.memory_space<vmem>>, vector<1x1x1x1x16xf32>,
        %add3A_1480 = arith.constant 4 : i32
        %add3A_1481 = arith.addi %mul3A_809, %add3A_1480 : i32
        %get3A_1482 = arith.constant 0 : i32
        %get3A_1483 = arith.constant 0 : i32
        %get3A_1484 = arith.index_cast %get3A_1482 : i32 to index
        %get3A_1485 = arith.index_cast %get3A_1483 : i32 to index
        %get3A_1486 = arith.index_cast %add3A_1481 : i32 to index
        %get3A_1487 = arith.constant 0 : index
        %get3A_1488 = tpu.vector_load %arg11[%get3A_1484, %get3A_1485, %get3A_1486, %get3A_1487] {strides = array<i32>} : memref<2x3x80x56xf32, #tpu.memory_space<vmem>>, vector<1x1x1x16xf32>,
        %get3A_1489 = vector.shape_cast %get3A_1488 : vector<1x1x1x16xf32> to vector<16xf32>
        %add3A_1490 = arith.constant 4 : i32
        %add3A_1491 = arith.addi %mul3A_809, %add3A_1490 : i32
        %get3A_1492 = arith.constant 0 : i32
        %get3A_1493 = arith.constant 1 : i32
        %get3A_1494 = arith.index_cast %get3A_1492 : i32 to index
        %get3A_1495 = arith.index_cast %get3A_1493 : i32 to index
        %get3A_1496 = arith.index_cast %add3A_1491 : i32 to index
        %get3A_1497 = arith.constant 0 : index
        %get3A_1498 = tpu.vector_load %arg11[%get3A_1494, %get3A_1495, %get3A_1496, %get3A_1497] {strides = array<i32>} : memref<2x3x80x56xf32, #tpu.memory_space<vmem>>, vector<1x1x1x16xf32>,
        %get3A_1499 = vector.shape_cast %get3A_1498 : vector<1x1x1x16xf32> to vector<16xf32>
        %add3A_1500 = arith.addf %get3A_1489, %get3A_1499 : vector<16xf32>
        %add3A_1501 = arith.constant 4 : i32
        %add3A_1502 = arith.addi %mul3A_809, %add3A_1501 : i32
        %get3A_1503 = arith.constant 0 : i32
        %get3A_1504 = arith.constant 2 : i32
        %get3A_1505 = arith.index_cast %get3A_1503 : i32 to index
        %get3A_1506 = arith.index_cast %get3A_1504 : i32 to index
        %get3A_1507 = arith.index_cast %add3A_1502 : i32 to index
        %get3A_1508 = arith.constant 0 : index
        %get3A_1509 = tpu.vector_load %arg11[%get3A_1505, %get3A_1506, %get3A_1507, %get3A_1508] {strides = array<i32>} : memref<2x3x80x56xf32, #tpu.memory_space<vmem>>, vector<1x1x1x16xf32>,
        %get3A_1510 = vector.shape_cast %get3A_1509 : vector<1x1x1x16xf32> to vector<16xf32>
        %add3A_1511 = arith.addf %add3A_1500, %get3A_1510 : vector<16xf32>
        %swap3A_1512 = arith.constant 0 : i32
        %swap3A_1513 = arith.constant 1 : i32
        %swap3A_1514 = arith.index_cast %swap3A_1512 : i32 to index
        %swap3A_1515 = arith.index_cast %select_n3A_792 : i32 to index
        %swap3A_1516 = arith.index_cast %swap3A_1513 : i32 to index
        %swap3A_1517 = arith.index_cast %select_n3A_807 : i32 to index
        %swap3A_1518 = arith.constant 96 : index
        %swap3A_1519 = tpu.vector_load %arg12[%swap3A_1514, %swap3A_1515, %swap3A_1516, %swap3A_1517, %swap3A_1518] {strides = array<i32>} : memref<2x2x3x8x128xf32, #tpu.memory_space<vmem>>, vector<1x1x1x1x16xf32>,
        %swap3A_1520 = vector.shape_cast %swap3A_1519 : vector<1x1x1x1x16xf32> to vector<16xf32>
        %swap3A_1521 = vector.shape_cast %add3A_1511 : vector<16xf32> to vector<1x1x1x1x16xf32>
        tpu.vector_store %arg12[%swap3A_1514, %swap3A_1515, %swap3A_1516, %swap3A_1517, %swap3A_1518], %swap3A_1521 {strides = array<i32>} : memref<2x2x3x8x128xf32, #tpu.memory_space<vmem>>, vector<1x1x1x1x16xf32>,
        %add3A_1522 = arith.constant 4 : i32
        %add3A_1523 = arith.addi %mul3A_809, %add3A_1522 : i32
        %get3A_1524 = arith.constant 0 : i32
        %get3A_1525 = arith.constant 0 : i32
        %get3A_1526 = arith.index_cast %get3A_1524 : i32 to index
        %get3A_1527 = arith.index_cast %get3A_1525 : i32 to index
        %get3A_1528 = arith.index_cast %add3A_1523 : i32 to index
        %get3A_1529 = arith.constant 16 : index
        %get3A_1530 = tpu.vector_load %arg11[%get3A_1526, %get3A_1527, %get3A_1528, %get3A_1529] {strides = array<i32>} : memref<2x3x80x56xf32, #tpu.memory_space<vmem>>, vector<1x1x1x16xf32>,
        %get3A_1531 = vector.shape_cast %get3A_1530 : vector<1x1x1x16xf32> to vector<16xf32>
        %add3A_1532 = arith.constant 4 : i32
        %add3A_1533 = arith.addi %mul3A_809, %add3A_1532 : i32
        %get3A_1534 = arith.constant 0 : i32
        %get3A_1535 = arith.constant 1 : i32
        %get3A_1536 = arith.index_cast %get3A_1534 : i32 to index
        %get3A_1537 = arith.index_cast %get3A_1535 : i32 to index
        %get3A_1538 = arith.index_cast %add3A_1533 : i32 to index
        %get3A_1539 = arith.constant 16 : index
        %get3A_1540 = tpu.vector_load %arg11[%get3A_1536, %get3A_1537, %get3A_1538, %get3A_1539] {strides = array<i32>} : memref<2x3x80x56xf32, #tpu.memory_space<vmem>>, vector<1x1x1x16xf32>,
        %get3A_1541 = vector.shape_cast %get3A_1540 : vector<1x1x1x16xf32> to vector<16xf32>
        %add3A_1542 = arith.addf %get3A_1531, %get3A_1541 : vector<16xf32>
        %add3A_1543 = arith.constant 4 : i32
        %add3A_1544 = arith.addi %mul3A_809, %add3A_1543 : i32
        %get3A_1545 = arith.constant 0 : i32
        %get3A_1546 = arith.constant 2 : i32
        %get3A_1547 = arith.index_cast %get3A_1545 : i32 to index
        %get3A_1548 = arith.index_cast %get3A_1546 : i32 to index
        %get3A_1549 = arith.index_cast %add3A_1544 : i32 to index
        %get3A_1550 = arith.constant 16 : index
        %get3A_1551 = tpu.vector_load %arg11[%get3A_1547, %get3A_1548, %get3A_1549, %get3A_1550] {strides = array<i32>} : memref<2x3x80x56xf32, #tpu.memory_space<vmem>>, vector<1x1x1x16xf32>,
        %get3A_1552 = vector.shape_cast %get3A_1551 : vector<1x1x1x16xf32> to vector<16xf32>
        %add3A_1553 = arith.addf %add3A_1542, %get3A_1552 : vector<16xf32>
        %swap3A_1554 = arith.constant 0 : i32
        %swap3A_1555 = arith.constant 1 : i32
        %swap3A_1556 = arith.index_cast %swap3A_1554 : i32 to index
        %swap3A_1557 = arith.index_cast %select_n3A_792 : i32 to index
        %swap3A_1558 = arith.index_cast %swap3A_1555 : i32 to index
        %swap3A_1559 = arith.index_cast %select_n3A_807 : i32 to index
        %swap3A_1560 = arith.constant 112 : index
        %swap3A_1561 = tpu.vector_load %arg12[%swap3A_1556, %swap3A_1557, %swap3A_1558, %swap3A_1559, %swap3A_1560] {strides = array<i32>} : memref<2x2x3x8x128xf32, #tpu.memory_space<vmem>>, vector<1x1x1x1x16xf32>,
        %swap3A_1562 = vector.shape_cast %swap3A_1561 : vector<1x1x1x1x16xf32> to vector<16xf32>
        %swap3A_1563 = vector.shape_cast %add3A_1553 : vector<16xf32> to vector<1x1x1x1x16xf32>
        tpu.vector_store %arg12[%swap3A_1556, %swap3A_1557, %swap3A_1558, %swap3A_1559, %swap3A_1560], %swap3A_1563 {strides = array<i32>} : memref<2x2x3x8x128xf32, #tpu.memory_space<vmem>>, vector<1x1x1x1x16xf32>,
        %add3A_1564 = arith.constant 4 : i32
        %add3A_1565 = arith.addi %mul3A_809, %add3A_1564 : i32
        %get3A_1566 = arith.constant 0 : i32
        %get3A_1567 = arith.constant 0 : i32
        %get3A_1568 = arith.index_cast %get3A_1566 : i32 to index
        %get3A_1569 = arith.index_cast %get3A_1567 : i32 to index
        %get3A_1570 = arith.index_cast %add3A_1565 : i32 to index
        %get3A_1571 = arith.constant 32 : index
        %get3A_1572 = tpu.vector_load %arg11[%get3A_1568, %get3A_1569, %get3A_1570, %get3A_1571] {strides = array<i32>} : memref<2x3x80x56xf32, #tpu.memory_space<vmem>>, vector<1x1x1x16xf32>,
        %get3A_1573 = vector.shape_cast %get3A_1572 : vector<1x1x1x16xf32> to vector<16xf32>
        %add3A_1574 = arith.constant 4 : i32
        %add3A_1575 = arith.addi %mul3A_809, %add3A_1574 : i32
        %get3A_1576 = arith.constant 0 : i32
        %get3A_1577 = arith.constant 1 : i32
        %get3A_1578 = arith.index_cast %get3A_1576 : i32 to index
        %get3A_1579 = arith.index_cast %get3A_1577 : i32 to index
        %get3A_1580 = arith.index_cast %add3A_1575 : i32 to index
        %get3A_1581 = arith.constant 32 : index
        %get3A_1582 = tpu.vector_load %arg11[%get3A_1578, %get3A_1579, %get3A_1580, %get3A_1581] {strides = array<i32>} : memref<2x3x80x56xf32, #tpu.memory_space<vmem>>, vector<1x1x1x16xf32>,
        %get3A_1583 = vector.shape_cast %get3A_1582 : vector<1x1x1x16xf32> to vector<16xf32>
        %add3A_1584 = arith.addf %get3A_1573, %get3A_1583 : vector<16xf32>
        %add3A_1585 = arith.constant 4 : i32
        %add3A_1586 = arith.addi %mul3A_809, %add3A_1585 : i32
        %get3A_1587 = arith.constant 0 : i32
        %get3A_1588 = arith.constant 2 : i32
        %get3A_1589 = arith.index_cast %get3A_1587 : i32 to index
        %get3A_1590 = arith.index_cast %get3A_1588 : i32 to index
        %get3A_1591 = arith.index_cast %add3A_1586 : i32 to index
        %get3A_1592 = arith.constant 32 : index
        %get3A_1593 = tpu.vector_load %arg11[%get3A_1589, %get3A_1590, %get3A_1591, %get3A_1592] {strides = array<i32>} : memref<2x3x80x56xf32, #tpu.memory_space<vmem>>, vector<1x1x1x16xf32>,
        %get3A_1594 = vector.shape_cast %get3A_1593 : vector<1x1x1x16xf32> to vector<16xf32>
        %add3A_1595 = arith.addf %add3A_1584, %get3A_1594 : vector<16xf32>
        %swap3A_1596 = arith.constant 0 : i32
        %swap3A_1597 = arith.constant 2 : i32
        %swap3A_1598 = arith.index_cast %swap3A_1596 : i32 to index
        %swap3A_1599 = arith.index_cast %select_n3A_792 : i32 to index
        %swap3A_1600 = arith.index_cast %swap3A_1597 : i32 to index
        %swap3A_1601 = arith.index_cast %select_n3A_807 : i32 to index
        %swap3A_1602 = arith.constant 0 : index
        %swap3A_1603 = tpu.vector_load %arg12[%swap3A_1598, %swap3A_1599, %swap3A_1600, %swap3A_1601, %swap3A_1602] {strides = array<i32>} : memref<2x2x3x8x128xf32, #tpu.memory_space<vmem>>, vector<1x1x1x1x16xf32>,
        %swap3A_1604 = vector.shape_cast %swap3A_1603 : vector<1x1x1x1x16xf32> to vector<16xf32>
        %swap3A_1605 = vector.shape_cast %add3A_1595 : vector<16xf32> to vector<1x1x1x1x16xf32>
        tpu.vector_store %arg12[%swap3A_1598, %swap3A_1599, %swap3A_1600, %swap3A_1601, %swap3A_1602], %swap3A_1605 {strides = array<i32>} : memref<2x2x3x8x128xf32, #tpu.memory_space<vmem>>, vector<1x1x1x1x16xf32>,
        %add3A_1606 = arith.constant 4 : i32
        %add3A_1607 = arith.addi %mul3A_809, %add3A_1606 : i32
        %get3A_1608 = arith.constant 0 : i32
        %get3A_1609 = arith.constant 0 : i32
        %get3A_1610 = arith.index_cast %get3A_1608 : i32 to index
        %get3A_1611 = arith.index_cast %get3A_1609 : i32 to index
        %get3A_1612 = arith.index_cast %add3A_1607 : i32 to index
        %get3A_1613 = arith.constant 40 : index
        %get3A_1614 = tpu.vector_load %arg11[%get3A_1610, %get3A_1611, %get3A_1612, %get3A_1613] {strides = array<i32>} : memref<2x3x80x56xf32, #tpu.memory_space<vmem>>, vector<1x1x1x16xf32>,
        %get3A_1615 = vector.shape_cast %get3A_1614 : vector<1x1x1x16xf32> to vector<16xf32>
        %add3A_1616 = arith.constant 4 : i32
        %add3A_1617 = arith.addi %mul3A_809, %add3A_1616 : i32
        %get3A_1618 = arith.constant 0 : i32
        %get3A_1619 = arith.constant 1 : i32
        %get3A_1620 = arith.index_cast %get3A_1618 : i32 to index
        %get3A_1621 = arith.index_cast %get3A_1619 : i32 to index
        %get3A_1622 = arith.index_cast %add3A_1617 : i32 to index
        %get3A_1623 = arith.constant 40 : index
        %get3A_1624 = tpu.vector_load %arg11[%get3A_1620, %get3A_1621, %get3A_1622, %get3A_1623] {strides = array<i32>} : memref<2x3x80x56xf32, #tpu.memory_space<vmem>>, vector<1x1x1x16xf32>,
        %get3A_1625 = vector.shape_cast %get3A_1624 : vector<1x1x1x16xf32> to vector<16xf32>
        %add3A_1626 = arith.addf %get3A_1615, %get3A_1625 : vector<16xf32>
        %add3A_1627 = arith.constant 4 : i32
        %add3A_1628 = arith.addi %mul3A_809, %add3A_1627 : i32
        %get3A_1629 = arith.constant 0 : i32
        %get3A_1630 = arith.constant 2 : i32
        %get3A_1631 = arith.index_cast %get3A_1629 : i32 to index
        %get3A_1632 = arith.index_cast %get3A_1630 : i32 to index
        %get3A_1633 = arith.index_cast %add3A_1628 : i32 to index
        %get3A_1634 = arith.constant 40 : index
        %get3A_1635 = tpu.vector_load %arg11[%get3A_1631, %get3A_1632, %get3A_1633, %get3A_1634] {strides = array<i32>} : memref<2x3x80x56xf32, #tpu.memory_space<vmem>>, vector<1x1x1x16xf32>,
        %get3A_1636 = vector.shape_cast %get3A_1635 : vector<1x1x1x16xf32> to vector<16xf32>
        %add3A_1637 = arith.addf %add3A_1626, %get3A_1636 : vector<16xf32>
        %swap3A_1638 = arith.constant 0 : i32
        %swap3A_1639 = arith.constant 2 : i32
        %swap3A_1640 = arith.index_cast %swap3A_1638 : i32 to index
        %swap3A_1641 = arith.index_cast %select_n3A_792 : i32 to index
        %swap3A_1642 = arith.index_cast %swap3A_1639 : i32 to index
        %swap3A_1643 = arith.index_cast %select_n3A_807 : i32 to index
        %swap3A_1644 = arith.constant 8 : index
        %swap3A_1645 = tpu.vector_load %arg12[%swap3A_1640, %swap3A_1641, %swap3A_1642, %swap3A_1643, %swap3A_1644] {strides = array<i32>} : memref<2x2x3x8x128xf32, #tpu.memory_space<vmem>>, vector<1x1x1x1x16xf32>,
        %swap3A_1646 = vector.shape_cast %swap3A_1645 : vector<1x1x1x1x16xf32> to vector<16xf32>
        %swap3A_1647 = vector.shape_cast %add3A_1637 : vector<16xf32> to vector<1x1x1x1x16xf32>
        tpu.vector_store %arg12[%swap3A_1640, %swap3A_1641, %swap3A_1642, %swap3A_1643, %swap3A_1644], %swap3A_1647 {strides = array<i32>} : memref<2x2x3x8x128xf32, #tpu.memory_space<vmem>>, vector<1x1x1x1x16xf32>,
      }
      %scan3A_578 = arith.constant 16 : i32
      %mul3A_579 = arith.constant 2 : i32
      %mul3A_580 = arith.muli %mul3A_442, %mul3A_579 : i32
      %add3A_581 = arith.addi %mul3A_2, %mul3A_580 : i32
      %dma_start3A_582 = arith.constant 0 : i32
      %dma_start3A_583 = arith.constant 0 : i32
      %dma_start3A_584 = arith.constant 0 : i32
      %dma_start3A_585 = arith.constant 0 : i32
      %dma_start3A_586 = arith.constant 0 : i32
      %dma_start3A_587 = arith.constant 0 : i32
      %dma_start3A_588 = tpu.memref_slice %arg12[%dma_start3A_582, %dma_start3A_584, %dma_start3A_585, %dma_start3A_586, %dma_start3A_587] : memref<2x2x3x8x128xf32, #tpu.memory_space<vmem>> -> memref<1x2x3x8x128xf32, #tpu.memory_space<vmem>>
      %dma_start3A_589 = tpu.memref_squeeze %dma_start3A_588 : memref<1x2x3x8x128xf32, #tpu.memory_space<vmem>> -> memref<2x3x8x128xf32, #tpu.memory_space<vmem>>
      %dma_start3A_590 = arith.constant 0 : i32
      %dma_start3A_591 = arith.constant 0 : i32
      %dma_start3A_592 = arith.constant 0 : i32
      %dma_start3A_593 = tpu.memref_slice %arg7[%add3A_581, %dma_start3A_590, %dma_start3A_591, %dma_start3A_592] : memref<2048x3x8x128xf32, #tpu.memory_space<hbm>> -> memref<2x3x8x128xf32, #tpu.memory_space<hbm>>
      %dma_start3A_594 = tpu.memref_slice %arg14[%dma_start3A_583] : memref<2x!tpu.dma_semaphore, #tpu.memory_space<semaphore_mem>> -> memref<1x!tpu.dma_semaphore, #tpu.memory_space<semaphore_mem>>
      %dma_start3A_595 = tpu.memref_squeeze %dma_start3A_594 : memref<1x!tpu.dma_semaphore, #tpu.memory_space<semaphore_mem>> -> memref<!tpu.dma_semaphore, #tpu.memory_space<semaphore_mem>>
      %dma_start3A_596 = arith.constant 0 : i32
      %dma_start3A_597 = arith.constant 0 : i32
      %dma_start3A_598 = arith.constant 0 : i32
      %dma_start3A_599 = tpu.memref_slice %arg7[%add3A_581, %dma_start3A_596, %dma_start3A_597, %dma_start3A_598] : memref<2048x3x8x128xf32, #tpu.memory_space<hbm>> -> memref<2x3x8x128xf32, #tpu.memory_space<hbm>>
      %dma_start3A_600 = arith.constant 0 : i32
      %dma_start3A_601 = arith.constant 0 : i32
      %dma_start3A_602 = arith.constant 0 : i32
      %dma_start3A_603 = arith.constant 0 : i32
      %dma_start3A_604 = tpu.memref_slice %arg12[%dma_start3A_582, %dma_start3A_600, %dma_start3A_601, %dma_start3A_602, %dma_start3A_603] : memref<2x2x3x8x128xf32, #tpu.memory_space<vmem>> -> memref<1x2x3x8x128xf32, #tpu.memory_space<vmem>>
      %dma_start3A_605 = tpu.memref_squeeze %dma_start3A_604 : memref<1x2x3x8x128xf32, #tpu.memory_space<vmem>> -> memref<2x3x8x128xf32, #tpu.memory_space<vmem>>
      tpu.enqueue_dma source(%dma_start3A_605 : memref<2x3x8x128xf32, #tpu.memory_space<vmem>>) target(%dma_start3A_599 : memref<2x3x8x128xf32, #tpu.memory_space<hbm>>) target_semaphore(%dma_start3A_595 : memref<!tpu.dma_semaphore, #tpu.memory_space<semaphore_mem>>)
      %mul3A_606 = arith.constant 2 : i32
      %mul3A_607 = arith.muli %mul3A_606, %scan3A_440 : i32
      %add3A_608 = arith.constant 1 : i32
      %add3A_609 = arith.addi %mul3A_607, %add3A_608 : i32
      %dma_wait3A_610 = arith.constant 0 : i32
      %dma_wait3A_611 = arith.constant 1 : i32
      %dma_wait3A_612 = arith.constant 0 : i32
      %dma_wait3A_613 = arith.constant 1 : i32
      %dma_wait3A_614 = arith.constant 0 : i32
      %dma_wait3A_615 = arith.constant 0 : i32
      %dma_wait3A_616 = arith.constant 0 : i32
      %dma_wait3A_617 = tpu.memref_slice %arg11[%dma_wait3A_611, %dma_wait3A_612, %dma_wait3A_615, %dma_wait3A_616] : memref<2x3x80x56xf32, #tpu.memory_space<vmem>> -> memref<1x1x80x56xf32, #tpu.memory_space<vmem>>
      %dma_wait3A_618 = tpu.memref_squeeze %dma_wait3A_617 : memref<1x1x80x56xf32, #tpu.memory_space<vmem>> -> memref<80x56xf32, #tpu.memory_space<vmem>>
      %dma_wait3A_619 = arith.constant 0 : i32
      %dma_wait3A_620 = tpu.memref_slice %arg8[%dma_wait3A_610, %dma_wait3A_619] : memref<32x80xi32, #tpu.memory_space<vmem>> -> memref<1x80xi32, #tpu.memory_space<vmem>>
      %dma_wait3A_621 = tpu.memref_squeeze %dma_wait3A_620 : memref<1x80xi32, #tpu.memory_space<vmem>> -> memref<80xi32, #tpu.memory_space<vmem>>
      %dma_wait3A_622 = arith.constant 0 : i32
      %dma_wait3A_623 = arith.constant 0 : i32
      %dma_wait3A_624 = tpu.memref_slice %arg2[%dma_wait3A_622, %dma_wait3A_623] : memref<100000x56xf32, #tpu.memory_space<hbm>> -> memref<100000x56xf32, #tpu.memory_space<hbm>>
      %dma_wait3A_625 = tpu.memref_slice %arg13[%dma_wait3A_613, %dma_wait3A_614] : memref<2x3x!tpu.dma_semaphore, #tpu.memory_space<semaphore_mem>> -> memref<1x1x!tpu.dma_semaphore, #tpu.memory_space<semaphore_mem>>
      %dma_wait3A_626 = tpu.memref_squeeze %dma_wait3A_625 : memref<1x1x!tpu.dma_semaphore, #tpu.memory_space<semaphore_mem>> -> memref<!tpu.dma_semaphore, #tpu.memory_space<semaphore_mem>>
      tpu.wait_indirect_dma semaphore(%dma_wait3A_626 : memref<!tpu.dma_semaphore, #tpu.memory_space<semaphore_mem>>) src(%dma_wait3A_624 : memref<100000x56xf32, #tpu.memory_space<hbm>>) dst(%dma_wait3A_618 : memref<80x56xf32, #tpu.memory_space<vmem>>)
      %dma_wait3A_627 = arith.constant 0 : i32
      %dma_wait3A_628 = arith.constant 1 : i32
      %dma_wait3A_629 = arith.constant 1 : i32
      %dma_wait3A_630 = arith.constant 1 : i32
      %dma_wait3A_631 = arith.constant 1 : i32
      %dma_wait3A_632 = arith.constant 0 : i32
      %dma_wait3A_633 = arith.constant 0 : i32
      %dma_wait3A_634 = tpu.memref_slice %arg11[%dma_wait3A_628, %dma_wait3A_629, %dma_wait3A_632, %dma_wait3A_633] : memref<2x3x80x56xf32, #tpu.memory_space<vmem>> -> memref<1x1x80x56xf32, #tpu.memory_space<vmem>>
      %dma_wait3A_635 = tpu.memref_squeeze %dma_wait3A_634 : memref<1x1x80x56xf32, #tpu.memory_space<vmem>> -> memref<80x56xf32, #tpu.memory_space<vmem>>
      %dma_wait3A_636 = arith.constant 0 : i32
      %dma_wait3A_637 = tpu.memref_slice %arg8[%dma_wait3A_627, %dma_wait3A_636] : memref<32x80xi32, #tpu.memory_space<vmem>> -> memref<1x80xi32, #tpu.memory_space<vmem>>
      %dma_wait3A_638 = tpu.memref_squeeze %dma_wait3A_637 : memref<1x80xi32, #tpu.memory_space<vmem>> -> memref<80xi32, #tpu.memory_space<vmem>>
      %dma_wait3A_639 = arith.constant 0 : i32
      %dma_wait3A_640 = arith.constant 0 : i32
      %dma_wait3A_641 = tpu.memref_slice %arg2[%dma_wait3A_639, %dma_wait3A_640] : memref<100000x56xf32, #tpu.memory_space<hbm>> -> memref<100000x56xf32, #tpu.memory_space<hbm>>
      %dma_wait3A_642 = tpu.memref_slice %arg13[%dma_wait3A_630, %dma_wait3A_631] : memref<2x3x!tpu.dma_semaphore, #tpu.memory_space<semaphore_mem>> -> memref<1x1x!tpu.dma_semaphore, #tpu.memory_space<semaphore_mem>>
      %dma_wait3A_643 = tpu.memref_squeeze %dma_wait3A_642 : memref<1x1x!tpu.dma_semaphore, #tpu.memory_space<semaphore_mem>> -> memref<!tpu.dma_semaphore, #tpu.memory_space<semaphore_mem>>
      tpu.wait_indirect_dma semaphore(%dma_wait3A_643 : memref<!tpu.dma_semaphore, #tpu.memory_space<semaphore_mem>>) src(%dma_wait3A_641 : memref<100000x56xf32, #tpu.memory_space<hbm>>) dst(%dma_wait3A_635 : memref<80x56xf32, #tpu.memory_space<vmem>>)
      %dma_wait3A_644 = arith.constant 0 : i32
      %dma_wait3A_645 = arith.constant 1 : i32
      %dma_wait3A_646 = arith.constant 2 : i32
      %dma_wait3A_647 = arith.constant 1 : i32
      %dma_wait3A_648 = arith.constant 2 : i32
      %dma_wait3A_649 = arith.constant 0 : i32
      %dma_wait3A_650 = arith.constant 0 : i32
      %dma_wait3A_651 = tpu.memref_slice %arg11[%dma_wait3A_645, %dma_wait3A_646, %dma_wait3A_649, %dma_wait3A_650] : memref<2x3x80x56xf32, #tpu.memory_space<vmem>> -> memref<1x1x80x56xf32, #tpu.memory_space<vmem>>
      %dma_wait3A_652 = tpu.memref_squeeze %dma_wait3A_651 : memref<1x1x80x56xf32, #tpu.memory_space<vmem>> -> memref<80x56xf32, #tpu.memory_space<vmem>>
      %dma_wait3A_653 = arith.constant 0 : i32
      %dma_wait3A_654 = tpu.memref_slice %arg8[%dma_wait3A_644, %dma_wait3A_653] : memref<32x80xi32, #tpu.memory_space<vmem>> -> memref<1x80xi32, #tpu.memory_space<vmem>>
      %dma_wait3A_655 = tpu.memref_squeeze %dma_wait3A_654 : memref<1x80xi32, #tpu.memory_space<vmem>> -> memref<80xi32, #tpu.memory_space<vmem>>
      %dma_wait3A_656 = arith.constant 0 : i32
      %dma_wait3A_657 = arith.constant 0 : i32
      %dma_wait3A_658 = tpu.memref_slice %arg2[%dma_wait3A_656, %dma_wait3A_657] : memref<100000x56xf32, #tpu.memory_space<hbm>> -> memref<100000x56xf32, #tpu.memory_space<hbm>>
      %dma_wait3A_659 = tpu.memref_slice %arg13[%dma_wait3A_647, %dma_wait3A_648] : memref<2x3x!tpu.dma_semaphore, #tpu.memory_space<semaphore_mem>> -> memref<1x1x!tpu.dma_semaphore, #tpu.memory_space<semaphore_mem>>
      %dma_wait3A_660 = tpu.memref_squeeze %dma_wait3A_659 : memref<1x1x!tpu.dma_semaphore, #tpu.memory_space<semaphore_mem>> -> memref<!tpu.dma_semaphore, #tpu.memory_space<semaphore_mem>>
      tpu.wait_indirect_dma semaphore(%dma_wait3A_660 : memref<!tpu.dma_semaphore, #tpu.memory_space<semaphore_mem>>) src(%dma_wait3A_658 : memref<100000x56xf32, #tpu.memory_space<hbm>>) dst(%dma_wait3A_652 : memref<80x56xf32, #tpu.memory_space<vmem>>)
      %add3A_661 = arith.constant 1 : i32
      %add3A_662 = arith.addi %add3A_609, %add3A_661 : i32
      %lt3A_663 = arith.constant 32 : i32
      %lt3A_664 = arith.cmpi slt, %add3A_662, %lt3A_663 : i32
      %jit3A_665 = arith.constant 0 : i32
      %select_n3A_666 = arith.select %lt3A_664, %add3A_662, %jit3A_665 : i32
      %dma_start3A_667 = arith.constant 0 : i32
      %dma_start3A_668 = arith.constant 0 : i32
      %dma_start3A_669 = arith.constant 0 : i32
      %dma_start3A_670 = arith.constant 0 : i32
      %dma_start3A_671 = arith.constant 0 : i32
      %dma_start3A_672 = arith.constant 0 : i32
      %dma_start3A_673 = tpu.memref_slice %arg11[%dma_start3A_667, %dma_start3A_668, %dma_start3A_671, %dma_start3A_672] : memref<2x3x80x56xf32, #tpu.memory_space<vmem>> -> memref<1x1x80x56xf32, #tpu.memory_space<vmem>>
      %dma_start3A_674 = tpu.memref_squeeze %dma_start3A_673 : memref<1x1x80x56xf32, #tpu.memory_space<vmem>> -> memref<80x56xf32, #tpu.memory_space<vmem>>
      %dma_start3A_675 = arith.constant 0 : i32
      %dma_start3A_676 = tpu.memref_slice %arg8[%select_n3A_666, %dma_start3A_675] : memref<32x80xi32, #tpu.memory_space<vmem>> -> memref<1x80xi32, #tpu.memory_space<vmem>>
      %dma_start3A_677 = tpu.memref_squeeze %dma_start3A_676 : memref<1x80xi32, #tpu.memory_space<vmem>> -> memref<80xi32, #tpu.memory_space<vmem>>
      %dma_start3A_678 = arith.constant 0 : i32
      %dma_start3A_679 = arith.constant 0 : i32
      %dma_start3A_680 = tpu.memref_slice %arg2[%dma_start3A_678, %dma_start3A_679] : memref<100000x56xf32, #tpu.memory_space<hbm>> -> memref<100000x56xf32, #tpu.memory_space<hbm>>
      %dma_start3A_681 = tpu.memref_slice %arg13[%dma_start3A_669, %dma_start3A_670] : memref<2x3x!tpu.dma_semaphore, #tpu.memory_space<semaphore_mem>> -> memref<1x1x!tpu.dma_semaphore, #tpu.memory_space<semaphore_mem>>
      %dma_start3A_682 = tpu.memref_squeeze %dma_start3A_681 : memref<1x1x!tpu.dma_semaphore, #tpu.memory_space<semaphore_mem>> -> memref<!tpu.dma_semaphore, #tpu.memory_space<semaphore_mem>>
      tpu.enqueue_indirect_dma source(%dma_start3A_680 : memref<100000x56xf32, #tpu.memory_space<hbm>>) target(%dma_start3A_674 : memref<80x56xf32, #tpu.memory_space<vmem>>) offsets(%dma_start3A_677 : memref<80xi32, #tpu.memory_space<vmem>>) semaphore(%dma_start3A_682 : memref<!tpu.dma_semaphore, #tpu.memory_space<semaphore_mem>>)
      %dma_start3A_683 = arith.constant 0 : i32
      %dma_start3A_684 = arith.constant 1 : i32
      %dma_start3A_685 = arith.constant 0 : i32
      %dma_start3A_686 = arith.constant 1 : i32
      %dma_start3A_687 = arith.constant 0 : i32
      %dma_start3A_688 = arith.constant 0 : i32
      %dma_start3A_689 = tpu.memref_slice %arg11[%dma_start3A_683, %dma_start3A_684, %dma_start3A_687, %dma_start3A_688] : memref<2x3x80x56xf32, #tpu.memory_space<vmem>> -> memref<1x1x80x56xf32, #tpu.memory_space<vmem>>
      %dma_start3A_690 = tpu.memref_squeeze %dma_start3A_689 : memref<1x1x80x56xf32, #tpu.memory_space<vmem>> -> memref<80x56xf32, #tpu.memory_space<vmem>>
      %dma_start3A_691 = arith.constant 0 : i32
      %dma_start3A_692 = tpu.memref_slice %arg9[%select_n3A_666, %dma_start3A_691] : memref<32x80xi32, #tpu.memory_space<vmem>> -> memref<1x80xi32, #tpu.memory_space<vmem>>
      %dma_start3A_693 = tpu.memref_squeeze %dma_start3A_692 : memref<1x80xi32, #tpu.memory_space<vmem>> -> memref<80xi32, #tpu.memory_space<vmem>>
      %dma_start3A_694 = arith.constant 0 : i32
      %dma_start3A_695 = arith.constant 0 : i32
      %dma_start3A_696 = tpu.memref_slice %arg3[%dma_start3A_694, %dma_start3A_695] : memref<50000x56xf32, #tpu.memory_space<hbm>> -> memref<50000x56xf32, #tpu.memory_space<hbm>>
      %dma_start3A_697 = tpu.memref_slice %arg13[%dma_start3A_685, %dma_start3A_686] : memref<2x3x!tpu.dma_semaphore, #tpu.memory_space<semaphore_mem>> -> memref<1x1x!tpu.dma_semaphore, #tpu.memory_space<semaphore_mem>>
      %dma_start3A_698 = tpu.memref_squeeze %dma_start3A_697 : memref<1x1x!tpu.dma_semaphore, #tpu.memory_space<semaphore_mem>> -> memref<!tpu.dma_semaphore, #tpu.memory_space<semaphore_mem>>
      tpu.enqueue_indirect_dma source(%dma_start3A_696 : memref<50000x56xf32, #tpu.memory_space<hbm>>) target(%dma_start3A_690 : memref<80x56xf32, #tpu.memory_space<vmem>>) offsets(%dma_start3A_693 : memref<80xi32, #tpu.memory_space<vmem>>) semaphore(%dma_start3A_698 : memref<!tpu.dma_semaphore, #tpu.memory_space<semaphore_mem>>)
      %dma_start3A_699 = arith.constant 0 : i32
      %dma_start3A_700 = arith.constant 2 : i32
      %dma_start3A_701 = arith.constant 0 : i32
      %dma_start3A_702 = arith.constant 2 : i32
      %dma_start3A_703 = arith.constant 0 : i32
      %dma_start3A_704 = arith.constant 0 : i32
      %dma_start3A_705 = tpu.memref_slice %arg11[%dma_start3A_699, %dma_start3A_700, %dma_start3A_703, %dma_start3A_704] : memref<2x3x80x56xf32, #tpu.memory_space<vmem>> -> memref<1x1x80x56xf32, #tpu.memory_space<vmem>>
      %dma_start3A_706 = tpu.memref_squeeze %dma_start3A_705 : memref<1x1x80x56xf32, #tpu.memory_space<vmem>> -> memref<80x56xf32, #tpu.memory_space<vmem>>
      %dma_start3A_707 = arith.constant 0 : i32
      %dma_start3A_708 = tpu.memref_slice %arg10[%select_n3A_666, %dma_start3A_707] : memref<32x80xi32, #tpu.memory_space<vmem>> -> memref<1x80xi32, #tpu.memory_space<vmem>>
      %dma_start3A_709 = tpu.memref_squeeze %dma_start3A_708 : memref<1x80xi32, #tpu.memory_space<vmem>> -> memref<80xi32, #tpu.memory_space<vmem>>
      %dma_start3A_710 = arith.constant 0 : i32
      %dma_start3A_711 = arith.constant 0 : i32
      %dma_start3A_712 = tpu.memref_slice %arg3[%dma_start3A_710, %dma_start3A_711] : memref<50000x56xf32, #tpu.memory_space<hbm>> -> memref<50000x56xf32, #tpu.memory_space<hbm>>
      %dma_start3A_713 = tpu.memref_slice %arg13[%dma_start3A_701, %dma_start3A_702] : memref<2x3x!tpu.dma_semaphore, #tpu.memory_space<semaphore_mem>> -> memref<1x1x!tpu.dma_semaphore, #tpu.memory_space<semaphore_mem>>
      %dma_start3A_714 = tpu.memref_squeeze %dma_start3A_713 : memref<1x1x!tpu.dma_semaphore, #tpu.memory_space<semaphore_mem>> -> memref<!tpu.dma_semaphore, #tpu.memory_space<semaphore_mem>>
      tpu.enqueue_indirect_dma source(%dma_start3A_712 : memref<50000x56xf32, #tpu.memory_space<hbm>>) target(%dma_start3A_706 : memref<80x56xf32, #tpu.memory_space<vmem>>) offsets(%dma_start3A_709 : memref<80xi32, #tpu.memory_space<vmem>>) semaphore(%dma_start3A_714 : memref<!tpu.dma_semaphore, #tpu.memory_space<semaphore_mem>>)
      %dma_wait3A_715 = arith.constant 1 : i32
      %dma_wait3A_716 = arith.constant 1 : i32
      %dma_wait3A_717 = arith.constant 0 : i32
      %dma_wait3A_718 = arith.constant 0 : i32
      %dma_wait3A_719 = arith.constant 0 : i32
      %dma_wait3A_720 = arith.constant 0 : i32
      %dma_wait3A_721 = tpu.memref_slice %arg12[%dma_wait3A_715, %dma_wait3A_717, %dma_wait3A_718, %dma_wait3A_719, %dma_wait3A_720] : memref<2x2x3x8x128xf32, #tpu.memory_space<vmem>> -> memref<1x2x3x8x128xf32, #tpu.memory_space<vmem>>
      %dma_wait3A_722 = tpu.memref_squeeze %dma_wait3A_721 : memref<1x2x3x8x128xf32, #tpu.memory_space<vmem>> -> memref<2x3x8x128xf32, #tpu.memory_space<vmem>>
      %dma_wait3A_723 = arith.constant 0 : i32
      %dma_wait3A_724 = arith.constant 0 : i32
      %dma_wait3A_725 = arith.constant 0 : i32
      %dma_wait3A_726 = arith.constant 0 : i32
      %dma_wait3A_727 = tpu.memref_slice %arg7[%dma_wait3A_723, %dma_wait3A_724, %dma_wait3A_725, %dma_wait3A_726] : memref<2048x3x8x128xf32, #tpu.memory_space<hbm>> -> memref<2x3x8x128xf32, #tpu.memory_space<hbm>>
      %dma_wait3A_728 = tpu.memref_slice %arg14[%dma_wait3A_716] : memref<2x!tpu.dma_semaphore, #tpu.memory_space<semaphore_mem>> -> memref<1x!tpu.dma_semaphore, #tpu.memory_space<semaphore_mem>>
      %dma_wait3A_729 = tpu.memref_squeeze %dma_wait3A_728 : memref<1x!tpu.dma_semaphore, #tpu.memory_space<semaphore_mem>> -> memref<!tpu.dma_semaphore, #tpu.memory_space<semaphore_mem>>
      %dma_wait3A_730 = arith.constant 0 : i32
      %dma_wait3A_731 = arith.constant 0 : i32
      %dma_wait3A_732 = arith.constant 0 : i32
      %dma_wait3A_733 = arith.constant 0 : i32
      %dma_wait3A_734 = tpu.memref_slice %arg12[%dma_wait3A_715, %dma_wait3A_730, %dma_wait3A_731, %dma_wait3A_732, %dma_wait3A_733] : memref<2x2x3x8x128xf32, #tpu.memory_space<vmem>> -> memref<1x2x3x8x128xf32, #tpu.memory_space<vmem>>
      %dma_wait3A_735 = tpu.memref_squeeze %dma_wait3A_734 : memref<1x2x3x8x128xf32, #tpu.memory_space<vmem>> -> memref<2x3x8x128xf32, #tpu.memory_space<vmem>>
      %dma_wait3A_736 = arith.constant 0 : i32
      %dma_wait3A_737 = arith.constant 0 : i32
      %dma_wait3A_738 = arith.constant 0 : i32
      %dma_wait3A_739 = arith.constant 0 : i32
      %dma_wait3A_740 = tpu.memref_slice %arg7[%dma_wait3A_736, %dma_wait3A_737, %dma_wait3A_738, %dma_wait3A_739] : memref<2048x3x8x128xf32, #tpu.memory_space<hbm>> -> memref<2x3x8x128xf32, #tpu.memory_space<hbm>>
      tpu.wait_dma2 semaphore(%dma_wait3A_729 : memref<!tpu.dma_semaphore, #tpu.memory_space<semaphore_mem>>) src(%dma_wait3A_740 : memref<2x3x8x128xf32, #tpu.memory_space<hbm>>) dst(%dma_wait3A_735 : memref<2x3x8x128xf32, #tpu.memory_space<vmem>>)
      %scan3A_741 = arith.constant 0 : i32
      %scan3A_742 = arith.constant 0 : i32
      %scan3A_743 = arith.constant 16 : i32
      %scan3A_744 = arith.addi %scan3A_742, %scan3A_743 : i32
      %scan3A_745 = arith.constant 1 : i32
      scf.for %scan3A_774 = %scan3A_742 to %scan3A_744 step %scan3A_745  : i32 {
        %jit3A_775 = arith.constant 8 : i32
        %div3A = arith.divsi %scan3A_774, %jit3A_775 : i32
        %sign3A = arith.constant 0 : i32
        %sign3A_776 = arith.cmpi sgt, %scan3A_774, %sign3A : i32
        %sign3A_777 = arith.extui %sign3A_776 : i1 to i32
        %sign3A_778 = arith.constant 0 : i32
        %sign3A_779 = arith.cmpi slt, %scan3A_774, %sign3A_778 : i32
        %sign3A_780 = arith.extui %sign3A_779 : i1 to i32
        %sign3A_781 = arith.subi %sign3A_777, %sign3A_780 : i32
        %sign3A_782 = arith.constant 0 : i32
        %sign3A_783 = arith.cmpi sgt, %jit3A_775, %sign3A_782 : i32
        %sign3A_784 = arith.extui %sign3A_783 : i1 to i32
        %sign3A_785 = arith.constant 0 : i32
        %sign3A_786 = arith.cmpi slt, %jit3A_775, %sign3A_785 : i32
        %sign3A_787 = arith.extui %sign3A_786 : i1 to i32
        %sign3A_788 = arith.subi %sign3A_784, %sign3A_787 : i32
        %ne3A = arith.cmpi ne, %sign3A_781, %sign3A_788 : i32
        %rem3A = arith.remsi %scan3A_774, %jit3A_775 : i32
        %ne3A_789 = arith.constant 0 : i32
        %ne3A_790 = arith.cmpi ne, %rem3A, %ne3A_789 : i32
        %and3A = arith.andi %ne3A, %ne3A_790 : i1
        %sub3A = arith.constant 1 : i32
        %sub3A_791 = arith.subi %div3A, %sub3A : i32
        %select_n3A_792 = arith.select %and3A, %sub3A_791, %div3A : i32
        %jit3A_793 = arith.constant 8 : i32
        %eq3A = arith.constant 0 : i32
        %eq3A_794 = arith.cmpi eq, %jit3A_793, %eq3A : i32
        %jit3A_795 = arith.constant 1 : i32
        %select_n3A_796 = arith.select %eq3A_794, %jit3A_795, %jit3A_793 : i32
        %rem3A_797 = arith.remsi %scan3A_774, %select_n3A_796 : i32
        %ne3A_798 = arith.constant 0 : i32
        %ne3A_799 = arith.cmpi ne, %rem3A_797, %ne3A_798 : i32
        %lt3A_800 = arith.constant 0 : i32
        %lt3A_801 = arith.cmpi slt, %rem3A_797, %lt3A_800 : i32
        %lt3A_802 = arith.constant 0 : i32
        %lt3A_803 = arith.cmpi slt, %select_n3A_796, %lt3A_802 : i32
        %ne3A_804 = arith.xori %lt3A_801, %lt3A_803 : i1
        %and3A_805 = arith.andi %ne3A_804, %ne3A_799 : i1
        %add3A_806 = arith.addi %rem3A_797, %select_n3A_796 : i32
        %select_n3A_807 = arith.select %and3A_805, %add3A_806, %rem3A_797 : i32
        %mul3A_808 = arith.constant 5 : i32
        %mul3A_809 = arith.muli %scan3A_774, %mul3A_808 : i32
        %add3A_810 = arith.constant 0 : i32
        %add3A_811 = arith.addi %mul3A_809, %add3A_810 : i32
        %get3A = arith.constant 1 : i32
        %get3A_812 = arith.constant 0 : i32
        %get3A_813 = arith.index_cast %get3A : i32 to index
        %get3A_814 = arith.index_cast %get3A_812 : i32 to index
        %get3A_815 = arith.index_cast %add3A_811 : i32 to index
        %get3A_816 = arith.constant 0 : index
        %get3A_817 = tpu.vector_load %arg11[%get3A_813, %get3A_814, %get3A_815, %get3A_816] {strides = array<i32>} : memref<2x3x80x56xf32, #tpu.memory_space<vmem>>, vector<1x1x1x16xf32>,
        %get3A_818 = vector.shape_cast %get3A_817 : vector<1x1x1x16xf32> to vector<16xf32>
        %add3A_819 = arith.constant 0 : i32
        %add3A_820 = arith.addi %mul3A_809, %add3A_819 : i32
        %get3A_821 = arith.constant 1 : i32
        %get3A_822 = arith.constant 1 : i32
        %get3A_823 = arith.index_cast %get3A_821 : i32 to index
        %get3A_824 = arith.index_cast %get3A_822 : i32 to index
        %get3A_825 = arith.index_cast %add3A_820 : i32 to index
        %get3A_826 = arith.constant 0 : index
        %get3A_827 = tpu.vector_load %arg11[%get3A_823, %get3A_824, %get3A_825, %get3A_826] {strides = array<i32>} : memref<2x3x80x56xf32, #tpu.memory_space<vmem>>, vector<1x1x1x16xf32>,
        %get3A_828 = vector.shape_cast %get3A_827 : vector<1x1x1x16xf32> to vector<16xf32>
        %add3A_829 = arith.addf %get3A_818, %get3A_828 : vector<16xf32>
        %add3A_830 = arith.constant 0 : i32
        %add3A_831 = arith.addi %mul3A_809, %add3A_830 : i32
        %get3A_832 = arith.constant 1 : i32
        %get3A_833 = arith.constant 2 : i32
        %get3A_834 = arith.index_cast %get3A_832 : i32 to index
        %get3A_835 = arith.index_cast %get3A_833 : i32 to index
        %get3A_836 = arith.index_cast %add3A_831 : i32 to index
        %get3A_837 = arith.constant 0 : index
        %get3A_838 = tpu.vector_load %arg11[%get3A_834, %get3A_835, %get3A_836, %get3A_837] {strides = array<i32>} : memref<2x3x80x56xf32, #tpu.memory_space<vmem>>, vector<1x1x1x16xf32>,
        %get3A_839 = vector.shape_cast %get3A_838 : vector<1x1x1x16xf32> to vector<16xf32>
        %add3A_840 = arith.addf %add3A_829, %get3A_839 : vector<16xf32>
        %swap3A = arith.constant 1 : i32
        %swap3A_841 = arith.constant 0 : i32
        %swap3A_842 = arith.index_cast %swap3A : i32 to index
        %swap3A_843 = arith.index_cast %select_n3A_792 : i32 to index
        %swap3A_844 = arith.index_cast %swap3A_841 : i32 to index
        %swap3A_845 = arith.index_cast %select_n3A_807 : i32 to index
        %swap3A_846 = arith.constant 0 : index
        %swap3A_847 = tpu.vector_load %arg12[%swap3A_842, %swap3A_843, %swap3A_844, %swap3A_845, %swap3A_846] {strides = array<i32>} : memref<2x2x3x8x128xf32, #tpu.memory_space<vmem>>, vector<1x1x1x1x16xf32>,
        %swap3A_848 = vector.shape_cast %swap3A_847 : vector<1x1x1x1x16xf32> to vector<16xf32>
        %swap3A_849 = vector.shape_cast %add3A_840 : vector<16xf32> to vector<1x1x1x1x16xf32>
        tpu.vector_store %arg12[%swap3A_842, %swap3A_843, %swap3A_844, %swap3A_845, %swap3A_846], %swap3A_849 {strides = array<i32>} : memref<2x2x3x8x128xf32, #tpu.memory_space<vmem>>, vector<1x1x1x1x16xf32>,
        %add3A_850 = arith.constant 0 : i32
        %add3A_851 = arith.addi %mul3A_809, %add3A_850 : i32
        %get3A_852 = arith.constant 1 : i32
        %get3A_853 = arith.constant 0 : i32
        %get3A_854 = arith.index_cast %get3A_852 : i32 to index
        %get3A_855 = arith.index_cast %get3A_853 : i32 to index
        %get3A_856 = arith.index_cast %add3A_851 : i32 to index
        %get3A_857 = arith.constant 16 : index
        %get3A_858 = tpu.vector_load %arg11[%get3A_854, %get3A_855, %get3A_856, %get3A_857] {strides = array<i32>} : memref<2x3x80x56xf32, #tpu.memory_space<vmem>>, vector<1x1x1x16xf32>,
        %get3A_859 = vector.shape_cast %get3A_858 : vector<1x1x1x16xf32> to vector<16xf32>
        %add3A_860 = arith.constant 0 : i32
        %add3A_861 = arith.addi %mul3A_809, %add3A_860 : i32
        %get3A_862 = arith.constant 1 : i32
        %get3A_863 = arith.constant 1 : i32
        %get3A_864 = arith.index_cast %get3A_862 : i32 to index
        %get3A_865 = arith.index_cast %get3A_863 : i32 to index
        %get3A_866 = arith.index_cast %add3A_861 : i32 to index
        %get3A_867 = arith.constant 16 : index
        %get3A_868 = tpu.vector_load %arg11[%get3A_864, %get3A_865, %get3A_866, %get3A_867] {strides = array<i32>} : memref<2x3x80x56xf32, #tpu.memory_space<vmem>>, vector<1x1x1x16xf32>,
        %get3A_869 = vector.shape_cast %get3A_868 : vector<1x1x1x16xf32> to vector<16xf32>
        %add3A_870 = arith.addf %get3A_859, %get3A_869 : vector<16xf32>
        %add3A_871 = arith.constant 0 : i32
        %add3A_872 = arith.addi %mul3A_809, %add3A_871 : i32
        %get3A_873 = arith.constant 1 : i32
        %get3A_874 = arith.constant 2 : i32
        %get3A_875 = arith.index_cast %get3A_873 : i32 to index
        %get3A_876 = arith.index_cast %get3A_874 : i32 to index
        %get3A_877 = arith.index_cast %add3A_872 : i32 to index
        %get3A_878 = arith.constant 16 : index
        %get3A_879 = tpu.vector_load %arg11[%get3A_875, %get3A_876, %get3A_877, %get3A_878] {strides = array<i32>} : memref<2x3x80x56xf32, #tpu.memory_space<vmem>>, vector<1x1x1x16xf32>,
        %get3A_880 = vector.shape_cast %get3A_879 : vector<1x1x1x16xf32> to vector<16xf32>
        %add3A_881 = arith.addf %add3A_870, %get3A_880 : vector<16xf32>
        %swap3A_882 = arith.constant 1 : i32
        %swap3A_883 = arith.constant 0 : i32
        %swap3A_884 = arith.index_cast %swap3A_882 : i32 to index
        %swap3A_885 = arith.index_cast %select_n3A_792 : i32 to index
        %swap3A_886 = arith.index_cast %swap3A_883 : i32 to index
        %swap3A_887 = arith.index_cast %select_n3A_807 : i32 to index
        %swap3A_888 = arith.constant 16 : index
        %swap3A_889 = tpu.vector_load %arg12[%swap3A_884, %swap3A_885, %swap3A_886, %swap3A_887, %swap3A_888] {strides = array<i32>} : memref<2x2x3x8x128xf32, #tpu.memory_space<vmem>>, vector<1x1x1x1x16xf32>,
        %swap3A_890 = vector.shape_cast %swap3A_889 : vector<1x1x1x1x16xf32> to vector<16xf32>
        %swap3A_891 = vector.shape_cast %add3A_881 : vector<16xf32> to vector<1x1x1x1x16xf32>
        tpu.vector_store %arg12[%swap3A_884, %swap3A_885, %swap3A_886, %swap3A_887, %swap3A_888], %swap3A_891 {strides = array<i32>} : memref<2x2x3x8x128xf32, #tpu.memory_space<vmem>>, vector<1x1x1x1x16xf32>,
        %add3A_892 = arith.constant 0 : i32
        %add3A_893 = arith.addi %mul3A_809, %add3A_892 : i32
        %get3A_894 = arith.constant 1 : i32
        %get3A_895 = arith.constant 0 : i32
        %get3A_896 = arith.index_cast %get3A_894 : i32 to index
        %get3A_897 = arith.index_cast %get3A_895 : i32 to index
        %get3A_898 = arith.index_cast %add3A_893 : i32 to index
        %get3A_899 = arith.constant 32 : index
        %get3A_900 = tpu.vector_load %arg11[%get3A_896, %get3A_897, %get3A_898, %get3A_899] {strides = array<i32>} : memref<2x3x80x56xf32, #tpu.memory_space<vmem>>, vector<1x1x1x16xf32>,
        %get3A_901 = vector.shape_cast %get3A_900 : vector<1x1x1x16xf32> to vector<16xf32>
        %add3A_902 = arith.constant 0 : i32
        %add3A_903 = arith.addi %mul3A_809, %add3A_902 : i32
        %get3A_904 = arith.constant 1 : i32
        %get3A_905 = arith.constant 1 : i32
        %get3A_906 = arith.index_cast %get3A_904 : i32 to index
        %get3A_907 = arith.index_cast %get3A_905 : i32 to index
        %get3A_908 = arith.index_cast %add3A_903 : i32 to index
        %get3A_909 = arith.constant 32 : index
        %get3A_910 = tpu.vector_load %arg11[%get3A_906, %get3A_907, %get3A_908, %get3A_909] {strides = array<i32>} : memref<2x3x80x56xf32, #tpu.memory_space<vmem>>, vector<1x1x1x16xf32>,
        %get3A_911 = vector.shape_cast %get3A_910 : vector<1x1x1x16xf32> to vector<16xf32>
        %add3A_912 = arith.addf %get3A_901, %get3A_911 : vector<16xf32>
        %add3A_913 = arith.constant 0 : i32
        %add3A_914 = arith.addi %mul3A_809, %add3A_913 : i32
        %get3A_915 = arith.constant 1 : i32
        %get3A_916 = arith.constant 2 : i32
        %get3A_917 = arith.index_cast %get3A_915 : i32 to index
        %get3A_918 = arith.index_cast %get3A_916 : i32 to index
        %get3A_919 = arith.index_cast %add3A_914 : i32 to index
        %get3A_920 = arith.constant 32 : index
        %get3A_921 = tpu.vector_load %arg11[%get3A_917, %get3A_918, %get3A_919, %get3A_920] {strides = array<i32>} : memref<2x3x80x56xf32, #tpu.memory_space<vmem>>, vector<1x1x1x16xf32>,
        %get3A_922 = vector.shape_cast %get3A_921 : vector<1x1x1x16xf32> to vector<16xf32>
        %add3A_923 = arith.addf %add3A_912, %get3A_922 : vector<16xf32>
        %swap3A_924 = arith.constant 1 : i32
        %swap3A_925 = arith.constant 0 : i32
        %swap3A_926 = arith.index_cast %swap3A_924 : i32 to index
        %swap3A_927 = arith.index_cast %select_n3A_792 : i32 to index
        %swap3A_928 = arith.index_cast %swap3A_925 : i32 to index
        %swap3A_929 = arith.index_cast %select_n3A_807 : i32 to index
        %swap3A_930 = arith.constant 32 : index
        %swap3A_931 = tpu.vector_load %arg12[%swap3A_926, %swap3A_927, %swap3A_928, %swap3A_929, %swap3A_930] {strides = array<i32>} : memref<2x2x3x8x128xf32, #tpu.memory_space<vmem>>, vector<1x1x1x1x16xf32>,
        %swap3A_932 = vector.shape_cast %swap3A_931 : vector<1x1x1x1x16xf32> to vector<16xf32>
        %swap3A_933 = vector.shape_cast %add3A_923 : vector<16xf32> to vector<1x1x1x1x16xf32>
        tpu.vector_store %arg12[%swap3A_926, %swap3A_927, %swap3A_928, %swap3A_929, %swap3A_930], %swap3A_933 {strides = array<i32>} : memref<2x2x3x8x128xf32, #tpu.memory_space<vmem>>, vector<1x1x1x1x16xf32>,
        %add3A_934 = arith.constant 0 : i32
        %add3A_935 = arith.addi %mul3A_809, %add3A_934 : i32
        %get3A_936 = arith.constant 1 : i32
        %get3A_937 = arith.constant 0 : i32
        %get3A_938 = arith.index_cast %get3A_936 : i32 to index
        %get3A_939 = arith.index_cast %get3A_937 : i32 to index
        %get3A_940 = arith.index_cast %add3A_935 : i32 to index
        %get3A_941 = arith.constant 40 : index
        %get3A_942 = tpu.vector_load %arg11[%get3A_938, %get3A_939, %get3A_940, %get3A_941] {strides = array<i32>} : memref<2x3x80x56xf32, #tpu.memory_space<vmem>>, vector<1x1x1x16xf32>,
        %get3A_943 = vector.shape_cast %get3A_942 : vector<1x1x1x16xf32> to vector<16xf32>
        %add3A_944 = arith.constant 0 : i32
        %add3A_945 = arith.addi %mul3A_809, %add3A_944 : i32
        %get3A_946 = arith.constant 1 : i32
        %get3A_947 = arith.constant 1 : i32
        %get3A_948 = arith.index_cast %get3A_946 : i32 to index
        %get3A_949 = arith.index_cast %get3A_947 : i32 to index
        %get3A_950 = arith.index_cast %add3A_945 : i32 to index
        %get3A_951 = arith.constant 40 : index
        %get3A_952 = tpu.vector_load %arg11[%get3A_948, %get3A_949, %get3A_950, %get3A_951] {strides = array<i32>} : memref<2x3x80x56xf32, #tpu.memory_space<vmem>>, vector<1x1x1x16xf32>,
        %get3A_953 = vector.shape_cast %get3A_952 : vector<1x1x1x16xf32> to vector<16xf32>
        %add3A_954 = arith.addf %get3A_943, %get3A_953 : vector<16xf32>
        %add3A_955 = arith.constant 0 : i32
        %add3A_956 = arith.addi %mul3A_809, %add3A_955 : i32
        %get3A_957 = arith.constant 1 : i32
        %get3A_958 = arith.constant 2 : i32
        %get3A_959 = arith.index_cast %get3A_957 : i32 to index
        %get3A_960 = arith.index_cast %get3A_958 : i32 to index
        %get3A_961 = arith.index_cast %add3A_956 : i32 to index
        %get3A_962 = arith.constant 40 : index
        %get3A_963 = tpu.vector_load %arg11[%get3A_959, %get3A_960, %get3A_961, %get3A_962] {strides = array<i32>} : memref<2x3x80x56xf32, #tpu.memory_space<vmem>>, vector<1x1x1x16xf32>,
        %get3A_964 = vector.shape_cast %get3A_963 : vector<1x1x1x16xf32> to vector<16xf32>
        %add3A_965 = arith.addf %add3A_954, %get3A_964 : vector<16xf32>
        %swap3A_966 = arith.constant 1 : i32
        %swap3A_967 = arith.constant 0 : i32
        %swap3A_968 = arith.index_cast %swap3A_966 : i32 to index
        %swap3A_969 = arith.index_cast %select_n3A_792 : i32 to index
        %swap3A_970 = arith.index_cast %swap3A_967 : i32 to index
        %swap3A_971 = arith.index_cast %select_n3A_807 : i32 to index
        %swap3A_972 = arith.constant 40 : index
        %swap3A_973 = tpu.vector_load %arg12[%swap3A_968, %swap3A_969, %swap3A_970, %swap3A_971, %swap3A_972] {strides = array<i32>} : memref<2x2x3x8x128xf32, #tpu.memory_space<vmem>>, vector<1x1x1x1x16xf32>,
        %swap3A_974 = vector.shape_cast %swap3A_973 : vector<1x1x1x1x16xf32> to vector<16xf32>
        %swap3A_975 = vector.shape_cast %add3A_965 : vector<16xf32> to vector<1x1x1x1x16xf32>
        tpu.vector_store %arg12[%swap3A_968, %swap3A_969, %swap3A_970, %swap3A_971, %swap3A_972], %swap3A_975 {strides = array<i32>} : memref<2x2x3x8x128xf32, #tpu.memory_space<vmem>>, vector<1x1x1x1x16xf32>,
        %add3A_976 = arith.constant 1 : i32
        %add3A_977 = arith.addi %mul3A_809, %add3A_976 : i32
        %get3A_978 = arith.constant 1 : i32
        %get3A_979 = arith.constant 0 : i32
        %get3A_980 = arith.index_cast %get3A_978 : i32 to index
        %get3A_981 = arith.index_cast %get3A_979 : i32 to index
        %get3A_982 = arith.index_cast %add3A_977 : i32 to index
        %get3A_983 = arith.constant 0 : index
        %get3A_984 = tpu.vector_load %arg11[%get3A_980, %get3A_981, %get3A_982, %get3A_983] {strides = array<i32>} : memref<2x3x80x56xf32, #tpu.memory_space<vmem>>, vector<1x1x1x16xf32>,
        %get3A_985 = vector.shape_cast %get3A_984 : vector<1x1x1x16xf32> to vector<16xf32>
        %add3A_986 = arith.constant 1 : i32
        %add3A_987 = arith.addi %mul3A_809, %add3A_986 : i32
        %get3A_988 = arith.constant 1 : i32
        %get3A_989 = arith.constant 1 : i32
        %get3A_990 = arith.index_cast %get3A_988 : i32 to index
        %get3A_991 = arith.index_cast %get3A_989 : i32 to index
        %get3A_992 = arith.index_cast %add3A_987 : i32 to index
        %get3A_993 = arith.constant 0 : index
        %get3A_994 = tpu.vector_load %arg11[%get3A_990, %get3A_991, %get3A_992, %get3A_993] {strides = array<i32>} : memref<2x3x80x56xf32, #tpu.memory_space<vmem>>, vector<1x1x1x16xf32>,
        %get3A_995 = vector.shape_cast %get3A_994 : vector<1x1x1x16xf32> to vector<16xf32>
        %add3A_996 = arith.addf %get3A_985, %get3A_995 : vector<16xf32>
        %add3A_997 = arith.constant 1 : i32
        %add3A_998 = arith.addi %mul3A_809, %add3A_997 : i32
        %get3A_999 = arith.constant 1 : i32
        %get3A_1000 = arith.constant 2 : i32
        %get3A_1001 = arith.index_cast %get3A_999 : i32 to index
        %get3A_1002 = arith.index_cast %get3A_1000 : i32 to index
        %get3A_1003 = arith.index_cast %add3A_998 : i32 to index
        %get3A_1004 = arith.constant 0 : index
        %get3A_1005 = tpu.vector_load %arg11[%get3A_1001, %get3A_1002, %get3A_1003, %get3A_1004] {strides = array<i32>} : memref<2x3x80x56xf32, #tpu.memory_space<vmem>>, vector<1x1x1x16xf32>,
        %get3A_1006 = vector.shape_cast %get3A_1005 : vector<1x1x1x16xf32> to vector<16xf32>
        %add3A_1007 = arith.addf %add3A_996, %get3A_1006 : vector<16xf32>
        %swap3A_1008 = arith.constant 1 : i32
        %swap3A_1009 = arith.constant 0 : i32
        %swap3A_1010 = arith.index_cast %swap3A_1008 : i32 to index
        %swap3A_1011 = arith.index_cast %select_n3A_792 : i32 to index
        %swap3A_1012 = arith.index_cast %swap3A_1009 : i32 to index
        %swap3A_1013 = arith.index_cast %select_n3A_807 : i32 to index
        %swap3A_1014 = arith.constant 56 : index
        %swap3A_1015 = tpu.vector_load %arg12[%swap3A_1010, %swap3A_1011, %swap3A_1012, %swap3A_1013, %swap3A_1014] {strides = array<i32>} : memref<2x2x3x8x128xf32, #tpu.memory_space<vmem>>, vector<1x1x1x1x16xf32>,
        %swap3A_1016 = vector.shape_cast %swap3A_1015 : vector<1x1x1x1x16xf32> to vector<16xf32>
        %swap3A_1017 = vector.shape_cast %add3A_1007 : vector<16xf32> to vector<1x1x1x1x16xf32>
        tpu.vector_store %arg12[%swap3A_1010, %swap3A_1011, %swap3A_1012, %swap3A_1013, %swap3A_1014], %swap3A_1017 {strides = array<i32>} : memref<2x2x3x8x128xf32, #tpu.memory_space<vmem>>, vector<1x1x1x1x16xf32>,
        %add3A_1018 = arith.constant 1 : i32
        %add3A_1019 = arith.addi %mul3A_809, %add3A_1018 : i32
        %get3A_1020 = arith.constant 1 : i32
        %get3A_1021 = arith.constant 0 : i32
        %get3A_1022 = arith.index_cast %get3A_1020 : i32 to index
        %get3A_1023 = arith.index_cast %get3A_1021 : i32 to index
        %get3A_1024 = arith.index_cast %add3A_1019 : i32 to index
        %get3A_1025 = arith.constant 16 : index
        %get3A_1026 = tpu.vector_load %arg11[%get3A_1022, %get3A_1023, %get3A_1024, %get3A_1025] {strides = array<i32>} : memref<2x3x80x56xf32, #tpu.memory_space<vmem>>, vector<1x1x1x16xf32>,
        %get3A_1027 = vector.shape_cast %get3A_1026 : vector<1x1x1x16xf32> to vector<16xf32>
        %add3A_1028 = arith.constant 1 : i32
        %add3A_1029 = arith.addi %mul3A_809, %add3A_1028 : i32
        %get3A_1030 = arith.constant 1 : i32
        %get3A_1031 = arith.constant 1 : i32
        %get3A_1032 = arith.index_cast %get3A_1030 : i32 to index
        %get3A_1033 = arith.index_cast %get3A_1031 : i32 to index
        %get3A_1034 = arith.index_cast %add3A_1029 : i32 to index
        %get3A_1035 = arith.constant 16 : index
        %get3A_1036 = tpu.vector_load %arg11[%get3A_1032, %get3A_1033, %get3A_1034, %get3A_1035] {strides = array<i32>} : memref<2x3x80x56xf32, #tpu.memory_space<vmem>>, vector<1x1x1x16xf32>,
        %get3A_1037 = vector.shape_cast %get3A_1036 : vector<1x1x1x16xf32> to vector<16xf32>
        %add3A_1038 = arith.addf %get3A_1027, %get3A_1037 : vector<16xf32>
        %add3A_1039 = arith.constant 1 : i32
        %add3A_1040 = arith.addi %mul3A_809, %add3A_1039 : i32
        %get3A_1041 = arith.constant 1 : i32
        %get3A_1042 = arith.constant 2 : i32
        %get3A_1043 = arith.index_cast %get3A_1041 : i32 to index
        %get3A_1044 = arith.index_cast %get3A_1042 : i32 to index
        %get3A_1045 = arith.index_cast %add3A_1040 : i32 to index
        %get3A_1046 = arith.constant 16 : index
        %get3A_1047 = tpu.vector_load %arg11[%get3A_1043, %get3A_1044, %get3A_1045, %get3A_1046] {strides = array<i32>} : memref<2x3x80x56xf32, #tpu.memory_space<vmem>>, vector<1x1x1x16xf32>,
        %get3A_1048 = vector.shape_cast %get3A_1047 : vector<1x1x1x16xf32> to vector<16xf32>
        %add3A_1049 = arith.addf %add3A_1038, %get3A_1048 : vector<16xf32>
        %swap3A_1050 = arith.constant 1 : i32
        %swap3A_1051 = arith.constant 0 : i32
        %swap3A_1052 = arith.index_cast %swap3A_1050 : i32 to index
        %swap3A_1053 = arith.index_cast %select_n3A_792 : i32 to index
        %swap3A_1054 = arith.index_cast %swap3A_1051 : i32 to index
        %swap3A_1055 = arith.index_cast %select_n3A_807 : i32 to index
        %swap3A_1056 = arith.constant 72 : index
        %swap3A_1057 = tpu.vector_load %arg12[%swap3A_1052, %swap3A_1053, %swap3A_1054, %swap3A_1055, %swap3A_1056] {strides = array<i32>} : memref<2x2x3x8x128xf32, #tpu.memory_space<vmem>>, vector<1x1x1x1x16xf32>,
        %swap3A_1058 = vector.shape_cast %swap3A_1057 : vector<1x1x1x1x16xf32> to vector<16xf32>
        %swap3A_1059 = vector.shape_cast %add3A_1049 : vector<16xf32> to vector<1x1x1x1x16xf32>
        tpu.vector_store %arg12[%swap3A_1052, %swap3A_1053, %swap3A_1054, %swap3A_1055, %swap3A_1056], %swap3A_1059 {strides = array<i32>} : memref<2x2x3x8x128xf32, #tpu.memory_space<vmem>>, vector<1x1x1x1x16xf32>,
        %add3A_1060 = arith.constant 1 : i32
        %add3A_1061 = arith.addi %mul3A_809, %add3A_1060 : i32
        %get3A_1062 = arith.constant 1 : i32
        %get3A_1063 = arith.constant 0 : i32
        %get3A_1064 = arith.index_cast %get3A_1062 : i32 to index
        %get3A_1065 = arith.index_cast %get3A_1063 : i32 to index
        %get3A_1066 = arith.index_cast %add3A_1061 : i32 to index
        %get3A_1067 = arith.constant 32 : index
        %get3A_1068 = tpu.vector_load %arg11[%get3A_1064, %get3A_1065, %get3A_1066, %get3A_1067] {strides = array<i32>} : memref<2x3x80x56xf32, #tpu.memory_space<vmem>>, vector<1x1x1x16xf32>,
        %get3A_1069 = vector.shape_cast %get3A_1068 : vector<1x1x1x16xf32> to vector<16xf32>
        %add3A_1070 = arith.constant 1 : i32
        %add3A_1071 = arith.addi %mul3A_809, %add3A_1070 : i32
        %get3A_1072 = arith.constant 1 : i32
        %get3A_1073 = arith.constant 1 : i32
        %get3A_1074 = arith.index_cast %get3A_1072 : i32 to index
        %get3A_1075 = arith.index_cast %get3A_1073 : i32 to index
        %get3A_1076 = arith.index_cast %add3A_1071 : i32 to index
        %get3A_1077 = arith.constant 32 : index
        %get3A_1078 = tpu.vector_load %arg11[%get3A_1074, %get3A_1075, %get3A_1076, %get3A_1077] {strides = array<i32>} : memref<2x3x80x56xf32, #tpu.memory_space<vmem>>, vector<1x1x1x16xf32>,
        %get3A_1079 = vector.shape_cast %get3A_1078 : vector<1x1x1x16xf32> to vector<16xf32>
        %add3A_1080 = arith.addf %get3A_1069, %get3A_1079 : vector<16xf32>
        %add3A_1081 = arith.constant 1 : i32
        %add3A_1082 = arith.addi %mul3A_809, %add3A_1081 : i32
        %get3A_1083 = arith.constant 1 : i32
        %get3A_1084 = arith.constant 2 : i32
        %get3A_1085 = arith.index_cast %get3A_1083 : i32 to index
        %get3A_1086 = arith.index_cast %get3A_1084 : i32 to index
        %get3A_1087 = arith.index_cast %add3A_1082 : i32 to index
        %get3A_1088 = arith.constant 32 : index
        %get3A_1089 = tpu.vector_load %arg11[%get3A_1085, %get3A_1086, %get3A_1087, %get3A_1088] {strides = array<i32>} : memref<2x3x80x56xf32, #tpu.memory_space<vmem>>, vector<1x1x1x16xf32>,
        %get3A_1090 = vector.shape_cast %get3A_1089 : vector<1x1x1x16xf32> to vector<16xf32>
        %add3A_1091 = arith.addf %add3A_1080, %get3A_1090 : vector<16xf32>
        %swap3A_1092 = arith.constant 1 : i32
        %swap3A_1093 = arith.constant 0 : i32
        %swap3A_1094 = arith.index_cast %swap3A_1092 : i32 to index
        %swap3A_1095 = arith.index_cast %select_n3A_792 : i32 to index
        %swap3A_1096 = arith.index_cast %swap3A_1093 : i32 to index
        %swap3A_1097 = arith.index_cast %select_n3A_807 : i32 to index
        %swap3A_1098 = arith.constant 88 : index
        %swap3A_1099 = tpu.vector_load %arg12[%swap3A_1094, %swap3A_1095, %swap3A_1096, %swap3A_1097, %swap3A_1098] {strides = array<i32>} : memref<2x2x3x8x128xf32, #tpu.memory_space<vmem>>, vector<1x1x1x1x16xf32>,
        %swap3A_1100 = vector.shape_cast %swap3A_1099 : vector<1x1x1x1x16xf32> to vector<16xf32>
        %swap3A_1101 = vector.shape_cast %add3A_1091 : vector<16xf32> to vector<1x1x1x1x16xf32>
        tpu.vector_store %arg12[%swap3A_1094, %swap3A_1095, %swap3A_1096, %swap3A_1097, %swap3A_1098], %swap3A_1101 {strides = array<i32>} : memref<2x2x3x8x128xf32, #tpu.memory_space<vmem>>, vector<1x1x1x1x16xf32>,
        %add3A_1102 = arith.constant 1 : i32
        %add3A_1103 = arith.addi %mul3A_809, %add3A_1102 : i32
        %get3A_1104 = arith.constant 1 : i32
        %get3A_1105 = arith.constant 0 : i32
        %get3A_1106 = arith.index_cast %get3A_1104 : i32 to index
        %get3A_1107 = arith.index_cast %get3A_1105 : i32 to index
        %get3A_1108 = arith.index_cast %add3A_1103 : i32 to index
        %get3A_1109 = arith.constant 40 : index
        %get3A_1110 = tpu.vector_load %arg11[%get3A_1106, %get3A_1107, %get3A_1108, %get3A_1109] {strides = array<i32>} : memref<2x3x80x56xf32, #tpu.memory_space<vmem>>, vector<1x1x1x16xf32>,
        %get3A_1111 = vector.shape_cast %get3A_1110 : vector<1x1x1x16xf32> to vector<16xf32>
        %add3A_1112 = arith.constant 1 : i32
        %add3A_1113 = arith.addi %mul3A_809, %add3A_1112 : i32
        %get3A_1114 = arith.constant 1 : i32
        %get3A_1115 = arith.constant 1 : i32
        %get3A_1116 = arith.index_cast %get3A_1114 : i32 to index
        %get3A_1117 = arith.index_cast %get3A_1115 : i32 to index
        %get3A_1118 = arith.index_cast %add3A_1113 : i32 to index
        %get3A_1119 = arith.constant 40 : index
        %get3A_1120 = tpu.vector_load %arg11[%get3A_1116, %get3A_1117, %get3A_1118, %get3A_1119] {strides = array<i32>} : memref<2x3x80x56xf32, #tpu.memory_space<vmem>>, vector<1x1x1x16xf32>,
        %get3A_1121 = vector.shape_cast %get3A_1120 : vector<1x1x1x16xf32> to vector<16xf32>
        %add3A_1122 = arith.addf %get3A_1111, %get3A_1121 : vector<16xf32>
        %add3A_1123 = arith.constant 1 : i32
        %add3A_1124 = arith.addi %mul3A_809, %add3A_1123 : i32
        %get3A_1125 = arith.constant 1 : i32
        %get3A_1126 = arith.constant 2 : i32
        %get3A_1127 = arith.index_cast %get3A_1125 : i32 to index
        %get3A_1128 = arith.index_cast %get3A_1126 : i32 to index
        %get3A_1129 = arith.index_cast %add3A_1124 : i32 to index
        %get3A_1130 = arith.constant 40 : index
        %get3A_1131 = tpu.vector_load %arg11[%get3A_1127, %get3A_1128, %get3A_1129, %get3A_1130] {strides = array<i32>} : memref<2x3x80x56xf32, #tpu.memory_space<vmem>>, vector<1x1x1x16xf32>,
        %get3A_1132 = vector.shape_cast %get3A_1131 : vector<1x1x1x16xf32> to vector<16xf32>
        %add3A_1133 = arith.addf %add3A_1122, %get3A_1132 : vector<16xf32>
        %swap3A_1134 = arith.constant 1 : i32
        %swap3A_1135 = arith.constant 0 : i32
        %swap3A_1136 = arith.index_cast %swap3A_1134 : i32 to index
        %swap3A_1137 = arith.index_cast %select_n3A_792 : i32 to index
        %swap3A_1138 = arith.index_cast %swap3A_1135 : i32 to index
        %swap3A_1139 = arith.index_cast %select_n3A_807 : i32 to index
        %swap3A_1140 = arith.constant 96 : index
        %swap3A_1141 = tpu.vector_load %arg12[%swap3A_1136, %swap3A_1137, %swap3A_1138, %swap3A_1139, %swap3A_1140] {strides = array<i32>} : memref<2x2x3x8x128xf32, #tpu.memory_space<vmem>>, vector<1x1x1x1x16xf32>,
        %swap3A_1142 = vector.shape_cast %swap3A_1141 : vector<1x1x1x1x16xf32> to vector<16xf32>
        %swap3A_1143 = vector.shape_cast %add3A_1133 : vector<16xf32> to vector<1x1x1x1x16xf32>
        tpu.vector_store %arg12[%swap3A_1136, %swap3A_1137, %swap3A_1138, %swap3A_1139, %swap3A_1140], %swap3A_1143 {strides = array<i32>} : memref<2x2x3x8x128xf32, #tpu.memory_space<vmem>>, vector<1x1x1x1x16xf32>,
        %add3A_1144 = arith.constant 2 : i32
        %add3A_1145 = arith.addi %mul3A_809, %add3A_1144 : i32
        %get3A_1146 = arith.constant 1 : i32
        %get3A_1147 = arith.constant 0 : i32
        %get3A_1148 = arith.index_cast %get3A_1146 : i32 to index
        %get3A_1149 = arith.index_cast %get3A_1147 : i32 to index
        %get3A_1150 = arith.index_cast %add3A_1145 : i32 to index
        %get3A_1151 = arith.constant 0 : index
        %get3A_1152 = tpu.vector_load %arg11[%get3A_1148, %get3A_1149, %get3A_1150, %get3A_1151] {strides = array<i32>} : memref<2x3x80x56xf32, #tpu.memory_space<vmem>>, vector<1x1x1x16xf32>,
        %get3A_1153 = vector.shape_cast %get3A_1152 : vector<1x1x1x16xf32> to vector<16xf32>
        %add3A_1154 = arith.constant 2 : i32
        %add3A_1155 = arith.addi %mul3A_809, %add3A_1154 : i32
        %get3A_1156 = arith.constant 1 : i32
        %get3A_1157 = arith.constant 1 : i32
        %get3A_1158 = arith.index_cast %get3A_1156 : i32 to index
        %get3A_1159 = arith.index_cast %get3A_1157 : i32 to index
        %get3A_1160 = arith.index_cast %add3A_1155 : i32 to index
        %get3A_1161 = arith.constant 0 : index
        %get3A_1162 = tpu.vector_load %arg11[%get3A_1158, %get3A_1159, %get3A_1160, %get3A_1161] {strides = array<i32>} : memref<2x3x80x56xf32, #tpu.memory_space<vmem>>, vector<1x1x1x16xf32>,
        %get3A_1163 = vector.shape_cast %get3A_1162 : vector<1x1x1x16xf32> to vector<16xf32>
        %add3A_1164 = arith.addf %get3A_1153, %get3A_1163 : vector<16xf32>
        %add3A_1165 = arith.constant 2 : i32
        %add3A_1166 = arith.addi %mul3A_809, %add3A_1165 : i32
        %get3A_1167 = arith.constant 1 : i32
        %get3A_1168 = arith.constant 2 : i32
        %get3A_1169 = arith.index_cast %get3A_1167 : i32 to index
        %get3A_1170 = arith.index_cast %get3A_1168 : i32 to index
        %get3A_1171 = arith.index_cast %add3A_1166 : i32 to index
        %get3A_1172 = arith.constant 0 : index
        %get3A_1173 = tpu.vector_load %arg11[%get3A_1169, %get3A_1170, %get3A_1171, %get3A_1172] {strides = array<i32>} : memref<2x3x80x56xf32, #tpu.memory_space<vmem>>, vector<1x1x1x16xf32>,
        %get3A_1174 = vector.shape_cast %get3A_1173 : vector<1x1x1x16xf32> to vector<16xf32>
        %add3A_1175 = arith.addf %add3A_1164, %get3A_1174 : vector<16xf32>
        %swap3A_1176 = arith.constant 1 : i32
        %swap3A_1177 = arith.constant 0 : i32
        %swap3A_1178 = arith.index_cast %swap3A_1176 : i32 to index
        %swap3A_1179 = arith.index_cast %select_n3A_792 : i32 to index
        %swap3A_1180 = arith.index_cast %swap3A_1177 : i32 to index
        %swap3A_1181 = arith.index_cast %select_n3A_807 : i32 to index
        %swap3A_1182 = arith.constant 112 : index
        %swap3A_1183 = tpu.vector_load %arg12[%swap3A_1178, %swap3A_1179, %swap3A_1180, %swap3A_1181, %swap3A_1182] {strides = array<i32>} : memref<2x2x3x8x128xf32, #tpu.memory_space<vmem>>, vector<1x1x1x1x16xf32>,
        %swap3A_1184 = vector.shape_cast %swap3A_1183 : vector<1x1x1x1x16xf32> to vector<16xf32>
        %swap3A_1185 = vector.shape_cast %add3A_1175 : vector<16xf32> to vector<1x1x1x1x16xf32>
        tpu.vector_store %arg12[%swap3A_1178, %swap3A_1179, %swap3A_1180, %swap3A_1181, %swap3A_1182], %swap3A_1185 {strides = array<i32>} : memref<2x2x3x8x128xf32, #tpu.memory_space<vmem>>, vector<1x1x1x1x16xf32>,
        %add3A_1186 = arith.constant 2 : i32
        %add3A_1187 = arith.addi %mul3A_809, %add3A_1186 : i32
        %get3A_1188 = arith.constant 1 : i32
        %get3A_1189 = arith.constant 0 : i32
        %get3A_1190 = arith.index_cast %get3A_1188 : i32 to index
        %get3A_1191 = arith.index_cast %get3A_1189 : i32 to index
        %get3A_1192 = arith.index_cast %add3A_1187 : i32 to index
        %get3A_1193 = arith.constant 16 : index
        %get3A_1194 = tpu.vector_load %arg11[%get3A_1190, %get3A_1191, %get3A_1192, %get3A_1193] {strides = array<i32>} : memref<2x3x80x56xf32, #tpu.memory_space<vmem>>, vector<1x1x1x16xf32>,
        %get3A_1195 = vector.shape_cast %get3A_1194 : vector<1x1x1x16xf32> to vector<16xf32>
        %add3A_1196 = arith.constant 2 : i32
        %add3A_1197 = arith.addi %mul3A_809, %add3A_1196 : i32
        %get3A_1198 = arith.constant 1 : i32
        %get3A_1199 = arith.constant 1 : i32
        %get3A_1200 = arith.index_cast %get3A_1198 : i32 to index
        %get3A_1201 = arith.index_cast %get3A_1199 : i32 to index
        %get3A_1202 = arith.index_cast %add3A_1197 : i32 to index
        %get3A_1203 = arith.constant 16 : index
        %get3A_1204 = tpu.vector_load %arg11[%get3A_1200, %get3A_1201, %get3A_1202, %get3A_1203] {strides = array<i32>} : memref<2x3x80x56xf32, #tpu.memory_space<vmem>>, vector<1x1x1x16xf32>,
        %get3A_1205 = vector.shape_cast %get3A_1204 : vector<1x1x1x16xf32> to vector<16xf32>
        %add3A_1206 = arith.addf %get3A_1195, %get3A_1205 : vector<16xf32>
        %add3A_1207 = arith.constant 2 : i32
        %add3A_1208 = arith.addi %mul3A_809, %add3A_1207 : i32
        %get3A_1209 = arith.constant 1 : i32
        %get3A_1210 = arith.constant 2 : i32
        %get3A_1211 = arith.index_cast %get3A_1209 : i32 to index
        %get3A_1212 = arith.index_cast %get3A_1210 : i32 to index
        %get3A_1213 = arith.index_cast %add3A_1208 : i32 to index
        %get3A_1214 = arith.constant 16 : index
        %get3A_1215 = tpu.vector_load %arg11[%get3A_1211, %get3A_1212, %get3A_1213, %get3A_1214] {strides = array<i32>} : memref<2x3x80x56xf32, #tpu.memory_space<vmem>>, vector<1x1x1x16xf32>,
        %get3A_1216 = vector.shape_cast %get3A_1215 : vector<1x1x1x16xf32> to vector<16xf32>
        %add3A_1217 = arith.addf %add3A_1206, %get3A_1216 : vector<16xf32>
        %swap3A_1218 = arith.constant 1 : i32
        %swap3A_1219 = arith.constant 1 : i32
        %swap3A_1220 = arith.index_cast %swap3A_1218 : i32 to index
        %swap3A_1221 = arith.index_cast %select_n3A_792 : i32 to index
        %swap3A_1222 = arith.index_cast %swap3A_1219 : i32 to index
        %swap3A_1223 = arith.index_cast %select_n3A_807 : i32 to index
        %swap3A_1224 = arith.constant 0 : index
        %swap3A_1225 = tpu.vector_load %arg12[%swap3A_1220, %swap3A_1221, %swap3A_1222, %swap3A_1223, %swap3A_1224] {strides = array<i32>} : memref<2x2x3x8x128xf32, #tpu.memory_space<vmem>>, vector<1x1x1x1x16xf32>,
        %swap3A_1226 = vector.shape_cast %swap3A_1225 : vector<1x1x1x1x16xf32> to vector<16xf32>
        %swap3A_1227 = vector.shape_cast %add3A_1217 : vector<16xf32> to vector<1x1x1x1x16xf32>
        tpu.vector_store %arg12[%swap3A_1220, %swap3A_1221, %swap3A_1222, %swap3A_1223, %swap3A_1224], %swap3A_1227 {strides = array<i32>} : memref<2x2x3x8x128xf32, #tpu.memory_space<vmem>>, vector<1x1x1x1x16xf32>,
        %add3A_1228 = arith.constant 2 : i32
        %add3A_1229 = arith.addi %mul3A_809, %add3A_1228 : i32
        %get3A_1230 = arith.constant 1 : i32
        %get3A_1231 = arith.constant 0 : i32
        %get3A_1232 = arith.index_cast %get3A_1230 : i32 to index
        %get3A_1233 = arith.index_cast %get3A_1231 : i32 to index
        %get3A_1234 = arith.index_cast %add3A_1229 : i32 to index
        %get3A_1235 = arith.constant 32 : index
        %get3A_1236 = tpu.vector_load %arg11[%get3A_1232, %get3A_1233, %get3A_1234, %get3A_1235] {strides = array<i32>} : memref<2x3x80x56xf32, #tpu.memory_space<vmem>>, vector<1x1x1x16xf32>,
        %get3A_1237 = vector.shape_cast %get3A_1236 : vector<1x1x1x16xf32> to vector<16xf32>
        %add3A_1238 = arith.constant 2 : i32
        %add3A_1239 = arith.addi %mul3A_809, %add3A_1238 : i32
        %get3A_1240 = arith.constant 1 : i32
        %get3A_1241 = arith.constant 1 : i32
        %get3A_1242 = arith.index_cast %get3A_1240 : i32 to index
        %get3A_1243 = arith.index_cast %get3A_1241 : i32 to index
        %get3A_1244 = arith.index_cast %add3A_1239 : i32 to index
        %get3A_1245 = arith.constant 32 : index
        %get3A_1246 = tpu.vector_load %arg11[%get3A_1242, %get3A_1243, %get3A_1244, %get3A_1245] {strides = array<i32>} : memref<2x3x80x56xf32, #tpu.memory_space<vmem>>, vector<1x1x1x16xf32>,
        %get3A_1247 = vector.shape_cast %get3A_1246 : vector<1x1x1x16xf32> to vector<16xf32>
        %add3A_1248 = arith.addf %get3A_1237, %get3A_1247 : vector<16xf32>
        %add3A_1249 = arith.constant 2 : i32
        %add3A_1250 = arith.addi %mul3A_809, %add3A_1249 : i32
        %get3A_1251 = arith.constant 1 : i32
        %get3A_1252 = arith.constant 2 : i32
        %get3A_1253 = arith.index_cast %get3A_1251 : i32 to index
        %get3A_1254 = arith.index_cast %get3A_1252 : i32 to index
        %get3A_1255 = arith.index_cast %add3A_1250 : i32 to index
        %get3A_1256 = arith.constant 32 : index
        %get3A_1257 = tpu.vector_load %arg11[%get3A_1253, %get3A_1254, %get3A_1255, %get3A_1256] {strides = array<i32>} : memref<2x3x80x56xf32, #tpu.memory_space<vmem>>, vector<1x1x1x16xf32>,
        %get3A_1258 = vector.shape_cast %get3A_1257 : vector<1x1x1x16xf32> to vector<16xf32>
        %add3A_1259 = arith.addf %add3A_1248, %get3A_1258 : vector<16xf32>
        %swap3A_1260 = arith.constant 1 : i32
        %swap3A_1261 = arith.constant 1 : i32
        %swap3A_1262 = arith.index_cast %swap3A_1260 : i32 to index
        %swap3A_1263 = arith.index_cast %select_n3A_792 : i32 to index
        %swap3A_1264 = arith.index_cast %swap3A_1261 : i32 to index
        %swap3A_1265 = arith.index_cast %select_n3A_807 : i32 to index
        %swap3A_1266 = arith.constant 16 : index
        %swap3A_1267 = tpu.vector_load %arg12[%swap3A_1262, %swap3A_1263, %swap3A_1264, %swap3A_1265, %swap3A_1266] {strides = array<i32>} : memref<2x2x3x8x128xf32, #tpu.memory_space<vmem>>, vector<1x1x1x1x16xf32>,
        %swap3A_1268 = vector.shape_cast %swap3A_1267 : vector<1x1x1x1x16xf32> to vector<16xf32>
        %swap3A_1269 = vector.shape_cast %add3A_1259 : vector<16xf32> to vector<1x1x1x1x16xf32>
        tpu.vector_store %arg12[%swap3A_1262, %swap3A_1263, %swap3A_1264, %swap3A_1265, %swap3A_1266], %swap3A_1269 {strides = array<i32>} : memref<2x2x3x8x128xf32, #tpu.memory_space<vmem>>, vector<1x1x1x1x16xf32>,
        %add3A_1270 = arith.constant 2 : i32
        %add3A_1271 = arith.addi %mul3A_809, %add3A_1270 : i32
        %get3A_1272 = arith.constant 1 : i32
        %get3A_1273 = arith.constant 0 : i32
        %get3A_1274 = arith.index_cast %get3A_1272 : i32 to index
        %get3A_1275 = arith.index_cast %get3A_1273 : i32 to index
        %get3A_1276 = arith.index_cast %add3A_1271 : i32 to index
        %get3A_1277 = arith.constant 40 : index
        %get3A_1278 = tpu.vector_load %arg11[%get3A_1274, %get3A_1275, %get3A_1276, %get3A_1277] {strides = array<i32>} : memref<2x3x80x56xf32, #tpu.memory_space<vmem>>, vector<1x1x1x16xf32>,
        %get3A_1279 = vector.shape_cast %get3A_1278 : vector<1x1x1x16xf32> to vector<16xf32>
        %add3A_1280 = arith.constant 2 : i32
        %add3A_1281 = arith.addi %mul3A_809, %add3A_1280 : i32
        %get3A_1282 = arith.constant 1 : i32
        %get3A_1283 = arith.constant 1 : i32
        %get3A_1284 = arith.index_cast %get3A_1282 : i32 to index
        %get3A_1285 = arith.index_cast %get3A_1283 : i32 to index
        %get3A_1286 = arith.index_cast %add3A_1281 : i32 to index
        %get3A_1287 = arith.constant 40 : index
        %get3A_1288 = tpu.vector_load %arg11[%get3A_1284, %get3A_1285, %get3A_1286, %get3A_1287] {strides = array<i32>} : memref<2x3x80x56xf32, #tpu.memory_space<vmem>>, vector<1x1x1x16xf32>,
        %get3A_1289 = vector.shape_cast %get3A_1288 : vector<1x1x1x16xf32> to vector<16xf32>
        %add3A_1290 = arith.addf %get3A_1279, %get3A_1289 : vector<16xf32>
        %add3A_1291 = arith.constant 2 : i32
        %add3A_1292 = arith.addi %mul3A_809, %add3A_1291 : i32
        %get3A_1293 = arith.constant 1 : i32
        %get3A_1294 = arith.constant 2 : i32
        %get3A_1295 = arith.index_cast %get3A_1293 : i32 to index
        %get3A_1296 = arith.index_cast %get3A_1294 : i32 to index
        %get3A_1297 = arith.index_cast %add3A_1292 : i32 to index
        %get3A_1298 = arith.constant 40 : index
        %get3A_1299 = tpu.vector_load %arg11[%get3A_1295, %get3A_1296, %get3A_1297, %get3A_1298] {strides = array<i32>} : memref<2x3x80x56xf32, #tpu.memory_space<vmem>>, vector<1x1x1x16xf32>,
        %get3A_1300 = vector.shape_cast %get3A_1299 : vector<1x1x1x16xf32> to vector<16xf32>
        %add3A_1301 = arith.addf %add3A_1290, %get3A_1300 : vector<16xf32>
        %swap3A_1302 = arith.constant 1 : i32
        %swap3A_1303 = arith.constant 1 : i32
        %swap3A_1304 = arith.index_cast %swap3A_1302 : i32 to index
        %swap3A_1305 = arith.index_cast %select_n3A_792 : i32 to index
        %swap3A_1306 = arith.index_cast %swap3A_1303 : i32 to index
        %swap3A_1307 = arith.index_cast %select_n3A_807 : i32 to index
        %swap3A_1308 = arith.constant 24 : index
        %swap3A_1309 = tpu.vector_load %arg12[%swap3A_1304, %swap3A_1305, %swap3A_1306, %swap3A_1307, %swap3A_1308] {strides = array<i32>} : memref<2x2x3x8x128xf32, #tpu.memory_space<vmem>>, vector<1x1x1x1x16xf32>,
        %swap3A_1310 = vector.shape_cast %swap3A_1309 : vector<1x1x1x1x16xf32> to vector<16xf32>
        %swap3A_1311 = vector.shape_cast %add3A_1301 : vector<16xf32> to vector<1x1x1x1x16xf32>
        tpu.vector_store %arg12[%swap3A_1304, %swap3A_1305, %swap3A_1306, %swap3A_1307, %swap3A_1308], %swap3A_1311 {strides = array<i32>} : memref<2x2x3x8x128xf32, #tpu.memory_space<vmem>>, vector<1x1x1x1x16xf32>,
        %add3A_1312 = arith.constant 3 : i32
        %add3A_1313 = arith.addi %mul3A_809, %add3A_1312 : i32
        %get3A_1314 = arith.constant 1 : i32
        %get3A_1315 = arith.constant 0 : i32
        %get3A_1316 = arith.index_cast %get3A_1314 : i32 to index
        %get3A_1317 = arith.index_cast %get3A_1315 : i32 to index
        %get3A_1318 = arith.index_cast %add3A_1313 : i32 to index
        %get3A_1319 = arith.constant 0 : index
        %get3A_1320 = tpu.vector_load %arg11[%get3A_1316, %get3A_1317, %get3A_1318, %get3A_1319] {strides = array<i32>} : memref<2x3x80x56xf32, #tpu.memory_space<vmem>>, vector<1x1x1x16xf32>,
        %get3A_1321 = vector.shape_cast %get3A_1320 : vector<1x1x1x16xf32> to vector<16xf32>
        %add3A_1322 = arith.constant 3 : i32
        %add3A_1323 = arith.addi %mul3A_809, %add3A_1322 : i32
        %get3A_1324 = arith.constant 1 : i32
        %get3A_1325 = arith.constant 1 : i32
        %get3A_1326 = arith.index_cast %get3A_1324 : i32 to index
        %get3A_1327 = arith.index_cast %get3A_1325 : i32 to index
        %get3A_1328 = arith.index_cast %add3A_1323 : i32 to index
        %get3A_1329 = arith.constant 0 : index
        %get3A_1330 = tpu.vector_load %arg11[%get3A_1326, %get3A_1327, %get3A_1328, %get3A_1329] {strides = array<i32>} : memref<2x3x80x56xf32, #tpu.memory_space<vmem>>, vector<1x1x1x16xf32>,
        %get3A_1331 = vector.shape_cast %get3A_1330 : vector<1x1x1x16xf32> to vector<16xf32>
        %add3A_1332 = arith.addf %get3A_1321, %get3A_1331 : vector<16xf32>
        %add3A_1333 = arith.constant 3 : i32
        %add3A_1334 = arith.addi %mul3A_809, %add3A_1333 : i32
        %get3A_1335 = arith.constant 1 : i32
        %get3A_1336 = arith.constant 2 : i32
        %get3A_1337 = arith.index_cast %get3A_1335 : i32 to index
        %get3A_1338 = arith.index_cast %get3A_1336 : i32 to index
        %get3A_1339 = arith.index_cast %add3A_1334 : i32 to index
        %get3A_1340 = arith.constant 0 : index
        %get3A_1341 = tpu.vector_load %arg11[%get3A_1337, %get3A_1338, %get3A_1339, %get3A_1340] {strides = array<i32>} : memref<2x3x80x56xf32, #tpu.memory_space<vmem>>, vector<1x1x1x16xf32>,
        %get3A_1342 = vector.shape_cast %get3A_1341 : vector<1x1x1x16xf32> to vector<16xf32>
        %add3A_1343 = arith.addf %add3A_1332, %get3A_1342 : vector<16xf32>
        %swap3A_1344 = arith.constant 1 : i32
        %swap3A_1345 = arith.constant 1 : i32
        %swap3A_1346 = arith.index_cast %swap3A_1344 : i32 to index
        %swap3A_1347 = arith.index_cast %select_n3A_792 : i32 to index
        %swap3A_1348 = arith.index_cast %swap3A_1345 : i32 to index
        %swap3A_1349 = arith.index_cast %select_n3A_807 : i32 to index
        %swap3A_1350 = arith.constant 40 : index
        %swap3A_1351 = tpu.vector_load %arg12[%swap3A_1346, %swap3A_1347, %swap3A_1348, %swap3A_1349, %swap3A_1350] {strides = array<i32>} : memref<2x2x3x8x128xf32, #tpu.memory_space<vmem>>, vector<1x1x1x1x16xf32>,
        %swap3A_1352 = vector.shape_cast %swap3A_1351 : vector<1x1x1x1x16xf32> to vector<16xf32>
        %swap3A_1353 = vector.shape_cast %add3A_1343 : vector<16xf32> to vector<1x1x1x1x16xf32>
        tpu.vector_store %arg12[%swap3A_1346, %swap3A_1347, %swap3A_1348, %swap3A_1349, %swap3A_1350], %swap3A_1353 {strides = array<i32>} : memref<2x2x3x8x128xf32, #tpu.memory_space<vmem>>, vector<1x1x1x1x16xf32>,
        %add3A_1354 = arith.constant 3 : i32
        %add3A_1355 = arith.addi %mul3A_809, %add3A_1354 : i32
        %get3A_1356 = arith.constant 1 : i32
        %get3A_1357 = arith.constant 0 : i32
        %get3A_1358 = arith.index_cast %get3A_1356 : i32 to index
        %get3A_1359 = arith.index_cast %get3A_1357 : i32 to index
        %get3A_1360 = arith.index_cast %add3A_1355 : i32 to index
        %get3A_1361 = arith.constant 16 : index
        %get3A_1362 = tpu.vector_load %arg11[%get3A_1358, %get3A_1359, %get3A_1360, %get3A_1361] {strides = array<i32>} : memref<2x3x80x56xf32, #tpu.memory_space<vmem>>, vector<1x1x1x16xf32>,
        %get3A_1363 = vector.shape_cast %get3A_1362 : vector<1x1x1x16xf32> to vector<16xf32>
        %add3A_1364 = arith.constant 3 : i32
        %add3A_1365 = arith.addi %mul3A_809, %add3A_1364 : i32
        %get3A_1366 = arith.constant 1 : i32
        %get3A_1367 = arith.constant 1 : i32
        %get3A_1368 = arith.index_cast %get3A_1366 : i32 to index
        %get3A_1369 = arith.index_cast %get3A_1367 : i32 to index
        %get3A_1370 = arith.index_cast %add3A_1365 : i32 to index
        %get3A_1371 = arith.constant 16 : index
        %get3A_1372 = tpu.vector_load %arg11[%get3A_1368, %get3A_1369, %get3A_1370, %get3A_1371] {strides = array<i32>} : memref<2x3x80x56xf32, #tpu.memory_space<vmem>>, vector<1x1x1x16xf32>,
        %get3A_1373 = vector.shape_cast %get3A_1372 : vector<1x1x1x16xf32> to vector<16xf32>
        %add3A_1374 = arith.addf %get3A_1363, %get3A_1373 : vector<16xf32>
        %add3A_1375 = arith.constant 3 : i32
        %add3A_1376 = arith.addi %mul3A_809, %add3A_1375 : i32
        %get3A_1377 = arith.constant 1 : i32
        %get3A_1378 = arith.constant 2 : i32
        %get3A_1379 = arith.index_cast %get3A_1377 : i32 to index
        %get3A_1380 = arith.index_cast %get3A_1378 : i32 to index
        %get3A_1381 = arith.index_cast %add3A_1376 : i32 to index
        %get3A_1382 = arith.constant 16 : index
        %get3A_1383 = tpu.vector_load %arg11[%get3A_1379, %get3A_1380, %get3A_1381, %get3A_1382] {strides = array<i32>} : memref<2x3x80x56xf32, #tpu.memory_space<vmem>>, vector<1x1x1x16xf32>,
        %get3A_1384 = vector.shape_cast %get3A_1383 : vector<1x1x1x16xf32> to vector<16xf32>
        %add3A_1385 = arith.addf %add3A_1374, %get3A_1384 : vector<16xf32>
        %swap3A_1386 = arith.constant 1 : i32
        %swap3A_1387 = arith.constant 1 : i32
        %swap3A_1388 = arith.index_cast %swap3A_1386 : i32 to index
        %swap3A_1389 = arith.index_cast %select_n3A_792 : i32 to index
        %swap3A_1390 = arith.index_cast %swap3A_1387 : i32 to index
        %swap3A_1391 = arith.index_cast %select_n3A_807 : i32 to index
        %swap3A_1392 = arith.constant 56 : index
        %swap3A_1393 = tpu.vector_load %arg12[%swap3A_1388, %swap3A_1389, %swap3A_1390, %swap3A_1391, %swap3A_1392] {strides = array<i32>} : memref<2x2x3x8x128xf32, #tpu.memory_space<vmem>>, vector<1x1x1x1x16xf32>,
        %swap3A_1394 = vector.shape_cast %swap3A_1393 : vector<1x1x1x1x16xf32> to vector<16xf32>
        %swap3A_1395 = vector.shape_cast %add3A_1385 : vector<16xf32> to vector<1x1x1x1x16xf32>
        tpu.vector_store %arg12[%swap3A_1388, %swap3A_1389, %swap3A_1390, %swap3A_1391, %swap3A_1392], %swap3A_1395 {strides = array<i32>} : memref<2x2x3x8x128xf32, #tpu.memory_space<vmem>>, vector<1x1x1x1x16xf32>,
        %add3A_1396 = arith.constant 3 : i32
        %add3A_1397 = arith.addi %mul3A_809, %add3A_1396 : i32
        %get3A_1398 = arith.constant 1 : i32
        %get3A_1399 = arith.constant 0 : i32
        %get3A_1400 = arith.index_cast %get3A_1398 : i32 to index
        %get3A_1401 = arith.index_cast %get3A_1399 : i32 to index
        %get3A_1402 = arith.index_cast %add3A_1397 : i32 to index
        %get3A_1403 = arith.constant 32 : index
        %get3A_1404 = tpu.vector_load %arg11[%get3A_1400, %get3A_1401, %get3A_1402, %get3A_1403] {strides = array<i32>} : memref<2x3x80x56xf32, #tpu.memory_space<vmem>>, vector<1x1x1x16xf32>,
        %get3A_1405 = vector.shape_cast %get3A_1404 : vector<1x1x1x16xf32> to vector<16xf32>
        %add3A_1406 = arith.constant 3 : i32
        %add3A_1407 = arith.addi %mul3A_809, %add3A_1406 : i32
        %get3A_1408 = arith.constant 1 : i32
        %get3A_1409 = arith.constant 1 : i32
        %get3A_1410 = arith.index_cast %get3A_1408 : i32 to index
        %get3A_1411 = arith.index_cast %get3A_1409 : i32 to index
        %get3A_1412 = arith.index_cast %add3A_1407 : i32 to index
        %get3A_1413 = arith.constant 32 : index
        %get3A_1414 = tpu.vector_load %arg11[%get3A_1410, %get3A_1411, %get3A_1412, %get3A_1413] {strides = array<i32>} : memref<2x3x80x56xf32, #tpu.memory_space<vmem>>, vector<1x1x1x16xf32>,
        %get3A_1415 = vector.shape_cast %get3A_1414 : vector<1x1x1x16xf32> to vector<16xf32>
        %add3A_1416 = arith.addf %get3A_1405, %get3A_1415 : vector<16xf32>
        %add3A_1417 = arith.constant 3 : i32
        %add3A_1418 = arith.addi %mul3A_809, %add3A_1417 : i32
        %get3A_1419 = arith.constant 1 : i32
        %get3A_1420 = arith.constant 2 : i32
        %get3A_1421 = arith.index_cast %get3A_1419 : i32 to index
        %get3A_1422 = arith.index_cast %get3A_1420 : i32 to index
        %get3A_1423 = arith.index_cast %add3A_1418 : i32 to index
        %get3A_1424 = arith.constant 32 : index
        %get3A_1425 = tpu.vector_load %arg11[%get3A_1421, %get3A_1422, %get3A_1423, %get3A_1424] {strides = array<i32>} : memref<2x3x80x56xf32, #tpu.memory_space<vmem>>, vector<1x1x1x16xf32>,
        %get3A_1426 = vector.shape_cast %get3A_1425 : vector<1x1x1x16xf32> to vector<16xf32>
        %add3A_1427 = arith.addf %add3A_1416, %get3A_1426 : vector<16xf32>
        %swap3A_1428 = arith.constant 1 : i32
        %swap3A_1429 = arith.constant 1 : i32
        %swap3A_1430 = arith.index_cast %swap3A_1428 : i32 to index
        %swap3A_1431 = arith.index_cast %select_n3A_792 : i32 to index
        %swap3A_1432 = arith.index_cast %swap3A_1429 : i32 to index
        %swap3A_1433 = arith.index_cast %select_n3A_807 : i32 to index
        %swap3A_1434 = arith.constant 72 : index
        %swap3A_1435 = tpu.vector_load %arg12[%swap3A_1430, %swap3A_1431, %swap3A_1432, %swap3A_1433, %swap3A_1434] {strides = array<i32>} : memref<2x2x3x8x128xf32, #tpu.memory_space<vmem>>, vector<1x1x1x1x16xf32>,
        %swap3A_1436 = vector.shape_cast %swap3A_1435 : vector<1x1x1x1x16xf32> to vector<16xf32>
        %swap3A_1437 = vector.shape_cast %add3A_1427 : vector<16xf32> to vector<1x1x1x1x16xf32>
        tpu.vector_store %arg12[%swap3A_1430, %swap3A_1431, %swap3A_1432, %swap3A_1433, %swap3A_1434], %swap3A_1437 {strides = array<i32>} : memref<2x2x3x8x128xf32, #tpu.memory_space<vmem>>, vector<1x1x1x1x16xf32>,
        %add3A_1438 = arith.constant 3 : i32
        %add3A_1439 = arith.addi %mul3A_809, %add3A_1438 : i32
        %get3A_1440 = arith.constant 1 : i32
        %get3A_1441 = arith.constant 0 : i32
        %get3A_1442 = arith.index_cast %get3A_1440 : i32 to index
        %get3A_1443 = arith.index_cast %get3A_1441 : i32 to index
        %get3A_1444 = arith.index_cast %add3A_1439 : i32 to index
        %get3A_1445 = arith.constant 40 : index
        %get3A_1446 = tpu.vector_load %arg11[%get3A_1442, %get3A_1443, %get3A_1444, %get3A_1445] {strides = array<i32>} : memref<2x3x80x56xf32, #tpu.memory_space<vmem>>, vector<1x1x1x16xf32>,
        %get3A_1447 = vector.shape_cast %get3A_1446 : vector<1x1x1x16xf32> to vector<16xf32>
        %add3A_1448 = arith.constant 3 : i32
        %add3A_1449 = arith.addi %mul3A_809, %add3A_1448 : i32
        %get3A_1450 = arith.constant 1 : i32
        %get3A_1451 = arith.constant 1 : i32
        %get3A_1452 = arith.index_cast %get3A_1450 : i32 to index
        %get3A_1453 = arith.index_cast %get3A_1451 : i32 to index
        %get3A_1454 = arith.index_cast %add3A_1449 : i32 to index
        %get3A_1455 = arith.constant 40 : index
        %get3A_1456 = tpu.vector_load %arg11[%get3A_1452, %get3A_1453, %get3A_1454, %get3A_1455] {strides = array<i32>} : memref<2x3x80x56xf32, #tpu.memory_space<vmem>>, vector<1x1x1x16xf32>,
        %get3A_1457 = vector.shape_cast %get3A_1456 : vector<1x1x1x16xf32> to vector<16xf32>
        %add3A_1458 = arith.addf %get3A_1447, %get3A_1457 : vector<16xf32>
        %add3A_1459 = arith.constant 3 : i32
        %add3A_1460 = arith.addi %mul3A_809, %add3A_1459 : i32
        %get3A_1461 = arith.constant 1 : i32
        %get3A_1462 = arith.constant 2 : i32
        %get3A_1463 = arith.index_cast %get3A_1461 : i32 to index
        %get3A_1464 = arith.index_cast %get3A_1462 : i32 to index
        %get3A_1465 = arith.index_cast %add3A_1460 : i32 to index
        %get3A_1466 = arith.constant 40 : index
        %get3A_1467 = tpu.vector_load %arg11[%get3A_1463, %get3A_1464, %get3A_1465, %get3A_1466] {strides = array<i32>} : memref<2x3x80x56xf32, #tpu.memory_space<vmem>>, vector<1x1x1x16xf32>,
        %get3A_1468 = vector.shape_cast %get3A_1467 : vector<1x1x1x16xf32> to vector<16xf32>
        %add3A_1469 = arith.addf %add3A_1458, %get3A_1468 : vector<16xf32>
        %swap3A_1470 = arith.constant 1 : i32
        %swap3A_1471 = arith.constant 1 : i32
        %swap3A_1472 = arith.index_cast %swap3A_1470 : i32 to index
        %swap3A_1473 = arith.index_cast %select_n3A_792 : i32 to index
        %swap3A_1474 = arith.index_cast %swap3A_1471 : i32 to index
        %swap3A_1475 = arith.index_cast %select_n3A_807 : i32 to index
        %swap3A_1476 = arith.constant 80 : index
        %swap3A_1477 = tpu.vector_load %arg12[%swap3A_1472, %swap3A_1473, %swap3A_1474, %swap3A_1475, %swap3A_1476] {strides = array<i32>} : memref<2x2x3x8x128xf32, #tpu.memory_space<vmem>>, vector<1x1x1x1x16xf32>,
        %swap3A_1478 = vector.shape_cast %swap3A_1477 : vector<1x1x1x1x16xf32> to vector<16xf32>
        %swap3A_1479 = vector.shape_cast %add3A_1469 : vector<16xf32> to vector<1x1x1x1x16xf32>
        tpu.vector_store %arg12[%swap3A_1472, %swap3A_1473, %swap3A_1474, %swap3A_1475, %swap3A_1476], %swap3A_1479 {strides = array<i32>} : memref<2x2x3x8x128xf32, #tpu.memory_space<vmem>>, vector<1x1x1x1x16xf32>,
        %add3A_1480 = arith.constant 4 : i32
        %add3A_1481 = arith.addi %mul3A_809, %add3A_1480 : i32
        %get3A_1482 = arith.constant 1 : i32
        %get3A_1483 = arith.constant 0 : i32
        %get3A_1484 = arith.index_cast %get3A_1482 : i32 to index
        %get3A_1485 = arith.index_cast %get3A_1483 : i32 to index
        %get3A_1486 = arith.index_cast %add3A_1481 : i32 to index
        %get3A_1487 = arith.constant 0 : index
        %get3A_1488 = tpu.vector_load %arg11[%get3A_1484, %get3A_1485, %get3A_1486, %get3A_1487] {strides = array<i32>} : memref<2x3x80x56xf32, #tpu.memory_space<vmem>>, vector<1x1x1x16xf32>,
        %get3A_1489 = vector.shape_cast %get3A_1488 : vector<1x1x1x16xf32> to vector<16xf32>
        %add3A_1490 = arith.constant 4 : i32
        %add3A_1491 = arith.addi %mul3A_809, %add3A_1490 : i32
        %get3A_1492 = arith.constant 1 : i32
        %get3A_1493 = arith.constant 1 : i32
        %get3A_1494 = arith.index_cast %get3A_1492 : i32 to index
        %get3A_1495 = arith.index_cast %get3A_1493 : i32 to index
        %get3A_1496 = arith.index_cast %add3A_1491 : i32 to index
        %get3A_1497 = arith.constant 0 : index
        %get3A_1498 = tpu.vector_load %arg11[%get3A_1494, %get3A_1495, %get3A_1496, %get3A_1497] {strides = array<i32>} : memref<2x3x80x56xf32, #tpu.memory_space<vmem>>, vector<1x1x1x16xf32>,
        %get3A_1499 = vector.shape_cast %get3A_1498 : vector<1x1x1x16xf32> to vector<16xf32>
        %add3A_1500 = arith.addf %get3A_1489, %get3A_1499 : vector<16xf32>
        %add3A_1501 = arith.constant 4 : i32
        %add3A_1502 = arith.addi %mul3A_809, %add3A_1501 : i32
        %get3A_1503 = arith.constant 1 : i32
        %get3A_1504 = arith.constant 2 : i32
        %get3A_1505 = arith.index_cast %get3A_1503 : i32 to index
        %get3A_1506 = arith.index_cast %get3A_1504 : i32 to index
        %get3A_1507 = arith.index_cast %add3A_1502 : i32 to index
        %get3A_1508 = arith.constant 0 : index
        %get3A_1509 = tpu.vector_load %arg11[%get3A_1505, %get3A_1506, %get3A_1507, %get3A_1508] {strides = array<i32>} : memref<2x3x80x56xf32, #tpu.memory_space<vmem>>, vector<1x1x1x16xf32>,
        %get3A_1510 = vector.shape_cast %get3A_1509 : vector<1x1x1x16xf32> to vector<16xf32>
        %add3A_1511 = arith.addf %add3A_1500, %get3A_1510 : vector<16xf32>
        %swap3A_1512 = arith.constant 1 : i32
        %swap3A_1513 = arith.constant 1 : i32
        %swap3A_1514 = arith.index_cast %swap3A_1512 : i32 to index
        %swap3A_1515 = arith.index_cast %select_n3A_792 : i32 to index
        %swap3A_1516 = arith.index_cast %swap3A_1513 : i32 to index
        %swap3A_1517 = arith.index_cast %select_n3A_807 : i32 to index
        %swap3A_1518 = arith.constant 96 : index
        %swap3A_1519 = tpu.vector_load %arg12[%swap3A_1514, %swap3A_1515, %swap3A_1516, %swap3A_1517, %swap3A_1518] {strides = array<i32>} : memref<2x2x3x8x128xf32, #tpu.memory_space<vmem>>, vector<1x1x1x1x16xf32>,
        %swap3A_1520 = vector.shape_cast %swap3A_1519 : vector<1x1x1x1x16xf32> to vector<16xf32>
        %swap3A_1521 = vector.shape_cast %add3A_1511 : vector<16xf32> to vector<1x1x1x1x16xf32>
        tpu.vector_store %arg12[%swap3A_1514, %swap3A_1515, %swap3A_1516, %swap3A_1517, %swap3A_1518], %swap3A_1521 {strides = array<i32>} : memref<2x2x3x8x128xf32, #tpu.memory_space<vmem>>, vector<1x1x1x1x16xf32>,
        %add3A_1522 = arith.constant 4 : i32
        %add3A_1523 = arith.addi %mul3A_809, %add3A_1522 : i32
        %get3A_1524 = arith.constant 1 : i32
        %get3A_1525 = arith.constant 0 : i32
        %get3A_1526 = arith.index_cast %get3A_1524 : i32 to index
        %get3A_1527 = arith.index_cast %get3A_1525 : i32 to index
        %get3A_1528 = arith.index_cast %add3A_1523 : i32 to index
        %get3A_1529 = arith.constant 16 : index
        %get3A_1530 = tpu.vector_load %arg11[%get3A_1526, %get3A_1527, %get3A_1528, %get3A_1529] {strides = array<i32>} : memref<2x3x80x56xf32, #tpu.memory_space<vmem>>, vector<1x1x1x16xf32>,
        %get3A_1531 = vector.shape_cast %get3A_1530 : vector<1x1x1x16xf32> to vector<16xf32>
        %add3A_1532 = arith.constant 4 : i32
        %add3A_1533 = arith.addi %mul3A_809, %add3A_1532 : i32
        %get3A_1534 = arith.constant 1 : i32
        %get3A_1535 = arith.constant 1 : i32
        %get3A_1536 = arith.index_cast %get3A_1534 : i32 to index
        %get3A_1537 = arith.index_cast %get3A_1535 : i32 to index
        %get3A_1538 = arith.index_cast %add3A_1533 : i32 to index
        %get3A_1539 = arith.constant 16 : index
        %get3A_1540 = tpu.vector_load %arg11[%get3A_1536, %get3A_1537, %get3A_1538, %get3A_1539] {strides = array<i32>} : memref<2x3x80x56xf32, #tpu.memory_space<vmem>>, vector<1x1x1x16xf32>,
        %get3A_1541 = vector.shape_cast %get3A_1540 : vector<1x1x1x16xf32> to vector<16xf32>
        %add3A_1542 = arith.addf %get3A_1531, %get3A_1541 : vector<16xf32>
        %add3A_1543 = arith.constant 4 : i32
        %add3A_1544 = arith.addi %mul3A_809, %add3A_1543 : i32
        %get3A_1545 = arith.constant 1 : i32
        %get3A_1546 = arith.constant 2 : i32
        %get3A_1547 = arith.index_cast %get3A_1545 : i32 to index
        %get3A_1548 = arith.index_cast %get3A_1546 : i32 to index
        %get3A_1549 = arith.index_cast %add3A_1544 : i32 to index
        %get3A_1550 = arith.constant 16 : index
        %get3A_1551 = tpu.vector_load %arg11[%get3A_1547, %get3A_1548, %get3A_1549, %get3A_1550] {strides = array<i32>} : memref<2x3x80x56xf32, #tpu.memory_space<vmem>>, vector<1x1x1x16xf32>,
        %get3A_1552 = vector.shape_cast %get3A_1551 : vector<1x1x1x16xf32> to vector<16xf32>
        %add3A_1553 = arith.addf %add3A_1542, %get3A_1552 : vector<16xf32>
        %swap3A_1554 = arith.constant 1 : i32
        %swap3A_1555 = arith.constant 1 : i32
        %swap3A_1556 = arith.index_cast %swap3A_1554 : i32 to index
        %swap3A_1557 = arith.index_cast %select_n3A_792 : i32 to index
        %swap3A_1558 = arith.index_cast %swap3A_1555 : i32 to index
        %swap3A_1559 = arith.index_cast %select_n3A_807 : i32 to index
        %swap3A_1560 = arith.constant 112 : index
        %swap3A_1561 = tpu.vector_load %arg12[%swap3A_1556, %swap3A_1557, %swap3A_1558, %swap3A_1559, %swap3A_1560] {strides = array<i32>} : memref<2x2x3x8x128xf32, #tpu.memory_space<vmem>>, vector<1x1x1x1x16xf32>,
        %swap3A_1562 = vector.shape_cast %swap3A_1561 : vector<1x1x1x1x16xf32> to vector<16xf32>
        %swap3A_1563 = vector.shape_cast %add3A_1553 : vector<16xf32> to vector<1x1x1x1x16xf32>
        tpu.vector_store %arg12[%swap3A_1556, %swap3A_1557, %swap3A_1558, %swap3A_1559, %swap3A_1560], %swap3A_1563 {strides = array<i32>} : memref<2x2x3x8x128xf32, #tpu.memory_space<vmem>>, vector<1x1x1x1x16xf32>,
        %add3A_1564 = arith.constant 4 : i32
        %add3A_1565 = arith.addi %mul3A_809, %add3A_1564 : i32
        %get3A_1566 = arith.constant 1 : i32
        %get3A_1567 = arith.constant 0 : i32
        %get3A_1568 = arith.index_cast %get3A_1566 : i32 to index
        %get3A_1569 = arith.index_cast %get3A_1567 : i32 to index
        %get3A_1570 = arith.index_cast %add3A_1565 : i32 to index
        %get3A_1571 = arith.constant 32 : index
        %get3A_1572 = tpu.vector_load %arg11[%get3A_1568, %get3A_1569, %get3A_1570, %get3A_1571] {strides = array<i32>} : memref<2x3x80x56xf32, #tpu.memory_space<vmem>>, vector<1x1x1x16xf32>,
        %get3A_1573 = vector.shape_cast %get3A_1572 : vector<1x1x1x16xf32> to vector<16xf32>
        %add3A_1574 = arith.constant 4 : i32
        %add3A_1575 = arith.addi %mul3A_809, %add3A_1574 : i32
        %get3A_1576 = arith.constant 1 : i32
        %get3A_1577 = arith.constant 1 : i32
        %get3A_1578 = arith.index_cast %get3A_1576 : i32 to index
        %get3A_1579 = arith.index_cast %get3A_1577 : i32 to index
        %get3A_1580 = arith.index_cast %add3A_1575 : i32 to index
        %get3A_1581 = arith.constant 32 : index
        %get3A_1582 = tpu.vector_load %arg11[%get3A_1578, %get3A_1579, %get3A_1580, %get3A_1581] {strides = array<i32>} : memref<2x3x80x56xf32, #tpu.memory_space<vmem>>, vector<1x1x1x16xf32>,
        %get3A_1583 = vector.shape_cast %get3A_1582 : vector<1x1x1x16xf32> to vector<16xf32>
        %add3A_1584 = arith.addf %get3A_1573, %get3A_1583 : vector<16xf32>
        %add3A_1585 = arith.constant 4 : i32
        %add3A_1586 = arith.addi %mul3A_809, %add3A_1585 : i32
        %get3A_1587 = arith.constant 1 : i32
        %get3A_1588 = arith.constant 2 : i32
        %get3A_1589 = arith.index_cast %get3A_1587 : i32 to index
        %get3A_1590 = arith.index_cast %get3A_1588 : i32 to index
        %get3A_1591 = arith.index_cast %add3A_1586 : i32 to index
        %get3A_1592 = arith.constant 32 : index
        %get3A_1593 = tpu.vector_load %arg11[%get3A_1589, %get3A_1590, %get3A_1591, %get3A_1592] {strides = array<i32>} : memref<2x3x80x56xf32, #tpu.memory_space<vmem>>, vector<1x1x1x16xf32>,
        %get3A_1594 = vector.shape_cast %get3A_1593 : vector<1x1x1x16xf32> to vector<16xf32>
        %add3A_1595 = arith.addf %add3A_1584, %get3A_1594 : vector<16xf32>
        %swap3A_1596 = arith.constant 1 : i32
        %swap3A_1597 = arith.constant 2 : i32
        %swap3A_1598 = arith.index_cast %swap3A_1596 : i32 to index
        %swap3A_1599 = arith.index_cast %select_n3A_792 : i32 to index
        %swap3A_1600 = arith.index_cast %swap3A_1597 : i32 to index
        %swap3A_1601 = arith.index_cast %select_n3A_807 : i32 to index
        %swap3A_1602 = arith.constant 0 : index
        %swap3A_1603 = tpu.vector_load %arg12[%swap3A_1598, %swap3A_1599, %swap3A_1600, %swap3A_1601, %swap3A_1602] {strides = array<i32>} : memref<2x2x3x8x128xf32, #tpu.memory_space<vmem>>, vector<1x1x1x1x16xf32>,
        %swap3A_1604 = vector.shape_cast %swap3A_1603 : vector<1x1x1x1x16xf32> to vector<16xf32>
        %swap3A_1605 = vector.shape_cast %add3A_1595 : vector<16xf32> to vector<1x1x1x1x16xf32>
        tpu.vector_store %arg12[%swap3A_1598, %swap3A_1599, %swap3A_1600, %swap3A_1601, %swap3A_1602], %swap3A_1605 {strides = array<i32>} : memref<2x2x3x8x128xf32, #tpu.memory_space<vmem>>, vector<1x1x1x1x16xf32>,
        %add3A_1606 = arith.constant 4 : i32
        %add3A_1607 = arith.addi %mul3A_809, %add3A_1606 : i32
        %get3A_1608 = arith.constant 1 : i32
        %get3A_1609 = arith.constant 0 : i32
        %get3A_1610 = arith.index_cast %get3A_1608 : i32 to index
        %get3A_1611 = arith.index_cast %get3A_1609 : i32 to index
        %get3A_1612 = arith.index_cast %add3A_1607 : i32 to index
        %get3A_1613 = arith.constant 40 : index
        %get3A_1614 = tpu.vector_load %arg11[%get3A_1610, %get3A_1611, %get3A_1612, %get3A_1613] {strides = array<i32>} : memref<2x3x80x56xf32, #tpu.memory_space<vmem>>, vector<1x1x1x16xf32>,
        %get3A_1615 = vector.shape_cast %get3A_1614 : vector<1x1x1x16xf32> to vector<16xf32>
        %add3A_1616 = arith.constant 4 : i32
        %add3A_1617 = arith.addi %mul3A_809, %add3A_1616 : i32
        %get3A_1618 = arith.constant 1 : i32
        %get3A_1619 = arith.constant 1 : i32
        %get3A_1620 = arith.index_cast %get3A_1618 : i32 to index
        %get3A_1621 = arith.index_cast %get3A_1619 : i32 to index
        %get3A_1622 = arith.index_cast %add3A_1617 : i32 to index
        %get3A_1623 = arith.constant 40 : index
        %get3A_1624 = tpu.vector_load %arg11[%get3A_1620, %get3A_1621, %get3A_1622, %get3A_1623] {strides = array<i32>} : memref<2x3x80x56xf32, #tpu.memory_space<vmem>>, vector<1x1x1x16xf32>,
        %get3A_1625 = vector.shape_cast %get3A_1624 : vector<1x1x1x16xf32> to vector<16xf32>
        %add3A_1626 = arith.addf %get3A_1615, %get3A_1625 : vector<16xf32>
        %add3A_1627 = arith.constant 4 : i32
        %add3A_1628 = arith.addi %mul3A_809, %add3A_1627 : i32
        %get3A_1629 = arith.constant 1 : i32
        %get3A_1630 = arith.constant 2 : i32
        %get3A_1631 = arith.index_cast %get3A_1629 : i32 to index
        %get3A_1632 = arith.index_cast %get3A_1630 : i32 to index
        %get3A_1633 = arith.index_cast %add3A_1628 : i32 to index
        %get3A_1634 = arith.constant 40 : index
        %get3A_1635 = tpu.vector_load %arg11[%get3A_1631, %get3A_1632, %get3A_1633, %get3A_1634] {strides = array<i32>} : memref<2x3x80x56xf32, #tpu.memory_space<vmem>>, vector<1x1x1x16xf32>,
        %get3A_1636 = vector.shape_cast %get3A_1635 : vector<1x1x1x16xf32> to vector<16xf32>
        %add3A_1637 = arith.addf %add3A_1626, %get3A_1636 : vector<16xf32>
        %swap3A_1638 = arith.constant 1 : i32
        %swap3A_1639 = arith.constant 2 : i32
        %swap3A_1640 = arith.index_cast %swap3A_1638 : i32 to index
        %swap3A_1641 = arith.index_cast %select_n3A_792 : i32 to index
        %swap3A_1642 = arith.index_cast %swap3A_1639 : i32 to index
        %swap3A_1643 = arith.index_cast %select_n3A_807 : i32 to index
        %swap3A_1644 = arith.constant 8 : index
        %swap3A_1645 = tpu.vector_load %arg12[%swap3A_1640, %swap3A_1641, %swap3A_1642, %swap3A_1643, %swap3A_1644] {strides = array<i32>} : memref<2x2x3x8x128xf32, #tpu.memory_space<vmem>>, vector<1x1x1x1x16xf32>,
        %swap3A_1646 = vector.shape_cast %swap3A_1645 : vector<1x1x1x1x16xf32> to vector<16xf32>
        %swap3A_1647 = vector.shape_cast %add3A_1637 : vector<16xf32> to vector<1x1x1x1x16xf32>
        tpu.vector_store %arg12[%swap3A_1640, %swap3A_1641, %swap3A_1642, %swap3A_1643, %swap3A_1644], %swap3A_1647 {strides = array<i32>} : memref<2x2x3x8x128xf32, #tpu.memory_space<vmem>>, vector<1x1x1x1x16xf32>,
      }
      %scan3A_746 = arith.constant 16 : i32
      %mul3A_747 = arith.constant 2 : i32
      %mul3A_748 = arith.muli %add3A_609, %mul3A_747 : i32
      %add3A_749 = arith.addi %mul3A_2, %mul3A_748 : i32
      %dma_start3A_750 = arith.constant 1 : i32
      %dma_start3A_751 = arith.constant 1 : i32
      %dma_start3A_752 = arith.constant 0 : i32
      %dma_start3A_753 = arith.constant 0 : i32
      %dma_start3A_754 = arith.constant 0 : i32
      %dma_start3A_755 = arith.constant 0 : i32
      %dma_start3A_756 = tpu.memref_slice %arg12[%dma_start3A_750, %dma_start3A_752, %dma_start3A_753, %dma_start3A_754, %dma_start3A_755] : memref<2x2x3x8x128xf32, #tpu.memory_space<vmem>> -> memref<1x2x3x8x128xf32, #tpu.memory_space<vmem>>
      %dma_start3A_757 = tpu.memref_squeeze %dma_start3A_756 : memref<1x2x3x8x128xf32, #tpu.memory_space<vmem>> -> memref<2x3x8x128xf32, #tpu.memory_space<vmem>>
      %dma_start3A_758 = arith.constant 0 : i32
      %dma_start3A_759 = arith.constant 0 : i32
      %dma_start3A_760 = arith.constant 0 : i32
      %dma_start3A_761 = tpu.memref_slice %arg7[%add3A_749, %dma_start3A_758, %dma_start3A_759, %dma_start3A_760] : memref<2048x3x8x128xf32, #tpu.memory_space<hbm>> -> memref<2x3x8x128xf32, #tpu.memory_space<hbm>>
      %dma_start3A_762 = tpu.memref_slice %arg14[%dma_start3A_751] : memref<2x!tpu.dma_semaphore, #tpu.memory_space<semaphore_mem>> -> memref<1x!tpu.dma_semaphore, #tpu.memory_space<semaphore_mem>>
      %dma_start3A_763 = tpu.memref_squeeze %dma_start3A_762 : memref<1x!tpu.dma_semaphore, #tpu.memory_space<semaphore_mem>> -> memref<!tpu.dma_semaphore, #tpu.memory_space<semaphore_mem>>
      %dma_start3A_764 = arith.constant 0 : i32
      %dma_start3A_765 = arith.constant 0 : i32
      %dma_start3A_766 = arith.constant 0 : i32
      %dma_start3A_767 = tpu.memref_slice %arg7[%add3A_749, %dma_start3A_764, %dma_start3A_765, %dma_start3A_766] : memref<2048x3x8x128xf32, #tpu.memory_space<hbm>> -> memref<2x3x8x128xf32, #tpu.memory_space<hbm>>
      %dma_start3A_768 = arith.constant 0 : i32
      %dma_start3A_769 = arith.constant 0 : i32
      %dma_start3A_770 = arith.constant 0 : i32
      %dma_start3A_771 = arith.constant 0 : i32
      %dma_start3A_772 = tpu.memref_slice %arg12[%dma_start3A_750, %dma_start3A_768, %dma_start3A_769, %dma_start3A_770, %dma_start3A_771] : memref<2x2x3x8x128xf32, #tpu.memory_space<vmem>> -> memref<1x2x3x8x128xf32, #tpu.memory_space<vmem>>
      %dma_start3A_773 = tpu.memref_squeeze %dma_start3A_772 : memref<1x2x3x8x128xf32, #tpu.memory_space<vmem>> -> memref<2x3x8x128xf32, #tpu.memory_space<vmem>>
      tpu.enqueue_dma source(%dma_start3A_773 : memref<2x3x8x128xf32, #tpu.memory_space<vmem>>) target(%dma_start3A_767 : memref<2x3x8x128xf32, #tpu.memory_space<hbm>>) target_semaphore(%dma_start3A_763 : memref<!tpu.dma_semaphore, #tpu.memory_space<semaphore_mem>>)
    }
    %scan3A_336 = arith.constant 15 : i32
    %dma_wait3A_337 = arith.constant 0 : i32
    %dma_wait3A_338 = arith.constant 0 : i32
    %dma_wait3A_339 = arith.constant 0 : i32
    %dma_wait3A_340 = arith.constant 0 : i32
    %dma_wait3A_341 = arith.constant 0 : i32
    %dma_wait3A_342 = arith.constant 0 : i32
    %dma_wait3A_343 = arith.constant 0 : i32
    %dma_wait3A_344 = tpu.memref_slice %arg11[%dma_wait3A_338, %dma_wait3A_339, %dma_wait3A_342, %dma_wait3A_343] : memref<2x3x80x56xf32, #tpu.memory_space<vmem>> -> memref<1x1x80x56xf32, #tpu.memory_space<vmem>>
    %dma_wait3A_345 = tpu.memref_squeeze %dma_wait3A_344 : memref<1x1x80x56xf32, #tpu.memory_space<vmem>> -> memref<80x56xf32, #tpu.memory_space<vmem>>
    %dma_wait3A_346 = arith.constant 0 : i32
    %dma_wait3A_347 = tpu.memref_slice %arg8[%dma_wait3A_337, %dma_wait3A_346] : memref<32x80xi32, #tpu.memory_space<vmem>> -> memref<1x80xi32, #tpu.memory_space<vmem>>
    %dma_wait3A_348 = tpu.memref_squeeze %dma_wait3A_347 : memref<1x80xi32, #tpu.memory_space<vmem>> -> memref<80xi32, #tpu.memory_space<vmem>>
    %dma_wait3A_349 = arith.constant 0 : i32
    %dma_wait3A_350 = arith.constant 0 : i32
    %dma_wait3A_351 = tpu.memref_slice %arg2[%dma_wait3A_349, %dma_wait3A_350] : memref<100000x56xf32, #tpu.memory_space<hbm>> -> memref<100000x56xf32, #tpu.memory_space<hbm>>
    %dma_wait3A_352 = tpu.memref_slice %arg13[%dma_wait3A_340, %dma_wait3A_341] : memref<2x3x!tpu.dma_semaphore, #tpu.memory_space<semaphore_mem>> -> memref<1x1x!tpu.dma_semaphore, #tpu.memory_space<semaphore_mem>>
    %dma_wait3A_353 = tpu.memref_squeeze %dma_wait3A_352 : memref<1x1x!tpu.dma_semaphore, #tpu.memory_space<semaphore_mem>> -> memref<!tpu.dma_semaphore, #tpu.memory_space<semaphore_mem>>
    tpu.wait_indirect_dma semaphore(%dma_wait3A_353 : memref<!tpu.dma_semaphore, #tpu.memory_space<semaphore_mem>>) src(%dma_wait3A_351 : memref<100000x56xf32, #tpu.memory_space<hbm>>) dst(%dma_wait3A_345 : memref<80x56xf32, #tpu.memory_space<vmem>>)
    %dma_wait3A_354 = arith.constant 0 : i32
    %dma_wait3A_355 = arith.constant 0 : i32
    %dma_wait3A_356 = arith.constant 1 : i32
    %dma_wait3A_357 = arith.constant 0 : i32
    %dma_wait3A_358 = arith.constant 1 : i32
    %dma_wait3A_359 = arith.constant 0 : i32
    %dma_wait3A_360 = arith.constant 0 : i32
    %dma_wait3A_361 = tpu.memref_slice %arg11[%dma_wait3A_355, %dma_wait3A_356, %dma_wait3A_359, %dma_wait3A_360] : memref<2x3x80x56xf32, #tpu.memory_space<vmem>> -> memref<1x1x80x56xf32, #tpu.memory_space<vmem>>
    %dma_wait3A_362 = tpu.memref_squeeze %dma_wait3A_361 : memref<1x1x80x56xf32, #tpu.memory_space<vmem>> -> memref<80x56xf32, #tpu.memory_space<vmem>>
    %dma_wait3A_363 = arith.constant 0 : i32
    %dma_wait3A_364 = tpu.memref_slice %arg8[%dma_wait3A_354, %dma_wait3A_363] : memref<32x80xi32, #tpu.memory_space<vmem>> -> memref<1x80xi32, #tpu.memory_space<vmem>>
    %dma_wait3A_365 = tpu.memref_squeeze %dma_wait3A_364 : memref<1x80xi32, #tpu.memory_space<vmem>> -> memref<80xi32, #tpu.memory_space<vmem>>
    %dma_wait3A_366 = arith.constant 0 : i32
    %dma_wait3A_367 = arith.constant 0 : i32
    %dma_wait3A_368 = tpu.memref_slice %arg2[%dma_wait3A_366, %dma_wait3A_367] : memref<100000x56xf32, #tpu.memory_space<hbm>> -> memref<100000x56xf32, #tpu.memory_space<hbm>>
    %dma_wait3A_369 = tpu.memref_slice %arg13[%dma_wait3A_357, %dma_wait3A_358] : memref<2x3x!tpu.dma_semaphore, #tpu.memory_space<semaphore_mem>> -> memref<1x1x!tpu.dma_semaphore, #tpu.memory_space<semaphore_mem>>
    %dma_wait3A_370 = tpu.memref_squeeze %dma_wait3A_369 : memref<1x1x!tpu.dma_semaphore, #tpu.memory_space<semaphore_mem>> -> memref<!tpu.dma_semaphore, #tpu.memory_space<semaphore_mem>>
    tpu.wait_indirect_dma semaphore(%dma_wait3A_370 : memref<!tpu.dma_semaphore, #tpu.memory_space<semaphore_mem>>) src(%dma_wait3A_368 : memref<100000x56xf32, #tpu.memory_space<hbm>>) dst(%dma_wait3A_362 : memref<80x56xf32, #tpu.memory_space<vmem>>)
    %dma_wait3A_371 = arith.constant 0 : i32
    %dma_wait3A_372 = arith.constant 0 : i32
    %dma_wait3A_373 = arith.constant 2 : i32
    %dma_wait3A_374 = arith.constant 0 : i32
    %dma_wait3A_375 = arith.constant 2 : i32
    %dma_wait3A_376 = arith.constant 0 : i32
    %dma_wait3A_377 = arith.constant 0 : i32
    %dma_wait3A_378 = tpu.memref_slice %arg11[%dma_wait3A_372, %dma_wait3A_373, %dma_wait3A_376, %dma_wait3A_377] : memref<2x3x80x56xf32, #tpu.memory_space<vmem>> -> memref<1x1x80x56xf32, #tpu.memory_space<vmem>>
    %dma_wait3A_379 = tpu.memref_squeeze %dma_wait3A_378 : memref<1x1x80x56xf32, #tpu.memory_space<vmem>> -> memref<80x56xf32, #tpu.memory_space<vmem>>
    %dma_wait3A_380 = arith.constant 0 : i32
    %dma_wait3A_381 = tpu.memref_slice %arg8[%dma_wait3A_371, %dma_wait3A_380] : memref<32x80xi32, #tpu.memory_space<vmem>> -> memref<1x80xi32, #tpu.memory_space<vmem>>
    %dma_wait3A_382 = tpu.memref_squeeze %dma_wait3A_381 : memref<1x80xi32, #tpu.memory_space<vmem>> -> memref<80xi32, #tpu.memory_space<vmem>>
    %dma_wait3A_383 = arith.constant 0 : i32
    %dma_wait3A_384 = arith.constant 0 : i32
    %dma_wait3A_385 = tpu.memref_slice %arg2[%dma_wait3A_383, %dma_wait3A_384] : memref<100000x56xf32, #tpu.memory_space<hbm>> -> memref<100000x56xf32, #tpu.memory_space<hbm>>
    %dma_wait3A_386 = tpu.memref_slice %arg13[%dma_wait3A_374, %dma_wait3A_375] : memref<2x3x!tpu.dma_semaphore, #tpu.memory_space<semaphore_mem>> -> memref<1x1x!tpu.dma_semaphore, #tpu.memory_space<semaphore_mem>>
    %dma_wait3A_387 = tpu.memref_squeeze %dma_wait3A_386 : memref<1x1x!tpu.dma_semaphore, #tpu.memory_space<semaphore_mem>> -> memref<!tpu.dma_semaphore, #tpu.memory_space<semaphore_mem>>
    tpu.wait_indirect_dma semaphore(%dma_wait3A_387 : memref<!tpu.dma_semaphore, #tpu.memory_space<semaphore_mem>>) src(%dma_wait3A_385 : memref<100000x56xf32, #tpu.memory_space<hbm>>) dst(%dma_wait3A_379 : memref<80x56xf32, #tpu.memory_space<vmem>>)
    %dma_wait3A_388 = arith.constant 0 : i32
    %dma_wait3A_389 = arith.constant 0 : i32
    %dma_wait3A_390 = arith.constant 0 : i32
    %dma_wait3A_391 = arith.constant 0 : i32
    %dma_wait3A_392 = arith.constant 0 : i32
    %dma_wait3A_393 = arith.constant 0 : i32
    %dma_wait3A_394 = tpu.memref_slice %arg12[%dma_wait3A_388, %dma_wait3A_390, %dma_wait3A_391, %dma_wait3A_392, %dma_wait3A_393] : memref<2x2x3x8x128xf32, #tpu.memory_space<vmem>> -> memref<1x2x3x8x128xf32, #tpu.memory_space<vmem>>
    %dma_wait3A_395 = tpu.memref_squeeze %dma_wait3A_394 : memref<1x2x3x8x128xf32, #tpu.memory_space<vmem>> -> memref<2x3x8x128xf32, #tpu.memory_space<vmem>>
    %dma_wait3A_396 = arith.constant 0 : i32
    %dma_wait3A_397 = arith.constant 0 : i32
    %dma_wait3A_398 = arith.constant 0 : i32
    %dma_wait3A_399 = arith.constant 0 : i32
    %dma_wait3A_400 = tpu.memref_slice %arg7[%dma_wait3A_396, %dma_wait3A_397, %dma_wait3A_398, %dma_wait3A_399] : memref<2048x3x8x128xf32, #tpu.memory_space<hbm>> -> memref<2x3x8x128xf32, #tpu.memory_space<hbm>>
    %dma_wait3A_401 = tpu.memref_slice %arg14[%dma_wait3A_389] : memref<2x!tpu.dma_semaphore, #tpu.memory_space<semaphore_mem>> -> memref<1x!tpu.dma_semaphore, #tpu.memory_space<semaphore_mem>>
    %dma_wait3A_402 = tpu.memref_squeeze %dma_wait3A_401 : memref<1x!tpu.dma_semaphore, #tpu.memory_space<semaphore_mem>> -> memref<!tpu.dma_semaphore, #tpu.memory_space<semaphore_mem>>
    %dma_wait3A_403 = arith.constant 0 : i32
    %dma_wait3A_404 = arith.constant 0 : i32
    %dma_wait3A_405 = arith.constant 0 : i32
    %dma_wait3A_406 = arith.constant 0 : i32
    %dma_wait3A_407 = tpu.memref_slice %arg12[%dma_wait3A_388, %dma_wait3A_403, %dma_wait3A_404, %dma_wait3A_405, %dma_wait3A_406] : memref<2x2x3x8x128xf32, #tpu.memory_space<vmem>> -> memref<1x2x3x8x128xf32, #tpu.memory_space<vmem>>
    %dma_wait3A_408 = tpu.memref_squeeze %dma_wait3A_407 : memref<1x2x3x8x128xf32, #tpu.memory_space<vmem>> -> memref<2x3x8x128xf32, #tpu.memory_space<vmem>>
    %dma_wait3A_409 = arith.constant 0 : i32
    %dma_wait3A_410 = arith.constant 0 : i32
    %dma_wait3A_411 = arith.constant 0 : i32
    %dma_wait3A_412 = arith.constant 0 : i32
    %dma_wait3A_413 = tpu.memref_slice %arg7[%dma_wait3A_409, %dma_wait3A_410, %dma_wait3A_411, %dma_wait3A_412] : memref<2048x3x8x128xf32, #tpu.memory_space<hbm>> -> memref<2x3x8x128xf32, #tpu.memory_space<hbm>>
    tpu.wait_dma2 semaphore(%dma_wait3A_402 : memref<!tpu.dma_semaphore, #tpu.memory_space<semaphore_mem>>) src(%dma_wait3A_413 : memref<2x3x8x128xf32, #tpu.memory_space<hbm>>) dst(%dma_wait3A_408 : memref<2x3x8x128xf32, #tpu.memory_space<vmem>>)
    %dma_wait3A_414 = arith.constant 1 : i32
    %dma_wait3A_415 = arith.constant 1 : i32
    %dma_wait3A_416 = arith.constant 0 : i32
    %dma_wait3A_417 = arith.constant 0 : i32
    %dma_wait3A_418 = arith.constant 0 : i32
    %dma_wait3A_419 = arith.constant 0 : i32
    %dma_wait3A_420 = tpu.memref_slice %arg12[%dma_wait3A_414, %dma_wait3A_416, %dma_wait3A_417, %dma_wait3A_418, %dma_wait3A_419] : memref<2x2x3x8x128xf32, #tpu.memory_space<vmem>> -> memref<1x2x3x8x128xf32, #tpu.memory_space<vmem>>
    %dma_wait3A_421 = tpu.memref_squeeze %dma_wait3A_420 : memref<1x2x3x8x128xf32, #tpu.memory_space<vmem>> -> memref<2x3x8x128xf32, #tpu.memory_space<vmem>>
    %dma_wait3A_422 = arith.constant 0 : i32
    %dma_wait3A_423 = arith.constant 0 : i32
    %dma_wait3A_424 = arith.constant 0 : i32
    %dma_wait3A_425 = arith.constant 0 : i32
    %dma_wait3A_426 = tpu.memref_slice %arg7[%dma_wait3A_422, %dma_wait3A_423, %dma_wait3A_424, %dma_wait3A_425] : memref<2048x3x8x128xf32, #tpu.memory_space<hbm>> -> memref<2x3x8x128xf32, #tpu.memory_space<hbm>>
    %dma_wait3A_427 = tpu.memref_slice %arg14[%dma_wait3A_415] : memref<2x!tpu.dma_semaphore, #tpu.memory_space<semaphore_mem>> -> memref<1x!tpu.dma_semaphore, #tpu.memory_space<semaphore_mem>>
    %dma_wait3A_428 = tpu.memref_squeeze %dma_wait3A_427 : memref<1x!tpu.dma_semaphore, #tpu.memory_space<semaphore_mem>> -> memref<!tpu.dma_semaphore, #tpu.memory_space<semaphore_mem>>
    %dma_wait3A_429 = arith.constant 0 : i32
    %dma_wait3A_430 = arith.constant 0 : i32
    %dma_wait3A_431 = arith.constant 0 : i32
    %dma_wait3A_432 = arith.constant 0 : i32
    %dma_wait3A_433 = tpu.memref_slice %arg12[%dma_wait3A_414, %dma_wait3A_429, %dma_wait3A_430, %dma_wait3A_431, %dma_wait3A_432] : memref<2x2x3x8x128xf32, #tpu.memory_space<vmem>> -> memref<1x2x3x8x128xf32, #tpu.memory_space<vmem>>
    %dma_wait3A_434 = tpu.memref_squeeze %dma_wait3A_433 : memref<1x2x3x8x128xf32, #tpu.memory_space<vmem>> -> memref<2x3x8x128xf32, #tpu.memory_space<vmem>>
    %dma_wait3A_435 = arith.constant 0 : i32
    %dma_wait3A_436 = arith.constant 0 : i32
    %dma_wait3A_437 = arith.constant 0 : i32
    %dma_wait3A_438 = arith.constant 0 : i32
    %dma_wait3A_439 = tpu.memref_slice %arg7[%dma_wait3A_435, %dma_wait3A_436, %dma_wait3A_437, %dma_wait3A_438] : memref<2048x3x8x128xf32, #tpu.memory_space<hbm>> -> memref<2x3x8x128xf32, #tpu.memory_space<hbm>>
    tpu.wait_dma2 semaphore(%dma_wait3A_428 : memref<!tpu.dma_semaphore, #tpu.memory_space<semaphore_mem>>) src(%dma_wait3A_439 : memref<2x3x8x128xf32, #tpu.memory_space<hbm>>) dst(%dma_wait3A_434 : memref<2x3x8x128xf32, #tpu.memory_space<vmem>>)
    return
  }
}

module attributes {stable_mosaic.version = 14 : i64} {
  func.func @_mlp_body(%arg0: i32, %arg1: memref<128x3x8x128xf32, #tpu.memory_space<vmem>>, %arg2: memref<3x128x512xf32, #tpu.memory_space<vmem>>, %arg3: memref<1x512xf32, #tpu.memory_space<vmem>>, %arg4: memref<512x45xf32, #tpu.memory_space<vmem>>, %arg5: memref<1x45xf32, #tpu.memory_space<vmem>>, %arg6: memref<1024x45xf32, #tpu.memory_space<vmem>>) attributes {dimension_semantics = [#tpu.dimension_semantics<arbitrary>], iteration_bounds = array<i64: 16>, scalar_prefetch = 0 : i64, scratch_operands = 0 : i64, tpu.core_type = #tpu.core_type<tc>, window_params = [{transform_indices = @transform_0, window_bounds = array<i64: 128, 3, 8, 128>}, {pipeline_mode = #tpu.pipeline_mode<synchronous>, transform_indices = @transform_1, window_bounds = array<i64: 3, 128, 512>}, {pipeline_mode = #tpu.pipeline_mode<synchronous>, transform_indices = @transform_2, window_bounds = array<i64: 1, 512>}, {pipeline_mode = #tpu.pipeline_mode<synchronous>, transform_indices = @transform_3, window_bounds = array<i64: 512, 45>}, {pipeline_mode = #tpu.pipeline_mode<synchronous>, transform_indices = @transform_4, window_bounds = array<i64: 1, 45>}, {transform_indices = @transform_5, window_bounds = array<i64: 1024, 45>}]} {
    %get3A = arith.constant 0 : index
    %get3A_0 = arith.constant 0 : index
    %get3A_1 = vector.load %arg3[%get3A, %get3A_0] : memref<1x512xf32, #tpu.memory_space<vmem>>, vector<1x512xf32>
    %get3A_2 = arith.constant 0 : index
    %get3A_3 = arith.constant 0 : index
    %get3A_4 = arith.constant 0 : index
    %get3A_5 = arith.constant 0 : index
    %get3A_6 = vector.load %arg1[%get3A_2, %get3A_3, %get3A_4, %get3A_5] : memref<128x3x8x128xf32, #tpu.memory_space<vmem>>, vector<128x1x8x128xf32>
    %get3A_7 = vector.shape_cast %get3A_6 : vector<128x1x8x128xf32> to vector<128x8x128xf32>
    %reshape3A = vector.shape_cast %get3A_7 : vector<128x8x128xf32> to vector<1024x128xf32>
    %get3A_8 = arith.constant 0 : index
    %get3A_9 = arith.constant 0 : index
    %get3A_10 = arith.constant 0 : index
    %get3A_11 = vector.load %arg2[%get3A_8, %get3A_9, %get3A_10] : memref<3x128x512xf32, #tpu.memory_space<vmem>>, vector<1x128x512xf32>
    %get3A_12 = vector.shape_cast %get3A_11 : vector<1x128x512xf32> to vector<128x512xf32>
    %dot_general3A = arith.constant dense<0.000000e+00> : vector<1024x512xf32>
    %dot_general3A_13 = tpu.matmul %reshape3A, %get3A_12, %dot_general3A {dimension_numbers = #tpu.dot_dimension_numbers<[1], [0], [0], [1], [0, 0, 1, 1], [], []>, transpose_lhs_hint = false} : vector<1024x128xf32>, vector<128x512xf32>, vector<1024x512xf32> -> vector<1024x512xf32>
    %add3A = vector.broadcast %get3A_1 : vector<1x512xf32> to vector<1024x512xf32>
    %add3A_14 = arith.addf %add3A, %dot_general3A_13 : vector<1024x512xf32>
    %get3A_15 = arith.constant 0 : index
    %get3A_16 = arith.constant 1 : index
    %get3A_17 = arith.constant 0 : index
    %get3A_18 = arith.constant 0 : index
    %get3A_19 = vector.load %arg1[%get3A_15, %get3A_16, %get3A_17, %get3A_18] : memref<128x3x8x128xf32, #tpu.memory_space<vmem>>, vector<128x1x8x128xf32>
    %get3A_20 = vector.shape_cast %get3A_19 : vector<128x1x8x128xf32> to vector<128x8x128xf32>
    %reshape3A_21 = vector.shape_cast %get3A_20 : vector<128x8x128xf32> to vector<1024x128xf32>
    %get3A_22 = arith.constant 1 : index
    %get3A_23 = arith.constant 0 : index
    %get3A_24 = arith.constant 0 : index
    %get3A_25 = vector.load %arg2[%get3A_22, %get3A_23, %get3A_24] : memref<3x128x512xf32, #tpu.memory_space<vmem>>, vector<1x128x512xf32>
    %get3A_26 = vector.shape_cast %get3A_25 : vector<1x128x512xf32> to vector<128x512xf32>
    %dot_general3A_27 = arith.constant dense<0.000000e+00> : vector<1024x512xf32>
    %dot_general3A_28 = tpu.matmul %reshape3A_21, %get3A_26, %dot_general3A_27 {dimension_numbers = #tpu.dot_dimension_numbers<[1], [0], [0], [1], [0, 0, 1, 1], [], []>, transpose_lhs_hint = false} : vector<1024x128xf32>, vector<128x512xf32>, vector<1024x512xf32> -> vector<1024x512xf32>
    %add3A_29 = arith.addf %add3A_14, %dot_general3A_28 : vector<1024x512xf32>
    %get3A_30 = arith.constant 0 : index
    %get3A_31 = arith.constant 2 : index
    %get3A_32 = arith.constant 0 : index
    %get3A_33 = arith.constant 0 : index
    %get3A_34 = vector.load %arg1[%get3A_30, %get3A_31, %get3A_32, %get3A_33] : memref<128x3x8x128xf32, #tpu.memory_space<vmem>>, vector<128x1x8x128xf32>
    %get3A_35 = vector.shape_cast %get3A_34 : vector<128x1x8x128xf32> to vector<128x8x128xf32>
    %reshape3A_36 = vector.shape_cast %get3A_35 : vector<128x8x128xf32> to vector<1024x128xf32>
    %get3A_37 = arith.constant 2 : index
    %get3A_38 = arith.constant 0 : index
    %get3A_39 = arith.constant 0 : index
    %get3A_40 = vector.load %arg2[%get3A_37, %get3A_38, %get3A_39] : memref<3x128x512xf32, #tpu.memory_space<vmem>>, vector<1x128x512xf32>
    %get3A_41 = vector.shape_cast %get3A_40 : vector<1x128x512xf32> to vector<128x512xf32>
    %dot_general3A_42 = arith.constant dense<0.000000e+00> : vector<1024x512xf32>
    %dot_general3A_43 = tpu.matmul %reshape3A_36, %get3A_41, %dot_general3A_42 {dimension_numbers = #tpu.dot_dimension_numbers<[1], [0], [0], [1], [0, 0, 1, 1], [], []>, transpose_lhs_hint = false} : vector<1024x128xf32>, vector<128x512xf32>, vector<1024x512xf32> -> vector<1024x512xf32>
    %add3A_44 = arith.addf %add3A_29, %dot_general3A_43 : vector<1024x512xf32>
    %tanh3A = math.tanh %add3A_44 : vector<1024x512xf32>
    %get3A_45 = arith.constant 0 : index
    %get3A_46 = arith.constant 0 : index
    %get3A_47 = vector.load %arg4[%get3A_45, %get3A_46] : memref<512x45xf32, #tpu.memory_space<vmem>>, vector<512x45xf32>
    %dot_general3A_48 = arith.constant dense<0.000000e+00> : vector<1024x45xf32>
    %dot_general3A_49 = tpu.matmul %tanh3A, %get3A_47, %dot_general3A_48 {dimension_numbers = #tpu.dot_dimension_numbers<[1], [0], [0], [1], [0, 0, 1, 1], [], []>, transpose_lhs_hint = false} : vector<1024x512xf32>, vector<512x45xf32>, vector<1024x45xf32> -> vector<1024x45xf32>
    %get3A_50 = arith.constant 0 : index
    %get3A_51 = arith.constant 0 : index
    %get3A_52 = vector.load %arg5[%get3A_50, %get3A_51] : memref<1x45xf32, #tpu.memory_space<vmem>>, vector<1x45xf32>
    %add3A_53 = vector.broadcast %get3A_52 : vector<1x45xf32> to vector<1024x45xf32>
    %add3A_54 = arith.addf %dot_general3A_49, %add3A_53 : vector<1024x45xf32>
    %reduce_max3A = arith.constant dense<0xFF800000> : vector<1024xf32>
    %reduce_max3A_55 = vector.multi_reduction <maximumf>, %add3A_54, %reduce_max3A [1] : vector<1024x45xf32> to vector<1024xf32>
    %broadcast_in_dim3A = vector.shape_cast %reduce_max3A_55 : vector<1024xf32> to vector<1024x1xf32>
    %sub3A = vector.broadcast %broadcast_in_dim3A : vector<1024x1xf32> to vector<1024x45xf32>
    %sub3A_56 = arith.subf %add3A_54, %sub3A : vector<1024x45xf32>
    %exp3A = math.exp %sub3A_56 : vector<1024x45xf32>
    %reduce_sum3A = arith.constant dense<0.000000e+00> : vector<1024xf32>
    %reduce_sum3A_57 = vector.multi_reduction <add>, %exp3A, %reduce_sum3A [1] : vector<1024x45xf32> to vector<1024xf32>
    %broadcast_in_dim3A_58 = vector.shape_cast %reduce_sum3A_57 : vector<1024xf32> to vector<1024x1xf32>
    %log3A = math.log %broadcast_in_dim3A_58 : vector<1024x1xf32>
    %sub3A_59 = vector.broadcast %log3A : vector<1024x1xf32> to vector<1024x45xf32>
    %sub3A_60 = arith.subf %sub3A_56, %sub3A_59 : vector<1024x45xf32>
    %swap3A = arith.constant 0 : index
    %swap3A_61 = arith.constant 0 : index
    %swap3A_62 = vector.load %arg6[%swap3A, %swap3A_61] : memref<1024x45xf32, #tpu.memory_space<vmem>>, vector<1024x45xf32>
    tpu.vector_store %arg6[%swap3A, %swap3A_61], %sub3A_60 {strides = array<i32>} : memref<1024x45xf32, #tpu.memory_space<vmem>>, vector<1024x45xf32>,
    return
  }
  func.func @transform_0(%arg0: i32) -> (i32, i32, i32, i32) {
    %c0_i32 = arith.constant 0 : i32
    %c0_i32_0 = arith.constant 0 : i32
    %c0_i32_1 = arith.constant 0 : i32
    %c0_i32_2 = arith.constant 0 : i32
    return %arg0, %c0_i32, %c0_i32_0, %c0_i32_1 : i32, i32, i32, i32
  }
  func.func @transform_1(%arg0: i32) -> (i32, i32, i32) {
    %c0_i32 = arith.constant 0 : i32
    %c0_i32_0 = arith.constant 0 : i32
    %c0_i32_1 = arith.constant 0 : i32
    %c0_i32_2 = arith.constant 0 : i32
    return %c0_i32, %c0_i32_0, %c0_i32_1 : i32, i32, i32
  }
  func.func @transform_2(%arg0: i32) -> (i32, i32) {
    %c0_i32 = arith.constant 0 : i32
    %c0_i32_0 = arith.constant 0 : i32
    %c0_i32_1 = arith.constant 0 : i32
    return %c0_i32, %c0_i32_0 : i32, i32
  }
  func.func @transform_3(%arg0: i32) -> (i32, i32) {
    %c0_i32 = arith.constant 0 : i32
    %c0_i32_0 = arith.constant 0 : i32
    %c0_i32_1 = arith.constant 0 : i32
    return %c0_i32, %c0_i32_0 : i32, i32
  }
  func.func @transform_4(%arg0: i32) -> (i32, i32) {
    %c0_i32 = arith.constant 0 : i32
    %c0_i32_0 = arith.constant 0 : i32
    %c0_i32_1 = arith.constant 0 : i32
    return %c0_i32, %c0_i32_0 : i32, i32
  }
  func.func @transform_5(%arg0: i32) -> (i32, i32) {
    %c0_i32 = arith.constant 0 : i32
    %c0_i32_0 = arith.constant 0 : i32
    return %arg0, %c0_i32 : i32, i32
  }
}

</mosaic_0001>

<sc_bundles>
// kernel: kernel.4.cloned.1.call-start
scs
__scs_entry_jumppad:
0x0: {  	(pc) =	sbr.rel $0x88, $3  }
0x1: {  	(tag) =	ssettag $0x0;
	lr =	simm.s32 $0x1  }
0x2: {  	[smem:$0x3F98] =	sst lr;
	_ =	strace $0xD0000000  }
0x3: {  	_ = 	snop  }
0x4: {  	_ = 	snop  }
0x5: {  	_ = 	snop  }
0x6: {  	_ = 	snop  }
0x7: {  	_ = 	snop  }
__scs_overlays_trampoline_lowered:
0x8: {  	[smem:$0x3FA7] =	sst s0  }
0x9: {  	[smem:$0x3FA8] =	sst s1  }
0xa: {  	[smem:$0x3FA9] =	sst s2  }
0xb: {  	[smem:$0x3FAA] =	sst s3  }
0xc: {  	[smem:$0x3FAB] =	sst s4  }
0xd: {  	[smem:$0x3FAC] =	sst s5  }
0xe: {  	[smem:$0x3FAD] =	sst s6  }
0xf: {  	[smem:$0x3FAE] =	sst s7  }
0x10: {  	[smem:$0x3FAF] =	sst s8  }
0x11: {  	[smem:$0x3FB0] =	sst s9;
	s0 =	simm.s32 @!p0 $0x0  }
0x12: {  	s1 =	sld [smem:$0x3F96];
	s0 =	simm.s32 @p0 $0x1  }
0x13: {  	[smem:$0x3FB1] =	sst s0;
	s0 =	simm.s32 @!p1 $0x0  }
0x14: {  	s2 =	sld [smem:$0x3F95];
	s0 =	simm.s32 @p1 $0x1  }
0x15: {  	[smem:$0x3FB2] =	sst s0;
	s0 =	simm.s32 @!p2 $0x0  }
0x16: {  	s3 =	sld [smem:$0x3FDB];
	s0 =	simm.s32 @p2 $0x1  }
0x17: {  	s4 =	simm.s32 $0x1BF5;
	[smem:$0x3FB4] =	sst s0  }
0x18: {  	s0 =	sld [smem:$0x3F97];
	_ =	swait.ge [sflag:s4], $0x0  }
0x19: {  	s7 =	sld [smem:$0x3F98]  }
0x1a: {  	s8 =	sadd.s32 $0xFFFFE003, lr  }
0x1b: {  	s9 =	sadd.s32 $0xFFFFFEF7, lr;
	s5 =	simm.s32 $0xFFFFFFFF;
	p2 =	slt.u32 s8, $0xFFFFF086  }
0x1c: {  	p1 =	slt.u32 s9, $0xF7A;
	s5 =	simm.s32 @!p2 $0x0  }
0x1d: {  	s5 =	simm.s32 @p1 $0x1;
	p0 =	seq.s32 s7, s2  }
0x1e: {  	s7 =	smul.u32 @!p0 $0xF7A, s2;
	p2 =	seq.s32 @!p0 s5, $0x0  }
0x1f: {  	s9 =	smul.u32 $0xF7A, s1;
	s8 =	simm.s32 @!p0 $0x1BF5;
	p2 =	por !p2, p0  }
0x20: {  	[sflag:s8] =	ssyncset.s32 @!p0 $0xFFFFF086;
	s6 =	sadd.s32 @!p0 s3, s7;
	s7 =	simm.s32 @!p0 $0x108  }
0x21: {  	s3 =	sadd.s32 s3, s9;
	s6 =	sadd.s32 @!p0 $0x88, s6;
	s7 =	simm.s32 @p2 $0x1082  }
0x22: {  	[simem:s7], [sflag:s8] =	dma.local @!p0 [hbm:s6], $0xF7A  }
0x23: {  	s9 =	sor.u32 $0xD0000000, s2;
	s6 =	simm.s32 $0x108;
	_ =	swait.ge @!p0 [sflag:s8], $0x0  }
0x24: {  	s3 =	sadd.s32 $0x88, s3;
	s6 =	simm.s32 @!p1 $0x1082;
	[sflag:s4] =	ssyncset.s32 $0xFFFFF086  }
0x25: {  	[simem:s6], [sflag:s4] =	dma.local [hbm:s3], $0xF7A  }
0x26: {  	[smem:$0x3F98] =	sst s1;
	(tag) =	ssettag s2;
	_ =	strace s9  }
0x27: {  	s1 =	sld [smem:$0x3FA8]  }
0x28: {  	s2 =	sld [smem:$0x3FA9]  }
0x29: {  	s4 =	sld [smem:$0x3FAB]  }
0x2a: {  	p0 =	seq.s32 s5, $0x0;
	s5 =	sld [smem:$0x3FAC]  }
0x2b: {  	s6 =	sld [smem:$0x3FAD]  }
0x2c: {  	s7 =	sld [smem:$0x3FAE]  }
0x2d: {  	s3 =	simm.s32 $0x108;
	s8 =	sld [smem:$0x3FAF]  }
0x2e: {  	s3 =	simm.s32 @!p0 $0x1082;
	s9 =	sld [smem:$0x3FB0]  }
0x2f: {  	lr =	sadd.s32 s0, s3;
	s0 =	sld [smem:$0x3FA7]  }
0x30: {  	s3 =	sld [smem:$0x3FAA]  }
0x31: {  	[smem:$0x3FB3] =	sst s10  }
0x32: {  	s10 =	sld [smem:$0x3FB1];
	_ =	sdelay $0x3  }
0x33: {  	p0 =	seq.s32 s10, $0x1;
	s10 =	sld [smem:$0x3FB3];
	_ =	sdelay $0x3  }
0x34: {  	[smem:$0x3FB3] =	sst s10  }
0x35: {  	s10 =	sld [smem:$0x3FB2];
	_ =	sdelay $0x3  }
0x36: {  	p1 =	seq.s32 s10, $0x1;
	s10 =	sld [smem:$0x3FB3];
	_ =	sdelay $0x3  }
0x37: {  	[smem:$0x3FB3] =	sst s10  }
0x38: {  	s10 =	sld [smem:$0x3FB4]  }
0x39: {  	_ = 	snop;
	(pc) =	sbr.ind lr, $3  }
0x3a: {  	_ = 	snop  }
0x3b: {  	_ = 	snop  }
0x3c: {  	p2 =	seq.s32 s10, $0x1;
	s10 =	sld [smem:$0x3FB3]  }
0x3d: {  	_ =	shalt  }
0x3e: {  	_ =	shalt  }
0x3f: {  	_ =	shalt  }
0x40: {  	_ =	shalt  }
0x41: {  	_ =	shalt  }
0x42: {  	_ =	shalt  }
0x43: {  	_ =	shalt  }
0x44: {  	_ =	shalt  }
0x45: {  	_ =	shalt  }
0x46: {  	_ =	shalt  }
0x47: {  	_ =	shalt  }
0x48: {  	_ =	shalt  }
0x49: {  	_ =	shalt  }
0x4a: {  	_ =	shalt  }
0x4b: {  	_ =	shalt  }
0x4c: {  	_ =	shalt  }
0x4d: {  	_ =	shalt  }
0x4e: {  	_ =	shalt  }
0x4f: {  	_ =	shalt  }
0x50: {  	_ =	shalt  }
0x51: {  	_ =	shalt  }
0x52: {  	_ =	shalt  }
0x53: {  	_ =	shalt  }
0x54: {  	_ =	shalt  }
0x55: {  	_ =	shalt  }
0x56: {  	_ =	shalt  }
0x57: {  	_ =	shalt  }
0x58: {  	_ =	shalt  }
0x59: {  	_ =	shalt  }
0x5a: {  	_ =	shalt  }
0x5b: {  	_ =	shalt  }
0x5c: {  	_ =	shalt  }
0x5d: {  	_ =	shalt  }
0x5e: {  	_ =	shalt  }
0x5f: {  	_ =	shalt  }
0x60: {  	_ =	shalt  }
0x61: {  	_ =	shalt  }
0x62: {  	_ =	shalt  }
0x63: {  	_ =	shalt  }
0x64: {  	_ =	shalt  }
0x65: {  	_ =	shalt  }
0x66: {  	_ =	shalt  }
0x67: {  	_ =	shalt  }
0x68: {  	_ =	shalt  }
0x69: {  	_ =	shalt  }
0x6a: {  	_ =	shalt  }
0x6b: {  	_ =	shalt  }
0x6c: {  	_ =	shalt  }
0x6d: {  	_ =	shalt  }
0x6e: {  	_ =	shalt  }
0x6f: {  	_ =	shalt  }
0x70: {  	_ =	shalt  }
0x71: {  	_ =	shalt  }
0x72: {  	_ =	shalt  }
0x73: {  	_ =	shalt  }
0x74: {  	_ =	shalt  }
0x75: {  	_ =	shalt  }
0x76: {  	_ =	shalt  }
0x77: {  	_ =	shalt  }
0x78: {  	_ =	shalt  }
0x79: {  	_ =	shalt  }
0x7a: {  	_ =	shalt  }
0x7b: {  	_ =	shalt  }
0x7c: {  	_ =	shalt  }
0x7d: {  	_ =	shalt  }
0x7e: {  	_ =	shalt  }
0x7f: {  	_ =	shalt  }
0x80: {  	_ =	shalt  }
0x81: {  	_ =	shalt  }
0x82: {  	_ =	shalt  }
0x83: {  	_ =	shalt  }
0x84: {  	_ =	shalt  }
0x85: {  	_ =	shalt  }
0x86: {  	_ =	shalt  }
0x87: {  	_ =	shalt  }
.Lfunc_end0:
.L_simem_size_0:
called_computation_lowered:
.L_overlay_start_0:
0x88: {  	s2 =	sld [smem:$0x3FD9]  }
0x89: {  	s3 =	sld [smem:$0x3FFE];
	_ =	sdelay $0x1  }
0x8a: {  	s1 =	srdreg.scid  }
0x8b: {  	s0 =	sand.u32 $0x1, s1  }
0x8c: {  	s17 =	sshll.u32 s0, $0xA;
	s2 =	sadd.s32 s3, s2  }
0x8d: {  	s2 =	sadd.s32 s2, s17  }
0x8e: {  	[smem:$0x3FBF] =	sst s2  }
0x8f: {  	_ = 	snop  }
0x90: {  	s2 =	sld [smem:$0x3FD0];
	(tm) =	ssettm $0x1  }
0x91: {  	s18 =	sld [smem:$0x3FFB];
	_ =	sdelay $0x3  }
0x92: {  	_ =	strace s18  }
0x93: {  	s3 =	sld [smem:$0x3FFC];
	_ =	sdelay $0x3  }
0x94: {  	_ =	strace s3  }
0x95: {  	s3 =	sld [smem:$0x3FFD];
	_ =	sdelay $0x3  }
0x96: {  	_ =	strace s3  }
0x97: {  	_ =	strace $0x8FFFFFFF  }
0x98: {  	s19 =	sld [smem:$0x3FDB];
	_ =	sdelay $0x1  }
0x99: {  	s4 =	simm.s32 $_scs_section_size  }
0x9a: {  	s5 =	simm.s32 $_size__tile_overlayer_lowered;
	s6 =	simm.s32 $_tile_overlayer_lowered  }
0x9b: {  	s22 =	simm.s32 $0x1BFF;
	s21 =	sshll.u32 s6, $0x1;
	s3 =	sadd.s32 s4, s19  }
0x9c: {  	s7 =	simm.s32 $0x0;
	s20 =	sshll.u32 s5, $0x1;
	s5 =	sadd.s32 s21, s3  }
0x9d: {  	[timem:s7], [sflag:s22] =	dma.local [hbm:s5], s20  }
0x9e: {  	_ =	swait.ge [sflag:s22], s20  }
0x9f: {  	s4 =	ssub.s32 $0x0, s20;
	[sflag:s22] =	ssyncset.done $0x0  }
0xa0: {  	[sflag:s22] =	ssyncadd.s32 s4;
	_ =	sdelay $0x1  }
0xa1: {  	s23 =	simm.s32 $0x1B8B  }
0xa2: {  	_ =	swait.ge [sflag:s23], $0x1  }
0xa3: {  	[sflag:s23] =	ssyncset.done $0x0  }
0xa4: {  	s25 =	simm.s32 $0x1B8E;
	s24 =	sld [smem:$0x3FFE];
	[sflag:s23] =	ssyncadd.s32 $0xFFFFFFFF  }
0xa5: {  	s26 =	simm.s32 $execute0_lowered;
	[smem:$0x3FD2] =	sst s25  }
0xa6: {  	s5 =	sshll.u32 s26, $0x1;
	_ =	strace $0x80000046;
	[dreg:$0x1] =	wrdreg $0xFFFFFFFF  }
0xa7: {  	s28 =	simm.s32 $_size_execute0_lowered;
	s3 =	sadd.s32 s3, s5;
	[dreg:$0x0] =	wrdreg $0x0  }
0xa8: {  	s5 =	sshll.u32 s28, $0x1;
	[dreg:$0x2] =	wrdreg s3  }
0xa9: {  	[dreg:$0x3] =	wrdreg s5  }
0xaa: {  	[dreg:$0x4] =	wrdreg $0xC0  }
0xab: {  	_ =	task [dreg:s7], $0x5FFFF  }
0xac: {  	[dreg:$0x1] =	wrdreg $0xFFFFFFFF  }
0xad: {  	[dreg:$0x0] =	wrdreg $0x60  }
0xae: {  	[dreg:$0x2] =	wrdreg s24  }
0xaf: {  	[dreg:$0x3] =	wrdreg s2  }
0xb0: {  	[dreg:$0x4] =	wrdreg $0x9  }
0xb1: {  	_ =	task.clear_ibuf [dreg:s7], $0x5FFFF;
	_ =	strace $0x90000046  }
0xb2: {  	s29 =	simm.s32 $0x9;
	_ =	strace $0x80000048  }
0xb3: {  	_ =	swait.ge [sflag:s29], $0x1  }
0xb4: {  	[sflag:s29] =	ssyncadd.s32 $0xFFFFFFFF  }
0xb5: {  	_ =	strace $0x90000048  }
0xb6: {  	_ =	sfence  }
0xb7: {  	s30 =	sld [smem:$0x0];
	_ =	sdelay $0x2  }
0xb8: {  	s31 =	sshll.u32 s1, $0xD;
	s1 =	sshrl.u32 s1, $0x2  }
0xb9: {  	s3 =	sand.u32 $0x4000, s31;
	s1 =	sadd.s32 s1, s30  }
0xba: {  	s0 =	sor.u32 s3, s0;
	s1 =	sshll.u32 s1, $0x11  }
0xbb: {  	s0 =	sor.u32 s1, s0  }
0xbc: {  	s0 =	sadd.s32 $0x8F2B, s0  }
0xbd: {  	[sflag:s0] =	ssyncadd.remote.s32 $0x1  }
0xbe: {  	_ =	sfence.sel $0xFFFF  }
0xbf: {  	[dreg:$0x0] =	wrdreg $0xFFFFFFFF;
	(pc) =	sbr.abs _section_cstart, $3  }
0xc0: {  	[dreg:$0x1] =	wrdreg $0xFFFFFFFF  }
0xc1: {  	_ =	task.clear_ibuf [dreg:s7], $0x2FFFF;
	_ =	strace $0x9FFFFFFF  }
0xc2: {  	(tm) =	ssettm $0x7FFFFFFF  }
0xc3: {  	_ =	shalt  }
tec
execute0_lowered:
.L_overlay_start_1:
0x0: {  	(tag) =	ssettag $0x1  }
0x1: {  	s0 =	rddreg [dreg:$0x0]  }
0x2: {  	s1 =	rddreg [dreg:$0x1];
	s2 =	simm.s32 $0x0;
	s3 =	srdreg.scid  }
0x3: {  	s5 =	stileid.u32;
	s12 =	simm.s32 $0xA00;
	s13 =	simm.s32 $0x1400  }
0x4: {  	s16 =	simm.s32 $0x50;
	s17 =	simm.s32 $0x1E00;
	s18 =	simm.s32 $0x2F80  }
0x5: {  	s19 =	simm.s32 $0x4100;
	s20 =	simm.s32 $0x1;
	s28 =	simm.s32 $0x7580  }
0x6: {  	s29 =	simm.s32 $0x8700;
	s30 =	simm.s32 $0x4;
	s31 =	simm.s32 $0x5  }
0x7: {  	s14 =	simm.s32 $0x0;
	s4 =	sand.u32 $0x1, s3;
	s21 =	sshll.u32 s5, $0x1  }
0x8: {  	[smem:$0x7FF] =	sst s2;
	s5 =	sadd.s32 $0x107600, s0;
	s6 =	sor.u32 s4, s21  }
0x9: {  	s3 =	sadd.s32 $0x1E00, s0;
	_ =	strace $0x80000047;
	s7 =	smul.u32 $0x140, s6  }
0xa: {  	s8 =	ssub.s32 $0x2, s4;
	s4 =	sadd.s32 $0xACE00, s0;
	s10 =	smul.u32 $0x6000, s6  }
0xb: {  	s21 =	simm.s32 $0x2;
	s9 =	sshrl.u32 s8, $0x1;
	s1 =	sadd.s32 s1, s7  }
0xc: {  	s22 =	ssub.s32 s8, s9;
	s24 =	sadd.s32 s5, s10;
	[dreg:$0x5] =	wrdreg s1  }
0xd: {  	s11 =	sadd.s32 s7, s0;
	s0 =	smax.u32 s22, $0x1;
	[dreg:$0x4] =	wrdreg s24  }
0xe: {  	s6 =	sshll.u32 s6, $0x6;
	s23 =	sadd.s32 $0x104E00, s11;
	[dreg:$0x8] =	wrdreg s0  }
0xf: {  	s22 =	simm.s32 $0x3;
	s25 =	sadd.s32 $0x102600, s11;
	[dreg:$0x3] =	wrdreg s23  }
0x10: {  	s26 =	sadd.s32 $0x300, s24;
	s0 =	simm.s32 $0x6;
	[dreg:$0x6] =	wrdreg s25  }
0x11: {  	s1 =	simm.s32 $0x9F00;
	s24 =	simm.s32 $0x7;
	[dreg:$0x7] =	wrdreg s26  }
0x12: {  	v0 =	vimm.f32 $0.0e+00;
	s23 =	simm.s32 $0x5280;
	s25 =	simm.s32 $0x6400;
	s26 =	simm.s32 $0x8  }
.LBB2_1:
0x13: {  	s7 =	rddreg [dreg:$0x5];
	s9 =	simm.s32 $0x9  }
0x14: {  	[tilespmem:s2], [sflag:$0x9] =	stream.linear.gather [hbm4b:s7+s2], $0xA00, $0x38;
	[tilespmem:$0xB700] =	vst v63  }
0x15: {  	_ =	swait.ge [sflag:s9], $0xA00  }
0x16: {  	[sflag:s9] =	ssyncset.done $0x0  }
0x17: {  	s15 =	rddreg [dreg:$0x3];
	[sflag:s9] =	ssyncadd.s32 $0xFFFFF600  }
0x18: {  	[tilespmem:s12], [sflag:$0x9] =	stream.linear.gather [hbm4b:s15+s2], $0xA00, $0x38;
	[tilespmem:$0xB700] =	vst v63  }
0x19: {  	_ =	swait.ge [sflag:s9], $0xA00  }
0x1a: {  	s10 =	simm.s32 $0x0;
	[sflag:s9] =	ssyncset.done $0x0  }
0x1b: {  	s7 =	smul.u32 $0x3000, s10;
	s8 =	rddreg [dreg:$0x6];
	[sflag:s9] =	ssyncadd.s32 $0xFFFFF600  }
0x1c: {  	[tilespmem:s13], [sflag:$0x9] =	stream.linear.gather [hbm4b:s8+s2], $0xA00, $0x38;
	[tilespmem:$0xB700] =	vst v63  }
0x1d: {  	_ =	swait.ge [sflag:s9], $0xA00  }
0x1e: {  	s7 =	sshra.s32 s7, $0x2;
	s8 =	sand.u32 $0x380, s2;
	[sflag:s9] =	ssyncset.done $0x0  }
0x1f: {  	s7 =	sor.u32 s8, s7;
	[sflag:s9] =	ssyncadd.s32 $0xFFFFF600  }
0x20: {  	[tilespmem:s7+$0x8F68] =	vst v0  }
0x21: {  	[tilespmem:s7+$0xA768] =	vst v0  }
0x22: {  	[tilespmem:s7+$0x8F18] =	vst v0  }
0x23: {  	[tilespmem:s7+$0x8F28] =	vst v0  }
0x24: {  	[tilespmem:s7+$0x8F38] =	vst v0  }
0x25: {  	[tilespmem:s7+$0x8F48] =	vst v0  }
0x26: {  	[tilespmem:s7+$0x8F58] =	vst v0  }
0x27: {  	[tilespmem:s7+$0xA718] =	vst v0  }
0x28: {  	[tilespmem:s7+$0xA728] =	vst v0  }
0x29: {  	s11 =	simm.s32 $0x0;
	[tilespmem:s7+$0xA738] =	vst v0  }
0x2a: {  	s15 =	smul.u32 $0x3000, s11;
	[tilespmem:s7+$0xA748] =	vst v0  }
0x2b: {  	s8 =	simm.s32 $0x80;
	[tilespmem:s7+$0x8F70] =	vst v0  }
0x2c: {  	s11 =	sshra.s32 s15, $0x2;
	s10 =	sand.u32 $0x380, s8;
	s9 =	simm.s32 $0x2;
	[tilespmem:s7+$0xA770] =	vst v0  }
.LBB2_2:
0x2d: {  	p0 =	sne.s32 s9, $0xF;
	[tilespmem:s7+$0xA758] =	vst v0;
	s7 =	sor.u32 s10, s11  }
0x2e: {  	[tilespmem:s7+$0x8F68] =	vst v0  }
0x2f: {  	[tilespmem:s7+$0x8F70] =	vst v0  }
0x30: {  	[tilespmem:s7+$0xA768] =	vst v0  }
0x31: {  	[tilespmem:s7+$0xA770] =	vst v0  }
0x32: {  	[tilespmem:s7+$0x8F18] =	vst v0  }
0x33: {  	[tilespmem:s7+$0x8F28] =	vst v0  }
0x34: {  	[tilespmem:s7+$0x8F38] =	vst v0  }
0x35: {  	[tilespmem:s7+$0x8F48] =	vst v0  }
.Ltmp0:
0x36: {  	[tilespmem:s7+$0x8F58] =	vst v0;
	(pc) =	sbr.rel @p0 .LBB2_2-.Ltmp0, $4  }
0x37: {  	s10 =	sshrl.u32 s9, $0x3;
	[tilespmem:s7+$0xA718] =	vst v0  }
0x38: {  	s11 =	smul.u32 $0x3000, s10;
	[tilespmem:s7+$0xA728] =	vst v0  }
0x39: {  	s8 =	sadd.s32 $0x80, s8;
	[tilespmem:s7+$0xA738] =	vst v0  }
0x3a: {  	s9 =	sadd.s32 $0x1, s9;
	s10 =	sand.u32 $0x380, s8;
	s11 =	sshra.s32 s11, $0x2;
	[tilespmem:s7+$0xA748] =	vst v0  }
0x3b: {  	s8 =	sor.u32 s10, s11;
	[tilespmem:s7+$0xA758] =	vst v0  }
0x3c: {  	[tilespmem:s8+$0x8F68] =	vst v0  }
0x3d: {  	[tilespmem:s8+$0xA768] =	vst v0  }
0x3e: {  	[tilespmem:s8+$0x8F18] =	vst v0  }
0x3f: {  	[tilespmem:s8+$0x8F28] =	vst v0  }
0x40: {  	[tilespmem:s8+$0x8F38] =	vst v0  }
0x41: {  	[tilespmem:s8+$0x8F48] =	vst v0  }
0x42: {  	[tilespmem:s8+$0x8F58] =	vst v0  }
0x43: {  	[tilespmem:s8+$0xA718] =	vst v0  }
0x44: {  	[tilespmem:s8+$0xA728] =	vst v0  }
0x45: {  	[tilespmem:s8+$0xA738] =	vst v0  }
0x46: {  	[tilespmem:s8+$0xA748] =	vst v0  }
0x47: {  	[tilespmem:s8+$0xA758] =	vst v0  }
0x48: {  	[tilespmem:s8+$0x8F70] =	vst v0  }
0x49: {  	s7 =	simm.s32 $0x0;
	[tilespmem:s8+$0xA770] =	vst v0  }
0x4a: {  	[tilespmem:s17], [sflag:$0x1] =	stream.indirect.gather [hbm4b:s3+s16], $0x38, s7, s16, $0xb8;
	[tilespmem:$0xB700] =	vst v63  }
0x4b: {  	_ = 	snop  }
0x4c: {  	[tilespmem:s18], [sflag:$0x2] =	stream.indirect.gather [hbm4b:s4+s16], $0x38, s12, s16, $0xb8;
	[tilespmem:$0xB700] =	vst v63  }
0x4d: {  	_ = 	snop  }
0x4e: {  	[tilespmem:s19], [sflag:$0x3] =	stream.indirect.gather [hbm4b:s4+s16], $0x38, s13, s16, $0xb8;
	[tilespmem:$0xB700] =	vst v63  }
0x4f: {  	_ =	swait.ge [sflag:s20], $0x1180  }
0x50: {  	[sflag:s20] =	ssyncset.done $0x0  }
0x51: {  	[sflag:s20] =	ssyncadd.s32 $0xFFFFEE80  }
0x52: {  	_ =	swait.ge [sflag:s21], $0x1180  }
0x53: {  	[sflag:s21] =	ssyncset.done $0x0  }
0x54: {  	[sflag:s21] =	ssyncadd.s32 $0xFFFFEE80  }
0x55: {  	_ =	swait.ge [sflag:s22], $0x1180  }
0x56: {  	[sflag:s22] =	ssyncset.done $0x0  }
0x57: {  	[sflag:s22] =	ssyncadd.s32 $0xFFFFEE80  }
0x58: {  	[tilespmem:s23], [sflag:$0x4] =	stream.indirect.gather [hbm4b:s3+s16], $0x38, s16, s16, $0xb8;
	[tilespmem:$0xB700] =	vst v63  }
0x59: {  	s11 =	simm.s32 $0xA50  }
0x5a: {  	[tilespmem:s25], [sflag:$0x5] =	stream.indirect.gather [hbm4b:s4+s16], $0x38, s11, s16, $0xb8;
	[tilespmem:$0xB700] =	vst v63  }
0x5b: {  	s9 =	simm.s32 $0x3010;
	s12 =	simm.s32 $0x1450  }
0x5c: {  	[tilespmem:s28], [sflag:$0x6] =	stream.indirect.gather [hbm4b:s4+s16], $0x38, s12, s16, $0xb8;
	[tilespmem:$0xB700] =	vst v63  }
0x5d: {  	v1 =	vld [tilespmem:s9+$0xFFFFEDF0]  }
0x5e: {  	v2 =	vld [tilespmem:s9+$0xFFFFFF70];
	_ =	sdelay $0x1  }
0x5f: {  	v3 =	vld [tilespmem:s9+$0x10F0];
	_ =	sdelay $0x1  }
0x60: {  	s13 =	simm.s32 $0x0  }
0x61: {  	s8 =	smul.u32 $0x3000, s13;
	v1 =	vadd.f32 v2, v1;
	_ =	sdelay $0x1  }
0x62: {  	s15 =	sand.u32 $0x380, s7;
	s8 =	sshra.s32 s8, $0x2;
	v1 =	vadd.f32 v3, v1  }
0x63: {  	s10 =	sor.u32 s15, s8  }
0x64: {  	[tilespmem:s10+$0x8700] =	vst v1  }
0x65: {  	v1 =	vld [tilespmem:s9+$0xFFFFEE00]  }
0x66: {  	v2 =	vld [tilespmem:s9+$0xFFFFFF80];
	_ =	sdelay $0x1  }
0x67: {  	v3 =	vld [tilespmem:s9+$0x1100];
	_ =	sdelay $0x2  }
0x68: {  	v1 =	vadd.f32 v2, v1;
	_ =	sdelay $0x1  }
0x69: {  	v1 =	vadd.f32 v3, v1;
	_ =	sdelay $0x1  }
0x6a: {  	[tilespmem:s10+$0x8710] =	vst v1  }
0x6b: {  	v1 =	vld [tilespmem:s9+$0xFFFFEE10]  }
0x6c: {  	v2 =	vld [tilespmem:s9+$0xFFFFFF90];
	_ =	sdelay $0x1  }
0x6d: {  	v3 =	vld [tilespmem:s9+$0x1110];
	_ =	sdelay $0x2  }
0x6e: {  	v1 =	vadd.f32 v2, v1;
	_ =	sdelay $0x1  }
0x6f: {  	v1 =	vadd.f32 v3, v1;
	_ =	sdelay $0x1  }
0x70: {  	[tilespmem:s10+$0x8720] =	vst v1  }
0x71: {  	v1 =	vld [tilespmem:s9+$0xFFFFEE18]  }
0x72: {  	v2 =	vld [tilespmem:s9+$0xFFFFFF98];
	_ =	sdelay $0x1  }
0x73: {  	v3 =	vld [tilespmem:s9+$0x1118];
	_ =	sdelay $0x2  }
0x74: {  	v1 =	vadd.f32 v2, v1;
	_ =	sdelay $0x1  }
0x75: {  	v1 =	vadd.f32 v3, v1;
	_ =	sdelay $0x1  }
0x76: {  	[tilespmem:s10+$0x8728] =	vst v1  }
0x77: {  	v1 =	vld [tilespmem:s9+$0xFFFFEE28]  }
0x78: {  	v2 =	vld [tilespmem:s9+$0xFFFFFFA8];
	_ =	sdelay $0x1  }
0x79: {  	v3 =	vld [tilespmem:s9+$0x1128];
	_ =	sdelay $0x2  }
0x7a: {  	v1 =	vadd.f32 v2, v1;
	_ =	sdelay $0x1  }
0x7b: {  	v1 =	vadd.f32 v3, v1;
	_ =	sdelay $0x1  }
0x7c: {  	[tilespmem:s10+$0x8738] =	vst v1  }
0x7d: {  	v1 =	vld [tilespmem:s9+$0xFFFFEE38]  }
0x7e: {  	v2 =	vld [tilespmem:s9+$0xFFFFFFB8];
	_ =	sdelay $0x1  }
0x7f: {  	v3 =	vld [tilespmem:s9+$0x1138];
	_ =	sdelay $0x2  }
0x80: {  	v1 =	vadd.f32 v2, v1;
	_ =	sdelay $0x1  }
0x81: {  	v1 =	vadd.f32 v3, v1;
	_ =	sdelay $0x1  }
0x82: {  	[tilespmem:s10+$0x8748] =	vst v1  }
0x83: {  	v1 =	vld [tilespmem:s9+$0xFFFFEE48]  }
0x84: {  	v2 =	vld [tilespmem:s9+$0xFFFFFFC8];
	_ =	sdelay $0x1  }
0x85: {  	v3 =	vld [tilespmem:s9+$0x1148];
	_ =	sdelay $0x2  }
0x86: {  	v1 =	vadd.f32 v2, v1;
	_ =	sdelay $0x1  }
0x87: {  	v1 =	vadd.f32 v3, v1;
	_ =	sdelay $0x1  }
0x88: {  	[tilespmem:s10+$0x8758] =	vst v1  }
0x89: {  	v1 =	vld [tilespmem:s9+$0xFFFFEE50]  }
0x8a: {  	v2 =	vld [tilespmem:s9+$0xFFFFFFD0];
	_ =	sdelay $0x1  }
0x8b: {  	v3 =	vld [tilespmem:s9+$0x1150];
	_ =	sdelay $0x2  }
0x8c: {  	v1 =	vadd.f32 v2, v1;
	_ =	sdelay $0x1  }
0x8d: {  	v1 =	vadd.f32 v3, v1;
	_ =	sdelay $0x1  }
0x8e: {  	[tilespmem:s10+$0x8760] =	vst v1  }
0x8f: {  	v1 =	vld [tilespmem:s9+$0xFFFFEE60]  }
0x90: {  	v2 =	vld [tilespmem:s9+$0xFFFFFFE0];
	_ =	sdelay $0x1  }
0x91: {  	v3 =	vld [tilespmem:s9+$0x1160];
	_ =	sdelay $0x2  }
0x92: {  	v1 =	vadd.f32 v2, v1;
	_ =	sdelay $0x1  }
0x93: {  	v1 =	vadd.f32 v3, v1;
	_ =	sdelay $0x1  }
0x94: {  	[tilespmem:s10+$0x8770] =	vst v1  }
0x95: {  	v1 =	vld [tilespmem:s9+$0xFFFFEE70]  }
0x96: {  	v2 =	vld [tilespmem:s9+$0xFFFFFFF0];
	_ =	sdelay $0x1  }
0x97: {  	v3 =	vld [tilespmem:s9+$0x1170];
	_ =	sdelay $0x2  }
0x98: {  	v1 =	vadd.f32 v2, v1;
	_ =	sdelay $0x1  }
0x99: {  	v1 =	vadd.f32 v3, v1;
	_ =	sdelay $0x1  }
0x9a: {  	[tilespmem:s10+$0x8B00] =	vst v1  }
0x9b: {  	v1 =	vld [tilespmem:s9+$0xFFFFEE80]  }
0x9c: {  	v2 =	vld [tilespmem:s9+$0x0];
	_ =	sdelay $0x1  }
0x9d: {  	v3 =	vld [tilespmem:s9+$0x1180];
	_ =	sdelay $0x2  }
0x9e: {  	v1 =	vadd.f32 v2, v1;
	_ =	sdelay $0x1  }
0x9f: {  	v1 =	vadd.f32 v3, v1;
	_ =	sdelay $0x1  }
0xa0: {  	[tilespmem:s10+$0x8B10] =	vst v1  }
0xa1: {  	v1 =	vld [tilespmem:s9+$0xFFFFEE88]  }
0xa2: {  	v2 =	vld [tilespmem:s9+$0x8];
	_ =	sdelay $0x1  }
0xa3: {  	v3 =	vld [tilespmem:s9+$0x1188];
	_ =	sdelay $0x2  }
0xa4: {  	v1 =	vadd.f32 v2, v1;
	_ =	sdelay $0x1  }
0xa5: {  	v1 =	vadd.f32 v3, v1;
	_ =	sdelay $0x1  }
0xa6: {  	[tilespmem:s10+$0x8B18] =	vst v1  }
0xa7: {  	v1 =	vld [tilespmem:s9+$0xFFFFEE98]  }
0xa8: {  	v2 =	vld [tilespmem:s9+$0x18];
	_ =	sdelay $0x1  }
0xa9: {  	v3 =	vld [tilespmem:s9+$0x1198];
	_ =	sdelay $0x2  }
0xaa: {  	v1 =	vadd.f32 v2, v1;
	_ =	sdelay $0x1  }
0xab: {  	v1 =	vadd.f32 v3, v1;
	_ =	sdelay $0x1  }
0xac: {  	[tilespmem:s10+$0x8B28] =	vst v1  }
0xad: {  	v1 =	vld [tilespmem:s9+$0xFFFFEEA8]  }
0xae: {  	v2 =	vld [tilespmem:s9+$0x28];
	_ =	sdelay $0x1  }
0xaf: {  	v3 =	vld [tilespmem:s9+$0x11A8];
	_ =	sdelay $0x2  }
0xb0: {  	v1 =	vadd.f32 v2, v1;
	_ =	sdelay $0x1  }
0xb1: {  	v1 =	vadd.f32 v3, v1;
	_ =	sdelay $0x1  }
0xb2: {  	[tilespmem:s10+$0x8B38] =	vst v1  }
0xb3: {  	v1 =	vld [tilespmem:s9+$0xFFFFEEB8]  }
0xb4: {  	v2 =	vld [tilespmem:s9+$0x38];
	_ =	sdelay $0x1  }
0xb5: {  	v3 =	vld [tilespmem:s9+$0x11B8];
	_ =	sdelay $0x2  }
0xb6: {  	v1 =	vadd.f32 v2, v1;
	_ =	sdelay $0x1  }
0xb7: {  	v1 =	vadd.f32 v3, v1;
	_ =	sdelay $0x1  }
0xb8: {  	[tilespmem:s10+$0x8B48] =	vst v1  }
0xb9: {  	v1 =	vld [tilespmem:s9+$0xFFFFEEC0]  }
0xba: {  	v2 =	vld [tilespmem:s9+$0x40];
	_ =	sdelay $0x1  }
0xbb: {  	v3 =	vld [tilespmem:s9+$0x11C0];
	_ =	sdelay $0x2  }
0xbc: {  	v1 =	vadd.f32 v2, v1;
	_ =	sdelay $0x1  }
0xbd: {  	v1 =	vadd.f32 v3, v1;
	_ =	sdelay $0x1  }
0xbe: {  	[tilespmem:s10+$0x8B50] =	vst v1  }
0xbf: {  	v1 =	vld [tilespmem:s9+$0xFFFFEED0]  }
0xc0: {  	v2 =	vld [tilespmem:s9+$0x50];
	_ =	sdelay $0x1  }
0xc1: {  	v3 =	vld [tilespmem:s9+$0x11D0];
	_ =	sdelay $0x2  }
0xc2: {  	v1 =	vadd.f32 v2, v1;
	_ =	sdelay $0x1  }
0xc3: {  	v1 =	vadd.f32 v3, v1;
	_ =	sdelay $0x1  }
0xc4: {  	[tilespmem:s10+$0x8B60] =	vst v1  }
0xc5: {  	v1 =	vld [tilespmem:s9+$0xFFFFEEE0]  }
0xc6: {  	v2 =	vld [tilespmem:s9+$0x60];
	_ =	sdelay $0x1  }
0xc7: {  	v3 =	vld [tilespmem:s9+$0x11E0];
	_ =	sdelay $0x2  }
0xc8: {  	v1 =	vadd.f32 v2, v1;
	_ =	sdelay $0x1  }
0xc9: {  	v1 =	vadd.f32 v3, v1;
	_ =	sdelay $0x1  }
0xca: {  	[tilespmem:s10+$0x8B70] =	vst v1  }
0xcb: {  	s11 =	simm.s32 $0x1;
	s12 =	simm.s32 $0x3010;
	v1 =	vld [tilespmem:s9+$0xFFFFEEF0]  }
.LBB2_4:
0xcc: {  	p0 =	sne.s32 s11, $0xF;
	v2 =	vld [tilespmem:s9+$0x70];
	s7 =	sadd.s32 $0x80, s7;
	s12 =	sadd.s32 $0x118, s12  }
0xcd: {  	s8 =	smov.u32 s11;
	s11 =	sadd.s32 $0x1, s11;
	v3 =	vld [tilespmem:s9+$0x11F0];
	_ =	sdelay $0x3  }
0xce: {  	v1 =	vadd.f32 v2, v1;
	_ =	sdelay $0x1  }
0xcf: {  	v1 =	vadd.f32 v3, v1;
	_ =	sdelay $0x1  }
0xd0: {  	[tilespmem:s10+$0x8F00] =	vst v1  }
0xd1: {  	v1 =	vld [tilespmem:s9+$0xFFFFEEF8]  }
0xd2: {  	v2 =	vld [tilespmem:s9+$0x78]  }
0xd3: {  	v3 =	vld [tilespmem:s9+$0x11F8];
	s9 =	smov.u32 s12;
	_ =	sdelay $0x3  }
0xd4: {  	v1 =	vadd.f32 v2, v1;
	_ =	sdelay $0x1  }
0xd5: {  	v1 =	vadd.f32 v3, v1;
	_ =	sdelay $0x1  }
0xd6: {  	[tilespmem:s10+$0x8F08] =	vst v1  }
0xd7: {  	v1 =	vld [tilespmem:s12+$0xFFFFEDF0]  }
0xd8: {  	v2 =	vld [tilespmem:s12+$0xFFFFFF70]  }
0xd9: {  	v3 =	vld [tilespmem:s12+$0x10F0];
	_ =	sdelay $0x2  }
0xda: {  	s8 =	sshrl.u32 s8, $0x3  }
0xdb: {  	s8 =	smul.u32 $0x3000, s8;
	v1 =	vadd.f32 v2, v1;
	_ =	sdelay $0x1  }
0xdc: {  	s8 =	sshra.s32 s8, $0x2;
	s10 =	sand.u32 $0x380, s7;
	v1 =	vadd.f32 v3, v1  }
0xdd: {  	s10 =	sor.u32 s10, s8  }
0xde: {  	[tilespmem:s10+$0x8700] =	vst v1  }
0xdf: {  	v1 =	vld [tilespmem:s12+$0xFFFFEE00]  }
0xe0: {  	v2 =	vld [tilespmem:s12+$0xFFFFFF80];
	_ =	sdelay $0x1  }
0xe1: {  	v3 =	vld [tilespmem:s12+$0x1100];
	_ =	sdelay $0x2  }
0xe2: {  	v1 =	vadd.f32 v2, v1;
	_ =	sdelay $0x1  }
0xe3: {  	v1 =	vadd.f32 v3, v1;
	_ =	sdelay $0x1  }
0xe4: {  	[tilespmem:s10+$0x8710] =	vst v1  }
0xe5: {  	v1 =	vld [tilespmem:s12+$0xFFFFEE10]  }
0xe6: {  	v2 =	vld [tilespmem:s12+$0xFFFFFF90];
	_ =	sdelay $0x1  }
0xe7: {  	v3 =	vld [tilespmem:s12+$0x1110];
	_ =	sdelay $0x2  }
0xe8: {  	v1 =	vadd.f32 v2, v1;
	_ =	sdelay $0x1  }
0xe9: {  	v1 =	vadd.f32 v3, v1;
	_ =	sdelay $0x1  }
0xea: {  	[tilespmem:s10+$0x8720] =	vst v1  }
0xeb: {  	v1 =	vld [tilespmem:s12+$0xFFFFEE18]  }
0xec: {  	v2 =	vld [tilespmem:s12+$0xFFFFFF98];
	_ =	sdelay $0x1  }
0xed: {  	v3 =	vld [tilespmem:s12+$0x1118];
	_ =	sdelay $0x2  }
0xee: {  	v1 =	vadd.f32 v2, v1;
	_ =	sdelay $0x1  }
0xef: {  	v1 =	vadd.f32 v3, v1;
	_ =	sdelay $0x1  }
0xf0: {  	[tilespmem:s10+$0x8728] =	vst v1  }
0xf1: {  	v1 =	vld [tilespmem:s12+$0xFFFFEE28]  }
0xf2: {  	v2 =	vld [tilespmem:s12+$0xFFFFFFA8];
	_ =	sdelay $0x1  }
0xf3: {  	v3 =	vld [tilespmem:s12+$0x1128];
	_ =	sdelay $0x2  }
0xf4: {  	v1 =	vadd.f32 v2, v1;
	_ =	sdelay $0x1  }
0xf5: {  	v1 =	vadd.f32 v3, v1;
	_ =	sdelay $0x1  }
0xf6: {  	[tilespmem:s10+$0x8738] =	vst v1  }
0xf7: {  	v1 =	vld [tilespmem:s12+$0xFFFFEE38]  }
0xf8: {  	v2 =	vld [tilespmem:s12+$0xFFFFFFB8];
	_ =	sdelay $0x1  }
0xf9: {  	v3 =	vld [tilespmem:s12+$0x1138];
	_ =	sdelay $0x2  }
0xfa: {  	v1 =	vadd.f32 v2, v1;
	_ =	sdelay $0x1  }
0xfb: {  	v1 =	vadd.f32 v3, v1;
	_ =	sdelay $0x1  }
0xfc: {  	[tilespmem:s10+$0x8748] =	vst v1  }
0xfd: {  	v1 =	vld [tilespmem:s12+$0xFFFFEE48]  }
0xfe: {  	v2 =	vld [tilespmem:s12+$0xFFFFFFC8];
	_ =	sdelay $0x1  }
0xff: {  	v3 =	vld [tilespmem:s12+$0x1148];
	_ =	sdelay $0x2  }
0x100: {  	v1 =	vadd.f32 v2, v1;
	_ =	sdelay $0x1  }
0x101: {  	v1 =	vadd.f32 v3, v1;
	_ =	sdelay $0x1  }
0x102: {  	[tilespmem:s10+$0x8758] =	vst v1  }
0x103: {  	v1 =	vld [tilespmem:s12+$0xFFFFEE50]  }
0x104: {  	v2 =	vld [tilespmem:s12+$0xFFFFFFD0]  }
0x105: {  	v3 =	vld [tilespmem:s12+$0x1150];
	_ =	sdelay $0x3  }
0x106: {  	v1 =	vadd.f32 v2, v1;
	_ =	sdelay $0x1  }
0x107: {  	v1 =	vadd.f32 v3, v1;
	_ =	sdelay $0x1  }
0x108: {  	[tilespmem:s10+$0x8760] =	vst v1  }
0x109: {  	v1 =	vld [tilespmem:s12+$0xFFFFEE60]  }
0x10a: {  	v2 =	vld [tilespmem:s12+$0xFFFFFFE0];
	_ =	sdelay $0x1  }
0x10b: {  	v3 =	vld [tilespmem:s12+$0x1160];
	_ =	sdelay $0x2  }
0x10c: {  	v1 =	vadd.f32 v2, v1;
	_ =	sdelay $0x1  }
0x10d: {  	v1 =	vadd.f32 v3, v1;
	_ =	sdelay $0x1  }
0x10e: {  	[tilespmem:s10+$0x8770] =	vst v1  }
0x10f: {  	v1 =	vld [tilespmem:s12+$0xFFFFEE70]  }
0x110: {  	v2 =	vld [tilespmem:s12+$0xFFFFFFF0];
	_ =	sdelay $0x1  }
0x111: {  	v3 =	vld [tilespmem:s12+$0x1170];
	_ =	sdelay $0x2  }
0x112: {  	v1 =	vadd.f32 v2, v1;
	_ =	sdelay $0x1  }
0x113: {  	v1 =	vadd.f32 v3, v1;
	_ =	sdelay $0x1  }
0x114: {  	[tilespmem:s10+$0x8B00] =	vst v1  }
0x115: {  	v1 =	vld [tilespmem:s12+$0xFFFFEE80]  }
0x116: {  	v2 =	vld [tilespmem:s12+$0x0]  }
0x117: {  	v3 =	vld [tilespmem:s12+$0x1180];
	_ =	sdelay $0x3  }
0x118: {  	v1 =	vadd.f32 v2, v1;
	_ =	sdelay $0x1  }
0x119: {  	v1 =	vadd.f32 v3, v1;
	_ =	sdelay $0x1  }
0x11a: {  	[tilespmem:s10+$0x8B10] =	vst v1  }
0x11b: {  	v1 =	vld [tilespmem:s12+$0xFFFFEE88]  }
0x11c: {  	v2 =	vld [tilespmem:s12+$0x8]  }
0x11d: {  	v3 =	vld [tilespmem:s12+$0x1188];
	_ =	sdelay $0x3  }
0x11e: {  	v1 =	vadd.f32 v2, v1;
	_ =	sdelay $0x1  }
0x11f: {  	v1 =	vadd.f32 v3, v1;
	_ =	sdelay $0x1  }
0x120: {  	[tilespmem:s10+$0x8B18] =	vst v1  }
0x121: {  	v1 =	vld [tilespmem:s12+$0xFFFFEE98]  }
0x122: {  	v2 =	vld [tilespmem:s12+$0x18]  }
0x123: {  	v3 =	vld [tilespmem:s12+$0x1198];
	_ =	sdelay $0x3  }
0x124: {  	v1 =	vadd.f32 v2, v1;
	_ =	sdelay $0x1  }
0x125: {  	v1 =	vadd.f32 v3, v1;
	_ =	sdelay $0x1  }
0x126: {  	[tilespmem:s10+$0x8B28] =	vst v1  }
0x127: {  	v1 =	vld [tilespmem:s12+$0xFFFFEEA8]  }
0x128: {  	v2 =	vld [tilespmem:s12+$0x28]  }
0x129: {  	v3 =	vld [tilespmem:s12+$0x11A8];
	_ =	sdelay $0x3  }
0x12a: {  	v1 =	vadd.f32 v2, v1;
	_ =	sdelay $0x1  }
0x12b: {  	v1 =	vadd.f32 v3, v1;
	_ =	sdelay $0x1  }
0x12c: {  	[tilespmem:s10+$0x8B38] =	vst v1  }
0x12d: {  	v1 =	vld [tilespmem:s12+$0xFFFFEEB8]  }
0x12e: {  	v2 =	vld [tilespmem:s12+$0x38]  }
0x12f: {  	v3 =	vld [tilespmem:s12+$0x11B8];
	_ =	sdelay $0x3  }
0x130: {  	v1 =	vadd.f32 v2, v1;
	_ =	sdelay $0x1  }
0x131: {  	v1 =	vadd.f32 v3, v1;
	_ =	sdelay $0x1  }
0x132: {  	[tilespmem:s10+$0x8B48] =	vst v1  }
0x133: {  	v1 =	vld [tilespmem:s12+$0xFFFFEEC0]  }
0x134: {  	v2 =	vld [tilespmem:s12+$0x40]  }
0x135: {  	v3 =	vld [tilespmem:s12+$0x11C0];
	_ =	sdelay $0x3  }
0x136: {  	v1 =	vadd.f32 v2, v1;
	_ =	sdelay $0x1  }
0x137: {  	v1 =	vadd.f32 v3, v1;
	_ =	sdelay $0x1  }
0x138: {  	[tilespmem:s10+$0x8B50] =	vst v1  }
0x139: {  	v1 =	vld [tilespmem:s12+$0xFFFFEED0]  }
0x13a: {  	v2 =	vld [tilespmem:s12+$0x50]  }
0x13b: {  	v3 =	vld [tilespmem:s12+$0x11D0];
	_ =	sdelay $0x3  }
0x13c: {  	v1 =	vadd.f32 v2, v1;
	_ =	sdelay $0x1  }
0x13d: {  	v1 =	vadd.f32 v3, v1;
	_ =	sdelay $0x1  }
0x13e: {  	[tilespmem:s10+$0x8B60] =	vst v1  }
0x13f: {  	v1 =	vld [tilespmem:s12+$0xFFFFEEE0]  }
0x140: {  	v2 =	vld [tilespmem:s12+$0x60]  }
0x141: {  	v3 =	vld [tilespmem:s12+$0x11E0];
	_ =	sdelay $0x3  }
0x142: {  	v1 =	vadd.f32 v2, v1  }
.Ltmp1:
0x143: {  	(pc) =	sbr.rel @p0 .LBB2_4-.Ltmp1, $3  }
0x144: {  	v1 =	vadd.f32 v3, v1;
	_ =	sdelay $0x1  }
0x145: {  	[tilespmem:s10+$0x8B70] =	vst v1  }
0x146: {  	v1 =	vld [tilespmem:s12+$0xFFFFEEF0]  }
0x147: {  	v2 =	vld [tilespmem:s9+$0x70];
	_ =	sdelay $0x1  }
0x148: {  	v3 =	vld [tilespmem:s9+$0x11F0];
	_ =	sdelay $0x2  }
0x149: {  	v1 =	vadd.f32 v2, v1;
	_ =	sdelay $0x1  }
0x14a: {  	v1 =	vadd.f32 v3, v1;
	_ =	sdelay $0x1  }
0x14b: {  	[tilespmem:s10+$0x8F00] =	vst v1  }
0x14c: {  	v1 =	vld [tilespmem:s9+$0xFFFFEEF8]  }
0x14d: {  	v2 =	vld [tilespmem:s9+$0x78];
	_ =	sdelay $0x1  }
0x14e: {  	v3 =	vld [tilespmem:s9+$0x11F8];
	_ =	sdelay $0x2  }
0x14f: {  	v1 =	vadd.f32 v2, v1;
	_ =	sdelay $0x1  }
0x150: {  	v1 =	vadd.f32 v3, v1;
	_ =	sdelay $0x1  }
0x151: {  	s7 =	simm.s32 $0x0;
	s8 =	rddreg [dreg:$0x4];
	[tilespmem:s10+$0x8F08] =	vst v1  }
0x152: {  	[hbm4b:s8+s7] =	stream.linear.scatter [tilespmem:s29], [sflag:$0x7], $0x1800, $0x38;
	[tilespmem:$0xB700] =	vst v63  }
0x153: {  	_ =	swait.ge [sflag:s30], $0x1180  }
0x154: {  	[sflag:s30] =	ssyncset.done $0x0  }
0x155: {  	[sflag:s30] =	ssyncadd.s32 $0xFFFFEE80  }
0x156: {  	_ =	swait.ge [sflag:s31], $0x1180  }
0x157: {  	[sflag:s31] =	ssyncset.done $0x0  }
0x158: {  	[sflag:s31] =	ssyncadd.s32 $0xFFFFEE80  }
0x159: {  	_ =	swait.ge [sflag:s0], $0x1180  }
0x15a: {  	[sflag:s0] =	ssyncset.done $0x0  }
0x15b: {  	s10 =	simm.s32 $0xA0;
	[sflag:s0] =	ssyncadd.s32 $0xFFFFEE80  }
0x15c: {  	[tilespmem:s17], [sflag:$0x1] =	stream.indirect.gather [hbm4b:s3+s16], $0x38, s10, s16, $0xb8;
	[tilespmem:$0xB700] =	vst v63  }
0x15d: {  	s11 =	simm.s32 $0xAA0  }
0x15e: {  	[tilespmem:s18], [sflag:$0x2] =	stream.indirect.gather [hbm4b:s4+s16], $0x38, s11, s16, $0xb8;
	[tilespmem:$0xB700] =	vst v63  }
0x15f: {  	s12 =	simm.s32 $0x14A0;
	s9 =	simm.s32 $0x0  }
0x160: {  	[tilespmem:s19], [sflag:$0x3] =	stream.indirect.gather [hbm4b:s4+s16], $0x38, s12, s16, $0xb8;
	[tilespmem:$0xB700] =	vst v63  }
0x161: {  	v1 =	vld [tilespmem:s9+$0x5280]  }
0x162: {  	v2 =	vld [tilespmem:s9+$0x6400];
	_ =	sdelay $0x1  }
0x163: {  	v3 =	vld [tilespmem:s9+$0x7580];
	_ =	sdelay $0x1  }
0x164: {  	s13 =	simm.s32 $0x0  }
0x165: {  	s8 =	smul.u32 $0x3000, s13;
	v1 =	vadd.f32 v2, v1;
	_ =	sdelay $0x1  }
0x166: {  	s15 =	sand.u32 $0x380, s7;
	s8 =	sshra.s32 s8, $0x2;
	v1 =	vadd.f32 v3, v1  }
0x167: {  	s10 =	sor.u32 s15, s8  }
0x168: {  	[tilespmem:s10+$0x9F00] =	vst v1  }
0x169: {  	v1 =	vld [tilespmem:s9+$0x5290]  }
0x16a: {  	v2 =	vld [tilespmem:s9+$0x6410];
	_ =	sdelay $0x1  }
0x16b: {  	v3 =	vld [tilespmem:s9+$0x7590];
	_ =	sdelay $0x2  }
0x16c: {  	v1 =	vadd.f32 v2, v1;
	_ =	sdelay $0x1  }
0x16d: {  	v1 =	vadd.f32 v3, v1;
	_ =	sdelay $0x1  }
0x16e: {  	[tilespmem:s10+$0x9F10] =	vst v1  }
0x16f: {  	v1 =	vld [tilespmem:s9+$0x52A0]  }
0x170: {  	v2 =	vld [tilespmem:s9+$0x6420];
	_ =	sdelay $0x1  }
0x171: {  	v3 =	vld [tilespmem:s9+$0x75A0];
	_ =	sdelay $0x2  }
0x172: {  	v1 =	vadd.f32 v2, v1;
	_ =	sdelay $0x1  }
0x173: {  	v1 =	vadd.f32 v3, v1;
	_ =	sdelay $0x1  }
0x174: {  	[tilespmem:s10+$0x9F20] =	vst v1  }
0x175: {  	v1 =	vld [tilespmem:s9+$0x52A8]  }
0x176: {  	v2 =	vld [tilespmem:s9+$0x6428];
	_ =	sdelay $0x1  }
0x177: {  	v3 =	vld [tilespmem:s9+$0x75A8];
	_ =	sdelay $0x2  }
0x178: {  	v1 =	vadd.f32 v2, v1;
	_ =	sdelay $0x1  }
0x179: {  	v1 =	vadd.f32 v3, v1;
	_ =	sdelay $0x1  }
0x17a: {  	[tilespmem:s10+$0x9F28] =	vst v1  }
0x17b: {  	v1 =	vld [tilespmem:s9+$0x52B8]  }
0x17c: {  	v2 =	vld [tilespmem:s9+$0x6438];
	_ =	sdelay $0x1  }
0x17d: {  	v3 =	vld [tilespmem:s9+$0x75B8];
	_ =	sdelay $0x2  }
0x17e: {  	v1 =	vadd.f32 v2, v1;
	_ =	sdelay $0x1  }
0x17f: {  	v1 =	vadd.f32 v3, v1;
	_ =	sdelay $0x1  }
0x180: {  	[tilespmem:s10+$0x9F38] =	vst v1  }
0x181: {  	v1 =	vld [tilespmem:s9+$0x52C8]  }
0x182: {  	v2 =	vld [tilespmem:s9+$0x6448];
	_ =	sdelay $0x1  }
0x183: {  	v3 =	vld [tilespmem:s9+$0x75C8];
	_ =	sdelay $0x2  }
0x184: {  	v1 =	vadd.f32 v2, v1;
	_ =	sdelay $0x1  }
0x185: {  	v1 =	vadd.f32 v3, v1;
	_ =	sdelay $0x1  }
0x186: {  	[tilespmem:s10+$0x9F48] =	vst v1  }
0x187: {  	v1 =	vld [tilespmem:s9+$0x52D8]  }
0x188: {  	v2 =	vld [tilespmem:s9+$0x6458];
	_ =	sdelay $0x1  }
0x189: {  	v3 =	vld [tilespmem:s9+$0x75D8];
	_ =	sdelay $0x2  }
0x18a: {  	v1 =	vadd.f32 v2, v1;
	_ =	sdelay $0x1  }
0x18b: {  	v1 =	vadd.f32 v3, v1;
	_ =	sdelay $0x1  }
0x18c: {  	[tilespmem:s10+$0x9F58] =	vst v1  }
0x18d: {  	v1 =	vld [tilespmem:s9+$0x52E0]  }
0x18e: {  	v2 =	vld [tilespmem:s9+$0x6460];
	_ =	sdelay $0x1  }
0x18f: {  	v3 =	vld [tilespmem:s9+$0x75E0];
	_ =	sdelay $0x2  }
0x190: {  	v1 =	vadd.f32 v2, v1;
	_ =	sdelay $0x1  }
0x191: {  	v1 =	vadd.f32 v3, v1;
	_ =	sdelay $0x1  }
0x192: {  	[tilespmem:s10+$0x9F60] =	vst v1  }
0x193: {  	v1 =	vld [tilespmem:s9+$0x52F0]  }
0x194: {  	v2 =	vld [tilespmem:s9+$0x6470];
	_ =	sdelay $0x1  }
0x195: {  	v3 =	vld [tilespmem:s9+$0x75F0];
	_ =	sdelay $0x2  }
0x196: {  	v1 =	vadd.f32 v2, v1;
	_ =	sdelay $0x1  }
0x197: {  	v1 =	vadd.f32 v3, v1;
	_ =	sdelay $0x1  }
0x198: {  	[tilespmem:s10+$0x9F70] =	vst v1  }
0x199: {  	v1 =	vld [tilespmem:s9+$0x5300]  }
0x19a: {  	v2 =	vld [tilespmem:s9+$0x6480];
	_ =	sdelay $0x1  }
0x19b: {  	v3 =	vld [tilespmem:s9+$0x7600];
	_ =	sdelay $0x2  }
0x19c: {  	v1 =	vadd.f32 v2, v1;
	_ =	sdelay $0x1  }
0x19d: {  	v1 =	vadd.f32 v3, v1;
	_ =	sdelay $0x1  }
0x19e: {  	[tilespmem:s10+$0xA300] =	vst v1  }
0x19f: {  	v1 =	vld [tilespmem:s9+$0x5310]  }
0x1a0: {  	v2 =	vld [tilespmem:s9+$0x6490];
	_ =	sdelay $0x1  }
0x1a1: {  	v3 =	vld [tilespmem:s9+$0x7610];
	_ =	sdelay $0x2  }
0x1a2: {  	v1 =	vadd.f32 v2, v1;
	_ =	sdelay $0x1  }
0x1a3: {  	v1 =	vadd.f32 v3, v1;
	_ =	sdelay $0x1  }
0x1a4: {  	[tilespmem:s10+$0xA310] =	vst v1  }
0x1a5: {  	v1 =	vld [tilespmem:s9+$0x5318]  }
0x1a6: {  	v2 =	vld [tilespmem:s9+$0x6498];
	_ =	sdelay $0x1  }
0x1a7: {  	v3 =	vld [tilespmem:s9+$0x7618];
	_ =	sdelay $0x2  }
0x1a8: {  	v1 =	vadd.f32 v2, v1;
	_ =	sdelay $0x1  }
0x1a9: {  	v1 =	vadd.f32 v3, v1;
	_ =	sdelay $0x1  }
0x1aa: {  	[tilespmem:s10+$0xA318] =	vst v1  }
0x1ab: {  	v1 =	vld [tilespmem:s9+$0x5328]  }
0x1ac: {  	v2 =	vld [tilespmem:s9+$0x64A8];
	_ =	sdelay $0x1  }
0x1ad: {  	v3 =	vld [tilespmem:s9+$0x7628];
	_ =	sdelay $0x2  }
0x1ae: {  	v1 =	vadd.f32 v2, v1;
	_ =	sdelay $0x1  }
0x1af: {  	v1 =	vadd.f32 v3, v1;
	_ =	sdelay $0x1  }
0x1b0: {  	[tilespmem:s10+$0xA328] =	vst v1  }
0x1b1: {  	v1 =	vld [tilespmem:s9+$0x5338]  }
0x1b2: {  	v2 =	vld [tilespmem:s9+$0x64B8];
	_ =	sdelay $0x1  }
0x1b3: {  	v3 =	vld [tilespmem:s9+$0x7638];
	_ =	sdelay $0x2  }
0x1b4: {  	v1 =	vadd.f32 v2, v1;
	_ =	sdelay $0x1  }
0x1b5: {  	v1 =	vadd.f32 v3, v1;
	_ =	sdelay $0x1  }
0x1b6: {  	[tilespmem:s10+$0xA338] =	vst v1  }
0x1b7: {  	v1 =	vld [tilespmem:s9+$0x5348]  }
0x1b8: {  	v2 =	vld [tilespmem:s9+$0x64C8];
	_ =	sdelay $0x1  }
0x1b9: {  	v3 =	vld [tilespmem:s9+$0x7648];
	_ =	sdelay $0x2  }
0x1ba: {  	v1 =	vadd.f32 v2, v1;
	_ =	sdelay $0x1  }
0x1bb: {  	v1 =	vadd.f32 v3, v1;
	_ =	sdelay $0x1  }
0x1bc: {  	[tilespmem:s10+$0xA348] =	vst v1  }
0x1bd: {  	v1 =	vld [tilespmem:s9+$0x5350]  }
0x1be: {  	v2 =	vld [tilespmem:s9+$0x64D0];
	_ =	sdelay $0x1  }
0x1bf: {  	v3 =	vld [tilespmem:s9+$0x7650];
	_ =	sdelay $0x2  }
0x1c0: {  	v1 =	vadd.f32 v2, v1;
	_ =	sdelay $0x1  }
0x1c1: {  	v1 =	vadd.f32 v3, v1;
	_ =	sdelay $0x1  }
0x1c2: {  	[tilespmem:s10+$0xA350] =	vst v1  }
0x1c3: {  	v1 =	vld [tilespmem:s9+$0x5360]  }
0x1c4: {  	v2 =	vld [tilespmem:s9+$0x64E0];
	_ =	sdelay $0x1  }
0x1c5: {  	v3 =	vld [tilespmem:s9+$0x7660];
	_ =	sdelay $0x2  }
0x1c6: {  	v1 =	vadd.f32 v2, v1;
	_ =	sdelay $0x1  }
0x1c7: {  	v1 =	vadd.f32 v3, v1;
	_ =	sdelay $0x1  }
0x1c8: {  	[tilespmem:s10+$0xA360] =	vst v1  }
0x1c9: {  	v1 =	vld [tilespmem:s9+$0x5370]  }
0x1ca: {  	v2 =	vld [tilespmem:s9+$0x64F0];
	_ =	sdelay $0x1  }
0x1cb: {  	v3 =	vld [tilespmem:s9+$0x7670];
	_ =	sdelay $0x2  }
0x1cc: {  	v1 =	vadd.f32 v2, v1;
	_ =	sdelay $0x1  }
0x1cd: {  	s11 =	simm.s32 $0x460;
	s12 =	simm.s32 $0x0;
	v1 =	vadd.f32 v3, v1  }
.LBB2_6:
0x1ce: {  	p0 =	sne.s32 s11, $0x41A0;
	s7 =	sadd.s32 $0x1, s7;
	s12 =	sadd.s32 $0x80, s12  }
0x1cf: {  	s8 =	smov.u32 s11;
	s11 =	sadd.s32 $0x460, s11;
	[tilespmem:s10+$0xA370] =	vst v1  }
0x1d0: {  	v1 =	vld [tilespmem:s9+$0x5380]  }
0x1d1: {  	v2 =	vld [tilespmem:s9+$0x6500]  }
0x1d2: {  	v3 =	vld [tilespmem:s9+$0x7680];
	_ =	sdelay $0x3  }
0x1d3: {  	v1 =	vadd.f32 v2, v1;
	_ =	sdelay $0x1  }
0x1d4: {  	v1 =	vadd.f32 v3, v1;
	_ =	sdelay $0x1  }
0x1d5: {  	[tilespmem:s10+$0xA700] =	vst v1  }
0x1d6: {  	v1 =	vld [tilespmem:s9+$0x5388]  }
0x1d7: {  	v2 =	vld [tilespmem:s9+$0x6508]  }
0x1d8: {  	v3 =	vld [tilespmem:s9+$0x7688];
	_ =	sdelay $0x3  }
0x1d9: {  	v1 =	vadd.f32 v2, v1  }
0x1da: {  	s9 =	sshra.s32 s8, $0x2  }
0x1db: {  	v1 =	vadd.f32 v3, v1;
	_ =	sdelay $0x1  }
0x1dc: {  	[tilespmem:s10+$0xA708] =	vst v1  }
0x1dd: {  	v1 =	vld [tilespmem:s9+$0x5280]  }
0x1de: {  	v2 =	vld [tilespmem:s9+$0x6400]  }
0x1df: {  	v3 =	vld [tilespmem:s9+$0x7580];
	_ =	sdelay $0x2  }
0x1e0: {  	s8 =	sshrl.u32 s7, $0x3  }
0x1e1: {  	s8 =	smul.u32 $0x3000, s8;
	v1 =	vadd.f32 v2, v1;
	_ =	sdelay $0x1  }
0x1e2: {  	s8 =	sshra.s32 s8, $0x2;
	s10 =	sand.u32 $0x380, s12;
	v1 =	vadd.f32 v3, v1  }
0x1e3: {  	s10 =	sor.u32 s10, s8  }
0x1e4: {  	[tilespmem:s10+$0x9F00] =	vst v1  }
0x1e5: {  	v1 =	vld [tilespmem:s9+$0x5290]  }
0x1e6: {  	v2 =	vld [tilespmem:s9+$0x6410];
	_ =	sdelay $0x1  }
0x1e7: {  	v3 =	vld [tilespmem:s9+$0x7590];
	_ =	sdelay $0x2  }
0x1e8: {  	v1 =	vadd.f32 v2, v1;
	_ =	sdelay $0x1  }
0x1e9: {  	v1 =	vadd.f32 v3, v1;
	_ =	sdelay $0x1  }
0x1ea: {  	[tilespmem:s10+$0x9F10] =	vst v1  }
0x1eb: {  	v1 =	vld [tilespmem:s9+$0x52A0]  }
0x1ec: {  	v2 =	vld [tilespmem:s9+$0x6420];
	_ =	sdelay $0x1  }
0x1ed: {  	v3 =	vld [tilespmem:s9+$0x75A0];
	_ =	sdelay $0x2  }
0x1ee: {  	v1 =	vadd.f32 v2, v1;
	_ =	sdelay $0x1  }
0x1ef: {  	v1 =	vadd.f32 v3, v1;
	_ =	sdelay $0x1  }
0x1f0: {  	[tilespmem:s10+$0x9F20] =	vst v1  }
0x1f1: {  	v1 =	vld [tilespmem:s9+$0x52A8]  }
0x1f2: {  	v2 =	vld [tilespmem:s9+$0x6428];
	_ =	sdelay $0x1  }
0x1f3: {  	v3 =	vld [tilespmem:s9+$0x75A8];
	_ =	sdelay $0x2  }
0x1f4: {  	v1 =	vadd.f32 v2, v1;
	_ =	sdelay $0x1  }
0x1f5: {  	v1 =	vadd.f32 v3, v1;
	_ =	sdelay $0x1  }
0x1f6: {  	[tilespmem:s10+$0x9F28] =	vst v1  }
0x1f7: {  	v1 =	vld [tilespmem:s9+$0x52B8]  }
0x1f8: {  	v2 =	vld [tilespmem:s9+$0x6438];
	_ =	sdelay $0x1  }
0x1f9: {  	v3 =	vld [tilespmem:s9+$0x75B8];
	_ =	sdelay $0x2  }
0x1fa: {  	v1 =	vadd.f32 v2, v1;
	_ =	sdelay $0x1  }
0x1fb: {  	v1 =	vadd.f32 v3, v1;
	_ =	sdelay $0x1  }
0x1fc: {  	[tilespmem:s10+$0x9F38] =	vst v1  }
0x1fd: {  	v1 =	vld [tilespmem:s9+$0x52C8]  }
0x1fe: {  	v2 =	vld [tilespmem:s9+$0x6448];
	_ =	sdelay $0x1  }
0x1ff: {  	v3 =	vld [tilespmem:s9+$0x75C8];
	_ =	sdelay $0x2  }
0x200: {  	v1 =	vadd.f32 v2, v1;
	_ =	sdelay $0x1  }
0x201: {  	v1 =	vadd.f32 v3, v1;
	_ =	sdelay $0x1  }
0x202: {  	[tilespmem:s10+$0x9F48] =	vst v1  }
0x203: {  	v1 =	vld [tilespmem:s9+$0x52D8]  }
0x204: {  	v2 =	vld [tilespmem:s9+$0x6458];
	_ =	sdelay $0x1  }
0x205: {  	v3 =	vld [tilespmem:s9+$0x75D8];
	_ =	sdelay $0x2  }
0x206: {  	v1 =	vadd.f32 v2, v1;
	_ =	sdelay $0x1  }
0x207: {  	v1 =	vadd.f32 v3, v1;
	_ =	sdelay $0x1  }
0x208: {  	[tilespmem:s10+$0x9F58] =	vst v1  }
0x209: {  	v1 =	vld [tilespmem:s9+$0x52E0]  }
0x20a: {  	v2 =	vld [tilespmem:s9+$0x6460]  }
0x20b: {  	v3 =	vld [tilespmem:s9+$0x75E0];
	_ =	sdelay $0x3  }
0x20c: {  	v1 =	vadd.f32 v2, v1;
	_ =	sdelay $0x1  }
0x20d: {  	v1 =	vadd.f32 v3, v1;
	_ =	sdelay $0x1  }
0x20e: {  	[tilespmem:s10+$0x9F60] =	vst v1  }
0x20f: {  	v1 =	vld [tilespmem:s9+$0x52F0]  }
0x210: {  	v2 =	vld [tilespmem:s9+$0x6470];
	_ =	sdelay $0x1  }
0x211: {  	v3 =	vld [tilespmem:s9+$0x75F0];
	_ =	sdelay $0x2  }
0x212: {  	v1 =	vadd.f32 v2, v1;
	_ =	sdelay $0x1  }
0x213: {  	v1 =	vadd.f32 v3, v1;
	_ =	sdelay $0x1  }
0x214: {  	[tilespmem:s10+$0x9F70] =	vst v1  }
0x215: {  	v1 =	vld [tilespmem:s9+$0x5300]  }
0x216: {  	v2 =	vld [tilespmem:s9+$0x6480];
	_ =	sdelay $0x1  }
0x217: {  	v3 =	vld [tilespmem:s9+$0x7600];
	_ =	sdelay $0x2  }
0x218: {  	v1 =	vadd.f32 v2, v1;
	_ =	sdelay $0x1  }
0x219: {  	v1 =	vadd.f32 v3, v1;
	_ =	sdelay $0x1  }
0x21a: {  	[tilespmem:s10+$0xA300] =	vst v1  }
0x21b: {  	v1 =	vld [tilespmem:s9+$0x5310]  }
0x21c: {  	v2 =	vld [tilespmem:s9+$0x6490]  }
0x21d: {  	v3 =	vld [tilespmem:s9+$0x7610];
	_ =	sdelay $0x3  }
0x21e: {  	v1 =	vadd.f32 v2, v1;
	_ =	sdelay $0x1  }
0x21f: {  	v1 =	vadd.f32 v3, v1;
	_ =	sdelay $0x1  }
0x220: {  	[tilespmem:s10+$0xA310] =	vst v1  }
0x221: {  	v1 =	vld [tilespmem:s9+$0x5318]  }
0x222: {  	v2 =	vld [tilespmem:s9+$0x6498]  }
0x223: {  	v3 =	vld [tilespmem:s9+$0x7618];
	_ =	sdelay $0x3  }
0x224: {  	v1 =	vadd.f32 v2, v1;
	_ =	sdelay $0x1  }
0x225: {  	v1 =	vadd.f32 v3, v1;
	_ =	sdelay $0x1  }
0x226: {  	[tilespmem:s10+$0xA318] =	vst v1  }
0x227: {  	v1 =	vld [tilespmem:s9+$0x5328]  }
0x228: {  	v2 =	vld [tilespmem:s9+$0x64A8]  }
0x229: {  	v3 =	vld [tilespmem:s9+$0x7628];
	_ =	sdelay $0x3  }
0x22a: {  	v1 =	vadd.f32 v2, v1;
	_ =	sdelay $0x1  }
0x22b: {  	v1 =	vadd.f32 v3, v1;
	_ =	sdelay $0x1  }
0x22c: {  	[tilespmem:s10+$0xA328] =	vst v1  }
0x22d: {  	v1 =	vld [tilespmem:s9+$0x5338]  }
0x22e: {  	v2 =	vld [tilespmem:s9+$0x64B8]  }
0x22f: {  	v3 =	vld [tilespmem:s9+$0x7638];
	_ =	sdelay $0x3  }
0x230: {  	v1 =	vadd.f32 v2, v1;
	_ =	sdelay $0x1  }
0x231: {  	v1 =	vadd.f32 v3, v1;
	_ =	sdelay $0x1  }
0x232: {  	[tilespmem:s10+$0xA338] =	vst v1  }
0x233: {  	v1 =	vld [tilespmem:s9+$0x5348]  }
0x234: {  	v2 =	vld [tilespmem:s9+$0x64C8]  }
0x235: {  	v3 =	vld [tilespmem:s9+$0x7648];
	_ =	sdelay $0x3  }
0x236: {  	v1 =	vadd.f32 v2, v1;
	_ =	sdelay $0x1  }
0x237: {  	v1 =	vadd.f32 v3, v1;
	_ =	sdelay $0x1  }
0x238: {  	[tilespmem:s10+$0xA348] =	vst v1  }
0x239: {  	v1 =	vld [tilespmem:s9+$0x5350]  }
0x23a: {  	v2 =	vld [tilespmem:s9+$0x64D0]  }
0x23b: {  	v3 =	vld [tilespmem:s9+$0x7650];
	_ =	sdelay $0x3  }
0x23c: {  	v1 =	vadd.f32 v2, v1;
	_ =	sdelay $0x1  }
0x23d: {  	v1 =	vadd.f32 v3, v1;
	_ =	sdelay $0x1  }
0x23e: {  	[tilespmem:s10+$0xA350] =	vst v1  }
0x23f: {  	v1 =	vld [tilespmem:s9+$0x5360]  }
0x240: {  	v2 =	vld [tilespmem:s9+$0x64E0]  }
0x241: {  	v3 =	vld [tilespmem:s9+$0x7660];
	_ =	sdelay $0x3  }
0x242: {  	v1 =	vadd.f32 v2, v1;
	_ =	sdelay $0x1  }
0x243: {  	v1 =	vadd.f32 v3, v1;
	_ =	sdelay $0x1  }
0x244: {  	[tilespmem:s10+$0xA360] =	vst v1  }
0x245: {  	v1 =	vld [tilespmem:s9+$0x5370]  }
0x246: {  	v2 =	vld [tilespmem:s9+$0x64F0]  }
0x247: {  	v3 =	vld [tilespmem:s9+$0x7670];
	_ =	sdelay $0x1  }
.Ltmp2:
0x248: {  	(pc) =	sbr.rel @p0 .LBB2_6-.Ltmp2, $3  }
0x249: {  	_ = 	snop  }
0x24a: {  	v1 =	vadd.f32 v2, v1;
	_ =	sdelay $0x1  }
0x24b: {  	v1 =	vadd.f32 v3, v1  }
0x24c: {  	_ = 	snop  }
0x24d: {  	[tilespmem:s10+$0xA370] =	vst v1  }
0x24e: {  	v1 =	vld [tilespmem:s9+$0x5380]  }
0x24f: {  	v2 =	vld [tilespmem:s9+$0x6500];
	_ =	sdelay $0x1  }
0x250: {  	v3 =	vld [tilespmem:s9+$0x7680];
	_ =	sdelay $0x2  }
0x251: {  	v1 =	vadd.f32 v2, v1;
	_ =	sdelay $0x1  }
0x252: {  	v1 =	vadd.f32 v3, v1;
	_ =	sdelay $0x1  }
0x253: {  	[tilespmem:s10+$0xA700] =	vst v1  }
0x254: {  	v1 =	vld [tilespmem:s9+$0x5388]  }
0x255: {  	v2 =	vld [tilespmem:s9+$0x6508];
	_ =	sdelay $0x1  }
0x256: {  	v3 =	vld [tilespmem:s9+$0x7688];
	_ =	sdelay $0x2  }
0x257: {  	v1 =	vadd.f32 v2, v1;
	_ =	sdelay $0x1  }
0x258: {  	v1 =	vadd.f32 v3, v1;
	_ =	sdelay $0x1  }
0x259: {  	s7 =	rddreg [dreg:$0x7];
	s15 =	simm.s32 $0x1;
	[tilespmem:s10+$0xA708] =	vst v1  }
0x25a: {  	[hbm4b:s7+s2] =	stream.linear.scatter [tilespmem:s1], [sflag:$0x8], $0x1800, $0x38;
	[tilespmem:$0xB700] =	vst v63  }
.LBB2_8:
0x25b: {  	_ =	swait.ge [sflag:s20], $0x1180  }
0x25c: {  	[sflag:s20] =	ssyncset.done $0x0  }
0x25d: {  	[sflag:s20] =	ssyncadd.s32 $0xFFFFEE80  }
0x25e: {  	_ =	swait.ge [sflag:s21], $0x1180  }
0x25f: {  	[sflag:s21] =	ssyncset.done $0x0  }
0x260: {  	[sflag:s21] =	ssyncadd.s32 $0xFFFFEE80  }
0x261: {  	s7 =	sshllo.u32 s15, $0x1;
	_ =	swait.ge [sflag:s22], $0x1180  }
0x262: {  	s8 =	smul.u32 $0x50, s7;
	[sflag:s22] =	ssyncset.done $0x0  }
0x263: {  	[sflag:s22] =	ssyncadd.s32 $0xFFFFEE80  }
0x264: {  	[tilespmem:s23], [sflag:$0x4] =	stream.indirect.gather [hbm4b:s3+s16], $0x38, s8, s16, $0xb8;
	[tilespmem:$0xB700] =	vst v63  }
0x265: {  	s9 =	sadd.s32 $0xA00, s8  }
0x266: {  	[tilespmem:s25], [sflag:$0x5] =	stream.indirect.gather [hbm4b:s4+s16], $0x38, s9, s16, $0xb8;
	[tilespmem:$0xB700] =	vst v63  }
0x267: {  	s8 =	sadd.s32 $0x1400, s8  }
0x268: {  	[tilespmem:s28], [sflag:$0x6] =	stream.indirect.gather [hbm4b:s4+s16], $0x38, s8, s16, $0xb8;
	[tilespmem:$0xB700] =	vst v63  }
0x269: {  	_ =	swait.ge [sflag:s24], $0x1800  }
0x26a: {  	[sflag:s24] =	ssyncset.done $0x0  }
0x26b: {  	s9 =	simm.s32 $0x3010;
	[sflag:s24] =	ssyncadd.s32 $0xFFFFE800  }
0x26c: {  	v1 =	vld [tilespmem:s9+$0xFFFFEDF0]  }
0x26d: {  	v2 =	vld [tilespmem:s9+$0xFFFFFF70];
	_ =	sdelay $0x1  }
0x26e: {  	v3 =	vld [tilespmem:s9+$0x10F0];
	_ =	sdelay $0x1  }
0x26f: {  	s13 =	simm.s32 $0x0  }
0x270: {  	s8 =	smul.u32 $0x3000, s13;
	v1 =	vadd.f32 v2, v1  }
0x271: {  	s10 =	simm.s32 $0x0  }
0x272: {  	s11 =	sand.u32 $0x380, s10;
	s8 =	sshra.s32 s8, $0x2;
	v1 =	vadd.f32 v3, v1  }
0x273: {  	s11 =	sor.u32 s11, s8  }
0x274: {  	[tilespmem:s11+$0x8700] =	vst v1  }
0x275: {  	v1 =	vld [tilespmem:s9+$0xFFFFEE00]  }
0x276: {  	v2 =	vld [tilespmem:s9+$0xFFFFFF80];
	_ =	sdelay $0x1  }
0x277: {  	v3 =	vld [tilespmem:s9+$0x1100];
	_ =	sdelay $0x2  }
0x278: {  	v1 =	vadd.f32 v2, v1;
	_ =	sdelay $0x1  }
0x279: {  	v1 =	vadd.f32 v3, v1;
	_ =	sdelay $0x1  }
0x27a: {  	[tilespmem:s11+$0x8710] =	vst v1  }
0x27b: {  	v1 =	vld [tilespmem:s9+$0xFFFFEE10]  }
0x27c: {  	v2 =	vld [tilespmem:s9+$0xFFFFFF90];
	_ =	sdelay $0x1  }
0x27d: {  	v3 =	vld [tilespmem:s9+$0x1110];
	_ =	sdelay $0x2  }
0x27e: {  	v1 =	vadd.f32 v2, v1;
	_ =	sdelay $0x1  }
0x27f: {  	v1 =	vadd.f32 v3, v1;
	_ =	sdelay $0x1  }
0x280: {  	[tilespmem:s11+$0x8720] =	vst v1  }
0x281: {  	v1 =	vld [tilespmem:s9+$0xFFFFEE18]  }
0x282: {  	v2 =	vld [tilespmem:s9+$0xFFFFFF98];
	_ =	sdelay $0x1  }
0x283: {  	v3 =	vld [tilespmem:s9+$0x1118];
	_ =	sdelay $0x2  }
0x284: {  	v1 =	vadd.f32 v2, v1;
	_ =	sdelay $0x1  }
0x285: {  	v1 =	vadd.f32 v3, v1;
	_ =	sdelay $0x1  }
0x286: {  	[tilespmem:s11+$0x8728] =	vst v1  }
0x287: {  	v1 =	vld [tilespmem:s9+$0xFFFFEE28]  }
0x288: {  	v2 =	vld [tilespmem:s9+$0xFFFFFFA8];
	_ =	sdelay $0x1  }
0x289: {  	v3 =	vld [tilespmem:s9+$0x1128];
	_ =	sdelay $0x2  }
0x28a: {  	v1 =	vadd.f32 v2, v1;
	_ =	sdelay $0x1  }
0x28b: {  	v1 =	vadd.f32 v3, v1;
	_ =	sdelay $0x1  }
0x28c: {  	[tilespmem:s11+$0x8738] =	vst v1  }
0x28d: {  	v1 =	vld [tilespmem:s9+$0xFFFFEE38]  }
0x28e: {  	v2 =	vld [tilespmem:s9+$0xFFFFFFB8];
	_ =	sdelay $0x1  }
0x28f: {  	v3 =	vld [tilespmem:s9+$0x1138];
	_ =	sdelay $0x2  }
0x290: {  	v1 =	vadd.f32 v2, v1;
	_ =	sdelay $0x1  }
0x291: {  	v1 =	vadd.f32 v3, v1;
	_ =	sdelay $0x1  }
0x292: {  	[tilespmem:s11+$0x8748] =	vst v1  }
0x293: {  	v1 =	vld [tilespmem:s9+$0xFFFFEE48]  }
0x294: {  	v2 =	vld [tilespmem:s9+$0xFFFFFFC8];
	_ =	sdelay $0x1  }
0x295: {  	v3 =	vld [tilespmem:s9+$0x1148];
	_ =	sdelay $0x2  }
0x296: {  	v1 =	vadd.f32 v2, v1;
	_ =	sdelay $0x1  }
0x297: {  	v1 =	vadd.f32 v3, v1;
	_ =	sdelay $0x1  }
0x298: {  	[tilespmem:s11+$0x8758] =	vst v1  }
0x299: {  	v1 =	vld [tilespmem:s9+$0xFFFFEE50]  }
0x29a: {  	v2 =	vld [tilespmem:s9+$0xFFFFFFD0];
	_ =	sdelay $0x1  }
0x29b: {  	v3 =	vld [tilespmem:s9+$0x1150];
	_ =	sdelay $0x2  }
0x29c: {  	v1 =	vadd.f32 v2, v1;
	_ =	sdelay $0x1  }
0x29d: {  	v1 =	vadd.f32 v3, v1;
	_ =	sdelay $0x1  }
0x29e: {  	[tilespmem:s11+$0x8760] =	vst v1  }
0x29f: {  	v1 =	vld [tilespmem:s9+$0xFFFFEE60]  }
0x2a0: {  	v2 =	vld [tilespmem:s9+$0xFFFFFFE0];
	_ =	sdelay $0x1  }
0x2a1: {  	v3 =	vld [tilespmem:s9+$0x1160];
	_ =	sdelay $0x2  }
0x2a2: {  	v1 =	vadd.f32 v2, v1;
	_ =	sdelay $0x1  }
0x2a3: {  	v1 =	vadd.f32 v3, v1;
	_ =	sdelay $0x1  }
0x2a4: {  	[tilespmem:s11+$0x8770] =	vst v1  }
0x2a5: {  	v1 =	vld [tilespmem:s9+$0xFFFFEE70]  }
0x2a6: {  	v2 =	vld [tilespmem:s9+$0xFFFFFFF0];
	_ =	sdelay $0x1  }
0x2a7: {  	v3 =	vld [tilespmem:s9+$0x1170];
	_ =	sdelay $0x2  }
0x2a8: {  	v1 =	vadd.f32 v2, v1;
	_ =	sdelay $0x1  }
0x2a9: {  	v1 =	vadd.f32 v3, v1;
	_ =	sdelay $0x1  }
0x2aa: {  	[tilespmem:s11+$0x8B00] =	vst v1  }
0x2ab: {  	v1 =	vld [tilespmem:s9+$0xFFFFEE80]  }
0x2ac: {  	v2 =	vld [tilespmem:s9+$0x0];
	_ =	sdelay $0x1  }
0x2ad: {  	v3 =	vld [tilespmem:s9+$0x1180];
	_ =	sdelay $0x2  }
0x2ae: {  	v1 =	vadd.f32 v2, v1;
	_ =	sdelay $0x1  }
0x2af: {  	v1 =	vadd.f32 v3, v1;
	_ =	sdelay $0x1  }
0x2b0: {  	[tilespmem:s11+$0x8B10] =	vst v1  }
0x2b1: {  	v1 =	vld [tilespmem:s9+$0xFFFFEE88]  }
0x2b2: {  	v2 =	vld [tilespmem:s9+$0x8];
	_ =	sdelay $0x1  }
0x2b3: {  	v3 =	vld [tilespmem:s9+$0x1188];
	_ =	sdelay $0x2  }
0x2b4: {  	v1 =	vadd.f32 v2, v1;
	_ =	sdelay $0x1  }
0x2b5: {  	v1 =	vadd.f32 v3, v1;
	_ =	sdelay $0x1  }
0x2b6: {  	[tilespmem:s11+$0x8B18] =	vst v1  }
0x2b7: {  	v1 =	vld [tilespmem:s9+$0xFFFFEE98]  }
0x2b8: {  	v2 =	vld [tilespmem:s9+$0x18];
	_ =	sdelay $0x1  }
0x2b9: {  	v3 =	vld [tilespmem:s9+$0x1198];
	_ =	sdelay $0x2  }
0x2ba: {  	v1 =	vadd.f32 v2, v1;
	_ =	sdelay $0x1  }
0x2bb: {  	v1 =	vadd.f32 v3, v1;
	_ =	sdelay $0x1  }
0x2bc: {  	[tilespmem:s11+$0x8B28] =	vst v1  }
0x2bd: {  	v1 =	vld [tilespmem:s9+$0xFFFFEEA8]  }
0x2be: {  	v2 =	vld [tilespmem:s9+$0x28];
	_ =	sdelay $0x1  }
0x2bf: {  	v3 =	vld [tilespmem:s9+$0x11A8];
	_ =	sdelay $0x2  }
0x2c0: {  	v1 =	vadd.f32 v2, v1;
	_ =	sdelay $0x1  }
0x2c1: {  	v1 =	vadd.f32 v3, v1;
	_ =	sdelay $0x1  }
0x2c2: {  	[tilespmem:s11+$0x8B38] =	vst v1  }
0x2c3: {  	v1 =	vld [tilespmem:s9+$0xFFFFEEB8]  }
0x2c4: {  	v2 =	vld [tilespmem:s9+$0x38];
	_ =	sdelay $0x1  }
0x2c5: {  	v3 =	vld [tilespmem:s9+$0x11B8];
	_ =	sdelay $0x2  }
0x2c6: {  	v1 =	vadd.f32 v2, v1;
	_ =	sdelay $0x1  }
0x2c7: {  	v1 =	vadd.f32 v3, v1;
	_ =	sdelay $0x1  }
0x2c8: {  	[tilespmem:s11+$0x8B48] =	vst v1  }
0x2c9: {  	v1 =	vld [tilespmem:s9+$0xFFFFEEC0]  }
0x2ca: {  	v2 =	vld [tilespmem:s9+$0x40];
	_ =	sdelay $0x1  }
0x2cb: {  	v3 =	vld [tilespmem:s9+$0x11C0];
	_ =	sdelay $0x2  }
0x2cc: {  	v1 =	vadd.f32 v2, v1;
	_ =	sdelay $0x1  }
0x2cd: {  	v1 =	vadd.f32 v3, v1;
	_ =	sdelay $0x1  }
0x2ce: {  	[tilespmem:s11+$0x8B50] =	vst v1  }
0x2cf: {  	v1 =	vld [tilespmem:s9+$0xFFFFEED0]  }
0x2d0: {  	v2 =	vld [tilespmem:s9+$0x50];
	_ =	sdelay $0x1  }
0x2d1: {  	v3 =	vld [tilespmem:s9+$0x11D0];
	_ =	sdelay $0x2  }
0x2d2: {  	v1 =	vadd.f32 v2, v1;
	_ =	sdelay $0x1  }
0x2d3: {  	v1 =	vadd.f32 v3, v1;
	_ =	sdelay $0x1  }
0x2d4: {  	[tilespmem:s11+$0x8B60] =	vst v1  }
0x2d5: {  	v1 =	vld [tilespmem:s9+$0xFFFFEEE0]  }
0x2d6: {  	v2 =	vld [tilespmem:s9+$0x60];
	_ =	sdelay $0x1  }
0x2d7: {  	v3 =	vld [tilespmem:s9+$0x11E0];
	_ =	sdelay $0x2  }
0x2d8: {  	v1 =	vadd.f32 v2, v1;
	_ =	sdelay $0x1  }
0x2d9: {  	v1 =	vadd.f32 v3, v1;
	_ =	sdelay $0x1  }
0x2da: {  	[tilespmem:s11+$0x8B70] =	vst v1  }
0x2db: {  	s12 =	simm.s32 $0x1;
	s8 =	simm.s32 $0x3010;
	v1 =	vld [tilespmem:s9+$0xFFFFEEF0]  }
.LBB2_9:
0x2dc: {  	p0 =	sne.s32 s12, $0xF;
	v2 =	vld [tilespmem:s9+$0x70];
	s10 =	sadd.s32 $0x80, s10;
	s8 =	sadd.s32 $0x118, s8  }
0x2dd: {  	s13 =	smov.u32 s12;
	s12 =	sadd.s32 $0x1, s12;
	v3 =	vld [tilespmem:s9+$0x11F0];
	_ =	sdelay $0x3  }
0x2de: {  	v1 =	vadd.f32 v2, v1;
	_ =	sdelay $0x1  }
0x2df: {  	v1 =	vadd.f32 v3, v1;
	_ =	sdelay $0x1  }
0x2e0: {  	[tilespmem:s11+$0x8F00] =	vst v1  }
0x2e1: {  	v1 =	vld [tilespmem:s9+$0xFFFFEEF8]  }
0x2e2: {  	v2 =	vld [tilespmem:s9+$0x78]  }
0x2e3: {  	v3 =	vld [tilespmem:s9+$0x11F8];
	s9 =	smov.u32 s8;
	_ =	sdelay $0x3  }
0x2e4: {  	v1 =	vadd.f32 v2, v1;
	_ =	sdelay $0x1  }
0x2e5: {  	v1 =	vadd.f32 v3, v1;
	_ =	sdelay $0x1  }
0x2e6: {  	[tilespmem:s11+$0x8F08] =	vst v1  }
0x2e7: {  	v1 =	vld [tilespmem:s8+$0xFFFFEDF0]  }
0x2e8: {  	v2 =	vld [tilespmem:s8+$0xFFFFFF70]  }
0x2e9: {  	v3 =	vld [tilespmem:s8+$0x10F0];
	_ =	sdelay $0x2  }
0x2ea: {  	s11 =	sshrl.u32 s13, $0x3  }
0x2eb: {  	s11 =	smul.u32 $0x3000, s11;
	v1 =	vadd.f32 v2, v1;
	_ =	sdelay $0x1  }
0x2ec: {  	s13 =	sand.u32 $0x380, s10;
	s11 =	sshra.s32 s11, $0x2;
	v1 =	vadd.f32 v3, v1  }
0x2ed: {  	s11 =	sor.u32 s13, s11  }
0x2ee: {  	[tilespmem:s11+$0x8700] =	vst v1  }
0x2ef: {  	v1 =	vld [tilespmem:s8+$0xFFFFEE00]  }
0x2f0: {  	v2 =	vld [tilespmem:s8+$0xFFFFFF80];
	_ =	sdelay $0x1  }
0x2f1: {  	v3 =	vld [tilespmem:s8+$0x1100];
	_ =	sdelay $0x2  }
0x2f2: {  	v1 =	vadd.f32 v2, v1;
	_ =	sdelay $0x1  }
0x2f3: {  	v1 =	vadd.f32 v3, v1;
	_ =	sdelay $0x1  }
0x2f4: {  	[tilespmem:s11+$0x8710] =	vst v1  }
0x2f5: {  	v1 =	vld [tilespmem:s8+$0xFFFFEE10]  }
0x2f6: {  	v2 =	vld [tilespmem:s8+$0xFFFFFF90];
	_ =	sdelay $0x1  }
0x2f7: {  	v3 =	vld [tilespmem:s8+$0x1110];
	_ =	sdelay $0x2  }
0x2f8: {  	v1 =	vadd.f32 v2, v1;
	_ =	sdelay $0x1  }
0x2f9: {  	v1 =	vadd.f32 v3, v1;
	_ =	sdelay $0x1  }
0x2fa: {  	[tilespmem:s11+$0x8720] =	vst v1  }
0x2fb: {  	v1 =	vld [tilespmem:s8+$0xFFFFEE18]  }
0x2fc: {  	v2 =	vld [tilespmem:s8+$0xFFFFFF98];
	_ =	sdelay $0x1  }
0x2fd: {  	v3 =	vld [tilespmem:s8+$0x1118];
	_ =	sdelay $0x2  }
0x2fe: {  	v1 =	vadd.f32 v2, v1;
	_ =	sdelay $0x1  }
0x2ff: {  	v1 =	vadd.f32 v3, v1;
	_ =	sdelay $0x1  }
0x300: {  	[tilespmem:s11+$0x8728] =	vst v1  }
0x301: {  	v1 =	vld [tilespmem:s8+$0xFFFFEE28]  }
0x302: {  	v2 =	vld [tilespmem:s8+$0xFFFFFFA8];
	_ =	sdelay $0x1  }
0x303: {  	v3 =	vld [tilespmem:s8+$0x1128];
	_ =	sdelay $0x2  }
0x304: {  	v1 =	vadd.f32 v2, v1;
	_ =	sdelay $0x1  }
0x305: {  	v1 =	vadd.f32 v3, v1;
	_ =	sdelay $0x1  }
0x306: {  	[tilespmem:s11+$0x8738] =	vst v1  }
0x307: {  	v1 =	vld [tilespmem:s8+$0xFFFFEE38]  }
0x308: {  	v2 =	vld [tilespmem:s8+$0xFFFFFFB8];
	_ =	sdelay $0x1  }
0x309: {  	v3 =	vld [tilespmem:s8+$0x1138];
	_ =	sdelay $0x2  }
0x30a: {  	v1 =	vadd.f32 v2, v1;
	_ =	sdelay $0x1  }
0x30b: {  	v1 =	vadd.f32 v3, v1;
	_ =	sdelay $0x1  }
0x30c: {  	[tilespmem:s11+$0x8748] =	vst v1  }
0x30d: {  	v1 =	vld [tilespmem:s8+$0xFFFFEE48]  }
0x30e: {  	v2 =	vld [tilespmem:s8+$0xFFFFFFC8];
	_ =	sdelay $0x1  }
0x30f: {  	v3 =	vld [tilespmem:s8+$0x1148];
	_ =	sdelay $0x2  }
0x310: {  	v1 =	vadd.f32 v2, v1;
	_ =	sdelay $0x1  }
0x311: {  	v1 =	vadd.f32 v3, v1;
	_ =	sdelay $0x1  }
0x312: {  	[tilespmem:s11+$0x8758] =	vst v1  }
0x313: {  	v1 =	vld [tilespmem:s8+$0xFFFFEE50]  }
0x314: {  	v2 =	vld [tilespmem:s8+$0xFFFFFFD0]  }
0x315: {  	v3 =	vld [tilespmem:s8+$0x1150];
	_ =	sdelay $0x3  }
0x316: {  	v1 =	vadd.f32 v2, v1;
	_ =	sdelay $0x1  }
0x317: {  	v1 =	vadd.f32 v3, v1;
	_ =	sdelay $0x1  }
0x318: {  	[tilespmem:s11+$0x8760] =	vst v1  }
0x319: {  	v1 =	vld [tilespmem:s8+$0xFFFFEE60]  }
0x31a: {  	v2 =	vld [tilespmem:s8+$0xFFFFFFE0];
	_ =	sdelay $0x1  }
0x31b: {  	v3 =	vld [tilespmem:s8+$0x1160];
	_ =	sdelay $0x2  }
0x31c: {  	v1 =	vadd.f32 v2, v1;
	_ =	sdelay $0x1  }
0x31d: {  	v1 =	vadd.f32 v3, v1;
	_ =	sdelay $0x1  }
0x31e: {  	[tilespmem:s11+$0x8770] =	vst v1  }
0x31f: {  	v1 =	vld [tilespmem:s8+$0xFFFFEE70]  }
0x320: {  	v2 =	vld [tilespmem:s8+$0xFFFFFFF0];
	_ =	sdelay $0x1  }
0x321: {  	v3 =	vld [tilespmem:s8+$0x1170];
	_ =	sdelay $0x2  }
0x322: {  	v1 =	vadd.f32 v2, v1;
	_ =	sdelay $0x1  }
0x323: {  	v1 =	vadd.f32 v3, v1;
	_ =	sdelay $0x1  }
0x324: {  	[tilespmem:s11+$0x8B00] =	vst v1  }
0x325: {  	v1 =	vld [tilespmem:s8+$0xFFFFEE80]  }
0x326: {  	v2 =	vld [tilespmem:s8+$0x0]  }
0x327: {  	v3 =	vld [tilespmem:s8+$0x1180];
	_ =	sdelay $0x3  }
0x328: {  	v1 =	vadd.f32 v2, v1;
	_ =	sdelay $0x1  }
0x329: {  	v1 =	vadd.f32 v3, v1;
	_ =	sdelay $0x1  }
0x32a: {  	[tilespmem:s11+$0x8B10] =	vst v1  }
0x32b: {  	v1 =	vld [tilespmem:s8+$0xFFFFEE88]  }
0x32c: {  	v2 =	vld [tilespmem:s8+$0x8]  }
0x32d: {  	v3 =	vld [tilespmem:s8+$0x1188];
	_ =	sdelay $0x3  }
0x32e: {  	v1 =	vadd.f32 v2, v1;
	_ =	sdelay $0x1  }
0x32f: {  	v1 =	vadd.f32 v3, v1;
	_ =	sdelay $0x1  }
0x330: {  	[tilespmem:s11+$0x8B18] =	vst v1  }
0x331: {  	v1 =	vld [tilespmem:s8+$0xFFFFEE98]  }
0x332: {  	v2 =	vld [tilespmem:s8+$0x18]  }
0x333: {  	v3 =	vld [tilespmem:s8+$0x1198];
	_ =	sdelay $0x3  }
0x334: {  	v1 =	vadd.f32 v2, v1;
	_ =	sdelay $0x1  }
0x335: {  	v1 =	vadd.f32 v3, v1;
	_ =	sdelay $0x1  }
0x336: {  	[tilespmem:s11+$0x8B28] =	vst v1  }
0x337: {  	v1 =	vld [tilespmem:s8+$0xFFFFEEA8]  }
0x338: {  	v2 =	vld [tilespmem:s8+$0x28]  }
0x339: {  	v3 =	vld [tilespmem:s8+$0x11A8];
	_ =	sdelay $0x3  }
0x33a: {  	v1 =	vadd.f32 v2, v1;
	_ =	sdelay $0x1  }
0x33b: {  	v1 =	vadd.f32 v3, v1;
	_ =	sdelay $0x1  }
0x33c: {  	[tilespmem:s11+$0x8B38] =	vst v1  }
0x33d: {  	v1 =	vld [tilespmem:s8+$0xFFFFEEB8]  }
0x33e: {  	v2 =	vld [tilespmem:s8+$0x38]  }
0x33f: {  	v3 =	vld [tilespmem:s8+$0x11B8];
	_ =	sdelay $0x3  }
0x340: {  	v1 =	vadd.f32 v2, v1;
	_ =	sdelay $0x1  }
0x341: {  	v1 =	vadd.f32 v3, v1;
	_ =	sdelay $0x1  }
0x342: {  	[tilespmem:s11+$0x8B48] =	vst v1  }
0x343: {  	v1 =	vld [tilespmem:s8+$0xFFFFEEC0]  }
0x344: {  	v2 =	vld [tilespmem:s8+$0x40]  }
0x345: {  	v3 =	vld [tilespmem:s8+$0x11C0];
	_ =	sdelay $0x3  }
0x346: {  	v1 =	vadd.f32 v2, v1;
	_ =	sdelay $0x1  }
0x347: {  	v1 =	vadd.f32 v3, v1;
	_ =	sdelay $0x1  }
0x348: {  	[tilespmem:s11+$0x8B50] =	vst v1  }
0x349: {  	v1 =	vld [tilespmem:s8+$0xFFFFEED0]  }
0x34a: {  	v2 =	vld [tilespmem:s8+$0x50]  }
0x34b: {  	v3 =	vld [tilespmem:s8+$0x11D0];
	_ =	sdelay $0x3  }
0x34c: {  	v1 =	vadd.f32 v2, v1;
	_ =	sdelay $0x1  }
0x34d: {  	v1 =	vadd.f32 v3, v1;
	_ =	sdelay $0x1  }
0x34e: {  	[tilespmem:s11+$0x8B60] =	vst v1  }
0x34f: {  	v1 =	vld [tilespmem:s8+$0xFFFFEEE0]  }
0x350: {  	v2 =	vld [tilespmem:s8+$0x60]  }
0x351: {  	v3 =	vld [tilespmem:s8+$0x11E0];
	_ =	sdelay $0x3  }
0x352: {  	v1 =	vadd.f32 v2, v1  }
.Ltmp3:
0x353: {  	(pc) =	sbr.rel @p0 .LBB2_9-.Ltmp3, $3  }
0x354: {  	v1 =	vadd.f32 v3, v1;
	_ =	sdelay $0x1  }
0x355: {  	[tilespmem:s11+$0x8B70] =	vst v1  }
0x356: {  	v1 =	vld [tilespmem:s8+$0xFFFFEEF0]  }
0x357: {  	v2 =	vld [tilespmem:s9+$0x70];
	_ =	sdelay $0x1  }
0x358: {  	v3 =	vld [tilespmem:s9+$0x11F0];
	_ =	sdelay $0x2  }
0x359: {  	v1 =	vadd.f32 v2, v1;
	_ =	sdelay $0x1  }
0x35a: {  	v1 =	vadd.f32 v3, v1;
	_ =	sdelay $0x1  }
0x35b: {  	[tilespmem:s11+$0x8F00] =	vst v1  }
0x35c: {  	v1 =	vld [tilespmem:s9+$0xFFFFEEF8]  }
0x35d: {  	v2 =	vld [tilespmem:s9+$0x78];
	_ =	sdelay $0x1  }
0x35e: {  	v3 =	vld [tilespmem:s9+$0x11F8];
	_ =	sdelay $0x2  }
0x35f: {  	s8 =	sshll.u32 s15, $0x2;
	v1 =	vadd.f32 v2, v1  }
0x360: {  	s8 =	sadd.s32 s6, s8  }
0x361: {  	s8 =	smul.u32 $0x180, s8;
	v1 =	vadd.f32 v3, v1;
	_ =	sdelay $0x1  }
0x362: {  	s8 =	sadd.s32 s5, s8;
	s9 =	simm.s32 $0x0;
	[tilespmem:s11+$0x8F08] =	vst v1  }
0x363: {  	[hbm4b:s8+s9] =	stream.linear.scatter [tilespmem:s29], [sflag:$0x7], $0x1800, $0x38;
	[tilespmem:$0xB700] =	vst v63  }
0x364: {  	_ =	swait.ge [sflag:s30], $0x1180  }
0x365: {  	[sflag:s30] =	ssyncset.done $0x0  }
0x366: {  	[sflag:s30] =	ssyncadd.s32 $0xFFFFEE80  }
0x367: {  	_ =	swait.ge [sflag:s31], $0x1180  }
0x368: {  	[sflag:s31] =	ssyncset.done $0x0  }
0x369: {  	s11 =	smul.u32 $0xA0, s15;
	[sflag:s31] =	ssyncadd.s32 $0xFFFFEE80  }
0x36a: {  	_ =	swait.ge [sflag:s0], $0x1180  }
0x36b: {  	p0 =	seq.s32 s15, $0xF;
	s8 =	sadd.s32 $0xA0, s11;
	[sflag:s0] =	ssyncset.done $0x0  }
0x36c: {  	s8 =	simm.s32 @p0 $0x0;
	[sflag:s0] =	ssyncadd.s32 $0xFFFFEE80  }
0x36d: {  	[tilespmem:s17], [sflag:$0x1] =	stream.indirect.gather [hbm4b:s3+s16], $0x38, s8, s16, $0xb8;
	[tilespmem:$0xB700] =	vst v63  }
0x36e: {  	s10 =	sadd.s32 $0xA00, s8  }
0x36f: {  	[tilespmem:s18], [sflag:$0x2] =	stream.indirect.gather [hbm4b:s4+s16], $0x38, s10, s16, $0xb8;
	[tilespmem:$0xB700] =	vst v63  }
0x370: {  	s8 =	sadd.s32 $0x1400, s8  }
0x371: {  	[tilespmem:s19], [sflag:$0x3] =	stream.indirect.gather [hbm4b:s4+s16], $0x38, s8, s16, $0xb8;
	[tilespmem:$0xB700] =	vst v63  }
0x372: {  	_ =	swait.ge [sflag:s26], $0x1800  }
0x373: {  	[sflag:s26] =	ssyncset.done $0x0  }
0x374: {  	s10 =	simm.s32 $0x0;
	[sflag:s26] =	ssyncadd.s32 $0xFFFFE800  }
0x375: {  	v1 =	vld [tilespmem:s10+$0x5280]  }
0x376: {  	v2 =	vld [tilespmem:s10+$0x6400];
	_ =	sdelay $0x1  }
0x377: {  	v3 =	vld [tilespmem:s10+$0x7580];
	_ =	sdelay $0x1  }
0x378: {  	s12 =	simm.s32 $0x0  }
0x379: {  	s8 =	smul.u32 $0x3000, s12;
	v1 =	vadd.f32 v2, v1;
	_ =	sdelay $0x1  }
0x37a: {  	s13 =	sand.u32 $0x380, s9;
	s8 =	sshra.s32 s8, $0x2;
	v1 =	vadd.f32 v3, v1  }
0x37b: {  	s11 =	sor.u32 s13, s8  }
0x37c: {  	[tilespmem:s11+$0x9F00] =	vst v1  }
0x37d: {  	v1 =	vld [tilespmem:s10+$0x5290]  }
0x37e: {  	v2 =	vld [tilespmem:s10+$0x6410];
	_ =	sdelay $0x1  }
0x37f: {  	v3 =	vld [tilespmem:s10+$0x7590];
	_ =	sdelay $0x2  }
0x380: {  	v1 =	vadd.f32 v2, v1;
	_ =	sdelay $0x1  }
0x381: {  	v1 =	vadd.f32 v3, v1;
	_ =	sdelay $0x1  }
0x382: {  	[tilespmem:s11+$0x9F10] =	vst v1  }
0x383: {  	v1 =	vld [tilespmem:s10+$0x52A0]  }
0x384: {  	v2 =	vld [tilespmem:s10+$0x6420];
	_ =	sdelay $0x1  }
0x385: {  	v3 =	vld [tilespmem:s10+$0x75A0];
	_ =	sdelay $0x2  }
0x386: {  	v1 =	vadd.f32 v2, v1;
	_ =	sdelay $0x1  }
0x387: {  	v1 =	vadd.f32 v3, v1;
	_ =	sdelay $0x1  }
0x388: {  	[tilespmem:s11+$0x9F20] =	vst v1  }
0x389: {  	v1 =	vld [tilespmem:s10+$0x52A8]  }
0x38a: {  	v2 =	vld [tilespmem:s10+$0x6428];
	_ =	sdelay $0x1  }
0x38b: {  	v3 =	vld [tilespmem:s10+$0x75A8];
	_ =	sdelay $0x2  }
0x38c: {  	v1 =	vadd.f32 v2, v1;
	_ =	sdelay $0x1  }
0x38d: {  	v1 =	vadd.f32 v3, v1;
	_ =	sdelay $0x1  }
0x38e: {  	[tilespmem:s11+$0x9F28] =	vst v1  }
0x38f: {  	v1 =	vld [tilespmem:s10+$0x52B8]  }
0x390: {  	v2 =	vld [tilespmem:s10+$0x6438];
	_ =	sdelay $0x1  }
0x391: {  	v3 =	vld [tilespmem:s10+$0x75B8];
	_ =	sdelay $0x2  }
0x392: {  	v1 =	vadd.f32 v2, v1;
	_ =	sdelay $0x1  }
0x393: {  	v1 =	vadd.f32 v3, v1;
	_ =	sdelay $0x1  }
0x394: {  	[tilespmem:s11+$0x9F38] =	vst v1  }
0x395: {  	v1 =	vld [tilespmem:s10+$0x52C8]  }
0x396: {  	v2 =	vld [tilespmem:s10+$0x6448];
	_ =	sdelay $0x1  }
0x397: {  	v3 =	vld [tilespmem:s10+$0x75C8];
	_ =	sdelay $0x2  }
0x398: {  	v1 =	vadd.f32 v2, v1;
	_ =	sdelay $0x1  }
0x399: {  	v1 =	vadd.f32 v3, v1;
	_ =	sdelay $0x1  }
0x39a: {  	[tilespmem:s11+$0x9F48] =	vst v1  }
0x39b: {  	v1 =	vld [tilespmem:s10+$0x52D8]  }
0x39c: {  	v2 =	vld [tilespmem:s10+$0x6458];
	_ =	sdelay $0x1  }
0x39d: {  	v3 =	vld [tilespmem:s10+$0x75D8];
	_ =	sdelay $0x2  }
0x39e: {  	v1 =	vadd.f32 v2, v1;
	_ =	sdelay $0x1  }
0x39f: {  	v1 =	vadd.f32 v3, v1;
	_ =	sdelay $0x1  }
0x3a0: {  	[tilespmem:s11+$0x9F58] =	vst v1  }
0x3a1: {  	v1 =	vld [tilespmem:s10+$0x52E0]  }
0x3a2: {  	v2 =	vld [tilespmem:s10+$0x6460];
	_ =	sdelay $0x1  }
0x3a3: {  	v3 =	vld [tilespmem:s10+$0x75E0];
	_ =	sdelay $0x2  }
0x3a4: {  	v1 =	vadd.f32 v2, v1;
	_ =	sdelay $0x1  }
0x3a5: {  	v1 =	vadd.f32 v3, v1;
	_ =	sdelay $0x1  }
0x3a6: {  	[tilespmem:s11+$0x9F60] =	vst v1  }
0x3a7: {  	v1 =	vld [tilespmem:s10+$0x52F0]  }
0x3a8: {  	v2 =	vld [tilespmem:s10+$0x6470];
	_ =	sdelay $0x1  }
0x3a9: {  	v3 =	vld [tilespmem:s10+$0x75F0];
	_ =	sdelay $0x2  }
0x3aa: {  	v1 =	vadd.f32 v2, v1;
	_ =	sdelay $0x1  }
0x3ab: {  	v1 =	vadd.f32 v3, v1;
	_ =	sdelay $0x1  }
0x3ac: {  	[tilespmem:s11+$0x9F70] =	vst v1  }
0x3ad: {  	v1 =	vld [tilespmem:s10+$0x5300]  }
0x3ae: {  	v2 =	vld [tilespmem:s10+$0x6480];
	_ =	sdelay $0x1  }
0x3af: {  	v3 =	vld [tilespmem:s10+$0x7600];
	_ =	sdelay $0x2  }
0x3b0: {  	v1 =	vadd.f32 v2, v1;
	_ =	sdelay $0x1  }
0x3b1: {  	v1 =	vadd.f32 v3, v1;
	_ =	sdelay $0x1  }
0x3b2: {  	[tilespmem:s11+$0xA300] =	vst v1  }
0x3b3: {  	v1 =	vld [tilespmem:s10+$0x5310]  }
0x3b4: {  	v2 =	vld [tilespmem:s10+$0x6490];
	_ =	sdelay $0x1  }
0x3b5: {  	v3 =	vld [tilespmem:s10+$0x7610];
	_ =	sdelay $0x2  }
0x3b6: {  	v1 =	vadd.f32 v2, v1;
	_ =	sdelay $0x1  }
0x3b7: {  	v1 =	vadd.f32 v3, v1;
	_ =	sdelay $0x1  }
0x3b8: {  	[tilespmem:s11+$0xA310] =	vst v1  }
0x3b9: {  	v1 =	vld [tilespmem:s10+$0x5318]  }
0x3ba: {  	v2 =	vld [tilespmem:s10+$0x6498];
	_ =	sdelay $0x1  }
0x3bb: {  	v3 =	vld [tilespmem:s10+$0x7618];
	_ =	sdelay $0x2  }
0x3bc: {  	v1 =	vadd.f32 v2, v1;
	_ =	sdelay $0x1  }
0x3bd: {  	v1 =	vadd.f32 v3, v1;
	_ =	sdelay $0x1  }
0x3be: {  	[tilespmem:s11+$0xA318] =	vst v1  }
0x3bf: {  	v1 =	vld [tilespmem:s10+$0x5328]  }
0x3c0: {  	v2 =	vld [tilespmem:s10+$0x64A8];
	_ =	sdelay $0x1  }
0x3c1: {  	v3 =	vld [tilespmem:s10+$0x7628];
	_ =	sdelay $0x2  }
0x3c2: {  	v1 =	vadd.f32 v2, v1;
	_ =	sdelay $0x1  }
0x3c3: {  	v1 =	vadd.f32 v3, v1;
	_ =	sdelay $0x1  }
0x3c4: {  	[tilespmem:s11+$0xA328] =	vst v1  }
0x3c5: {  	v1 =	vld [tilespmem:s10+$0x5338]  }
0x3c6: {  	v2 =	vld [tilespmem:s10+$0x64B8];
	_ =	sdelay $0x1  }
0x3c7: {  	v3 =	vld [tilespmem:s10+$0x7638];
	_ =	sdelay $0x2  }
0x3c8: {  	v1 =	vadd.f32 v2, v1;
	_ =	sdelay $0x1  }
0x3c9: {  	v1 =	vadd.f32 v3, v1;
	_ =	sdelay $0x1  }
0x3ca: {  	[tilespmem:s11+$0xA338] =	vst v1  }
0x3cb: {  	v1 =	vld [tilespmem:s10+$0x5348]  }
0x3cc: {  	v2 =	vld [tilespmem:s10+$0x64C8];
	_ =	sdelay $0x1  }
0x3cd: {  	v3 =	vld [tilespmem:s10+$0x7648];
	_ =	sdelay $0x2  }
0x3ce: {  	v1 =	vadd.f32 v2, v1;
	_ =	sdelay $0x1  }
0x3cf: {  	v1 =	vadd.f32 v3, v1;
	_ =	sdelay $0x1  }
0x3d0: {  	[tilespmem:s11+$0xA348] =	vst v1  }
0x3d1: {  	v1 =	vld [tilespmem:s10+$0x5350]  }
0x3d2: {  	v2 =	vld [tilespmem:s10+$0x64D0];
	_ =	sdelay $0x1  }
0x3d3: {  	v3 =	vld [tilespmem:s10+$0x7650];
	_ =	sdelay $0x2  }
0x3d4: {  	v1 =	vadd.f32 v2, v1;
	_ =	sdelay $0x1  }
0x3d5: {  	v1 =	vadd.f32 v3, v1;
	_ =	sdelay $0x1  }
0x3d6: {  	[tilespmem:s11+$0xA350] =	vst v1  }
0x3d7: {  	v1 =	vld [tilespmem:s10+$0x5360]  }
0x3d8: {  	v2 =	vld [tilespmem:s10+$0x64E0];
	_ =	sdelay $0x1  }
0x3d9: {  	v3 =	vld [tilespmem:s10+$0x7660];
	_ =	sdelay $0x2  }
0x3da: {  	v1 =	vadd.f32 v2, v1;
	_ =	sdelay $0x1  }
0x3db: {  	v1 =	vadd.f32 v3, v1;
	_ =	sdelay $0x1  }
0x3dc: {  	[tilespmem:s11+$0xA360] =	vst v1  }
0x3dd: {  	v1 =	vld [tilespmem:s10+$0x5370]  }
0x3de: {  	v2 =	vld [tilespmem:s10+$0x64F0];
	_ =	sdelay $0x1  }
0x3df: {  	v3 =	vld [tilespmem:s10+$0x7670];
	_ =	sdelay $0x2  }
0x3e0: {  	v1 =	vadd.f32 v2, v1;
	_ =	sdelay $0x1  }
0x3e1: {  	s12 =	simm.s32 $0x460;
	s8 =	simm.s32 $0x0;
	v1 =	vadd.f32 v3, v1  }
.LBB2_11:
0x3e2: {  	p0 =	sne.s32 s12, $0x41A0;
	s9 =	sadd.s32 $0x1, s9;
	s8 =	sadd.s32 $0x80, s8  }
0x3e3: {  	s13 =	smov.u32 s12;
	s12 =	sadd.s32 $0x460, s12;
	[tilespmem:s11+$0xA370] =	vst v1  }
0x3e4: {  	v1 =	vld [tilespmem:s10+$0x5380]  }
0x3e5: {  	v2 =	vld [tilespmem:s10+$0x6500]  }
0x3e6: {  	v3 =	vld [tilespmem:s10+$0x7680];
	_ =	sdelay $0x3  }
0x3e7: {  	v1 =	vadd.f32 v2, v1;
	_ =	sdelay $0x1  }
0x3e8: {  	v1 =	vadd.f32 v3, v1;
	_ =	sdelay $0x1  }
0x3e9: {  	[tilespmem:s11+$0xA700] =	vst v1  }
0x3ea: {  	v1 =	vld [tilespmem:s10+$0x5388]  }
0x3eb: {  	v2 =	vld [tilespmem:s10+$0x6508]  }
0x3ec: {  	v3 =	vld [tilespmem:s10+$0x7688];
	_ =	sdelay $0x3  }
0x3ed: {  	v1 =	vadd.f32 v2, v1  }
0x3ee: {  	s10 =	sshra.s32 s13, $0x2  }
0x3ef: {  	v1 =	vadd.f32 v3, v1;
	_ =	sdelay $0x1  }
0x3f0: {  	[tilespmem:s11+$0xA708] =	vst v1  }
0x3f1: {  	v1 =	vld [tilespmem:s10+$0x5280]  }
0x3f2: {  	v2 =	vld [tilespmem:s10+$0x6400]  }
0x3f3: {  	v3 =	vld [tilespmem:s10+$0x7580];
	_ =	sdelay $0x2  }
0x3f4: {  	s11 =	sshrl.u32 s9, $0x3  }
0x3f5: {  	s11 =	smul.u32 $0x3000, s11;
	v1 =	vadd.f32 v2, v1;
	_ =	sdelay $0x1  }
0x3f6: {  	s13 =	sand.u32 $0x380, s8;
	s11 =	sshra.s32 s11, $0x2;
	v1 =	vadd.f32 v3, v1  }
0x3f7: {  	s11 =	sor.u32 s13, s11  }
0x3f8: {  	[tilespmem:s11+$0x9F00] =	vst v1  }
0x3f9: {  	v1 =	vld [tilespmem:s10+$0x5290]  }
0x3fa: {  	v2 =	vld [tilespmem:s10+$0x6410];
	_ =	sdelay $0x1  }
0x3fb: {  	v3 =	vld [tilespmem:s10+$0x7590];
	_ =	sdelay $0x2  }
0x3fc: {  	v1 =	vadd.f32 v2, v1;
	_ =	sdelay $0x1  }
0x3fd: {  	v1 =	vadd.f32 v3, v1;
	_ =	sdelay $0x1  }
0x3fe: {  	[tilespmem:s11+$0x9F10] =	vst v1  }
0x3ff: {  	v1 =	vld [tilespmem:s10+$0x52A0]  }
0x400: {  	v2 =	vld [tilespmem:s10+$0x6420];
	_ =	sdelay $0x1  }
0x401: {  	v3 =	vld [tilespmem:s10+$0x75A0];
	_ =	sdelay $0x2  }
0x402: {  	v1 =	vadd.f32 v2, v1;
	_ =	sdelay $0x1  }
0x403: {  	v1 =	vadd.f32 v3, v1;
	_ =	sdelay $0x1  }
0x404: {  	[tilespmem:s11+$0x9F20] =	vst v1  }
0x405: {  	v1 =	vld [tilespmem:s10+$0x52A8]  }
0x406: {  	v2 =	vld [tilespmem:s10+$0x6428];
	_ =	sdelay $0x1  }
0x407: {  	v3 =	vld [tilespmem:s10+$0x75A8];
	_ =	sdelay $0x2  }
0x408: {  	v1 =	vadd.f32 v2, v1;
	_ =	sdelay $0x1  }
0x409: {  	v1 =	vadd.f32 v3, v1;
	_ =	sdelay $0x1  }
0x40a: {  	[tilespmem:s11+$0x9F28] =	vst v1  }
0x40b: {  	v1 =	vld [tilespmem:s10+$0x52B8]  }
0x40c: {  	v2 =	vld [tilespmem:s10+$0x6438];
	_ =	sdelay $0x1  }
0x40d: {  	v3 =	vld [tilespmem:s10+$0x75B8];
	_ =	sdelay $0x2  }
0x40e: {  	v1 =	vadd.f32 v2, v1;
	_ =	sdelay $0x1  }
0x40f: {  	v1 =	vadd.f32 v3, v1;
	_ =	sdelay $0x1  }
0x410: {  	[tilespmem:s11+$0x9F38] =	vst v1  }
0x411: {  	v1 =	vld [tilespmem:s10+$0x52C8]  }
0x412: {  	v2 =	vld [tilespmem:s10+$0x6448];
	_ =	sdelay $0x1  }
0x413: {  	v3 =	vld [tilespmem:s10+$0x75C8];
	_ =	sdelay $0x2  }
0x414: {  	v1 =	vadd.f32 v2, v1;
	_ =	sdelay $0x1  }
0x415: {  	v1 =	vadd.f32 v3, v1;
	_ =	sdelay $0x1  }
0x416: {  	[tilespmem:s11+$0x9F48] =	vst v1  }
0x417: {  	v1 =	vld [tilespmem:s10+$0x52D8]  }
0x418: {  	v2 =	vld [tilespmem:s10+$0x6458];
	_ =	sdelay $0x1  }
0x419: {  	v3 =	vld [tilespmem:s10+$0x75D8];
	_ =	sdelay $0x2  }
0x41a: {  	v1 =	vadd.f32 v2, v1;
	_ =	sdelay $0x1  }
0x41b: {  	v1 =	vadd.f32 v3, v1;
	_ =	sdelay $0x1  }
0x41c: {  	[tilespmem:s11+$0x9F58] =	vst v1  }
0x41d: {  	v1 =	vld [tilespmem:s10+$0x52E0]  }
0x41e: {  	v2 =	vld [tilespmem:s10+$0x6460]  }
0x41f: {  	v3 =	vld [tilespmem:s10+$0x75E0];
	_ =	sdelay $0x3  }
0x420: {  	v1 =	vadd.f32 v2, v1;
	_ =	sdelay $0x1  }
0x421: {  	v1 =	vadd.f32 v3, v1;
	_ =	sdelay $0x1  }
0x422: {  	[tilespmem:s11+$0x9F60] =	vst v1  }
0x423: {  	v1 =	vld [tilespmem:s10+$0x52F0]  }
0x424: {  	v2 =	vld [tilespmem:s10+$0x6470];
	_ =	sdelay $0x1  }
0x425: {  	v3 =	vld [tilespmem:s10+$0x75F0];
	_ =	sdelay $0x2  }
0x426: {  	v1 =	vadd.f32 v2, v1;
	_ =	sdelay $0x1  }
0x427: {  	v1 =	vadd.f32 v3, v1;
	_ =	sdelay $0x1  }
0x428: {  	[tilespmem:s11+$0x9F70] =	vst v1  }
0x429: {  	v1 =	vld [tilespmem:s10+$0x5300]  }
0x42a: {  	v2 =	vld [tilespmem:s10+$0x6480];
	_ =	sdelay $0x1  }
0x42b: {  	v3 =	vld [tilespmem:s10+$0x7600];
	_ =	sdelay $0x2  }
0x42c: {  	v1 =	vadd.f32 v2, v1;
	_ =	sdelay $0x1  }
0x42d: {  	v1 =	vadd.f32 v3, v1;
	_ =	sdelay $0x1  }
0x42e: {  	[tilespmem:s11+$0xA300] =	vst v1  }
0x42f: {  	v1 =	vld [tilespmem:s10+$0x5310]  }
0x430: {  	v2 =	vld [tilespmem:s10+$0x6490]  }
0x431: {  	v3 =	vld [tilespmem:s10+$0x7610];
	_ =	sdelay $0x3  }
0x432: {  	v1 =	vadd.f32 v2, v1;
	_ =	sdelay $0x1  }
0x433: {  	v1 =	vadd.f32 v3, v1;
	_ =	sdelay $0x1  }
0x434: {  	[tilespmem:s11+$0xA310] =	vst v1  }
0x435: {  	v1 =	vld [tilespmem:s10+$0x5318]  }
0x436: {  	v2 =	vld [tilespmem:s10+$0x6498]  }
0x437: {  	v3 =	vld [tilespmem:s10+$0x7618];
	_ =	sdelay $0x3  }
0x438: {  	v1 =	vadd.f32 v2, v1;
	_ =	sdelay $0x1  }
0x439: {  	v1 =	vadd.f32 v3, v1;
	_ =	sdelay $0x1  }
0x43a: {  	[tilespmem:s11+$0xA318] =	vst v1  }
0x43b: {  	v1 =	vld [tilespmem:s10+$0x5328]  }
0x43c: {  	v2 =	vld [tilespmem:s10+$0x64A8]  }
0x43d: {  	v3 =	vld [tilespmem:s10+$0x7628];
	_ =	sdelay $0x3  }
0x43e: {  	v1 =	vadd.f32 v2, v1;
	_ =	sdelay $0x1  }
0x43f: {  	v1 =	vadd.f32 v3, v1;
	_ =	sdelay $0x1  }
0x440: {  	[tilespmem:s11+$0xA328] =	vst v1  }
0x441: {  	v1 =	vld [tilespmem:s10+$0x5338]  }
0x442: {  	v2 =	vld [tilespmem:s10+$0x64B8]  }
0x443: {  	v3 =	vld [tilespmem:s10+$0x7638];
	_ =	sdelay $0x3  }
0x444: {  	v1 =	vadd.f32 v2, v1;
	_ =	sdelay $0x1  }
0x445: {  	v1 =	vadd.f32 v3, v1;
	_ =	sdelay $0x1  }
0x446: {  	[tilespmem:s11+$0xA338] =	vst v1  }
0x447: {  	v1 =	vld [tilespmem:s10+$0x5348]  }
0x448: {  	v2 =	vld [tilespmem:s10+$0x64C8]  }
0x449: {  	v3 =	vld [tilespmem:s10+$0x7648];
	_ =	sdelay $0x3  }
0x44a: {  	v1 =	vadd.f32 v2, v1;
	_ =	sdelay $0x1  }
0x44b: {  	v1 =	vadd.f32 v3, v1;
	_ =	sdelay $0x1  }
0x44c: {  	[tilespmem:s11+$0xA348] =	vst v1  }
0x44d: {  	v1 =	vld [tilespmem:s10+$0x5350]  }
0x44e: {  	v2 =	vld [tilespmem:s10+$0x64D0]  }
0x44f: {  	v3 =	vld [tilespmem:s10+$0x7650];
	_ =	sdelay $0x3  }
0x450: {  	v1 =	vadd.f32 v2, v1;
	_ =	sdelay $0x1  }
0x451: {  	v1 =	vadd.f32 v3, v1;
	_ =	sdelay $0x1  }
0x452: {  	[tilespmem:s11+$0xA350] =	vst v1  }
0x453: {  	v1 =	vld [tilespmem:s10+$0x5360]  }
0x454: {  	v2 =	vld [tilespmem:s10+$0x64E0]  }
0x455: {  	v3 =	vld [tilespmem:s10+$0x7660];
	_ =	sdelay $0x3  }
0x456: {  	v1 =	vadd.f32 v2, v1;
	_ =	sdelay $0x1  }
0x457: {  	v1 =	vadd.f32 v3, v1;
	_ =	sdelay $0x1  }
0x458: {  	[tilespmem:s11+$0xA360] =	vst v1  }
0x459: {  	v1 =	vld [tilespmem:s10+$0x5370]  }
0x45a: {  	v2 =	vld [tilespmem:s10+$0x64F0]  }
0x45b: {  	v3 =	vld [tilespmem:s10+$0x7670];
	_ =	sdelay $0x1  }
.Ltmp4:
0x45c: {  	(pc) =	sbr.rel @p0 .LBB2_11-.Ltmp4, $3  }
0x45d: {  	_ = 	snop  }
0x45e: {  	v1 =	vadd.f32 v2, v1;
	_ =	sdelay $0x1  }
0x45f: {  	v1 =	vadd.f32 v3, v1  }
0x460: {  	_ = 	snop  }
0x461: {  	[tilespmem:s11+$0xA370] =	vst v1  }
0x462: {  	v1 =	vld [tilespmem:s10+$0x5380]  }
0x463: {  	v2 =	vld [tilespmem:s10+$0x6500];
	_ =	sdelay $0x1  }
0x464: {  	v3 =	vld [tilespmem:s10+$0x7680];
	_ =	sdelay $0x2  }
0x465: {  	v1 =	vadd.f32 v2, v1;
	_ =	sdelay $0x1  }
0x466: {  	v1 =	vadd.f32 v3, v1;
	_ =	sdelay $0x1  }
0x467: {  	[tilespmem:s11+$0xA700] =	vst v1  }
0x468: {  	v1 =	vld [tilespmem:s10+$0x5388]  }
0x469: {  	v2 =	vld [tilespmem:s10+$0x6508];
	_ =	sdelay $0x1  }
0x46a: {  	v3 =	vld [tilespmem:s10+$0x7688];
	_ =	sdelay $0x1  }
0x46b: {  	s15 =	sadd.s32 $0x1, s15  }
0x46c: {  	s7 =	sshll.u32 s7, $0x1;
	p0 =	sne.s32 s15, $0x10;
	v1 =	vadd.f32 v2, v1  }
.Ltmp5:
0x46d: {  	s7 =	sadd.s32 s6, s7;
	(pc) =	sbr.rel @p0 .LBB2_8-.Ltmp5, $3  }
0x46e: {  	s7 =	smul.u32 $0x180, s7;
	v1 =	vadd.f32 v3, v1;
	_ =	sdelay $0x1  }
0x46f: {  	s7 =	sadd.s32 s5, s7;
	[tilespmem:s11+$0xA708] =	vst v1  }
0x470: {  	[hbm4b:s7+s2] =	stream.linear.scatter [tilespmem:s1], [sflag:$0x8], $0x1800, $0x38;
	[tilespmem:$0xB700] =	vst v63  }
0x471: {  	_ =	swait.ge [sflag:s20], $0x1180  }
0x472: {  	[sflag:s20] =	ssyncset.done $0x0  }
0x473: {  	[sflag:s20] =	ssyncadd.s32 $0xFFFFEE80  }
0x474: {  	_ =	swait.ge [sflag:s21], $0x1180  }
0x475: {  	[sflag:s21] =	ssyncset.done $0x0  }
0x476: {  	[sflag:s21] =	ssyncadd.s32 $0xFFFFEE80  }
0x477: {  	_ =	swait.ge [sflag:s22], $0x1180  }
0x478: {  	[sflag:s22] =	ssyncset.done $0x0  }
0x479: {  	[sflag:s22] =	ssyncadd.s32 $0xFFFFEE80  }
0x47a: {  	_ =	swait.ge [sflag:s24], $0x1800  }
0x47b: {  	[sflag:s24] =	ssyncset.done $0x0  }
0x47c: {  	[sflag:s24] =	ssyncadd.s32 $0xFFFFE800  }
0x47d: {  	_ =	swait.ge [sflag:s26], $0x1800  }
0x47e: {  	s14 =	sadd.s32 $0x1, s14;
	s7 =	rddreg [dreg:$0x8]  }
0x47f: {  	p0 =	sne.s32 s14, s7  }
.Ltmp6:
0x480: {  	_ = 	snop;
	(pc) =	sbr.rel @p0 .LBB2_1-.Ltmp6, $3  }
0x481: {  	_ =	sdelay $0x1  }
0x482: {  	[sflag:s26] =	ssyncset.done $0x0  }
0x483: {  	s12 =	simm.s32 $0xA00;
	s13 =	simm.s32 $0x1400;
	[sflag:s26] =	ssyncadd.s32 $0xFFFFE800  }
0x484: {  	_ =	sfence.sel $0x180000  }
0x485: {  	[bflag:$0x0] =	sbarrier.arrive $0xFFFF  }
0x486: {  	_ =	strace $0x90000047  }
0x487: {  	s0 =	stileid.u32;
	[bflag:$0x2] =	sbarrier.arrive $0xFFFF  }
0x488: {  	p0 =	sne.s32 s0, $0x0;
	s0 =	rddreg [dreg:$0x2]  }
0x489: {  	s0 =	sadd.s32 @!p0 $0x100000, s0  }
0x48a: {  	[sflag:s0] =	ssyncadd.tile.s32 @!p0 $0x1;
	_ =	shalt  }
.Lfunc_end2:
_tile_overlayer_lowered:
.L_overlay_start_2:
0x48b: {  	(tag) =	ssettag $0x2  }
0x48c: {  	s0 =	rddreg [dreg:$0x0];
	s2 =	stileid.u32  }
0x48d: {  	s1 =	rddreg [dreg:$0x1];
	p0 =	sne.s32 s2, $0x0  }
0x48e: {  	s3 =	rddreg [dreg:$0x2];
	[bflag:$0x3] =	sbarrier.arrive $0xFFFF;
	s2 =	simm.s32 @!p0 $0x1C09  }
0x48f: {  	[timem:s3], [sflag:s2] =	dma.local @!p0 [hbm:s0], s1  }
0x490: {  	s0 =	simm.s32 @!p0 $0x9  }
0x491: {  	_ =	swait.ge @!p0 [sflag:s0], s1  }
0x492: {  	s1 =	ssub.s32 @!p0 $0x0, s1;
	[sflag:s0] =	ssyncset.done @!p0 $0x0  }
0x493: {  	[sflag:s0] =	ssyncadd.s32 @!p0 s1  }
0x494: {  	[bflag:$0x3] =	sbarrier.arrive $0xFFFF  }
0x495: {  	_ =	shalt  }

</sc_bundles>
